<compile_context>
chip_gen: v7x
topology: tpu7x:2x2x1
jax: 0.10.2.dev20260603
libtpu: 0.0.44.dev20260713+nightly
codegen_flags: <defaults>
</compile_context>

<pallas_src>
import jax
import jax.numpy as jnp
from jax import lax
from jax.experimental import pallas as pl
from jax.experimental.pallas import tpu as pltpu
from jax.experimental.pallas import tpu_sc as plsc

_NUM_NODES = 1024
_INPUT_SIZE = 512
_OUTPUT_SIZE = 128
_FAN_IN = 16
_BATCH = 2048
_SLOTS = _INPUT_SIZE + _NUM_NODES

_TC_B = 1024
_SC_B = _BATCH - _TC_B

_SUB = 8
_LANE = _TC_B // _SUB


def _tc_body(idx_ref, w_ref, x_ref, out_ref, a_ref):
    a_ref[0:_INPUT_SIZE] = x_ref[...]

    def body(i, carry):
        base = i * _FAN_IN
        acc0 = a_ref[pl.ds(idx_ref[base], 1)] * w_ref[base]
        acc1 = a_ref[pl.ds(idx_ref[base + 1], 1)] * w_ref[base + 1]
        for j in range(2, _FAN_IN, 2):
            acc0 = acc0 + a_ref[pl.ds(idx_ref[base + j], 1)] * w_ref[base + j]
            acc1 = (acc1 +
                    a_ref[pl.ds(idx_ref[base + j + 1], 1)] * w_ref[base + j + 1])
        a_ref[pl.ds(_INPUT_SIZE + i, 1)] = jnp.tanh(acc0 + acc1)
        return carry

    jax.lax.fori_loop(0, _NUM_NODES, body, 0)
    out_ref[...] = a_ref[_SLOTS - _OUTPUT_SIZE:]


def _tc_half(x_half, idx_flat, w_flat):
    xT = x_half.T.reshape(_INPUT_SIZE, _SUB, _LANE)
    out = pl.pallas_call(
        _tc_body,
        out_shape=jax.ShapeDtypeStruct((_OUTPUT_SIZE, _SUB, _LANE),
                                       jnp.float32),
        in_specs=[
            pl.BlockSpec(memory_space=pltpu.SMEM),
            pl.BlockSpec(memory_space=pltpu.SMEM),
            pl.BlockSpec(memory_space=pltpu.VMEM),
        ],
        out_specs=pl.BlockSpec(memory_space=pltpu.VMEM),
        scratch_shapes=[pltpu.VMEM((_SLOTS, _SUB, _LANE), jnp.float32)],
    )(idx_flat, w_flat, xT)
    return out.reshape(_OUTPUT_SIZE, _TC_B)


_NC = 2
_NS = 16
_L = 16
_NW = _NC * _NS
_BPW = _SC_B // _NW
_NG = _BPW // _L
_CH = 128
_CHW = _CH * _FAN_IN
_NCHK = _NUM_NODES // _CH


def _sc_body(xw_ref, idx_ref, w_ref, out_ref, a_ref, idx_v, w_v,
             sem_x, sem_i, sem_w):
    c = lax.axis_index("c")
    s = lax.axis_index("s")
    wid = s * _NC + c

    cp_x = pltpu.async_copy(xw_ref.at[wid],
                            a_ref.at[pl.ds(0, _INPUT_SIZE * _BPW)], sem_x)
    prev = (
        pltpu.async_copy(idx_ref.at[pl.ds(0, _CHW)],
                         idx_v.at[pl.ds(0, _CHW)], sem_i),
        pltpu.async_copy(w_ref.at[pl.ds(0, _CHW)],
                         w_v.at[pl.ds(0, _CHW)], sem_w),
    )
    cp_x.wait()

    lane = lax.iota(jnp.int32, _L)
    cols = [lane + (_L * g) for g in range(_NG)]
    gdn = lax.GatherDimensionNumbers(
        offset_dims=(), collapsed_slice_dims=(0,), start_index_map=(0,))

    def lane_bcast(vec, j):
        jidx = jnp.full((_L, 1), j, jnp.int32)
        return lax.gather(vec, jidx, gdn, slice_sizes=(1,),
                          mode=lax.GatherScatterMode.PROMISE_IN_BOUNDS)

    for ck in range(_NCHK):
        bf = ck % 2
        prev[0].wait()
        prev[1].wait()
        if ck + 1 < _NCHK:
            nbf = (ck + 1) % 2
            prev = (
                pltpu.async_copy(idx_ref.at[pl.ds((ck + 1) * _CHW, _CHW)],
                                 idx_v.at[pl.ds(nbf * _CHW, _CHW)], sem_i),
                pltpu.async_copy(w_ref.at[pl.ds((ck + 1) * _CHW, _CHW)],
                                 w_v.at[pl.ds(nbf * _CHW, _CHW)], sem_w),
            )

        @pl.loop(0, _CH)
        def _node(li, ck=ck, bf=bf):
            i = ck * _CH + li
            row_off = bf * _CHW + li * _FAN_IN
            idxrow = idx_v[pl.ds(row_off, _FAN_IN)]
            wrow = w_v[pl.ds(row_off, _FAN_IN)]
            accs = [[None, None] for _ in range(_NG)]
            for j in range(_FAN_IN):
                rj = lane_bcast(idxrow, j)
                wj = lane_bcast(wrow, j)
                p = j & 1
                for g in range(_NG):
                    vals = plsc.load_gather(a_ref, [rj + cols[g]])
                    t = vals * wj
                    accs[g][p] = t if accs[g][p] is None else accs[g][p] + t
            out_base = (_INPUT_SIZE + i) * _BPW
            for g in range(_NG):
                e = jnp.exp((accs[g][0] + accs[g][1]) * 2.0)
                y = 1.0 - 2.0 / (e + 1.0)
                a_ref[pl.ds(out_base + _L * g, _L)] = y

    pltpu.sync_copy(
        a_ref.at[pl.ds((_SLOTS - _OUTPUT_SIZE) * _BPW, _OUTPUT_SIZE * _BPW)],
        out_ref.at[wid])


def _sc_half(x_half, idx, weights):
    xw = x_half.reshape(_NW, _BPW, _INPUT_SIZE).transpose(0, 2, 1)
    xw = xw.reshape(_NW, _INPUT_SIZE * _BPW)
    idx_sc = (idx * _BPW).reshape(-1)
    w_flat = weights.reshape(-1)
    mesh = plsc.VectorSubcoreMesh(core_axis_name="c", subcore_axis_name="s",
                                  num_cores=_NC, num_subcores=_NS)
    outw = pl.kernel(
        _sc_body,
        out_type=jax.ShapeDtypeStruct((_NW, _OUTPUT_SIZE * _BPW), jnp.float32),
        mesh=mesh,
        compiler_params=pltpu.CompilerParams(needs_layout_passes=False),
        scratch_types=[
            pltpu.VMEM((_SLOTS * _BPW,), jnp.float32),
            pltpu.VMEM((2 * _CHW,), jnp.int32),
            pltpu.VMEM((2 * _CHW,), jnp.float32),
            pltpu.SemaphoreType.DMA,
            pltpu.SemaphoreType.DMA,
            pltpu.SemaphoreType.DMA,
        ],
    )(xw, idx_sc, w_flat)
    outw = outw.reshape(_NW, _OUTPUT_SIZE, _BPW)
    return outw.transpose(1, 0, 2).reshape(_OUTPUT_SIZE, _SC_B)


def kernel(x, in_idxs, weights):
    idx = in_idxs.astype(jnp.int32)
    idx_flat = idx.reshape(-1)
    w_flat = weights.reshape(-1)
    out_sc = _sc_half(x[_TC_B:], idx, weights)
    out_tc = _tc_half(x[:_TC_B], idx_flat, w_flat)
    return jnp.concatenate([out_tc, out_sc], axis=1)

# --- scband reference (transcript-rebuilt; emitter-appended) ---
"""Pipeline reference for scband-simple-neagent-74320114090502 (READ-ONLY COPY).

The authoritative reference and input builder live on the scoring server;
editing this copy changes nothing except your own understanding.
"""

import jax, jax.numpy as jnp
import numpy as np

NUM_NODES = 1024
INPUT_SIZE = 512
OUTPUT_SIZE = 128
FAN_IN = 16
BATCH = 2048


def setup_inputs(seed: int = 0) -> dict:
    key = jax.random.key(seed)
    k1, k2 = jax.random.split(key)
    x = jax.random.normal(k1, (BATCH, INPUT_SIZE), dtype=jnp.float32)
    # NEAT-style connectivity: node i may only read input slots and earlier nodes
    rng = np.random.default_rng(0)
    in_idxs = np.zeros((NUM_NODES, FAN_IN), dtype=np.int64)
    for i in range(NUM_NODES):
        in_idxs[i] = rng.integers(0, INPUT_SIZE + i, size=FAN_IN)
    weights = jax.random.normal(k2, (NUM_NODES, FAN_IN), dtype=jnp.float32) * 0.1
    return {"x": x, "in_idxs": jnp.asarray(in_idxs), "weights": weights}


def reference(x, in_idxs, weights):
    # activs buffer: [B, input_size + num_nodes], inputs first, node outputs appended
    B = x.shape[0]
    activs = jnp.zeros((B, INPUT_SIZE + NUM_NODES), dtype=x.dtype)
    activs = activs.at[:, :INPUT_SIZE].set(x)

    def step(activs, inp):
        idx, w, i = inp
        # node.activate(activs, batched=True): gather fan-in slots, weighted sum, tanh
        vals = jnp.take(activs, idx, axis=1)          # [B, FAN_IN] gather
        n_out = jnp.tanh(vals @ w)                    # [B]
        activs = jax.lax.dynamic_update_slice(activs, n_out[:, None], (0, INPUT_SIZE + i))
        return activs, None

    xs = (in_idxs, weights, jnp.arange(NUM_NODES))
    activs, _ = jax.lax.scan(step, activs, xs)
    # last OUTPUT_SIZE nodes are the output nodes (is_output=True);
    # original stacks them as torch.tensor(out) with shape [out_size, B]
    out = activs[:, -OUTPUT_SIZE:].T
    return out

if __name__ == "__main__":
    import jax
    _d = setup_inputs()
    print(jax.jit(kernel)(*tuple(_d.values())))

</pallas_src>

<mosaic_0001>
#map = affine_map<(d0, d1) -> (0, 0)>
#map1 = affine_map<(d0, d1) -> (0)>
module attributes {stable_mosaic.version = 14 : i64} {
  func.func @_sc_body(%arg0: i32, %arg1: i32, %arg2: memref<32x16384xf32, #tpu.memory_space<hbm>>, %arg3: memref<16384xi32, #tpu.memory_space<hbm>>, %arg4: memref<16384xf32, #tpu.memory_space<hbm>>, %arg5: memref<32x4096xf32, #tpu.memory_space<hbm>>, %arg6: memref<49152xf32, #tpu.memory_space<vmem>>, %arg7: memref<4096xi32, #tpu.memory_space<vmem>>, %arg8: memref<4096xf32, #tpu.memory_space<vmem>>, %arg9: memref<!tpu.dma_semaphore, #tpu.memory_space<semaphore_mem>>, %arg10: memref<!tpu.dma_semaphore, #tpu.memory_space<semaphore_mem>>, %arg11: memref<!tpu.dma_semaphore, #tpu.memory_space<semaphore_mem>>) attributes {dimension_semantics = [#tpu.dimension_semantics<core_parallel>, #tpu.dimension_semantics<subcore_parallel>], iteration_bounds = array<i64: 2, 16>, scalar_prefetch = 0 : i64, scratch_operands = 6 : i64, tpu.core_type = #tpu.core_type<sc_vector_subcore>, window_params = [{transform_indices = #map}, {transform_indices = #map1}, {transform_indices = #map1}, {transform_indices = #map}]} {
    %mul3A = arith.constant 2 : i32
    %mul3A_0 = arith.muli %arg1, %mul3A : i32
    %add3A = arith.addi %mul3A_0, %arg0 : i32
    %dma_start3A = arith.constant 0 : i32
    %dma_start3A_1 = tpu.memref_slice %arg6[%dma_start3A] : memref<49152xf32, #tpu.memory_space<vmem>> -> memref<16384xf32, #tpu.memory_space<vmem>>
    %dma_start3A_2 = arith.constant 0 : i32
    %dma_start3A_3 = tpu.memref_slice %arg2[%add3A, %dma_start3A_2] : memref<32x16384xf32, #tpu.memory_space<hbm>> -> memref<1x16384xf32, #tpu.memory_space<hbm>>
    %dma_start3A_4 = tpu.memref_squeeze %dma_start3A_3 : memref<1x16384xf32, #tpu.memory_space<hbm>> -> memref<16384xf32, #tpu.memory_space<hbm>>
    %dma_start3A_5 = arith.constant 0 : i32
    %dma_start3A_6 = tpu.memref_slice %arg6[%dma_start3A_5] : memref<49152xf32, #tpu.memory_space<vmem>> -> memref<16384xf32, #tpu.memory_space<vmem>>
    %dma_start3A_7 = arith.constant 0 : i32
    %dma_start3A_8 = tpu.memref_slice %arg2[%add3A, %dma_start3A_7] : memref<32x16384xf32, #tpu.memory_space<hbm>> -> memref<1x16384xf32, #tpu.memory_space<hbm>>
    %dma_start3A_9 = tpu.memref_squeeze %dma_start3A_8 : memref<1x16384xf32, #tpu.memory_space<hbm>> -> memref<16384xf32, #tpu.memory_space<hbm>>
    tpu.enqueue_dma source(%dma_start3A_9 : memref<16384xf32, #tpu.memory_space<hbm>>) target(%dma_start3A_6 : memref<16384xf32, #tpu.memory_space<vmem>>) target_semaphore(%arg9 : memref<!tpu.dma_semaphore, #tpu.memory_space<semaphore_mem>>)
    %dma_start3A_10 = arith.constant 0 : i32
    %dma_start3A_11 = tpu.memref_slice %arg7[%dma_start3A_10] : memref<4096xi32, #tpu.memory_space<vmem>> -> memref<2048xi32, #tpu.memory_space<vmem>>
    %dma_start3A_12 = arith.constant 0 : i32
    %dma_start3A_13 = tpu.memref_slice %arg3[%dma_start3A_12] : memref<16384xi32, #tpu.memory_space<hbm>> -> memref<2048xi32, #tpu.memory_space<hbm>>
    %dma_start3A_14 = arith.constant 0 : i32
    %dma_start3A_15 = tpu.memref_slice %arg7[%dma_start3A_14] : memref<4096xi32, #tpu.memory_space<vmem>> -> memref<2048xi32, #tpu.memory_space<vmem>>
    %dma_start3A_16 = arith.constant 0 : i32
    %dma_start3A_17 = tpu.memref_slice %arg3[%dma_start3A_16] : memref<16384xi32, #tpu.memory_space<hbm>> -> memref<2048xi32, #tpu.memory_space<hbm>>
    tpu.enqueue_dma source(%dma_start3A_17 : memref<2048xi32, #tpu.memory_space<hbm>>) target(%dma_start3A_15 : memref<2048xi32, #tpu.memory_space<vmem>>) target_semaphore(%arg10 : memref<!tpu.dma_semaphore, #tpu.memory_space<semaphore_mem>>)
    %dma_start3A_18 = arith.constant 0 : i32
    %dma_start3A_19 = tpu.memref_slice %arg8[%dma_start3A_18] : memref<4096xf32, #tpu.memory_space<vmem>> -> memref<2048xf32, #tpu.memory_space<vmem>>
    %dma_start3A_20 = arith.constant 0 : i32
    %dma_start3A_21 = tpu.memref_slice %arg4[%dma_start3A_20] : memref<16384xf32, #tpu.memory_space<hbm>> -> memref<2048xf32, #tpu.memory_space<hbm>>
    %dma_start3A_22 = arith.constant 0 : i32
    %dma_start3A_23 = tpu.memref_slice %arg8[%dma_start3A_22] : memref<4096xf32, #tpu.memory_space<vmem>> -> memref<2048xf32, #tpu.memory_space<vmem>>
    %dma_start3A_24 = arith.constant 0 : i32
    %dma_start3A_25 = tpu.memref_slice %arg4[%dma_start3A_24] : memref<16384xf32, #tpu.memory_space<hbm>> -> memref<2048xf32, #tpu.memory_space<hbm>>
    tpu.enqueue_dma source(%dma_start3A_25 : memref<2048xf32, #tpu.memory_space<hbm>>) target(%dma_start3A_23 : memref<2048xf32, #tpu.memory_space<vmem>>) target_semaphore(%arg11 : memref<!tpu.dma_semaphore, #tpu.memory_space<semaphore_mem>>)
    %dma_wait3A = arith.constant 0 : i32
    %dma_wait3A_26 = tpu.memref_slice %arg6[%dma_wait3A] : memref<49152xf32, #tpu.memory_space<vmem>> -> memref<16384xf32, #tpu.memory_space<vmem>>
    %dma_wait3A_27 = arith.constant 0 : i32
    %dma_wait3A_28 = tpu.memref_slice %arg2[%add3A, %dma_wait3A_27] : memref<32x16384xf32, #tpu.memory_space<hbm>> -> memref<1x16384xf32, #tpu.memory_space<hbm>>
    %dma_wait3A_29 = tpu.memref_squeeze %dma_wait3A_28 : memref<1x16384xf32, #tpu.memory_space<hbm>> -> memref<16384xf32, #tpu.memory_space<hbm>>
    %dma_wait3A_30 = arith.constant 0 : i32
    %dma_wait3A_31 = tpu.memref_slice %arg6[%dma_wait3A_30] : memref<49152xf32, #tpu.memory_space<vmem>> -> memref<16384xf32, #tpu.memory_space<vmem>>
    %dma_wait3A_32 = arith.constant 0 : i32
    %dma_wait3A_33 = tpu.memref_slice %arg2[%add3A, %dma_wait3A_32] : memref<32x16384xf32, #tpu.memory_space<hbm>> -> memref<1x16384xf32, #tpu.memory_space<hbm>>
    %dma_wait3A_34 = tpu.memref_squeeze %dma_wait3A_33 : memref<1x16384xf32, #tpu.memory_space<hbm>> -> memref<16384xf32, #tpu.memory_space<hbm>>
    tpu.wait_dma2 semaphore(%arg9 : memref<!tpu.dma_semaphore, #tpu.memory_space<semaphore_mem>>) src(%dma_wait3A_34 : memref<16384xf32, #tpu.memory_space<hbm>>) dst(%dma_wait3A_31 : memref<16384xf32, #tpu.memory_space<vmem>>)
    %iota3A = tpu.iota {dimensions = array<i32: 0>} : vector<16xi32>
    %add3A_35 = arith.constant 0 : i32
    %add3A_36 = vector.broadcast %add3A_35 : i32 to vector<16xi32>
    %add3A_37 = arith.addi %iota3A, %add3A_36 : vector<16xi32>
    %add3A_38 = arith.constant 16 : i32
    %add3A_39 = vector.broadcast %add3A_38 : i32 to vector<16xi32>
    %add3A_40 = arith.addi %iota3A, %add3A_39 : vector<16xi32>
    %dma_wait3A_41 = arith.constant 0 : i32
    %dma_wait3A_42 = tpu.memref_slice %arg7[%dma_wait3A_41] : memref<4096xi32, #tpu.memory_space<vmem>> -> memref<2048xi32, #tpu.memory_space<vmem>>
    %dma_wait3A_43 = arith.constant 0 : i32
    %dma_wait3A_44 = tpu.memref_slice %arg3[%dma_wait3A_43] : memref<16384xi32, #tpu.memory_space<hbm>> -> memref<2048xi32, #tpu.memory_space<hbm>>
    %dma_wait3A_45 = arith.constant 0 : i32
    %dma_wait3A_46 = tpu.memref_slice %arg7[%dma_wait3A_45] : memref<4096xi32, #tpu.memory_space<vmem>> -> memref<2048xi32, #tpu.memory_space<vmem>>
    %dma_wait3A_47 = arith.constant 0 : i32
    %dma_wait3A_48 = tpu.memref_slice %arg3[%dma_wait3A_47] : memref<16384xi32, #tpu.memory_space<hbm>> -> memref<2048xi32, #tpu.memory_space<hbm>>
    tpu.wait_dma2 semaphore(%arg10 : memref<!tpu.dma_semaphore, #tpu.memory_space<semaphore_mem>>) src(%dma_wait3A_48 : memref<2048xi32, #tpu.memory_space<hbm>>) dst(%dma_wait3A_46 : memref<2048xi32, #tpu.memory_space<vmem>>)
    %dma_wait3A_49 = arith.constant 0 : i32
    %dma_wait3A_50 = tpu.memref_slice %arg8[%dma_wait3A_49] : memref<4096xf32, #tpu.memory_space<vmem>> -> memref<2048xf32, #tpu.memory_space<vmem>>
    %dma_wait3A_51 = arith.constant 0 : i32
    %dma_wait3A_52 = tpu.memref_slice %arg4[%dma_wait3A_51] : memref<16384xf32, #tpu.memory_space<hbm>> -> memref<2048xf32, #tpu.memory_space<hbm>>
    %dma_wait3A_53 = arith.constant 0 : i32
    %dma_wait3A_54 = tpu.memref_slice %arg8[%dma_wait3A_53] : memref<4096xf32, #tpu.memory_space<vmem>> -> memref<2048xf32, #tpu.memory_space<vmem>>
    %dma_wait3A_55 = arith.constant 0 : i32
    %dma_wait3A_56 = tpu.memref_slice %arg4[%dma_wait3A_55] : memref<16384xf32, #tpu.memory_space<hbm>> -> memref<2048xf32, #tpu.memory_space<hbm>>
    tpu.wait_dma2 semaphore(%arg11 : memref<!tpu.dma_semaphore, #tpu.memory_space<semaphore_mem>>) src(%dma_wait3A_56 : memref<2048xf32, #tpu.memory_space<hbm>>) dst(%dma_wait3A_54 : memref<2048xf32, #tpu.memory_space<vmem>>)
    %dma_start3A_57 = arith.constant 2048 : i32
    %dma_start3A_58 = tpu.memref_slice %arg7[%dma_start3A_57] : memref<4096xi32, #tpu.memory_space<vmem>> -> memref<2048xi32, #tpu.memory_space<vmem>>
    %dma_start3A_59 = arith.constant 2048 : i32
    %dma_start3A_60 = tpu.memref_slice %arg3[%dma_start3A_59] : memref<16384xi32, #tpu.memory_space<hbm>> -> memref<2048xi32, #tpu.memory_space<hbm>>
    %dma_start3A_61 = arith.constant 2048 : i32
    %dma_start3A_62 = tpu.memref_slice %arg7[%dma_start3A_61] : memref<4096xi32, #tpu.memory_space<vmem>> -> memref<2048xi32, #tpu.memory_space<vmem>>
    %dma_start3A_63 = arith.constant 2048 : i32
    %dma_start3A_64 = tpu.memref_slice %arg3[%dma_start3A_63] : memref<16384xi32, #tpu.memory_space<hbm>> -> memref<2048xi32, #tpu.memory_space<hbm>>
    tpu.enqueue_dma source(%dma_start3A_64 : memref<2048xi32, #tpu.memory_space<hbm>>) target(%dma_start3A_62 : memref<2048xi32, #tpu.memory_space<vmem>>) target_semaphore(%arg10 : memref<!tpu.dma_semaphore, #tpu.memory_space<semaphore_mem>>)
    %dma_start3A_65 = arith.constant 2048 : i32
    %dma_start3A_66 = tpu.memref_slice %arg8[%dma_start3A_65] : memref<4096xf32, #tpu.memory_space<vmem>> -> memref<2048xf32, #tpu.memory_space<vmem>>
    %dma_start3A_67 = arith.constant 2048 : i32
    %dma_start3A_68 = tpu.memref_slice %arg4[%dma_start3A_67] : memref<16384xf32, #tpu.memory_space<hbm>> -> memref<2048xf32, #tpu.memory_space<hbm>>
    %dma_start3A_69 = arith.constant 2048 : i32
    %dma_start3A_70 = tpu.memref_slice %arg8[%dma_start3A_69] : memref<4096xf32, #tpu.memory_space<vmem>> -> memref<2048xf32, #tpu.memory_space<vmem>>
    %dma_start3A_71 = arith.constant 2048 : i32
    %dma_start3A_72 = tpu.memref_slice %arg4[%dma_start3A_71] : memref<16384xf32, #tpu.memory_space<hbm>> -> memref<2048xf32, #tpu.memory_space<hbm>>
    tpu.enqueue_dma source(%dma_start3A_72 : memref<2048xf32, #tpu.memory_space<hbm>>) target(%dma_start3A_70 : memref<2048xf32, #tpu.memory_space<vmem>>) target_semaphore(%arg11 : memref<!tpu.dma_semaphore, #tpu.memory_space<semaphore_mem>>)
    %scan3A = arith.constant 0 : i32
    %scan3A_73 = arith.constant 128 : i32
    %scan3A_74 = arith.addi %scan3A, %scan3A_73 : i32
    %scan3A_75 = arith.constant 1 : i32
    scf.for %scan3A_320 = %scan3A to %scan3A_74 step %scan3A_75  : i32 {
      %mul3A_321 = arith.constant 1 : i32
      %mul3A_322 = arith.muli %scan3A_320, %mul3A_321 : i32
      %add3A_323 = arith.constant 0 : i32
      %add3A_324 = arith.addi %add3A_323, %mul3A_322 : i32
      %add3A_325 = arith.constant 0 : i32
      %add3A_326 = arith.addi %add3A_325, %add3A_324 : i32
      %mul3A_327 = arith.constant 16 : i32
      %mul3A_328 = arith.muli %add3A_324, %mul3A_327 : i32
      %add3A_329 = arith.constant 0 : i32
      %add3A_330 = arith.addi %add3A_329, %mul3A_328 : i32
      %get3A = arith.index_cast %add3A_330 : i32 to index
      %get3A_331 = tpu.vector_load %arg7[%get3A] {strides = array<i32>} : memref<4096xi32, #tpu.memory_space<vmem>>, vector<16xi32>,
      %get3A_332 = arith.index_cast %add3A_330 : i32 to index
      %get3A_333 = tpu.vector_load %arg8[%get3A_332] {strides = array<i32>} : memref<4096xf32, #tpu.memory_space<vmem>>, vector<16xf32>,
      %broadcast_in_dim3A = arith.constant 0 : i32
      %broadcast_in_dim3A_334 = vector.broadcast %broadcast_in_dim3A : i32 to vector<16x1xi32>
      %gather3A = vector.shape_cast %broadcast_in_dim3A_334 : vector<16x1xi32> to vector<16xi32>
      %gather3A_335 = tpu.dynamic_gather %get3A_331[%gather3A] in [0] : vector<16xi32>, vector<16xi32> -> vector<16xi32>
      %broadcast_in_dim3A_336 = arith.constant 0 : i32
      %broadcast_in_dim3A_337 = vector.broadcast %broadcast_in_dim3A_336 : i32 to vector<16x1xi32>
      %gather3A_338 = vector.shape_cast %broadcast_in_dim3A_337 : vector<16x1xi32> to vector<16xi32>
      %gather3A_339 = tpu.dynamic_gather %get3A_333[%gather3A_338] in [0] : vector<16xf32>, vector<16xi32> -> vector<16xf32>
      %add3A_340 = arith.addi %gather3A_335, %add3A_37 : vector<16xi32>
      %gather3A_341 = tpu.vector_load_idx %arg6[%add3A_340] : memref<49152xf32, #tpu.memory_space<vmem>>[vector<16xi32>], vector<16xf32>,
      %mul3A_342 = arith.mulf %gather3A_341, %gather3A_339 : vector<16xf32>
      %add3A_343 = arith.addi %gather3A_335, %add3A_40 : vector<16xi32>
      %gather3A_344 = tpu.vector_load_idx %arg6[%add3A_343] : memref<49152xf32, #tpu.memory_space<vmem>>[vector<16xi32>], vector<16xf32>,
      %mul3A_345 = arith.mulf %gather3A_344, %gather3A_339 : vector<16xf32>
      %broadcast_in_dim3A_346 = arith.constant 1 : i32
      %broadcast_in_dim3A_347 = vector.broadcast %broadcast_in_dim3A_346 : i32 to vector<16x1xi32>
      %gather3A_348 = vector.shape_cast %broadcast_in_dim3A_347 : vector<16x1xi32> to vector<16xi32>
      %gather3A_349 = tpu.dynamic_gather %get3A_331[%gather3A_348] in [0] : vector<16xi32>, vector<16xi32> -> vector<16xi32>
      %broadcast_in_dim3A_350 = arith.constant 1 : i32
      %broadcast_in_dim3A_351 = vector.broadcast %broadcast_in_dim3A_350 : i32 to vector<16x1xi32>
      %gather3A_352 = vector.shape_cast %broadcast_in_dim3A_351 : vector<16x1xi32> to vector<16xi32>
      %gather3A_353 = tpu.dynamic_gather %get3A_333[%gather3A_352] in [0] : vector<16xf32>, vector<16xi32> -> vector<16xf32>
      %add3A_354 = arith.addi %gather3A_349, %add3A_37 : vector<16xi32>
      %gather3A_355 = tpu.vector_load_idx %arg6[%add3A_354] : memref<49152xf32, #tpu.memory_space<vmem>>[vector<16xi32>], vector<16xf32>,
      %mul3A_356 = arith.mulf %gather3A_355, %gather3A_353 : vector<16xf32>
      %add3A_357 = arith.addi %gather3A_349, %add3A_40 : vector<16xi32>
      %gather3A_358 = tpu.vector_load_idx %arg6[%add3A_357] : memref<49152xf32, #tpu.memory_space<vmem>>[vector<16xi32>], vector<16xf32>,
      %mul3A_359 = arith.mulf %gather3A_358, %gather3A_353 : vector<16xf32>
      %broadcast_in_dim3A_360 = arith.constant 2 : i32
      %broadcast_in_dim3A_361 = vector.broadcast %broadcast_in_dim3A_360 : i32 to vector<16x1xi32>
      %gather3A_362 = vector.shape_cast %broadcast_in_dim3A_361 : vector<16x1xi32> to vector<16xi32>
      %gather3A_363 = tpu.dynamic_gather %get3A_331[%gather3A_362] in [0] : vector<16xi32>, vector<16xi32> -> vector<16xi32>
      %broadcast_in_dim3A_364 = arith.constant 2 : i32
      %broadcast_in_dim3A_365 = vector.broadcast %broadcast_in_dim3A_364 : i32 to vector<16x1xi32>
      %gather3A_366 = vector.shape_cast %broadcast_in_dim3A_365 : vector<16x1xi32> to vector<16xi32>
      %gather3A_367 = tpu.dynamic_gather %get3A_333[%gather3A_366] in [0] : vector<16xf32>, vector<16xi32> -> vector<16xf32>
      %add3A_368 = arith.addi %gather3A_363, %add3A_37 : vector<16xi32>
      %gather3A_369 = tpu.vector_load_idx %arg6[%add3A_368] : memref<49152xf32, #tpu.memory_space<vmem>>[vector<16xi32>], vector<16xf32>,
      %mul3A_370 = arith.mulf %gather3A_369, %gather3A_367 : vector<16xf32>
      %add3A_371 = arith.addf %mul3A_342, %mul3A_370 : vector<16xf32>
      %add3A_372 = arith.addi %gather3A_363, %add3A_40 : vector<16xi32>
      %gather3A_373 = tpu.vector_load_idx %arg6[%add3A_372] : memref<49152xf32, #tpu.memory_space<vmem>>[vector<16xi32>], vector<16xf32>,
      %mul3A_374 = arith.mulf %gather3A_373, %gather3A_367 : vector<16xf32>
      %add3A_375 = arith.addf %mul3A_345, %mul3A_374 : vector<16xf32>
      %broadcast_in_dim3A_376 = arith.constant 3 : i32
      %broadcast_in_dim3A_377 = vector.broadcast %broadcast_in_dim3A_376 : i32 to vector<16x1xi32>
      %gather3A_378 = vector.shape_cast %broadcast_in_dim3A_377 : vector<16x1xi32> to vector<16xi32>
      %gather3A_379 = tpu.dynamic_gather %get3A_331[%gather3A_378] in [0] : vector<16xi32>, vector<16xi32> -> vector<16xi32>
      %broadcast_in_dim3A_380 = arith.constant 3 : i32
      %broadcast_in_dim3A_381 = vector.broadcast %broadcast_in_dim3A_380 : i32 to vector<16x1xi32>
      %gather3A_382 = vector.shape_cast %broadcast_in_dim3A_381 : vector<16x1xi32> to vector<16xi32>
      %gather3A_383 = tpu.dynamic_gather %get3A_333[%gather3A_382] in [0] : vector<16xf32>, vector<16xi32> -> vector<16xf32>
      %add3A_384 = arith.addi %gather3A_379, %add3A_37 : vector<16xi32>
      %gather3A_385 = tpu.vector_load_idx %arg6[%add3A_384] : memref<49152xf32, #tpu.memory_space<vmem>>[vector<16xi32>], vector<16xf32>,
      %mul3A_386 = arith.mulf %gather3A_385, %gather3A_383 : vector<16xf32>
      %add3A_387 = arith.addf %mul3A_356, %mul3A_386 : vector<16xf32>
      %add3A_388 = arith.addi %gather3A_379, %add3A_40 : vector<16xi32>
      %gather3A_389 = tpu.vector_load_idx %arg6[%add3A_388] : memref<49152xf32, #tpu.memory_space<vmem>>[vector<16xi32>], vector<16xf32>,
      %mul3A_390 = arith.mulf %gather3A_389, %gather3A_383 : vector<16xf32>
      %add3A_391 = arith.addf %mul3A_359, %mul3A_390 : vector<16xf32>
      %broadcast_in_dim3A_392 = arith.constant 4 : i32
      %broadcast_in_dim3A_393 = vector.broadcast %broadcast_in_dim3A_392 : i32 to vector<16x1xi32>
      %gather3A_394 = vector.shape_cast %broadcast_in_dim3A_393 : vector<16x1xi32> to vector<16xi32>
      %gather3A_395 = tpu.dynamic_gather %get3A_331[%gather3A_394] in [0] : vector<16xi32>, vector<16xi32> -> vector<16xi32>
      %broadcast_in_dim3A_396 = arith.constant 4 : i32
      %broadcast_in_dim3A_397 = vector.broadcast %broadcast_in_dim3A_396 : i32 to vector<16x1xi32>
      %gather3A_398 = vector.shape_cast %broadcast_in_dim3A_397 : vector<16x1xi32> to vector<16xi32>
      %gather3A_399 = tpu.dynamic_gather %get3A_333[%gather3A_398] in [0] : vector<16xf32>, vector<16xi32> -> vector<16xf32>
      %add3A_400 = arith.addi %gather3A_395, %add3A_37 : vector<16xi32>
      %gather3A_401 = tpu.vector_load_idx %arg6[%add3A_400] : memref<49152xf32, #tpu.memory_space<vmem>>[vector<16xi32>], vector<16xf32>,
      %mul3A_402 = arith.mulf %gather3A_401, %gather3A_399 : vector<16xf32>
      %add3A_403 = arith.addf %add3A_371, %mul3A_402 : vector<16xf32>
      %add3A_404 = arith.addi %gather3A_395, %add3A_40 : vector<16xi32>
      %gather3A_405 = tpu.vector_load_idx %arg6[%add3A_404] : memref<49152xf32, #tpu.memory_space<vmem>>[vector<16xi32>], vector<16xf32>,
      %mul3A_406 = arith.mulf %gather3A_405, %gather3A_399 : vector<16xf32>
      %add3A_407 = arith.addf %add3A_375, %mul3A_406 : vector<16xf32>
      %broadcast_in_dim3A_408 = arith.constant 5 : i32
      %broadcast_in_dim3A_409 = vector.broadcast %broadcast_in_dim3A_408 : i32 to vector<16x1xi32>
      %gather3A_410 = vector.shape_cast %broadcast_in_dim3A_409 : vector<16x1xi32> to vector<16xi32>
      %gather3A_411 = tpu.dynamic_gather %get3A_331[%gather3A_410] in [0] : vector<16xi32>, vector<16xi32> -> vector<16xi32>
      %broadcast_in_dim3A_412 = arith.constant 5 : i32
      %broadcast_in_dim3A_413 = vector.broadcast %broadcast_in_dim3A_412 : i32 to vector<16x1xi32>
      %gather3A_414 = vector.shape_cast %broadcast_in_dim3A_413 : vector<16x1xi32> to vector<16xi32>
      %gather3A_415 = tpu.dynamic_gather %get3A_333[%gather3A_414] in [0] : vector<16xf32>, vector<16xi32> -> vector<16xf32>
      %add3A_416 = arith.addi %gather3A_411, %add3A_37 : vector<16xi32>
      %gather3A_417 = tpu.vector_load_idx %arg6[%add3A_416] : memref<49152xf32, #tpu.memory_space<vmem>>[vector<16xi32>], vector<16xf32>,
      %mul3A_418 = arith.mulf %gather3A_417, %gather3A_415 : vector<16xf32>
      %add3A_419 = arith.addf %add3A_387, %mul3A_418 : vector<16xf32>
      %add3A_420 = arith.addi %gather3A_411, %add3A_40 : vector<16xi32>
      %gather3A_421 = tpu.vector_load_idx %arg6[%add3A_420] : memref<49152xf32, #tpu.memory_space<vmem>>[vector<16xi32>], vector<16xf32>,
      %mul3A_422 = arith.mulf %gather3A_421, %gather3A_415 : vector<16xf32>
      %add3A_423 = arith.addf %add3A_391, %mul3A_422 : vector<16xf32>
      %broadcast_in_dim3A_424 = arith.constant 6 : i32
      %broadcast_in_dim3A_425 = vector.broadcast %broadcast_in_dim3A_424 : i32 to vector<16x1xi32>
      %gather3A_426 = vector.shape_cast %broadcast_in_dim3A_425 : vector<16x1xi32> to vector<16xi32>
      %gather3A_427 = tpu.dynamic_gather %get3A_331[%gather3A_426] in [0] : vector<16xi32>, vector<16xi32> -> vector<16xi32>
      %broadcast_in_dim3A_428 = arith.constant 6 : i32
      %broadcast_in_dim3A_429 = vector.broadcast %broadcast_in_dim3A_428 : i32 to vector<16x1xi32>
      %gather3A_430 = vector.shape_cast %broadcast_in_dim3A_429 : vector<16x1xi32> to vector<16xi32>
      %gather3A_431 = tpu.dynamic_gather %get3A_333[%gather3A_430] in [0] : vector<16xf32>, vector<16xi32> -> vector<16xf32>
      %add3A_432 = arith.addi %gather3A_427, %add3A_37 : vector<16xi32>
      %gather3A_433 = tpu.vector_load_idx %arg6[%add3A_432] : memref<49152xf32, #tpu.memory_space<vmem>>[vector<16xi32>], vector<16xf32>,
      %mul3A_434 = arith.mulf %gather3A_433, %gather3A_431 : vector<16xf32>
      %add3A_435 = arith.addf %add3A_403, %mul3A_434 : vector<16xf32>
      %add3A_436 = arith.addi %gather3A_427, %add3A_40 : vector<16xi32>
      %gather3A_437 = tpu.vector_load_idx %arg6[%add3A_436] : memref<49152xf32, #tpu.memory_space<vmem>>[vector<16xi32>], vector<16xf32>,
      %mul3A_438 = arith.mulf %gather3A_437, %gather3A_431 : vector<16xf32>
      %add3A_439 = arith.addf %add3A_407, %mul3A_438 : vector<16xf32>
      %broadcast_in_dim3A_440 = arith.constant 7 : i32
      %broadcast_in_dim3A_441 = vector.broadcast %broadcast_in_dim3A_440 : i32 to vector<16x1xi32>
      %gather3A_442 = vector.shape_cast %broadcast_in_dim3A_441 : vector<16x1xi32> to vector<16xi32>
      %gather3A_443 = tpu.dynamic_gather %get3A_331[%gather3A_442] in [0] : vector<16xi32>, vector<16xi32> -> vector<16xi32>
      %broadcast_in_dim3A_444 = arith.constant 7 : i32
      %broadcast_in_dim3A_445 = vector.broadcast %broadcast_in_dim3A_444 : i32 to vector<16x1xi32>
      %gather3A_446 = vector.shape_cast %broadcast_in_dim3A_445 : vector<16x1xi32> to vector<16xi32>
      %gather3A_447 = tpu.dynamic_gather %get3A_333[%gather3A_446] in [0] : vector<16xf32>, vector<16xi32> -> vector<16xf32>
      %add3A_448 = arith.addi %gather3A_443, %add3A_37 : vector<16xi32>
      %gather3A_449 = tpu.vector_load_idx %arg6[%add3A_448] : memref<49152xf32, #tpu.memory_space<vmem>>[vector<16xi32>], vector<16xf32>,
      %mul3A_450 = arith.mulf %gather3A_449, %gather3A_447 : vector<16xf32>
      %add3A_451 = arith.addf %add3A_419, %mul3A_450 : vector<16xf32>
      %add3A_452 = arith.addi %gather3A_443, %add3A_40 : vector<16xi32>
      %gather3A_453 = tpu.vector_load_idx %arg6[%add3A_452] : memref<49152xf32, #tpu.memory_space<vmem>>[vector<16xi32>], vector<16xf32>,
      %mul3A_454 = arith.mulf %gather3A_453, %gather3A_447 : vector<16xf32>
      %add3A_455 = arith.addf %add3A_423, %mul3A_454 : vector<16xf32>
      %broadcast_in_dim3A_456 = arith.constant 8 : i32
      %broadcast_in_dim3A_457 = vector.broadcast %broadcast_in_dim3A_456 : i32 to vector<16x1xi32>
      %gather3A_458 = vector.shape_cast %broadcast_in_dim3A_457 : vector<16x1xi32> to vector<16xi32>
      %gather3A_459 = tpu.dynamic_gather %get3A_331[%gather3A_458] in [0] : vector<16xi32>, vector<16xi32> -> vector<16xi32>
      %broadcast_in_dim3A_460 = arith.constant 8 : i32
      %broadcast_in_dim3A_461 = vector.broadcast %broadcast_in_dim3A_460 : i32 to vector<16x1xi32>
      %gather3A_462 = vector.shape_cast %broadcast_in_dim3A_461 : vector<16x1xi32> to vector<16xi32>
      %gather3A_463 = tpu.dynamic_gather %get3A_333[%gather3A_462] in [0] : vector<16xf32>, vector<16xi32> -> vector<16xf32>
      %add3A_464 = arith.addi %gather3A_459, %add3A_37 : vector<16xi32>
      %gather3A_465 = tpu.vector_load_idx %arg6[%add3A_464] : memref<49152xf32, #tpu.memory_space<vmem>>[vector<16xi32>], vector<16xf32>,
      %mul3A_466 = arith.mulf %gather3A_465, %gather3A_463 : vector<16xf32>
      %add3A_467 = arith.addf %add3A_435, %mul3A_466 : vector<16xf32>
      %add3A_468 = arith.addi %gather3A_459, %add3A_40 : vector<16xi32>
      %gather3A_469 = tpu.vector_load_idx %arg6[%add3A_468] : memref<49152xf32, #tpu.memory_space<vmem>>[vector<16xi32>], vector<16xf32>,
      %mul3A_470 = arith.mulf %gather3A_469, %gather3A_463 : vector<16xf32>
      %add3A_471 = arith.addf %add3A_439, %mul3A_470 : vector<16xf32>
      %broadcast_in_dim3A_472 = arith.constant 9 : i32
      %broadcast_in_dim3A_473 = vector.broadcast %broadcast_in_dim3A_472 : i32 to vector<16x1xi32>
      %gather3A_474 = vector.shape_cast %broadcast_in_dim3A_473 : vector<16x1xi32> to vector<16xi32>
      %gather3A_475 = tpu.dynamic_gather %get3A_331[%gather3A_474] in [0] : vector<16xi32>, vector<16xi32> -> vector<16xi32>
      %broadcast_in_dim3A_476 = arith.constant 9 : i32
      %broadcast_in_dim3A_477 = vector.broadcast %broadcast_in_dim3A_476 : i32 to vector<16x1xi32>
      %gather3A_478 = vector.shape_cast %broadcast_in_dim3A_477 : vector<16x1xi32> to vector<16xi32>
      %gather3A_479 = tpu.dynamic_gather %get3A_333[%gather3A_478] in [0] : vector<16xf32>, vector<16xi32> -> vector<16xf32>
      %add3A_480 = arith.addi %gather3A_475, %add3A_37 : vector<16xi32>
      %gather3A_481 = tpu.vector_load_idx %arg6[%add3A_480] : memref<49152xf32, #tpu.memory_space<vmem>>[vector<16xi32>], vector<16xf32>,
      %mul3A_482 = arith.mulf %gather3A_481, %gather3A_479 : vector<16xf32>
      %add3A_483 = arith.addf %add3A_451, %mul3A_482 : vector<16xf32>
      %add3A_484 = arith.addi %gather3A_475, %add3A_40 : vector<16xi32>
      %gather3A_485 = tpu.vector_load_idx %arg6[%add3A_484] : memref<49152xf32, #tpu.memory_space<vmem>>[vector<16xi32>], vector<16xf32>,
      %mul3A_486 = arith.mulf %gather3A_485, %gather3A_479 : vector<16xf32>
      %add3A_487 = arith.addf %add3A_455, %mul3A_486 : vector<16xf32>
      %broadcast_in_dim3A_488 = arith.constant 10 : i32
      %broadcast_in_dim3A_489 = vector.broadcast %broadcast_in_dim3A_488 : i32 to vector<16x1xi32>
      %gather3A_490 = vector.shape_cast %broadcast_in_dim3A_489 : vector<16x1xi32> to vector<16xi32>
      %gather3A_491 = tpu.dynamic_gather %get3A_331[%gather3A_490] in [0] : vector<16xi32>, vector<16xi32> -> vector<16xi32>
      %broadcast_in_dim3A_492 = arith.constant 10 : i32
      %broadcast_in_dim3A_493 = vector.broadcast %broadcast_in_dim3A_492 : i32 to vector<16x1xi32>
      %gather3A_494 = vector.shape_cast %broadcast_in_dim3A_493 : vector<16x1xi32> to vector<16xi32>
      %gather3A_495 = tpu.dynamic_gather %get3A_333[%gather3A_494] in [0] : vector<16xf32>, vector<16xi32> -> vector<16xf32>
      %add3A_496 = arith.addi %gather3A_491, %add3A_37 : vector<16xi32>
      %gather3A_497 = tpu.vector_load_idx %arg6[%add3A_496] : memref<49152xf32, #tpu.memory_space<vmem>>[vector<16xi32>], vector<16xf32>,
      %mul3A_498 = arith.mulf %gather3A_497, %gather3A_495 : vector<16xf32>
      %add3A_499 = arith.addf %add3A_467, %mul3A_498 : vector<16xf32>
      %add3A_500 = arith.addi %gather3A_491, %add3A_40 : vector<16xi32>
      %gather3A_501 = tpu.vector_load_idx %arg6[%add3A_500] : memref<49152xf32, #tpu.memory_space<vmem>>[vector<16xi32>], vector<16xf32>,
      %mul3A_502 = arith.mulf %gather3A_501, %gather3A_495 : vector<16xf32>
      %add3A_503 = arith.addf %add3A_471, %mul3A_502 : vector<16xf32>
      %broadcast_in_dim3A_504 = arith.constant 11 : i32
      %broadcast_in_dim3A_505 = vector.broadcast %broadcast_in_dim3A_504 : i32 to vector<16x1xi32>
      %gather3A_506 = vector.shape_cast %broadcast_in_dim3A_505 : vector<16x1xi32> to vector<16xi32>
      %gather3A_507 = tpu.dynamic_gather %get3A_331[%gather3A_506] in [0] : vector<16xi32>, vector<16xi32> -> vector<16xi32>
      %broadcast_in_dim3A_508 = arith.constant 11 : i32
      %broadcast_in_dim3A_509 = vector.broadcast %broadcast_in_dim3A_508 : i32 to vector<16x1xi32>
      %gather3A_510 = vector.shape_cast %broadcast_in_dim3A_509 : vector<16x1xi32> to vector<16xi32>
      %gather3A_511 = tpu.dynamic_gather %get3A_333[%gather3A_510] in [0] : vector<16xf32>, vector<16xi32> -> vector<16xf32>
      %add3A_512 = arith.addi %gather3A_507, %add3A_37 : vector<16xi32>
      %gather3A_513 = tpu.vector_load_idx %arg6[%add3A_512] : memref<49152xf32, #tpu.memory_space<vmem>>[vector<16xi32>], vector<16xf32>,
      %mul3A_514 = arith.mulf %gather3A_513, %gather3A_511 : vector<16xf32>
      %add3A_515 = arith.addf %add3A_483, %mul3A_514 : vector<16xf32>
      %add3A_516 = arith.addi %gather3A_507, %add3A_40 : vector<16xi32>
      %gather3A_517 = tpu.vector_load_idx %arg6[%add3A_516] : memref<49152xf32, #tpu.memory_space<vmem>>[vector<16xi32>], vector<16xf32>,
      %mul3A_518 = arith.mulf %gather3A_517, %gather3A_511 : vector<16xf32>
      %add3A_519 = arith.addf %add3A_487, %mul3A_518 : vector<16xf32>
      %broadcast_in_dim3A_520 = arith.constant 12 : i32
      %broadcast_in_dim3A_521 = vector.broadcast %broadcast_in_dim3A_520 : i32 to vector<16x1xi32>
      %gather3A_522 = vector.shape_cast %broadcast_in_dim3A_521 : vector<16x1xi32> to vector<16xi32>
      %gather3A_523 = tpu.dynamic_gather %get3A_331[%gather3A_522] in [0] : vector<16xi32>, vector<16xi32> -> vector<16xi32>
      %broadcast_in_dim3A_524 = arith.constant 12 : i32
      %broadcast_in_dim3A_525 = vector.broadcast %broadcast_in_dim3A_524 : i32 to vector<16x1xi32>
      %gather3A_526 = vector.shape_cast %broadcast_in_dim3A_525 : vector<16x1xi32> to vector<16xi32>
      %gather3A_527 = tpu.dynamic_gather %get3A_333[%gather3A_526] in [0] : vector<16xf32>, vector<16xi32> -> vector<16xf32>
      %add3A_528 = arith.addi %gather3A_523, %add3A_37 : vector<16xi32>
      %gather3A_529 = tpu.vector_load_idx %arg6[%add3A_528] : memref<49152xf32, #tpu.memory_space<vmem>>[vector<16xi32>], vector<16xf32>,
      %mul3A_530 = arith.mulf %gather3A_529, %gather3A_527 : vector<16xf32>
      %add3A_531 = arith.addf %add3A_499, %mul3A_530 : vector<16xf32>
      %add3A_532 = arith.addi %gather3A_523, %add3A_40 : vector<16xi32>
      %gather3A_533 = tpu.vector_load_idx %arg6[%add3A_532] : memref<49152xf32, #tpu.memory_space<vmem>>[vector<16xi32>], vector<16xf32>,
      %mul3A_534 = arith.mulf %gather3A_533, %gather3A_527 : vector<16xf32>
      %add3A_535 = arith.addf %add3A_503, %mul3A_534 : vector<16xf32>
      %broadcast_in_dim3A_536 = arith.constant 13 : i32
      %broadcast_in_dim3A_537 = vector.broadcast %broadcast_in_dim3A_536 : i32 to vector<16x1xi32>
      %gather3A_538 = vector.shape_cast %broadcast_in_dim3A_537 : vector<16x1xi32> to vector<16xi32>
      %gather3A_539 = tpu.dynamic_gather %get3A_331[%gather3A_538] in [0] : vector<16xi32>, vector<16xi32> -> vector<16xi32>
      %broadcast_in_dim3A_540 = arith.constant 13 : i32
      %broadcast_in_dim3A_541 = vector.broadcast %broadcast_in_dim3A_540 : i32 to vector<16x1xi32>
      %gather3A_542 = vector.shape_cast %broadcast_in_dim3A_541 : vector<16x1xi32> to vector<16xi32>
      %gather3A_543 = tpu.dynamic_gather %get3A_333[%gather3A_542] in [0] : vector<16xf32>, vector<16xi32> -> vector<16xf32>
      %add3A_544 = arith.addi %gather3A_539, %add3A_37 : vector<16xi32>
      %gather3A_545 = tpu.vector_load_idx %arg6[%add3A_544] : memref<49152xf32, #tpu.memory_space<vmem>>[vector<16xi32>], vector<16xf32>,
      %mul3A_546 = arith.mulf %gather3A_545, %gather3A_543 : vector<16xf32>
      %add3A_547 = arith.addf %add3A_515, %mul3A_546 : vector<16xf32>
      %add3A_548 = arith.addi %gather3A_539, %add3A_40 : vector<16xi32>
      %gather3A_549 = tpu.vector_load_idx %arg6[%add3A_548] : memref<49152xf32, #tpu.memory_space<vmem>>[vector<16xi32>], vector<16xf32>,
      %mul3A_550 = arith.mulf %gather3A_549, %gather3A_543 : vector<16xf32>
      %add3A_551 = arith.addf %add3A_519, %mul3A_550 : vector<16xf32>
      %broadcast_in_dim3A_552 = arith.constant 14 : i32
      %broadcast_in_dim3A_553 = vector.broadcast %broadcast_in_dim3A_552 : i32 to vector<16x1xi32>
      %gather3A_554 = vector.shape_cast %broadcast_in_dim3A_553 : vector<16x1xi32> to vector<16xi32>
      %gather3A_555 = tpu.dynamic_gather %get3A_331[%gather3A_554] in [0] : vector<16xi32>, vector<16xi32> -> vector<16xi32>
      %broadcast_in_dim3A_556 = arith.constant 14 : i32
      %broadcast_in_dim3A_557 = vector.broadcast %broadcast_in_dim3A_556 : i32 to vector<16x1xi32>
      %gather3A_558 = vector.shape_cast %broadcast_in_dim3A_557 : vector<16x1xi32> to vector<16xi32>
      %gather3A_559 = tpu.dynamic_gather %get3A_333[%gather3A_558] in [0] : vector<16xf32>, vector<16xi32> -> vector<16xf32>
      %add3A_560 = arith.addi %gather3A_555, %add3A_37 : vector<16xi32>
      %gather3A_561 = tpu.vector_load_idx %arg6[%add3A_560] : memref<49152xf32, #tpu.memory_space<vmem>>[vector<16xi32>], vector<16xf32>,
      %mul3A_562 = arith.mulf %gather3A_561, %gather3A_559 : vector<16xf32>
      %add3A_563 = arith.addf %add3A_531, %mul3A_562 : vector<16xf32>
      %add3A_564 = arith.addi %gather3A_555, %add3A_40 : vector<16xi32>
      %gather3A_565 = tpu.vector_load_idx %arg6[%add3A_564] : memref<49152xf32, #tpu.memory_space<vmem>>[vector<16xi32>], vector<16xf32>,
      %mul3A_566 = arith.mulf %gather3A_565, %gather3A_559 : vector<16xf32>
      %add3A_567 = arith.addf %add3A_535, %mul3A_566 : vector<16xf32>
      %broadcast_in_dim3A_568 = arith.constant 15 : i32
      %broadcast_in_dim3A_569 = vector.broadcast %broadcast_in_dim3A_568 : i32 to vector<16x1xi32>
      %gather3A_570 = vector.shape_cast %broadcast_in_dim3A_569 : vector<16x1xi32> to vector<16xi32>
      %gather3A_571 = tpu.dynamic_gather %get3A_331[%gather3A_570] in [0] : vector<16xi32>, vector<16xi32> -> vector<16xi32>
      %broadcast_in_dim3A_572 = arith.constant 15 : i32
      %broadcast_in_dim3A_573 = vector.broadcast %broadcast_in_dim3A_572 : i32 to vector<16x1xi32>
      %gather3A_574 = vector.shape_cast %broadcast_in_dim3A_573 : vector<16x1xi32> to vector<16xi32>
      %gather3A_575 = tpu.dynamic_gather %get3A_333[%gather3A_574] in [0] : vector<16xf32>, vector<16xi32> -> vector<16xf32>
      %add3A_576 = arith.addi %gather3A_571, %add3A_37 : vector<16xi32>
      %gather3A_577 = tpu.vector_load_idx %arg6[%add3A_576] : memref<49152xf32, #tpu.memory_space<vmem>>[vector<16xi32>], vector<16xf32>,
      %mul3A_578 = arith.mulf %gather3A_577, %gather3A_575 : vector<16xf32>
      %add3A_579 = arith.addf %add3A_547, %mul3A_578 : vector<16xf32>
      %add3A_580 = arith.addi %gather3A_571, %add3A_40 : vector<16xi32>
      %gather3A_581 = tpu.vector_load_idx %arg6[%add3A_580] : memref<49152xf32, #tpu.memory_space<vmem>>[vector<16xi32>], vector<16xf32>,
      %mul3A_582 = arith.mulf %gather3A_581, %gather3A_575 : vector<16xf32>
      %add3A_583 = arith.addf %add3A_551, %mul3A_582 : vector<16xf32>
      %add3A_584 = arith.constant 512 : i32
      %add3A_585 = arith.addi %add3A_584, %add3A_326 : i32
      %mul3A_586 = arith.constant 32 : i32
      %mul3A_587 = arith.muli %add3A_585, %mul3A_586 : i32
      %add3A_588 = arith.addf %add3A_563, %add3A_579 : vector<16xf32>
      %mul3A_589 = arith.constant 2.000000e+00 : f32
      %mul3A_590 = vector.broadcast %mul3A_589 : f32 to vector<16xf32>
      %mul3A_591 = arith.mulf %add3A_588, %mul3A_590 : vector<16xf32>
      %exp3A = math.exp %mul3A_591 : vector<16xf32>
      %add3A_592 = arith.constant 1.000000e+00 : f32
      %add3A_593 = vector.broadcast %add3A_592 : f32 to vector<16xf32>
      %add3A_594 = arith.addf %exp3A, %add3A_593 : vector<16xf32>
      %div3A = arith.constant 2.000000e+00 : f32
      %div3A_595 = vector.broadcast %div3A : f32 to vector<16xf32>
      %div3A_596 = arith.divf %div3A_595, %add3A_594 : vector<16xf32>
      %sub3A = arith.constant 1.000000e+00 : f32
      %sub3A_597 = vector.broadcast %sub3A : f32 to vector<16xf32>
      %sub3A_598 = arith.subf %sub3A_597, %div3A_596 : vector<16xf32>
      %add3A_599 = arith.constant 0 : i32
      %add3A_600 = arith.addi %mul3A_587, %add3A_599 : i32
      %swap3A = arith.index_cast %add3A_600 : i32 to index
      %swap3A_601 = tpu.vector_load %arg6[%swap3A] {strides = array<i32>} : memref<49152xf32, #tpu.memory_space<vmem>>, vector<16xf32>,
      tpu.vector_store %arg6[%swap3A], %sub3A_598 {strides = array<i32>} : memref<49152xf32, #tpu.memory_space<vmem>>, vector<16xf32>,
      %add3A_602 = arith.addf %add3A_567, %add3A_583 : vector<16xf32>
      %mul3A_603 = arith.constant 2.000000e+00 : f32
      %mul3A_604 = vector.broadcast %mul3A_603 : f32 to vector<16xf32>
      %mul3A_605 = arith.mulf %add3A_602, %mul3A_604 : vector<16xf32>
      %exp3A_606 = math.exp %mul3A_605 : vector<16xf32>
      %add3A_607 = arith.constant 1.000000e+00 : f32
      %add3A_608 = vector.broadcast %add3A_607 : f32 to vector<16xf32>
      %add3A_609 = arith.addf %exp3A_606, %add3A_608 : vector<16xf32>
      %div3A_610 = arith.constant 2.000000e+00 : f32
      %div3A_611 = vector.broadcast %div3A_610 : f32 to vector<16xf32>
      %div3A_612 = arith.divf %div3A_611, %add3A_609 : vector<16xf32>
      %sub3A_613 = arith.constant 1.000000e+00 : f32
      %sub3A_614 = vector.broadcast %sub3A_613 : f32 to vector<16xf32>
      %sub3A_615 = arith.subf %sub3A_614, %div3A_612 : vector<16xf32>
      %add3A_616 = arith.constant 16 : i32
      %add3A_617 = arith.addi %mul3A_587, %add3A_616 : i32
      %swap3A_618 = arith.index_cast %add3A_617 : i32 to index
      %swap3A_619 = tpu.vector_load %arg6[%swap3A_618] {strides = array<i32>} : memref<49152xf32, #tpu.memory_space<vmem>>, vector<16xf32>,
      tpu.vector_store %arg6[%swap3A_618], %sub3A_615 {strides = array<i32>} : memref<49152xf32, #tpu.memory_space<vmem>>, vector<16xf32>,
    }
    %scan3A_76 = arith.constant 128 : i32
    %dma_wait3A_77 = arith.constant 2048 : i32
    %dma_wait3A_78 = tpu.memref_slice %arg7[%dma_wait3A_77] : memref<4096xi32, #tpu.memory_space<vmem>> -> memref<2048xi32, #tpu.memory_space<vmem>>
    %dma_wait3A_79 = arith.constant 2048 : i32
    %dma_wait3A_80 = tpu.memref_slice %arg3[%dma_wait3A_79] : memref<16384xi32, #tpu.memory_space<hbm>> -> memref<2048xi32, #tpu.memory_space<hbm>>
    %dma_wait3A_81 = arith.constant 2048 : i32
    %dma_wait3A_82 = tpu.memref_slice %arg7[%dma_wait3A_81] : memref<4096xi32, #tpu.memory_space<vmem>> -> memref<2048xi32, #tpu.memory_space<vmem>>
    %dma_wait3A_83 = arith.constant 2048 : i32
    %dma_wait3A_84 = tpu.memref_slice %arg3[%dma_wait3A_83] : memref<16384xi32, #tpu.memory_space<hbm>> -> memref<2048xi32, #tpu.memory_space<hbm>>
    tpu.wait_dma2 semaphore(%arg10 : memref<!tpu.dma_semaphore, #tpu.memory_space<semaphore_mem>>) src(%dma_wait3A_84 : memref<2048xi32, #tpu.memory_space<hbm>>) dst(%dma_wait3A_82 : memref<2048xi32, #tpu.memory_space<vmem>>)
    %dma_wait3A_85 = arith.constant 2048 : i32
    %dma_wait3A_86 = tpu.memref_slice %arg8[%dma_wait3A_85] : memref<4096xf32, #tpu.memory_space<vmem>> -> memref<2048xf32, #tpu.memory_space<vmem>>
    %dma_wait3A_87 = arith.constant 2048 : i32
    %dma_wait3A_88 = tpu.memref_slice %arg4[%dma_wait3A_87] : memref<16384xf32, #tpu.memory_space<hbm>> -> memref<2048xf32, #tpu.memory_space<hbm>>
    %dma_wait3A_89 = arith.constant 2048 : i32
    %dma_wait3A_90 = tpu.memref_slice %arg8[%dma_wait3A_89] : memref<4096xf32, #tpu.memory_space<vmem>> -> memref<2048xf32, #tpu.memory_space<vmem>>
    %dma_wait3A_91 = arith.constant 2048 : i32
    %dma_wait3A_92 = tpu.memref_slice %arg4[%dma_wait3A_91] : memref<16384xf32, #tpu.memory_space<hbm>> -> memref<2048xf32, #tpu.memory_space<hbm>>
    tpu.wait_dma2 semaphore(%arg11 : memref<!tpu.dma_semaphore, #tpu.memory_space<semaphore_mem>>) src(%dma_wait3A_92 : memref<2048xf32, #tpu.memory_space<hbm>>) dst(%dma_wait3A_90 : memref<2048xf32, #tpu.memory_space<vmem>>)
    %dma_start3A_93 = arith.constant 0 : i32
    %dma_start3A_94 = tpu.memref_slice %arg7[%dma_start3A_93] : memref<4096xi32, #tpu.memory_space<vmem>> -> memref<2048xi32, #tpu.memory_space<vmem>>
    %dma_start3A_95 = arith.constant 4096 : i32
    %dma_start3A_96 = tpu.memref_slice %arg3[%dma_start3A_95] : memref<16384xi32, #tpu.memory_space<hbm>> -> memref<2048xi32, #tpu.memory_space<hbm>>
    %dma_start3A_97 = arith.constant 0 : i32
    %dma_start3A_98 = tpu.memref_slice %arg7[%dma_start3A_97] : memref<4096xi32, #tpu.memory_space<vmem>> -> memref<2048xi32, #tpu.memory_space<vmem>>
    %dma_start3A_99 = arith.constant 4096 : i32
    %dma_start3A_100 = tpu.memref_slice %arg3[%dma_start3A_99] : memref<16384xi32, #tpu.memory_space<hbm>> -> memref<2048xi32, #tpu.memory_space<hbm>>
    tpu.enqueue_dma source(%dma_start3A_100 : memref<2048xi32, #tpu.memory_space<hbm>>) target(%dma_start3A_98 : memref<2048xi32, #tpu.memory_space<vmem>>) target_semaphore(%arg10 : memref<!tpu.dma_semaphore, #tpu.memory_space<semaphore_mem>>)
    %dma_start3A_101 = arith.constant 0 : i32
    %dma_start3A_102 = tpu.memref_slice %arg8[%dma_start3A_101] : memref<4096xf32, #tpu.memory_space<vmem>> -> memref<2048xf32, #tpu.memory_space<vmem>>
    %dma_start3A_103 = arith.constant 4096 : i32
    %dma_start3A_104 = tpu.memref_slice %arg4[%dma_start3A_103] : memref<16384xf32, #tpu.memory_space<hbm>> -> memref<2048xf32, #tpu.memory_space<hbm>>
    %dma_start3A_105 = arith.constant 0 : i32
    %dma_start3A_106 = tpu.memref_slice %arg8[%dma_start3A_105] : memref<4096xf32, #tpu.memory_space<vmem>> -> memref<2048xf32, #tpu.memory_space<vmem>>
    %dma_start3A_107 = arith.constant 4096 : i32
    %dma_start3A_108 = tpu.memref_slice %arg4[%dma_start3A_107] : memref<16384xf32, #tpu.memory_space<hbm>> -> memref<2048xf32, #tpu.memory_space<hbm>>
    tpu.enqueue_dma source(%dma_start3A_108 : memref<2048xf32, #tpu.memory_space<hbm>>) target(%dma_start3A_106 : memref<2048xf32, #tpu.memory_space<vmem>>) target_semaphore(%arg11 : memref<!tpu.dma_semaphore, #tpu.memory_space<semaphore_mem>>)
    %scan3A_109 = arith.constant 0 : i32
    %scan3A_110 = arith.constant 128 : i32
    %scan3A_111 = arith.addi %scan3A_109, %scan3A_110 : i32
    %scan3A_112 = arith.constant 1 : i32
    scf.for %scan3A_320 = %scan3A_109 to %scan3A_111 step %scan3A_112  : i32 {
      %mul3A_321 = arith.constant 1 : i32
      %mul3A_322 = arith.muli %scan3A_320, %mul3A_321 : i32
      %add3A_323 = arith.constant 0 : i32
      %add3A_324 = arith.addi %add3A_323, %mul3A_322 : i32
      %add3A_325 = arith.constant 128 : i32
      %add3A_326 = arith.addi %add3A_325, %add3A_324 : i32
      %mul3A_327 = arith.constant 16 : i32
      %mul3A_328 = arith.muli %add3A_324, %mul3A_327 : i32
      %add3A_329 = arith.constant 2048 : i32
      %add3A_330 = arith.addi %add3A_329, %mul3A_328 : i32
      %get3A = arith.index_cast %add3A_330 : i32 to index
      %get3A_331 = tpu.vector_load %arg7[%get3A] {strides = array<i32>} : memref<4096xi32, #tpu.memory_space<vmem>>, vector<16xi32>,
      %get3A_332 = arith.index_cast %add3A_330 : i32 to index
      %get3A_333 = tpu.vector_load %arg8[%get3A_332] {strides = array<i32>} : memref<4096xf32, #tpu.memory_space<vmem>>, vector<16xf32>,
      %broadcast_in_dim3A = arith.constant 0 : i32
      %broadcast_in_dim3A_334 = vector.broadcast %broadcast_in_dim3A : i32 to vector<16x1xi32>
      %gather3A = vector.shape_cast %broadcast_in_dim3A_334 : vector<16x1xi32> to vector<16xi32>
      %gather3A_335 = tpu.dynamic_gather %get3A_331[%gather3A] in [0] : vector<16xi32>, vector<16xi32> -> vector<16xi32>
      %broadcast_in_dim3A_336 = arith.constant 0 : i32
      %broadcast_in_dim3A_337 = vector.broadcast %broadcast_in_dim3A_336 : i32 to vector<16x1xi32>
      %gather3A_338 = vector.shape_cast %broadcast_in_dim3A_337 : vector<16x1xi32> to vector<16xi32>
      %gather3A_339 = tpu.dynamic_gather %get3A_333[%gather3A_338] in [0] : vector<16xf32>, vector<16xi32> -> vector<16xf32>
      %add3A_340 = arith.addi %gather3A_335, %add3A_37 : vector<16xi32>
      %gather3A_341 = tpu.vector_load_idx %arg6[%add3A_340] : memref<49152xf32, #tpu.memory_space<vmem>>[vector<16xi32>], vector<16xf32>,
      %mul3A_342 = arith.mulf %gather3A_341, %gather3A_339 : vector<16xf32>
      %add3A_343 = arith.addi %gather3A_335, %add3A_40 : vector<16xi32>
      %gather3A_344 = tpu.vector_load_idx %arg6[%add3A_343] : memref<49152xf32, #tpu.memory_space<vmem>>[vector<16xi32>], vector<16xf32>,
      %mul3A_345 = arith.mulf %gather3A_344, %gather3A_339 : vector<16xf32>
      %broadcast_in_dim3A_346 = arith.constant 1 : i32
      %broadcast_in_dim3A_347 = vector.broadcast %broadcast_in_dim3A_346 : i32 to vector<16x1xi32>
      %gather3A_348 = vector.shape_cast %broadcast_in_dim3A_347 : vector<16x1xi32> to vector<16xi32>
      %gather3A_349 = tpu.dynamic_gather %get3A_331[%gather3A_348] in [0] : vector<16xi32>, vector<16xi32> -> vector<16xi32>
      %broadcast_in_dim3A_350 = arith.constant 1 : i32
      %broadcast_in_dim3A_351 = vector.broadcast %broadcast_in_dim3A_350 : i32 to vector<16x1xi32>
      %gather3A_352 = vector.shape_cast %broadcast_in_dim3A_351 : vector<16x1xi32> to vector<16xi32>
      %gather3A_353 = tpu.dynamic_gather %get3A_333[%gather3A_352] in [0] : vector<16xf32>, vector<16xi32> -> vector<16xf32>
      %add3A_354 = arith.addi %gather3A_349, %add3A_37 : vector<16xi32>
      %gather3A_355 = tpu.vector_load_idx %arg6[%add3A_354] : memref<49152xf32, #tpu.memory_space<vmem>>[vector<16xi32>], vector<16xf32>,
      %mul3A_356 = arith.mulf %gather3A_355, %gather3A_353 : vector<16xf32>
      %add3A_357 = arith.addi %gather3A_349, %add3A_40 : vector<16xi32>
      %gather3A_358 = tpu.vector_load_idx %arg6[%add3A_357] : memref<49152xf32, #tpu.memory_space<vmem>>[vector<16xi32>], vector<16xf32>,
      %mul3A_359 = arith.mulf %gather3A_358, %gather3A_353 : vector<16xf32>
      %broadcast_in_dim3A_360 = arith.constant 2 : i32
      %broadcast_in_dim3A_361 = vector.broadcast %broadcast_in_dim3A_360 : i32 to vector<16x1xi32>
      %gather3A_362 = vector.shape_cast %broadcast_in_dim3A_361 : vector<16x1xi32> to vector<16xi32>
      %gather3A_363 = tpu.dynamic_gather %get3A_331[%gather3A_362] in [0] : vector<16xi32>, vector<16xi32> -> vector<16xi32>
      %broadcast_in_dim3A_364 = arith.constant 2 : i32
      %broadcast_in_dim3A_365 = vector.broadcast %broadcast_in_dim3A_364 : i32 to vector<16x1xi32>
      %gather3A_366 = vector.shape_cast %broadcast_in_dim3A_365 : vector<16x1xi32> to vector<16xi32>
      %gather3A_367 = tpu.dynamic_gather %get3A_333[%gather3A_366] in [0] : vector<16xf32>, vector<16xi32> -> vector<16xf32>
      %add3A_368 = arith.addi %gather3A_363, %add3A_37 : vector<16xi32>
      %gather3A_369 = tpu.vector_load_idx %arg6[%add3A_368] : memref<49152xf32, #tpu.memory_space<vmem>>[vector<16xi32>], vector<16xf32>,
      %mul3A_370 = arith.mulf %gather3A_369, %gather3A_367 : vector<16xf32>
      %add3A_371 = arith.addf %mul3A_342, %mul3A_370 : vector<16xf32>
      %add3A_372 = arith.addi %gather3A_363, %add3A_40 : vector<16xi32>
      %gather3A_373 = tpu.vector_load_idx %arg6[%add3A_372] : memref<49152xf32, #tpu.memory_space<vmem>>[vector<16xi32>], vector<16xf32>,
      %mul3A_374 = arith.mulf %gather3A_373, %gather3A_367 : vector<16xf32>
      %add3A_375 = arith.addf %mul3A_345, %mul3A_374 : vector<16xf32>
      %broadcast_in_dim3A_376 = arith.constant 3 : i32
      %broadcast_in_dim3A_377 = vector.broadcast %broadcast_in_dim3A_376 : i32 to vector<16x1xi32>
      %gather3A_378 = vector.shape_cast %broadcast_in_dim3A_377 : vector<16x1xi32> to vector<16xi32>
      %gather3A_379 = tpu.dynamic_gather %get3A_331[%gather3A_378] in [0] : vector<16xi32>, vector<16xi32> -> vector<16xi32>
      %broadcast_in_dim3A_380 = arith.constant 3 : i32
      %broadcast_in_dim3A_381 = vector.broadcast %broadcast_in_dim3A_380 : i32 to vector<16x1xi32>
      %gather3A_382 = vector.shape_cast %broadcast_in_dim3A_381 : vector<16x1xi32> to vector<16xi32>
      %gather3A_383 = tpu.dynamic_gather %get3A_333[%gather3A_382] in [0] : vector<16xf32>, vector<16xi32> -> vector<16xf32>
      %add3A_384 = arith.addi %gather3A_379, %add3A_37 : vector<16xi32>
      %gather3A_385 = tpu.vector_load_idx %arg6[%add3A_384] : memref<49152xf32, #tpu.memory_space<vmem>>[vector<16xi32>], vector<16xf32>,
      %mul3A_386 = arith.mulf %gather3A_385, %gather3A_383 : vector<16xf32>
      %add3A_387 = arith.addf %mul3A_356, %mul3A_386 : vector<16xf32>
      %add3A_388 = arith.addi %gather3A_379, %add3A_40 : vector<16xi32>
      %gather3A_389 = tpu.vector_load_idx %arg6[%add3A_388] : memref<49152xf32, #tpu.memory_space<vmem>>[vector<16xi32>], vector<16xf32>,
      %mul3A_390 = arith.mulf %gather3A_389, %gather3A_383 : vector<16xf32>
      %add3A_391 = arith.addf %mul3A_359, %mul3A_390 : vector<16xf32>
      %broadcast_in_dim3A_392 = arith.constant 4 : i32
      %broadcast_in_dim3A_393 = vector.broadcast %broadcast_in_dim3A_392 : i32 to vector<16x1xi32>
      %gather3A_394 = vector.shape_cast %broadcast_in_dim3A_393 : vector<16x1xi32> to vector<16xi32>
      %gather3A_395 = tpu.dynamic_gather %get3A_331[%gather3A_394] in [0] : vector<16xi32>, vector<16xi32> -> vector<16xi32>
      %broadcast_in_dim3A_396 = arith.constant 4 : i32
      %broadcast_in_dim3A_397 = vector.broadcast %broadcast_in_dim3A_396 : i32 to vector<16x1xi32>
      %gather3A_398 = vector.shape_cast %broadcast_in_dim3A_397 : vector<16x1xi32> to vector<16xi32>
      %gather3A_399 = tpu.dynamic_gather %get3A_333[%gather3A_398] in [0] : vector<16xf32>, vector<16xi32> -> vector<16xf32>
      %add3A_400 = arith.addi %gather3A_395, %add3A_37 : vector<16xi32>
      %gather3A_401 = tpu.vector_load_idx %arg6[%add3A_400] : memref<49152xf32, #tpu.memory_space<vmem>>[vector<16xi32>], vector<16xf32>,
      %mul3A_402 = arith.mulf %gather3A_401, %gather3A_399 : vector<16xf32>
      %add3A_403 = arith.addf %add3A_371, %mul3A_402 : vector<16xf32>
      %add3A_404 = arith.addi %gather3A_395, %add3A_40 : vector<16xi32>
      %gather3A_405 = tpu.vector_load_idx %arg6[%add3A_404] : memref<49152xf32, #tpu.memory_space<vmem>>[vector<16xi32>], vector<16xf32>,
      %mul3A_406 = arith.mulf %gather3A_405, %gather3A_399 : vector<16xf32>
      %add3A_407 = arith.addf %add3A_375, %mul3A_406 : vector<16xf32>
      %broadcast_in_dim3A_408 = arith.constant 5 : i32
      %broadcast_in_dim3A_409 = vector.broadcast %broadcast_in_dim3A_408 : i32 to vector<16x1xi32>
      %gather3A_410 = vector.shape_cast %broadcast_in_dim3A_409 : vector<16x1xi32> to vector<16xi32>
      %gather3A_411 = tpu.dynamic_gather %get3A_331[%gather3A_410] in [0] : vector<16xi32>, vector<16xi32> -> vector<16xi32>
      %broadcast_in_dim3A_412 = arith.constant 5 : i32
      %broadcast_in_dim3A_413 = vector.broadcast %broadcast_in_dim3A_412 : i32 to vector<16x1xi32>
      %gather3A_414 = vector.shape_cast %broadcast_in_dim3A_413 : vector<16x1xi32> to vector<16xi32>
      %gather3A_415 = tpu.dynamic_gather %get3A_333[%gather3A_414] in [0] : vector<16xf32>, vector<16xi32> -> vector<16xf32>
      %add3A_416 = arith.addi %gather3A_411, %add3A_37 : vector<16xi32>
      %gather3A_417 = tpu.vector_load_idx %arg6[%add3A_416] : memref<49152xf32, #tpu.memory_space<vmem>>[vector<16xi32>], vector<16xf32>,
      %mul3A_418 = arith.mulf %gather3A_417, %gather3A_415 : vector<16xf32>
      %add3A_419 = arith.addf %add3A_387, %mul3A_418 : vector<16xf32>
      %add3A_420 = arith.addi %gather3A_411, %add3A_40 : vector<16xi32>
      %gather3A_421 = tpu.vector_load_idx %arg6[%add3A_420] : memref<49152xf32, #tpu.memory_space<vmem>>[vector<16xi32>], vector<16xf32>,
      %mul3A_422 = arith.mulf %gather3A_421, %gather3A_415 : vector<16xf32>
      %add3A_423 = arith.addf %add3A_391, %mul3A_422 : vector<16xf32>
      %broadcast_in_dim3A_424 = arith.constant 6 : i32
      %broadcast_in_dim3A_425 = vector.broadcast %broadcast_in_dim3A_424 : i32 to vector<16x1xi32>
      %gather3A_426 = vector.shape_cast %broadcast_in_dim3A_425 : vector<16x1xi32> to vector<16xi32>
      %gather3A_427 = tpu.dynamic_gather %get3A_331[%gather3A_426] in [0] : vector<16xi32>, vector<16xi32> -> vector<16xi32>
      %broadcast_in_dim3A_428 = arith.constant 6 : i32
      %broadcast_in_dim3A_429 = vector.broadcast %broadcast_in_dim3A_428 : i32 to vector<16x1xi32>
      %gather3A_430 = vector.shape_cast %broadcast_in_dim3A_429 : vector<16x1xi32> to vector<16xi32>
      %gather3A_431 = tpu.dynamic_gather %get3A_333[%gather3A_430] in [0] : vector<16xf32>, vector<16xi32> -> vector<16xf32>
      %add3A_432 = arith.addi %gather3A_427, %add3A_37 : vector<16xi32>
      %gather3A_433 = tpu.vector_load_idx %arg6[%add3A_432] : memref<49152xf32, #tpu.memory_space<vmem>>[vector<16xi32>], vector<16xf32>,
      %mul3A_434 = arith.mulf %gather3A_433, %gather3A_431 : vector<16xf32>
      %add3A_435 = arith.addf %add3A_403, %mul3A_434 : vector<16xf32>
      %add3A_436 = arith.addi %gather3A_427, %add3A_40 : vector<16xi32>
      %gather3A_437 = tpu.vector_load_idx %arg6[%add3A_436] : memref<49152xf32, #tpu.memory_space<vmem>>[vector<16xi32>], vector<16xf32>,
      %mul3A_438 = arith.mulf %gather3A_437, %gather3A_431 : vector<16xf32>
      %add3A_439 = arith.addf %add3A_407, %mul3A_438 : vector<16xf32>
      %broadcast_in_dim3A_440 = arith.constant 7 : i32
      %broadcast_in_dim3A_441 = vector.broadcast %broadcast_in_dim3A_440 : i32 to vector<16x1xi32>
      %gather3A_442 = vector.shape_cast %broadcast_in_dim3A_441 : vector<16x1xi32> to vector<16xi32>
      %gather3A_443 = tpu.dynamic_gather %get3A_331[%gather3A_442] in [0] : vector<16xi32>, vector<16xi32> -> vector<16xi32>
      %broadcast_in_dim3A_444 = arith.constant 7 : i32
      %broadcast_in_dim3A_445 = vector.broadcast %broadcast_in_dim3A_444 : i32 to vector<16x1xi32>
      %gather3A_446 = vector.shape_cast %broadcast_in_dim3A_445 : vector<16x1xi32> to vector<16xi32>
      %gather3A_447 = tpu.dynamic_gather %get3A_333[%gather3A_446] in [0] : vector<16xf32>, vector<16xi32> -> vector<16xf32>
      %add3A_448 = arith.addi %gather3A_443, %add3A_37 : vector<16xi32>
      %gather3A_449 = tpu.vector_load_idx %arg6[%add3A_448] : memref<49152xf32, #tpu.memory_space<vmem>>[vector<16xi32>], vector<16xf32>,
      %mul3A_450 = arith.mulf %gather3A_449, %gather3A_447 : vector<16xf32>
      %add3A_451 = arith.addf %add3A_419, %mul3A_450 : vector<16xf32>
      %add3A_452 = arith.addi %gather3A_443, %add3A_40 : vector<16xi32>
      %gather3A_453 = tpu.vector_load_idx %arg6[%add3A_452] : memref<49152xf32, #tpu.memory_space<vmem>>[vector<16xi32>], vector<16xf32>,
      %mul3A_454 = arith.mulf %gather3A_453, %gather3A_447 : vector<16xf32>
      %add3A_455 = arith.addf %add3A_423, %mul3A_454 : vector<16xf32>
      %broadcast_in_dim3A_456 = arith.constant 8 : i32
      %broadcast_in_dim3A_457 = vector.broadcast %broadcast_in_dim3A_456 : i32 to vector<16x1xi32>
      %gather3A_458 = vector.shape_cast %broadcast_in_dim3A_457 : vector<16x1xi32> to vector<16xi32>
      %gather3A_459 = tpu.dynamic_gather %get3A_331[%gather3A_458] in [0] : vector<16xi32>, vector<16xi32> -> vector<16xi32>
      %broadcast_in_dim3A_460 = arith.constant 8 : i32
      %broadcast_in_dim3A_461 = vector.broadcast %broadcast_in_dim3A_460 : i32 to vector<16x1xi32>
      %gather3A_462 = vector.shape_cast %broadcast_in_dim3A_461 : vector<16x1xi32> to vector<16xi32>
      %gather3A_463 = tpu.dynamic_gather %get3A_333[%gather3A_462] in [0] : vector<16xf32>, vector<16xi32> -> vector<16xf32>
      %add3A_464 = arith.addi %gather3A_459, %add3A_37 : vector<16xi32>
      %gather3A_465 = tpu.vector_load_idx %arg6[%add3A_464] : memref<49152xf32, #tpu.memory_space<vmem>>[vector<16xi32>], vector<16xf32>,
      %mul3A_466 = arith.mulf %gather3A_465, %gather3A_463 : vector<16xf32>
      %add3A_467 = arith.addf %add3A_435, %mul3A_466 : vector<16xf32>
      %add3A_468 = arith.addi %gather3A_459, %add3A_40 : vector<16xi32>
      %gather3A_469 = tpu.vector_load_idx %arg6[%add3A_468] : memref<49152xf32, #tpu.memory_space<vmem>>[vector<16xi32>], vector<16xf32>,
      %mul3A_470 = arith.mulf %gather3A_469, %gather3A_463 : vector<16xf32>
      %add3A_471 = arith.addf %add3A_439, %mul3A_470 : vector<16xf32>
      %broadcast_in_dim3A_472 = arith.constant 9 : i32
      %broadcast_in_dim3A_473 = vector.broadcast %broadcast_in_dim3A_472 : i32 to vector<16x1xi32>
      %gather3A_474 = vector.shape_cast %broadcast_in_dim3A_473 : vector<16x1xi32> to vector<16xi32>
      %gather3A_475 = tpu.dynamic_gather %get3A_331[%gather3A_474] in [0] : vector<16xi32>, vector<16xi32> -> vector<16xi32>
      %broadcast_in_dim3A_476 = arith.constant 9 : i32
      %broadcast_in_dim3A_477 = vector.broadcast %broadcast_in_dim3A_476 : i32 to vector<16x1xi32>
      %gather3A_478 = vector.shape_cast %broadcast_in_dim3A_477 : vector<16x1xi32> to vector<16xi32>
      %gather3A_479 = tpu.dynamic_gather %get3A_333[%gather3A_478] in [0] : vector<16xf32>, vector<16xi32> -> vector<16xf32>
      %add3A_480 = arith.addi %gather3A_475, %add3A_37 : vector<16xi32>
      %gather3A_481 = tpu.vector_load_idx %arg6[%add3A_480] : memref<49152xf32, #tpu.memory_space<vmem>>[vector<16xi32>], vector<16xf32>,
      %mul3A_482 = arith.mulf %gather3A_481, %gather3A_479 : vector<16xf32>
      %add3A_483 = arith.addf %add3A_451, %mul3A_482 : vector<16xf32>
      %add3A_484 = arith.addi %gather3A_475, %add3A_40 : vector<16xi32>
      %gather3A_485 = tpu.vector_load_idx %arg6[%add3A_484] : memref<49152xf32, #tpu.memory_space<vmem>>[vector<16xi32>], vector<16xf32>,
      %mul3A_486 = arith.mulf %gather3A_485, %gather3A_479 : vector<16xf32>
      %add3A_487 = arith.addf %add3A_455, %mul3A_486 : vector<16xf32>
      %broadcast_in_dim3A_488 = arith.constant 10 : i32
      %broadcast_in_dim3A_489 = vector.broadcast %broadcast_in_dim3A_488 : i32 to vector<16x1xi32>
      %gather3A_490 = vector.shape_cast %broadcast_in_dim3A_489 : vector<16x1xi32> to vector<16xi32>
      %gather3A_491 = tpu.dynamic_gather %get3A_331[%gather3A_490] in [0] : vector<16xi32>, vector<16xi32> -> vector<16xi32>
      %broadcast_in_dim3A_492 = arith.constant 10 : i32
      %broadcast_in_dim3A_493 = vector.broadcast %broadcast_in_dim3A_492 : i32 to vector<16x1xi32>
      %gather3A_494 = vector.shape_cast %broadcast_in_dim3A_493 : vector<16x1xi32> to vector<16xi32>
      %gather3A_495 = tpu.dynamic_gather %get3A_333[%gather3A_494] in [0] : vector<16xf32>, vector<16xi32> -> vector<16xf32>
      %add3A_496 = arith.addi %gather3A_491, %add3A_37 : vector<16xi32>
      %gather3A_497 = tpu.vector_load_idx %arg6[%add3A_496] : memref<49152xf32, #tpu.memory_space<vmem>>[vector<16xi32>], vector<16xf32>,
      %mul3A_498 = arith.mulf %gather3A_497, %gather3A_495 : vector<16xf32>
      %add3A_499 = arith.addf %add3A_467, %mul3A_498 : vector<16xf32>
      %add3A_500 = arith.addi %gather3A_491, %add3A_40 : vector<16xi32>
      %gather3A_501 = tpu.vector_load_idx %arg6[%add3A_500] : memref<49152xf32, #tpu.memory_space<vmem>>[vector<16xi32>], vector<16xf32>,
      %mul3A_502 = arith.mulf %gather3A_501, %gather3A_495 : vector<16xf32>
      %add3A_503 = arith.addf %add3A_471, %mul3A_502 : vector<16xf32>
      %broadcast_in_dim3A_504 = arith.constant 11 : i32
      %broadcast_in_dim3A_505 = vector.broadcast %broadcast_in_dim3A_504 : i32 to vector<16x1xi32>
      %gather3A_506 = vector.shape_cast %broadcast_in_dim3A_505 : vector<16x1xi32> to vector<16xi32>
      %gather3A_507 = tpu.dynamic_gather %get3A_331[%gather3A_506] in [0] : vector<16xi32>, vector<16xi32> -> vector<16xi32>
      %broadcast_in_dim3A_508 = arith.constant 11 : i32
      %broadcast_in_dim3A_509 = vector.broadcast %broadcast_in_dim3A_508 : i32 to vector<16x1xi32>
      %gather3A_510 = vector.shape_cast %broadcast_in_dim3A_509 : vector<16x1xi32> to vector<16xi32>
      %gather3A_511 = tpu.dynamic_gather %get3A_333[%gather3A_510] in [0] : vector<16xf32>, vector<16xi32> -> vector<16xf32>
      %add3A_512 = arith.addi %gather3A_507, %add3A_37 : vector<16xi32>
      %gather3A_513 = tpu.vector_load_idx %arg6[%add3A_512] : memref<49152xf32, #tpu.memory_space<vmem>>[vector<16xi32>], vector<16xf32>,
      %mul3A_514 = arith.mulf %gather3A_513, %gather3A_511 : vector<16xf32>
      %add3A_515 = arith.addf %add3A_483, %mul3A_514 : vector<16xf32>
      %add3A_516 = arith.addi %gather3A_507, %add3A_40 : vector<16xi32>
      %gather3A_517 = tpu.vector_load_idx %arg6[%add3A_516] : memref<49152xf32, #tpu.memory_space<vmem>>[vector<16xi32>], vector<16xf32>,
      %mul3A_518 = arith.mulf %gather3A_517, %gather3A_511 : vector<16xf32>
      %add3A_519 = arith.addf %add3A_487, %mul3A_518 : vector<16xf32>
      %broadcast_in_dim3A_520 = arith.constant 12 : i32
      %broadcast_in_dim3A_521 = vector.broadcast %broadcast_in_dim3A_520 : i32 to vector<16x1xi32>
      %gather3A_522 = vector.shape_cast %broadcast_in_dim3A_521 : vector<16x1xi32> to vector<16xi32>
      %gather3A_523 = tpu.dynamic_gather %get3A_331[%gather3A_522] in [0] : vector<16xi32>, vector<16xi32> -> vector<16xi32>
      %broadcast_in_dim3A_524 = arith.constant 12 : i32
      %broadcast_in_dim3A_525 = vector.broadcast %broadcast_in_dim3A_524 : i32 to vector<16x1xi32>
      %gather3A_526 = vector.shape_cast %broadcast_in_dim3A_525 : vector<16x1xi32> to vector<16xi32>
      %gather3A_527 = tpu.dynamic_gather %get3A_333[%gather3A_526] in [0] : vector<16xf32>, vector<16xi32> -> vector<16xf32>
      %add3A_528 = arith.addi %gather3A_523, %add3A_37 : vector<16xi32>
      %gather3A_529 = tpu.vector_load_idx %arg6[%add3A_528] : memref<49152xf32, #tpu.memory_space<vmem>>[vector<16xi32>], vector<16xf32>,
      %mul3A_530 = arith.mulf %gather3A_529, %gather3A_527 : vector<16xf32>
      %add3A_531 = arith.addf %add3A_499, %mul3A_530 : vector<16xf32>
      %add3A_532 = arith.addi %gather3A_523, %add3A_40 : vector<16xi32>
      %gather3A_533 = tpu.vector_load_idx %arg6[%add3A_532] : memref<49152xf32, #tpu.memory_space<vmem>>[vector<16xi32>], vector<16xf32>,
      %mul3A_534 = arith.mulf %gather3A_533, %gather3A_527 : vector<16xf32>
      %add3A_535 = arith.addf %add3A_503, %mul3A_534 : vector<16xf32>
      %broadcast_in_dim3A_536 = arith.constant 13 : i32
      %broadcast_in_dim3A_537 = vector.broadcast %broadcast_in_dim3A_536 : i32 to vector<16x1xi32>
      %gather3A_538 = vector.shape_cast %broadcast_in_dim3A_537 : vector<16x1xi32> to vector<16xi32>
      %gather3A_539 = tpu.dynamic_gather %get3A_331[%gather3A_538] in [0] : vector<16xi32>, vector<16xi32> -> vector<16xi32>
      %broadcast_in_dim3A_540 = arith.constant 13 : i32
      %broadcast_in_dim3A_541 = vector.broadcast %broadcast_in_dim3A_540 : i32 to vector<16x1xi32>
      %gather3A_542 = vector.shape_cast %broadcast_in_dim3A_541 : vector<16x1xi32> to vector<16xi32>
      %gather3A_543 = tpu.dynamic_gather %get3A_333[%gather3A_542] in [0] : vector<16xf32>, vector<16xi32> -> vector<16xf32>
      %add3A_544 = arith.addi %gather3A_539, %add3A_37 : vector<16xi32>
      %gather3A_545 = tpu.vector_load_idx %arg6[%add3A_544] : memref<49152xf32, #tpu.memory_space<vmem>>[vector<16xi32>], vector<16xf32>,
      %mul3A_546 = arith.mulf %gather3A_545, %gather3A_543 : vector<16xf32>
      %add3A_547 = arith.addf %add3A_515, %mul3A_546 : vector<16xf32>
      %add3A_548 = arith.addi %gather3A_539, %add3A_40 : vector<16xi32>
      %gather3A_549 = tpu.vector_load_idx %arg6[%add3A_548] : memref<49152xf32, #tpu.memory_space<vmem>>[vector<16xi32>], vector<16xf32>,
      %mul3A_550 = arith.mulf %gather3A_549, %gather3A_543 : vector<16xf32>
      %add3A_551 = arith.addf %add3A_519, %mul3A_550 : vector<16xf32>
      %broadcast_in_dim3A_552 = arith.constant 14 : i32
      %broadcast_in_dim3A_553 = vector.broadcast %broadcast_in_dim3A_552 : i32 to vector<16x1xi32>
      %gather3A_554 = vector.shape_cast %broadcast_in_dim3A_553 : vector<16x1xi32> to vector<16xi32>
      %gather3A_555 = tpu.dynamic_gather %get3A_331[%gather3A_554] in [0] : vector<16xi32>, vector<16xi32> -> vector<16xi32>
      %broadcast_in_dim3A_556 = arith.constant 14 : i32
      %broadcast_in_dim3A_557 = vector.broadcast %broadcast_in_dim3A_556 : i32 to vector<16x1xi32>
      %gather3A_558 = vector.shape_cast %broadcast_in_dim3A_557 : vector<16x1xi32> to vector<16xi32>
      %gather3A_559 = tpu.dynamic_gather %get3A_333[%gather3A_558] in [0] : vector<16xf32>, vector<16xi32> -> vector<16xf32>
      %add3A_560 = arith.addi %gather3A_555, %add3A_37 : vector<16xi32>
      %gather3A_561 = tpu.vector_load_idx %arg6[%add3A_560] : memref<49152xf32, #tpu.memory_space<vmem>>[vector<16xi32>], vector<16xf32>,
      %mul3A_562 = arith.mulf %gather3A_561, %gather3A_559 : vector<16xf32>
      %add3A_563 = arith.addf %add3A_531, %mul3A_562 : vector<16xf32>
      %add3A_564 = arith.addi %gather3A_555, %add3A_40 : vector<16xi32>
      %gather3A_565 = tpu.vector_load_idx %arg6[%add3A_564] : memref<49152xf32, #tpu.memory_space<vmem>>[vector<16xi32>], vector<16xf32>,
      %mul3A_566 = arith.mulf %gather3A_565, %gather3A_559 : vector<16xf32>
      %add3A_567 = arith.addf %add3A_535, %mul3A_566 : vector<16xf32>
      %broadcast_in_dim3A_568 = arith.constant 15 : i32
      %broadcast_in_dim3A_569 = vector.broadcast %broadcast_in_dim3A_568 : i32 to vector<16x1xi32>
      %gather3A_570 = vector.shape_cast %broadcast_in_dim3A_569 : vector<16x1xi32> to vector<16xi32>
      %gather3A_571 = tpu.dynamic_gather %get3A_331[%gather3A_570] in [0] : vector<16xi32>, vector<16xi32> -> vector<16xi32>
      %broadcast_in_dim3A_572 = arith.constant 15 : i32
      %broadcast_in_dim3A_573 = vector.broadcast %broadcast_in_dim3A_572 : i32 to vector<16x1xi32>
      %gather3A_574 = vector.shape_cast %broadcast_in_dim3A_573 : vector<16x1xi32> to vector<16xi32>
      %gather3A_575 = tpu.dynamic_gather %get3A_333[%gather3A_574] in [0] : vector<16xf32>, vector<16xi32> -> vector<16xf32>
      %add3A_576 = arith.addi %gather3A_571, %add3A_37 : vector<16xi32>
      %gather3A_577 = tpu.vector_load_idx %arg6[%add3A_576] : memref<49152xf32, #tpu.memory_space<vmem>>[vector<16xi32>], vector<16xf32>,
      %mul3A_578 = arith.mulf %gather3A_577, %gather3A_575 : vector<16xf32>
      %add3A_579 = arith.addf %add3A_547, %mul3A_578 : vector<16xf32>
      %add3A_580 = arith.addi %gather3A_571, %add3A_40 : vector<16xi32>
      %gather3A_581 = tpu.vector_load_idx %arg6[%add3A_580] : memref<49152xf32, #tpu.memory_space<vmem>>[vector<16xi32>], vector<16xf32>,
      %mul3A_582 = arith.mulf %gather3A_581, %gather3A_575 : vector<16xf32>
      %add3A_583 = arith.addf %add3A_551, %mul3A_582 : vector<16xf32>
      %add3A_584 = arith.constant 512 : i32
      %add3A_585 = arith.addi %add3A_584, %add3A_326 : i32
      %mul3A_586 = arith.constant 32 : i32
      %mul3A_587 = arith.muli %add3A_585, %mul3A_586 : i32
      %add3A_588 = arith.addf %add3A_563, %add3A_579 : vector<16xf32>
      %mul3A_589 = arith.constant 2.000000e+00 : f32
      %mul3A_590 = vector.broadcast %mul3A_589 : f32 to vector<16xf32>
      %mul3A_591 = arith.mulf %add3A_588, %mul3A_590 : vector<16xf32>
      %exp3A = math.exp %mul3A_591 : vector<16xf32>
      %add3A_592 = arith.constant 1.000000e+00 : f32
      %add3A_593 = vector.broadcast %add3A_592 : f32 to vector<16xf32>
      %add3A_594 = arith.addf %exp3A, %add3A_593 : vector<16xf32>
      %div3A = arith.constant 2.000000e+00 : f32
      %div3A_595 = vector.broadcast %div3A : f32 to vector<16xf32>
      %div3A_596 = arith.divf %div3A_595, %add3A_594 : vector<16xf32>
      %sub3A = arith.constant 1.000000e+00 : f32
      %sub3A_597 = vector.broadcast %sub3A : f32 to vector<16xf32>
      %sub3A_598 = arith.subf %sub3A_597, %div3A_596 : vector<16xf32>
      %add3A_599 = arith.constant 0 : i32
      %add3A_600 = arith.addi %mul3A_587, %add3A_599 : i32
      %swap3A = arith.index_cast %add3A_600 : i32 to index
      %swap3A_601 = tpu.vector_load %arg6[%swap3A] {strides = array<i32>} : memref<49152xf32, #tpu.memory_space<vmem>>, vector<16xf32>,
      tpu.vector_store %arg6[%swap3A], %sub3A_598 {strides = array<i32>} : memref<49152xf32, #tpu.memory_space<vmem>>, vector<16xf32>,
      %add3A_602 = arith.addf %add3A_567, %add3A_583 : vector<16xf32>
      %mul3A_603 = arith.constant 2.000000e+00 : f32
      %mul3A_604 = vector.broadcast %mul3A_603 : f32 to vector<16xf32>
      %mul3A_605 = arith.mulf %add3A_602, %mul3A_604 : vector<16xf32>
      %exp3A_606 = math.exp %mul3A_605 : vector<16xf32>
      %add3A_607 = arith.constant 1.000000e+00 : f32
      %add3A_608 = vector.broadcast %add3A_607 : f32 to vector<16xf32>
      %add3A_609 = arith.addf %exp3A_606, %add3A_608 : vector<16xf32>
      %div3A_610 = arith.constant 2.000000e+00 : f32
      %div3A_611 = vector.broadcast %div3A_610 : f32 to vector<16xf32>
      %div3A_612 = arith.divf %div3A_611, %add3A_609 : vector<16xf32>
      %sub3A_613 = arith.constant 1.000000e+00 : f32
      %sub3A_614 = vector.broadcast %sub3A_613 : f32 to vector<16xf32>
      %sub3A_615 = arith.subf %sub3A_614, %div3A_612 : vector<16xf32>
      %add3A_616 = arith.constant 16 : i32
      %add3A_617 = arith.addi %mul3A_587, %add3A_616 : i32
      %swap3A_618 = arith.index_cast %add3A_617 : i32 to index
      %swap3A_619 = tpu.vector_load %arg6[%swap3A_618] {strides = array<i32>} : memref<49152xf32, #tpu.memory_space<vmem>>, vector<16xf32>,
      tpu.vector_store %arg6[%swap3A_618], %sub3A_615 {strides = array<i32>} : memref<49152xf32, #tpu.memory_space<vmem>>, vector<16xf32>,
    }
    %scan3A_113 = arith.constant 128 : i32
    %dma_wait3A_114 = arith.constant 0 : i32
    %dma_wait3A_115 = tpu.memref_slice %arg7[%dma_wait3A_114] : memref<4096xi32, #tpu.memory_space<vmem>> -> memref<2048xi32, #tpu.memory_space<vmem>>
    %dma_wait3A_116 = arith.constant 4096 : i32
    %dma_wait3A_117 = tpu.memref_slice %arg3[%dma_wait3A_116] : memref<16384xi32, #tpu.memory_space<hbm>> -> memref<2048xi32, #tpu.memory_space<hbm>>
    %dma_wait3A_118 = arith.constant 0 : i32
    %dma_wait3A_119 = tpu.memref_slice %arg7[%dma_wait3A_118] : memref<4096xi32, #tpu.memory_space<vmem>> -> memref<2048xi32, #tpu.memory_space<vmem>>
    %dma_wait3A_120 = arith.constant 4096 : i32
    %dma_wait3A_121 = tpu.memref_slice %arg3[%dma_wait3A_120] : memref<16384xi32, #tpu.memory_space<hbm>> -> memref<2048xi32, #tpu.memory_space<hbm>>
    tpu.wait_dma2 semaphore(%arg10 : memref<!tpu.dma_semaphore, #tpu.memory_space<semaphore_mem>>) src(%dma_wait3A_121 : memref<2048xi32, #tpu.memory_space<hbm>>) dst(%dma_wait3A_119 : memref<2048xi32, #tpu.memory_space<vmem>>)
    %dma_wait3A_122 = arith.constant 0 : i32
    %dma_wait3A_123 = tpu.memref_slice %arg8[%dma_wait3A_122] : memref<4096xf32, #tpu.memory_space<vmem>> -> memref<2048xf32, #tpu.memory_space<vmem>>
    %dma_wait3A_124 = arith.constant 4096 : i32
    %dma_wait3A_125 = tpu.memref_slice %arg4[%dma_wait3A_124] : memref<16384xf32, #tpu.memory_space<hbm>> -> memref<2048xf32, #tpu.memory_space<hbm>>
    %dma_wait3A_126 = arith.constant 0 : i32
    %dma_wait3A_127 = tpu.memref_slice %arg8[%dma_wait3A_126] : memref<4096xf32, #tpu.memory_space<vmem>> -> memref<2048xf32, #tpu.memory_space<vmem>>
    %dma_wait3A_128 = arith.constant 4096 : i32
    %dma_wait3A_129 = tpu.memref_slice %arg4[%dma_wait3A_128] : memref<16384xf32, #tpu.memory_space<hbm>> -> memref<2048xf32, #tpu.memory_space<hbm>>
    tpu.wait_dma2 semaphore(%arg11 : memref<!tpu.dma_semaphore, #tpu.memory_space<semaphore_mem>>) src(%dma_wait3A_129 : memref<2048xf32, #tpu.memory_space<hbm>>) dst(%dma_wait3A_127 : memref<2048xf32, #tpu.memory_space<vmem>>)
    %dma_start3A_130 = arith.constant 2048 : i32
    %dma_start3A_131 = tpu.memref_slice %arg7[%dma_start3A_130] : memref<4096xi32, #tpu.memory_space<vmem>> -> memref<2048xi32, #tpu.memory_space<vmem>>
    %dma_start3A_132 = arith.constant 6144 : i32
    %dma_start3A_133 = tpu.memref_slice %arg3[%dma_start3A_132] : memref<16384xi32, #tpu.memory_space<hbm>> -> memref<2048xi32, #tpu.memory_space<hbm>>
    %dma_start3A_134 = arith.constant 2048 : i32
    %dma_start3A_135 = tpu.memref_slice %arg7[%dma_start3A_134] : memref<4096xi32, #tpu.memory_space<vmem>> -> memref<2048xi32, #tpu.memory_space<vmem>>
    %dma_start3A_136 = arith.constant 6144 : i32
    %dma_start3A_137 = tpu.memref_slice %arg3[%dma_start3A_136] : memref<16384xi32, #tpu.memory_space<hbm>> -> memref<2048xi32, #tpu.memory_space<hbm>>
    tpu.enqueue_dma source(%dma_start3A_137 : memref<2048xi32, #tpu.memory_space<hbm>>) target(%dma_start3A_135 : memref<2048xi32, #tpu.memory_space<vmem>>) target_semaphore(%arg10 : memref<!tpu.dma_semaphore, #tpu.memory_space<semaphore_mem>>)
    %dma_start3A_138 = arith.constant 2048 : i32
    %dma_start3A_139 = tpu.memref_slice %arg8[%dma_start3A_138] : memref<4096xf32, #tpu.memory_space<vmem>> -> memref<2048xf32, #tpu.memory_space<vmem>>
    %dma_start3A_140 = arith.constant 6144 : i32
    %dma_start3A_141 = tpu.memref_slice %arg4[%dma_start3A_140] : memref<16384xf32, #tpu.memory_space<hbm>> -> memref<2048xf32, #tpu.memory_space<hbm>>
    %dma_start3A_142 = arith.constant 2048 : i32
    %dma_start3A_143 = tpu.memref_slice %arg8[%dma_start3A_142] : memref<4096xf32, #tpu.memory_space<vmem>> -> memref<2048xf32, #tpu.memory_space<vmem>>
    %dma_start3A_144 = arith.constant 6144 : i32
    %dma_start3A_145 = tpu.memref_slice %arg4[%dma_start3A_144] : memref<16384xf32, #tpu.memory_space<hbm>> -> memref<2048xf32, #tpu.memory_space<hbm>>
    tpu.enqueue_dma source(%dma_start3A_145 : memref<2048xf32, #tpu.memory_space<hbm>>) target(%dma_start3A_143 : memref<2048xf32, #tpu.memory_space<vmem>>) target_semaphore(%arg11 : memref<!tpu.dma_semaphore, #tpu.memory_space<semaphore_mem>>)
    %scan3A_146 = arith.constant 0 : i32
    %scan3A_147 = arith.constant 128 : i32
    %scan3A_148 = arith.addi %scan3A_146, %scan3A_147 : i32
    %scan3A_149 = arith.constant 1 : i32
    scf.for %scan3A_320 = %scan3A_146 to %scan3A_148 step %scan3A_149  : i32 {
      %mul3A_321 = arith.constant 1 : i32
      %mul3A_322 = arith.muli %scan3A_320, %mul3A_321 : i32
      %add3A_323 = arith.constant 0 : i32
      %add3A_324 = arith.addi %add3A_323, %mul3A_322 : i32
      %add3A_325 = arith.constant 256 : i32
      %add3A_326 = arith.addi %add3A_325, %add3A_324 : i32
      %mul3A_327 = arith.constant 16 : i32
      %mul3A_328 = arith.muli %add3A_324, %mul3A_327 : i32
      %add3A_329 = arith.constant 0 : i32
      %add3A_330 = arith.addi %add3A_329, %mul3A_328 : i32
      %get3A = arith.index_cast %add3A_330 : i32 to index
      %get3A_331 = tpu.vector_load %arg7[%get3A] {strides = array<i32>} : memref<4096xi32, #tpu.memory_space<vmem>>, vector<16xi32>,
      %get3A_332 = arith.index_cast %add3A_330 : i32 to index
      %get3A_333 = tpu.vector_load %arg8[%get3A_332] {strides = array<i32>} : memref<4096xf32, #tpu.memory_space<vmem>>, vector<16xf32>,
      %broadcast_in_dim3A = arith.constant 0 : i32
      %broadcast_in_dim3A_334 = vector.broadcast %broadcast_in_dim3A : i32 to vector<16x1xi32>
      %gather3A = vector.shape_cast %broadcast_in_dim3A_334 : vector<16x1xi32> to vector<16xi32>
      %gather3A_335 = tpu.dynamic_gather %get3A_331[%gather3A] in [0] : vector<16xi32>, vector<16xi32> -> vector<16xi32>
      %broadcast_in_dim3A_336 = arith.constant 0 : i32
      %broadcast_in_dim3A_337 = vector.broadcast %broadcast_in_dim3A_336 : i32 to vector<16x1xi32>
      %gather3A_338 = vector.shape_cast %broadcast_in_dim3A_337 : vector<16x1xi32> to vector<16xi32>
      %gather3A_339 = tpu.dynamic_gather %get3A_333[%gather3A_338] in [0] : vector<16xf32>, vector<16xi32> -> vector<16xf32>
      %add3A_340 = arith.addi %gather3A_335, %add3A_37 : vector<16xi32>
      %gather3A_341 = tpu.vector_load_idx %arg6[%add3A_340] : memref<49152xf32, #tpu.memory_space<vmem>>[vector<16xi32>], vector<16xf32>,
      %mul3A_342 = arith.mulf %gather3A_341, %gather3A_339 : vector<16xf32>
      %add3A_343 = arith.addi %gather3A_335, %add3A_40 : vector<16xi32>
      %gather3A_344 = tpu.vector_load_idx %arg6[%add3A_343] : memref<49152xf32, #tpu.memory_space<vmem>>[vector<16xi32>], vector<16xf32>,
      %mul3A_345 = arith.mulf %gather3A_344, %gather3A_339 : vector<16xf32>
      %broadcast_in_dim3A_346 = arith.constant 1 : i32
      %broadcast_in_dim3A_347 = vector.broadcast %broadcast_in_dim3A_346 : i32 to vector<16x1xi32>
      %gather3A_348 = vector.shape_cast %broadcast_in_dim3A_347 : vector<16x1xi32> to vector<16xi32>
      %gather3A_349 = tpu.dynamic_gather %get3A_331[%gather3A_348] in [0] : vector<16xi32>, vector<16xi32> -> vector<16xi32>
      %broadcast_in_dim3A_350 = arith.constant 1 : i32
      %broadcast_in_dim3A_351 = vector.broadcast %broadcast_in_dim3A_350 : i32 to vector<16x1xi32>
      %gather3A_352 = vector.shape_cast %broadcast_in_dim3A_351 : vector<16x1xi32> to vector<16xi32>
      %gather3A_353 = tpu.dynamic_gather %get3A_333[%gather3A_352] in [0] : vector<16xf32>, vector<16xi32> -> vector<16xf32>
      %add3A_354 = arith.addi %gather3A_349, %add3A_37 : vector<16xi32>
      %gather3A_355 = tpu.vector_load_idx %arg6[%add3A_354] : memref<49152xf32, #tpu.memory_space<vmem>>[vector<16xi32>], vector<16xf32>,
      %mul3A_356 = arith.mulf %gather3A_355, %gather3A_353 : vector<16xf32>
      %add3A_357 = arith.addi %gather3A_349, %add3A_40 : vector<16xi32>
      %gather3A_358 = tpu.vector_load_idx %arg6[%add3A_357] : memref<49152xf32, #tpu.memory_space<vmem>>[vector<16xi32>], vector<16xf32>,
      %mul3A_359 = arith.mulf %gather3A_358, %gather3A_353 : vector<16xf32>
      %broadcast_in_dim3A_360 = arith.constant 2 : i32
      %broadcast_in_dim3A_361 = vector.broadcast %broadcast_in_dim3A_360 : i32 to vector<16x1xi32>
      %gather3A_362 = vector.shape_cast %broadcast_in_dim3A_361 : vector<16x1xi32> to vector<16xi32>
      %gather3A_363 = tpu.dynamic_gather %get3A_331[%gather3A_362] in [0] : vector<16xi32>, vector<16xi32> -> vector<16xi32>
      %broadcast_in_dim3A_364 = arith.constant 2 : i32
      %broadcast_in_dim3A_365 = vector.broadcast %broadcast_in_dim3A_364 : i32 to vector<16x1xi32>
      %gather3A_366 = vector.shape_cast %broadcast_in_dim3A_365 : vector<16x1xi32> to vector<16xi32>
      %gather3A_367 = tpu.dynamic_gather %get3A_333[%gather3A_366] in [0] : vector<16xf32>, vector<16xi32> -> vector<16xf32>
      %add3A_368 = arith.addi %gather3A_363, %add3A_37 : vector<16xi32>
      %gather3A_369 = tpu.vector_load_idx %arg6[%add3A_368] : memref<49152xf32, #tpu.memory_space<vmem>>[vector<16xi32>], vector<16xf32>,
      %mul3A_370 = arith.mulf %gather3A_369, %gather3A_367 : vector<16xf32>
      %add3A_371 = arith.addf %mul3A_342, %mul3A_370 : vector<16xf32>
      %add3A_372 = arith.addi %gather3A_363, %add3A_40 : vector<16xi32>
      %gather3A_373 = tpu.vector_load_idx %arg6[%add3A_372] : memref<49152xf32, #tpu.memory_space<vmem>>[vector<16xi32>], vector<16xf32>,
      %mul3A_374 = arith.mulf %gather3A_373, %gather3A_367 : vector<16xf32>
      %add3A_375 = arith.addf %mul3A_345, %mul3A_374 : vector<16xf32>
      %broadcast_in_dim3A_376 = arith.constant 3 : i32
      %broadcast_in_dim3A_377 = vector.broadcast %broadcast_in_dim3A_376 : i32 to vector<16x1xi32>
      %gather3A_378 = vector.shape_cast %broadcast_in_dim3A_377 : vector<16x1xi32> to vector<16xi32>
      %gather3A_379 = tpu.dynamic_gather %get3A_331[%gather3A_378] in [0] : vector<16xi32>, vector<16xi32> -> vector<16xi32>
      %broadcast_in_dim3A_380 = arith.constant 3 : i32
      %broadcast_in_dim3A_381 = vector.broadcast %broadcast_in_dim3A_380 : i32 to vector<16x1xi32>
      %gather3A_382 = vector.shape_cast %broadcast_in_dim3A_381 : vector<16x1xi32> to vector<16xi32>
      %gather3A_383 = tpu.dynamic_gather %get3A_333[%gather3A_382] in [0] : vector<16xf32>, vector<16xi32> -> vector<16xf32>
      %add3A_384 = arith.addi %gather3A_379, %add3A_37 : vector<16xi32>
      %gather3A_385 = tpu.vector_load_idx %arg6[%add3A_384] : memref<49152xf32, #tpu.memory_space<vmem>>[vector<16xi32>], vector<16xf32>,
      %mul3A_386 = arith.mulf %gather3A_385, %gather3A_383 : vector<16xf32>
      %add3A_387 = arith.addf %mul3A_356, %mul3A_386 : vector<16xf32>
      %add3A_388 = arith.addi %gather3A_379, %add3A_40 : vector<16xi32>
      %gather3A_389 = tpu.vector_load_idx %arg6[%add3A_388] : memref<49152xf32, #tpu.memory_space<vmem>>[vector<16xi32>], vector<16xf32>,
      %mul3A_390 = arith.mulf %gather3A_389, %gather3A_383 : vector<16xf32>
      %add3A_391 = arith.addf %mul3A_359, %mul3A_390 : vector<16xf32>
      %broadcast_in_dim3A_392 = arith.constant 4 : i32
      %broadcast_in_dim3A_393 = vector.broadcast %broadcast_in_dim3A_392 : i32 to vector<16x1xi32>
      %gather3A_394 = vector.shape_cast %broadcast_in_dim3A_393 : vector<16x1xi32> to vector<16xi32>
      %gather3A_395 = tpu.dynamic_gather %get3A_331[%gather3A_394] in [0] : vector<16xi32>, vector<16xi32> -> vector<16xi32>
      %broadcast_in_dim3A_396 = arith.constant 4 : i32
      %broadcast_in_dim3A_397 = vector.broadcast %broadcast_in_dim3A_396 : i32 to vector<16x1xi32>
      %gather3A_398 = vector.shape_cast %broadcast_in_dim3A_397 : vector<16x1xi32> to vector<16xi32>
      %gather3A_399 = tpu.dynamic_gather %get3A_333[%gather3A_398] in [0] : vector<16xf32>, vector<16xi32> -> vector<16xf32>
      %add3A_400 = arith.addi %gather3A_395, %add3A_37 : vector<16xi32>
      %gather3A_401 = tpu.vector_load_idx %arg6[%add3A_400] : memref<49152xf32, #tpu.memory_space<vmem>>[vector<16xi32>], vector<16xf32>,
      %mul3A_402 = arith.mulf %gather3A_401, %gather3A_399 : vector<16xf32>
      %add3A_403 = arith.addf %add3A_371, %mul3A_402 : vector<16xf32>
      %add3A_404 = arith.addi %gather3A_395, %add3A_40 : vector<16xi32>
      %gather3A_405 = tpu.vector_load_idx %arg6[%add3A_404] : memref<49152xf32, #tpu.memory_space<vmem>>[vector<16xi32>], vector<16xf32>,
      %mul3A_406 = arith.mulf %gather3A_405, %gather3A_399 : vector<16xf32>
      %add3A_407 = arith.addf %add3A_375, %mul3A_406 : vector<16xf32>
      %broadcast_in_dim3A_408 = arith.constant 5 : i32
      %broadcast_in_dim3A_409 = vector.broadcast %broadcast_in_dim3A_408 : i32 to vector<16x1xi32>
      %gather3A_410 = vector.shape_cast %broadcast_in_dim3A_409 : vector<16x1xi32> to vector<16xi32>
      %gather3A_411 = tpu.dynamic_gather %get3A_331[%gather3A_410] in [0] : vector<16xi32>, vector<16xi32> -> vector<16xi32>
      %broadcast_in_dim3A_412 = arith.constant 5 : i32
      %broadcast_in_dim3A_413 = vector.broadcast %broadcast_in_dim3A_412 : i32 to vector<16x1xi32>
      %gather3A_414 = vector.shape_cast %broadcast_in_dim3A_413 : vector<16x1xi32> to vector<16xi32>
      %gather3A_415 = tpu.dynamic_gather %get3A_333[%gather3A_414] in [0] : vector<16xf32>, vector<16xi32> -> vector<16xf32>
      %add3A_416 = arith.addi %gather3A_411, %add3A_37 : vector<16xi32>
      %gather3A_417 = tpu.vector_load_idx %arg6[%add3A_416] : memref<49152xf32, #tpu.memory_space<vmem>>[vector<16xi32>], vector<16xf32>,
      %mul3A_418 = arith.mulf %gather3A_417, %gather3A_415 : vector<16xf32>
      %add3A_419 = arith.addf %add3A_387, %mul3A_418 : vector<16xf32>
      %add3A_420 = arith.addi %gather3A_411, %add3A_40 : vector<16xi32>
      %gather3A_421 = tpu.vector_load_idx %arg6[%add3A_420] : memref<49152xf32, #tpu.memory_space<vmem>>[vector<16xi32>], vector<16xf32>,
      %mul3A_422 = arith.mulf %gather3A_421, %gather3A_415 : vector<16xf32>
      %add3A_423 = arith.addf %add3A_391, %mul3A_422 : vector<16xf32>
      %broadcast_in_dim3A_424 = arith.constant 6 : i32
      %broadcast_in_dim3A_425 = vector.broadcast %broadcast_in_dim3A_424 : i32 to vector<16x1xi32>
      %gather3A_426 = vector.shape_cast %broadcast_in_dim3A_425 : vector<16x1xi32> to vector<16xi32>
      %gather3A_427 = tpu.dynamic_gather %get3A_331[%gather3A_426] in [0] : vector<16xi32>, vector<16xi32> -> vector<16xi32>
      %broadcast_in_dim3A_428 = arith.constant 6 : i32
      %broadcast_in_dim3A_429 = vector.broadcast %broadcast_in_dim3A_428 : i32 to vector<16x1xi32>
      %gather3A_430 = vector.shape_cast %broadcast_in_dim3A_429 : vector<16x1xi32> to vector<16xi32>
      %gather3A_431 = tpu.dynamic_gather %get3A_333[%gather3A_430] in [0] : vector<16xf32>, vector<16xi32> -> vector<16xf32>
      %add3A_432 = arith.addi %gather3A_427, %add3A_37 : vector<16xi32>
      %gather3A_433 = tpu.vector_load_idx %arg6[%add3A_432] : memref<49152xf32, #tpu.memory_space<vmem>>[vector<16xi32>], vector<16xf32>,
      %mul3A_434 = arith.mulf %gather3A_433, %gather3A_431 : vector<16xf32>
      %add3A_435 = arith.addf %add3A_403, %mul3A_434 : vector<16xf32>
      %add3A_436 = arith.addi %gather3A_427, %add3A_40 : vector<16xi32>
      %gather3A_437 = tpu.vector_load_idx %arg6[%add3A_436] : memref<49152xf32, #tpu.memory_space<vmem>>[vector<16xi32>], vector<16xf32>,
      %mul3A_438 = arith.mulf %gather3A_437, %gather3A_431 : vector<16xf32>
      %add3A_439 = arith.addf %add3A_407, %mul3A_438 : vector<16xf32>
      %broadcast_in_dim3A_440 = arith.constant 7 : i32
      %broadcast_in_dim3A_441 = vector.broadcast %broadcast_in_dim3A_440 : i32 to vector<16x1xi32>
      %gather3A_442 = vector.shape_cast %broadcast_in_dim3A_441 : vector<16x1xi32> to vector<16xi32>
      %gather3A_443 = tpu.dynamic_gather %get3A_331[%gather3A_442] in [0] : vector<16xi32>, vector<16xi32> -> vector<16xi32>
      %broadcast_in_dim3A_444 = arith.constant 7 : i32
      %broadcast_in_dim3A_445 = vector.broadcast %broadcast_in_dim3A_444 : i32 to vector<16x1xi32>
      %gather3A_446 = vector.shape_cast %broadcast_in_dim3A_445 : vector<16x1xi32> to vector<16xi32>
      %gather3A_447 = tpu.dynamic_gather %get3A_333[%gather3A_446] in [0] : vector<16xf32>, vector<16xi32> -> vector<16xf32>
      %add3A_448 = arith.addi %gather3A_443, %add3A_37 : vector<16xi32>
      %gather3A_449 = tpu.vector_load_idx %arg6[%add3A_448] : memref<49152xf32, #tpu.memory_space<vmem>>[vector<16xi32>], vector<16xf32>,
      %mul3A_450 = arith.mulf %gather3A_449, %gather3A_447 : vector<16xf32>
      %add3A_451 = arith.addf %add3A_419, %mul3A_450 : vector<16xf32>
      %add3A_452 = arith.addi %gather3A_443, %add3A_40 : vector<16xi32>
      %gather3A_453 = tpu.vector_load_idx %arg6[%add3A_452] : memref<49152xf32, #tpu.memory_space<vmem>>[vector<16xi32>], vector<16xf32>,
      %mul3A_454 = arith.mulf %gather3A_453, %gather3A_447 : vector<16xf32>
      %add3A_455 = arith.addf %add3A_423, %mul3A_454 : vector<16xf32>
      %broadcast_in_dim3A_456 = arith.constant 8 : i32
      %broadcast_in_dim3A_457 = vector.broadcast %broadcast_in_dim3A_456 : i32 to vector<16x1xi32>
      %gather3A_458 = vector.shape_cast %broadcast_in_dim3A_457 : vector<16x1xi32> to vector<16xi32>
      %gather3A_459 = tpu.dynamic_gather %get3A_331[%gather3A_458] in [0] : vector<16xi32>, vector<16xi32> -> vector<16xi32>
      %broadcast_in_dim3A_460 = arith.constant 8 : i32
      %broadcast_in_dim3A_461 = vector.broadcast %broadcast_in_dim3A_460 : i32 to vector<16x1xi32>
      %gather3A_462 = vector.shape_cast %broadcast_in_dim3A_461 : vector<16x1xi32> to vector<16xi32>
      %gather3A_463 = tpu.dynamic_gather %get3A_333[%gather3A_462] in [0] : vector<16xf32>, vector<16xi32> -> vector<16xf32>
      %add3A_464 = arith.addi %gather3A_459, %add3A_37 : vector<16xi32>
      %gather3A_465 = tpu.vector_load_idx %arg6[%add3A_464] : memref<49152xf32, #tpu.memory_space<vmem>>[vector<16xi32>], vector<16xf32>,
      %mul3A_466 = arith.mulf %gather3A_465, %gather3A_463 : vector<16xf32>
      %add3A_467 = arith.addf %add3A_435, %mul3A_466 : vector<16xf32>
      %add3A_468 = arith.addi %gather3A_459, %add3A_40 : vector<16xi32>
      %gather3A_469 = tpu.vector_load_idx %arg6[%add3A_468] : memref<49152xf32, #tpu.memory_space<vmem>>[vector<16xi32>], vector<16xf32>,
      %mul3A_470 = arith.mulf %gather3A_469, %gather3A_463 : vector<16xf32>
      %add3A_471 = arith.addf %add3A_439, %mul3A_470 : vector<16xf32>
      %broadcast_in_dim3A_472 = arith.constant 9 : i32
      %broadcast_in_dim3A_473 = vector.broadcast %broadcast_in_dim3A_472 : i32 to vector<16x1xi32>
      %gather3A_474 = vector.shape_cast %broadcast_in_dim3A_473 : vector<16x1xi32> to vector<16xi32>
      %gather3A_475 = tpu.dynamic_gather %get3A_331[%gather3A_474] in [0] : vector<16xi32>, vector<16xi32> -> vector<16xi32>
      %broadcast_in_dim3A_476 = arith.constant 9 : i32
      %broadcast_in_dim3A_477 = vector.broadcast %broadcast_in_dim3A_476 : i32 to vector<16x1xi32>
      %gather3A_478 = vector.shape_cast %broadcast_in_dim3A_477 : vector<16x1xi32> to vector<16xi32>
      %gather3A_479 = tpu.dynamic_gather %get3A_333[%gather3A_478] in [0] : vector<16xf32>, vector<16xi32> -> vector<16xf32>
      %add3A_480 = arith.addi %gather3A_475, %add3A_37 : vector<16xi32>
      %gather3A_481 = tpu.vector_load_idx %arg6[%add3A_480] : memref<49152xf32, #tpu.memory_space<vmem>>[vector<16xi32>], vector<16xf32>,
      %mul3A_482 = arith.mulf %gather3A_481, %gather3A_479 : vector<16xf32>
      %add3A_483 = arith.addf %add3A_451, %mul3A_482 : vector<16xf32>
      %add3A_484 = arith.addi %gather3A_475, %add3A_40 : vector<16xi32>
      %gather3A_485 = tpu.vector_load_idx %arg6[%add3A_484] : memref<49152xf32, #tpu.memory_space<vmem>>[vector<16xi32>], vector<16xf32>,
      %mul3A_486 = arith.mulf %gather3A_485, %gather3A_479 : vector<16xf32>
      %add3A_487 = arith.addf %add3A_455, %mul3A_486 : vector<16xf32>
      %broadcast_in_dim3A_488 = arith.constant 10 : i32
      %broadcast_in_dim3A_489 = vector.broadcast %broadcast_in_dim3A_488 : i32 to vector<16x1xi32>
      %gather3A_490 = vector.shape_cast %broadcast_in_dim3A_489 : vector<16x1xi32> to vector<16xi32>
      %gather3A_491 = tpu.dynamic_gather %get3A_331[%gather3A_490] in [0] : vector<16xi32>, vector<16xi32> -> vector<16xi32>
      %broadcast_in_dim3A_492 = arith.constant 10 : i32
      %broadcast_in_dim3A_493 = vector.broadcast %broadcast_in_dim3A_492 : i32 to vector<16x1xi32>
      %gather3A_494 = vector.shape_cast %broadcast_in_dim3A_493 : vector<16x1xi32> to vector<16xi32>
      %gather3A_495 = tpu.dynamic_gather %get3A_333[%gather3A_494] in [0] : vector<16xf32>, vector<16xi32> -> vector<16xf32>
      %add3A_496 = arith.addi %gather3A_491, %add3A_37 : vector<16xi32>
      %gather3A_497 = tpu.vector_load_idx %arg6[%add3A_496] : memref<49152xf32, #tpu.memory_space<vmem>>[vector<16xi32>], vector<16xf32>,
      %mul3A_498 = arith.mulf %gather3A_497, %gather3A_495 : vector<16xf32>
      %add3A_499 = arith.addf %add3A_467, %mul3A_498 : vector<16xf32>
      %add3A_500 = arith.addi %gather3A_491, %add3A_40 : vector<16xi32>
      %gather3A_501 = tpu.vector_load_idx %arg6[%add3A_500] : memref<49152xf32, #tpu.memory_space<vmem>>[vector<16xi32>], vector<16xf32>,
      %mul3A_502 = arith.mulf %gather3A_501, %gather3A_495 : vector<16xf32>
      %add3A_503 = arith.addf %add3A_471, %mul3A_502 : vector<16xf32>
      %broadcast_in_dim3A_504 = arith.constant 11 : i32
      %broadcast_in_dim3A_505 = vector.broadcast %broadcast_in_dim3A_504 : i32 to vector<16x1xi32>
      %gather3A_506 = vector.shape_cast %broadcast_in_dim3A_505 : vector<16x1xi32> to vector<16xi32>
      %gather3A_507 = tpu.dynamic_gather %get3A_331[%gather3A_506] in [0] : vector<16xi32>, vector<16xi32> -> vector<16xi32>
      %broadcast_in_dim3A_508 = arith.constant 11 : i32
      %broadcast_in_dim3A_509 = vector.broadcast %broadcast_in_dim3A_508 : i32 to vector<16x1xi32>
      %gather3A_510 = vector.shape_cast %broadcast_in_dim3A_509 : vector<16x1xi32> to vector<16xi32>
      %gather3A_511 = tpu.dynamic_gather %get3A_333[%gather3A_510] in [0] : vector<16xf32>, vector<16xi32> -> vector<16xf32>
      %add3A_512 = arith.addi %gather3A_507, %add3A_37 : vector<16xi32>
      %gather3A_513 = tpu.vector_load_idx %arg6[%add3A_512] : memref<49152xf32, #tpu.memory_space<vmem>>[vector<16xi32>], vector<16xf32>,
      %mul3A_514 = arith.mulf %gather3A_513, %gather3A_511 : vector<16xf32>
      %add3A_515 = arith.addf %add3A_483, %mul3A_514 : vector<16xf32>
      %add3A_516 = arith.addi %gather3A_507, %add3A_40 : vector<16xi32>
      %gather3A_517 = tpu.vector_load_idx %arg6[%add3A_516] : memref<49152xf32, #tpu.memory_space<vmem>>[vector<16xi32>], vector<16xf32>,
      %mul3A_518 = arith.mulf %gather3A_517, %gather3A_511 : vector<16xf32>
      %add3A_519 = arith.addf %add3A_487, %mul3A_518 : vector<16xf32>
      %broadcast_in_dim3A_520 = arith.constant 12 : i32
      %broadcast_in_dim3A_521 = vector.broadcast %broadcast_in_dim3A_520 : i32 to vector<16x1xi32>
      %gather3A_522 = vector.shape_cast %broadcast_in_dim3A_521 : vector<16x1xi32> to vector<16xi32>
      %gather3A_523 = tpu.dynamic_gather %get3A_331[%gather3A_522] in [0] : vector<16xi32>, vector<16xi32> -> vector<16xi32>
      %broadcast_in_dim3A_524 = arith.constant 12 : i32
      %broadcast_in_dim3A_525 = vector.broadcast %broadcast_in_dim3A_524 : i32 to vector<16x1xi32>
      %gather3A_526 = vector.shape_cast %broadcast_in_dim3A_525 : vector<16x1xi32> to vector<16xi32>
      %gather3A_527 = tpu.dynamic_gather %get3A_333[%gather3A_526] in [0] : vector<16xf32>, vector<16xi32> -> vector<16xf32>
      %add3A_528 = arith.addi %gather3A_523, %add3A_37 : vector<16xi32>
      %gather3A_529 = tpu.vector_load_idx %arg6[%add3A_528] : memref<49152xf32, #tpu.memory_space<vmem>>[vector<16xi32>], vector<16xf32>,
      %mul3A_530 = arith.mulf %gather3A_529, %gather3A_527 : vector<16xf32>
      %add3A_531 = arith.addf %add3A_499, %mul3A_530 : vector<16xf32>
      %add3A_532 = arith.addi %gather3A_523, %add3A_40 : vector<16xi32>
      %gather3A_533 = tpu.vector_load_idx %arg6[%add3A_532] : memref<49152xf32, #tpu.memory_space<vmem>>[vector<16xi32>], vector<16xf32>,
      %mul3A_534 = arith.mulf %gather3A_533, %gather3A_527 : vector<16xf32>
      %add3A_535 = arith.addf %add3A_503, %mul3A_534 : vector<16xf32>
      %broadcast_in_dim3A_536 = arith.constant 13 : i32
      %broadcast_in_dim3A_537 = vector.broadcast %broadcast_in_dim3A_536 : i32 to vector<16x1xi32>
      %gather3A_538 = vector.shape_cast %broadcast_in_dim3A_537 : vector<16x1xi32> to vector<16xi32>
      %gather3A_539 = tpu.dynamic_gather %get3A_331[%gather3A_538] in [0] : vector<16xi32>, vector<16xi32> -> vector<16xi32>
      %broadcast_in_dim3A_540 = arith.constant 13 : i32
      %broadcast_in_dim3A_541 = vector.broadcast %broadcast_in_dim3A_540 : i32 to vector<16x1xi32>
      %gather3A_542 = vector.shape_cast %broadcast_in_dim3A_541 : vector<16x1xi32> to vector<16xi32>
      %gather3A_543 = tpu.dynamic_gather %get3A_333[%gather3A_542] in [0] : vector<16xf32>, vector<16xi32> -> vector<16xf32>
      %add3A_544 = arith.addi %gather3A_539, %add3A_37 : vector<16xi32>
      %gather3A_545 = tpu.vector_load_idx %arg6[%add3A_544] : memref<49152xf32, #tpu.memory_space<vmem>>[vector<16xi32>], vector<16xf32>,
      %mul3A_546 = arith.mulf %gather3A_545, %gather3A_543 : vector<16xf32>
      %add3A_547 = arith.addf %add3A_515, %mul3A_546 : vector<16xf32>
      %add3A_548 = arith.addi %gather3A_539, %add3A_40 : vector<16xi32>
      %gather3A_549 = tpu.vector_load_idx %arg6[%add3A_548] : memref<49152xf32, #tpu.memory_space<vmem>>[vector<16xi32>], vector<16xf32>,
      %mul3A_550 = arith.mulf %gather3A_549, %gather3A_543 : vector<16xf32>
      %add3A_551 = arith.addf %add3A_519, %mul3A_550 : vector<16xf32>
      %broadcast_in_dim3A_552 = arith.constant 14 : i32
      %broadcast_in_dim3A_553 = vector.broadcast %broadcast_in_dim3A_552 : i32 to vector<16x1xi32>
      %gather3A_554 = vector.shape_cast %broadcast_in_dim3A_553 : vector<16x1xi32> to vector<16xi32>
      %gather3A_555 = tpu.dynamic_gather %get3A_331[%gather3A_554] in [0] : vector<16xi32>, vector<16xi32> -> vector<16xi32>
      %broadcast_in_dim3A_556 = arith.constant 14 : i32
      %broadcast_in_dim3A_557 = vector.broadcast %broadcast_in_dim3A_556 : i32 to vector<16x1xi32>
      %gather3A_558 = vector.shape_cast %broadcast_in_dim3A_557 : vector<16x1xi32> to vector<16xi32>
      %gather3A_559 = tpu.dynamic_gather %get3A_333[%gather3A_558] in [0] : vector<16xf32>, vector<16xi32> -> vector<16xf32>
      %add3A_560 = arith.addi %gather3A_555, %add3A_37 : vector<16xi32>
      %gather3A_561 = tpu.vector_load_idx %arg6[%add3A_560] : memref<49152xf32, #tpu.memory_space<vmem>>[vector<16xi32>], vector<16xf32>,
      %mul3A_562 = arith.mulf %gather3A_561, %gather3A_559 : vector<16xf32>
      %add3A_563 = arith.addf %add3A_531, %mul3A_562 : vector<16xf32>
      %add3A_564 = arith.addi %gather3A_555, %add3A_40 : vector<16xi32>
      %gather3A_565 = tpu.vector_load_idx %arg6[%add3A_564] : memref<49152xf32, #tpu.memory_space<vmem>>[vector<16xi32>], vector<16xf32>,
      %mul3A_566 = arith.mulf %gather3A_565, %gather3A_559 : vector<16xf32>
      %add3A_567 = arith.addf %add3A_535, %mul3A_566 : vector<16xf32>
      %broadcast_in_dim3A_568 = arith.constant 15 : i32
      %broadcast_in_dim3A_569 = vector.broadcast %broadcast_in_dim3A_568 : i32 to vector<16x1xi32>
      %gather3A_570 = vector.shape_cast %broadcast_in_dim3A_569 : vector<16x1xi32> to vector<16xi32>
      %gather3A_571 = tpu.dynamic_gather %get3A_331[%gather3A_570] in [0] : vector<16xi32>, vector<16xi32> -> vector<16xi32>
      %broadcast_in_dim3A_572 = arith.constant 15 : i32
      %broadcast_in_dim3A_573 = vector.broadcast %broadcast_in_dim3A_572 : i32 to vector<16x1xi32>
      %gather3A_574 = vector.shape_cast %broadcast_in_dim3A_573 : vector<16x1xi32> to vector<16xi32>
      %gather3A_575 = tpu.dynamic_gather %get3A_333[%gather3A_574] in [0] : vector<16xf32>, vector<16xi32> -> vector<16xf32>
      %add3A_576 = arith.addi %gather3A_571, %add3A_37 : vector<16xi32>
      %gather3A_577 = tpu.vector_load_idx %arg6[%add3A_576] : memref<49152xf32, #tpu.memory_space<vmem>>[vector<16xi32>], vector<16xf32>,
      %mul3A_578 = arith.mulf %gather3A_577, %gather3A_575 : vector<16xf32>
      %add3A_579 = arith.addf %add3A_547, %mul3A_578 : vector<16xf32>
      %add3A_580 = arith.addi %gather3A_571, %add3A_40 : vector<16xi32>
      %gather3A_581 = tpu.vector_load_idx %arg6[%add3A_580] : memref<49152xf32, #tpu.memory_space<vmem>>[vector<16xi32>], vector<16xf32>,
      %mul3A_582 = arith.mulf %gather3A_581, %gather3A_575 : vector<16xf32>
      %add3A_583 = arith.addf %add3A_551, %mul3A_582 : vector<16xf32>
      %add3A_584 = arith.constant 512 : i32
      %add3A_585 = arith.addi %add3A_584, %add3A_326 : i32
      %mul3A_586 = arith.constant 32 : i32
      %mul3A_587 = arith.muli %add3A_585, %mul3A_586 : i32
      %add3A_588 = arith.addf %add3A_563, %add3A_579 : vector<16xf32>
      %mul3A_589 = arith.constant 2.000000e+00 : f32
      %mul3A_590 = vector.broadcast %mul3A_589 : f32 to vector<16xf32>
      %mul3A_591 = arith.mulf %add3A_588, %mul3A_590 : vector<16xf32>
      %exp3A = math.exp %mul3A_591 : vector<16xf32>
      %add3A_592 = arith.constant 1.000000e+00 : f32
      %add3A_593 = vector.broadcast %add3A_592 : f32 to vector<16xf32>
      %add3A_594 = arith.addf %exp3A, %add3A_593 : vector<16xf32>
      %div3A = arith.constant 2.000000e+00 : f32
      %div3A_595 = vector.broadcast %div3A : f32 to vector<16xf32>
      %div3A_596 = arith.divf %div3A_595, %add3A_594 : vector<16xf32>
      %sub3A = arith.constant 1.000000e+00 : f32
      %sub3A_597 = vector.broadcast %sub3A : f32 to vector<16xf32>
      %sub3A_598 = arith.subf %sub3A_597, %div3A_596 : vector<16xf32>
      %add3A_599 = arith.constant 0 : i32
      %add3A_600 = arith.addi %mul3A_587, %add3A_599 : i32
      %swap3A = arith.index_cast %add3A_600 : i32 to index
      %swap3A_601 = tpu.vector_load %arg6[%swap3A] {strides = array<i32>} : memref<49152xf32, #tpu.memory_space<vmem>>, vector<16xf32>,
      tpu.vector_store %arg6[%swap3A], %sub3A_598 {strides = array<i32>} : memref<49152xf32, #tpu.memory_space<vmem>>, vector<16xf32>,
      %add3A_602 = arith.addf %add3A_567, %add3A_583 : vector<16xf32>
      %mul3A_603 = arith.constant 2.000000e+00 : f32
      %mul3A_604 = vector.broadcast %mul3A_603 : f32 to vector<16xf32>
      %mul3A_605 = arith.mulf %add3A_602, %mul3A_604 : vector<16xf32>
      %exp3A_606 = math.exp %mul3A_605 : vector<16xf32>
      %add3A_607 = arith.constant 1.000000e+00 : f32
      %add3A_608 = vector.broadcast %add3A_607 : f32 to vector<16xf32>
      %add3A_609 = arith.addf %exp3A_606, %add3A_608 : vector<16xf32>
      %div3A_610 = arith.constant 2.000000e+00 : f32
      %div3A_611 = vector.broadcast %div3A_610 : f32 to vector<16xf32>
      %div3A_612 = arith.divf %div3A_611, %add3A_609 : vector<16xf32>
      %sub3A_613 = arith.constant 1.000000e+00 : f32
      %sub3A_614 = vector.broadcast %sub3A_613 : f32 to vector<16xf32>
      %sub3A_615 = arith.subf %sub3A_614, %div3A_612 : vector<16xf32>
      %add3A_616 = arith.constant 16 : i32
      %add3A_617 = arith.addi %mul3A_587, %add3A_616 : i32
      %swap3A_618 = arith.index_cast %add3A_617 : i32 to index
      %swap3A_619 = tpu.vector_load %arg6[%swap3A_618] {strides = array<i32>} : memref<49152xf32, #tpu.memory_space<vmem>>, vector<16xf32>,
      tpu.vector_store %arg6[%swap3A_618], %sub3A_615 {strides = array<i32>} : memref<49152xf32, #tpu.memory_space<vmem>>, vector<16xf32>,
    }
    %scan3A_150 = arith.constant 128 : i32
    %dma_wait3A_151 = arith.constant 2048 : i32
    %dma_wait3A_152 = tpu.memref_slice %arg7[%dma_wait3A_151] : memref<4096xi32, #tpu.memory_space<vmem>> -> memref<2048xi32, #tpu.memory_space<vmem>>
    %dma_wait3A_153 = arith.constant 6144 : i32
    %dma_wait3A_154 = tpu.memref_slice %arg3[%dma_wait3A_153] : memref<16384xi32, #tpu.memory_space<hbm>> -> memref<2048xi32, #tpu.memory_space<hbm>>
    %dma_wait3A_155 = arith.constant 2048 : i32
    %dma_wait3A_156 = tpu.memref_slice %arg7[%dma_wait3A_155] : memref<4096xi32, #tpu.memory_space<vmem>> -> memref<2048xi32, #tpu.memory_space<vmem>>
    %dma_wait3A_157 = arith.constant 6144 : i32
    %dma_wait3A_158 = tpu.memref_slice %arg3[%dma_wait3A_157] : memref<16384xi32, #tpu.memory_space<hbm>> -> memref<2048xi32, #tpu.memory_space<hbm>>
    tpu.wait_dma2 semaphore(%arg10 : memref<!tpu.dma_semaphore, #tpu.memory_space<semaphore_mem>>) src(%dma_wait3A_158 : memref<2048xi32, #tpu.memory_space<hbm>>) dst(%dma_wait3A_156 : memref<2048xi32, #tpu.memory_space<vmem>>)
    %dma_wait3A_159 = arith.constant 2048 : i32
    %dma_wait3A_160 = tpu.memref_slice %arg8[%dma_wait3A_159] : memref<4096xf32, #tpu.memory_space<vmem>> -> memref<2048xf32, #tpu.memory_space<vmem>>
    %dma_wait3A_161 = arith.constant 6144 : i32
    %dma_wait3A_162 = tpu.memref_slice %arg4[%dma_wait3A_161] : memref<16384xf32, #tpu.memory_space<hbm>> -> memref<2048xf32, #tpu.memory_space<hbm>>
    %dma_wait3A_163 = arith.constant 2048 : i32
    %dma_wait3A_164 = tpu.memref_slice %arg8[%dma_wait3A_163] : memref<4096xf32, #tpu.memory_space<vmem>> -> memref<2048xf32, #tpu.memory_space<vmem>>
    %dma_wait3A_165 = arith.constant 6144 : i32
    %dma_wait3A_166 = tpu.memref_slice %arg4[%dma_wait3A_165] : memref<16384xf32, #tpu.memory_space<hbm>> -> memref<2048xf32, #tpu.memory_space<hbm>>
    tpu.wait_dma2 semaphore(%arg11 : memref<!tpu.dma_semaphore, #tpu.memory_space<semaphore_mem>>) src(%dma_wait3A_166 : memref<2048xf32, #tpu.memory_space<hbm>>) dst(%dma_wait3A_164 : memref<2048xf32, #tpu.memory_space<vmem>>)
    %dma_start3A_167 = arith.constant 0 : i32
    %dma_start3A_168 = tpu.memref_slice %arg7[%dma_start3A_167] : memref<4096xi32, #tpu.memory_space<vmem>> -> memref<2048xi32, #tpu.memory_space<vmem>>
    %dma_start3A_169 = arith.constant 8192 : i32
    %dma_start3A_170 = tpu.memref_slice %arg3[%dma_start3A_169] : memref<16384xi32, #tpu.memory_space<hbm>> -> memref<2048xi32, #tpu.memory_space<hbm>>
    %dma_start3A_171 = arith.constant 0 : i32
    %dma_start3A_172 = tpu.memref_slice %arg7[%dma_start3A_171] : memref<4096xi32, #tpu.memory_space<vmem>> -> memref<2048xi32, #tpu.memory_space<vmem>>
    %dma_start3A_173 = arith.constant 8192 : i32
    %dma_start3A_174 = tpu.memref_slice %arg3[%dma_start3A_173] : memref<16384xi32, #tpu.memory_space<hbm>> -> memref<2048xi32, #tpu.memory_space<hbm>>
    tpu.enqueue_dma source(%dma_start3A_174 : memref<2048xi32, #tpu.memory_space<hbm>>) target(%dma_start3A_172 : memref<2048xi32, #tpu.memory_space<vmem>>) target_semaphore(%arg10 : memref<!tpu.dma_semaphore, #tpu.memory_space<semaphore_mem>>)
    %dma_start3A_175 = arith.constant 0 : i32
    %dma_start3A_176 = tpu.memref_slice %arg8[%dma_start3A_175] : memref<4096xf32, #tpu.memory_space<vmem>> -> memref<2048xf32, #tpu.memory_space<vmem>>
    %dma_start3A_177 = arith.constant 8192 : i32
    %dma_start3A_178 = tpu.memref_slice %arg4[%dma_start3A_177] : memref<16384xf32, #tpu.memory_space<hbm>> -> memref<2048xf32, #tpu.memory_space<hbm>>
    %dma_start3A_179 = arith.constant 0 : i32
    %dma_start3A_180 = tpu.memref_slice %arg8[%dma_start3A_179] : memref<4096xf32, #tpu.memory_space<vmem>> -> memref<2048xf32, #tpu.memory_space<vmem>>
    %dma_start3A_181 = arith.constant 8192 : i32
    %dma_start3A_182 = tpu.memref_slice %arg4[%dma_start3A_181] : memref<16384xf32, #tpu.memory_space<hbm>> -> memref<2048xf32, #tpu.memory_space<hbm>>
    tpu.enqueue_dma source(%dma_start3A_182 : memref<2048xf32, #tpu.memory_space<hbm>>) target(%dma_start3A_180 : memref<2048xf32, #tpu.memory_space<vmem>>) target_semaphore(%arg11 : memref<!tpu.dma_semaphore, #tpu.memory_space<semaphore_mem>>)
    %scan3A_183 = arith.constant 0 : i32
    %scan3A_184 = arith.constant 128 : i32
    %scan3A_185 = arith.addi %scan3A_183, %scan3A_184 : i32
    %scan3A_186 = arith.constant 1 : i32
    scf.for %scan3A_320 = %scan3A_183 to %scan3A_185 step %scan3A_186  : i32 {
      %mul3A_321 = arith.constant 1 : i32
      %mul3A_322 = arith.muli %scan3A_320, %mul3A_321 : i32
      %add3A_323 = arith.constant 0 : i32
      %add3A_324 = arith.addi %add3A_323, %mul3A_322 : i32
      %add3A_325 = arith.constant 384 : i32
      %add3A_326 = arith.addi %add3A_325, %add3A_324 : i32
      %mul3A_327 = arith.constant 16 : i32
      %mul3A_328 = arith.muli %add3A_324, %mul3A_327 : i32
      %add3A_329 = arith.constant 2048 : i32
      %add3A_330 = arith.addi %add3A_329, %mul3A_328 : i32
      %get3A = arith.index_cast %add3A_330 : i32 to index
      %get3A_331 = tpu.vector_load %arg7[%get3A] {strides = array<i32>} : memref<4096xi32, #tpu.memory_space<vmem>>, vector<16xi32>,
      %get3A_332 = arith.index_cast %add3A_330 : i32 to index
      %get3A_333 = tpu.vector_load %arg8[%get3A_332] {strides = array<i32>} : memref<4096xf32, #tpu.memory_space<vmem>>, vector<16xf32>,
      %broadcast_in_dim3A = arith.constant 0 : i32
      %broadcast_in_dim3A_334 = vector.broadcast %broadcast_in_dim3A : i32 to vector<16x1xi32>
      %gather3A = vector.shape_cast %broadcast_in_dim3A_334 : vector<16x1xi32> to vector<16xi32>
      %gather3A_335 = tpu.dynamic_gather %get3A_331[%gather3A] in [0] : vector<16xi32>, vector<16xi32> -> vector<16xi32>
      %broadcast_in_dim3A_336 = arith.constant 0 : i32
      %broadcast_in_dim3A_337 = vector.broadcast %broadcast_in_dim3A_336 : i32 to vector<16x1xi32>
      %gather3A_338 = vector.shape_cast %broadcast_in_dim3A_337 : vector<16x1xi32> to vector<16xi32>
      %gather3A_339 = tpu.dynamic_gather %get3A_333[%gather3A_338] in [0] : vector<16xf32>, vector<16xi32> -> vector<16xf32>
      %add3A_340 = arith.addi %gather3A_335, %add3A_37 : vector<16xi32>
      %gather3A_341 = tpu.vector_load_idx %arg6[%add3A_340] : memref<49152xf32, #tpu.memory_space<vmem>>[vector<16xi32>], vector<16xf32>,
      %mul3A_342 = arith.mulf %gather3A_341, %gather3A_339 : vector<16xf32>
      %add3A_343 = arith.addi %gather3A_335, %add3A_40 : vector<16xi32>
      %gather3A_344 = tpu.vector_load_idx %arg6[%add3A_343] : memref<49152xf32, #tpu.memory_space<vmem>>[vector<16xi32>], vector<16xf32>,
      %mul3A_345 = arith.mulf %gather3A_344, %gather3A_339 : vector<16xf32>
      %broadcast_in_dim3A_346 = arith.constant 1 : i32
      %broadcast_in_dim3A_347 = vector.broadcast %broadcast_in_dim3A_346 : i32 to vector<16x1xi32>
      %gather3A_348 = vector.shape_cast %broadcast_in_dim3A_347 : vector<16x1xi32> to vector<16xi32>
      %gather3A_349 = tpu.dynamic_gather %get3A_331[%gather3A_348] in [0] : vector<16xi32>, vector<16xi32> -> vector<16xi32>
      %broadcast_in_dim3A_350 = arith.constant 1 : i32
      %broadcast_in_dim3A_351 = vector.broadcast %broadcast_in_dim3A_350 : i32 to vector<16x1xi32>
      %gather3A_352 = vector.shape_cast %broadcast_in_dim3A_351 : vector<16x1xi32> to vector<16xi32>
      %gather3A_353 = tpu.dynamic_gather %get3A_333[%gather3A_352] in [0] : vector<16xf32>, vector<16xi32> -> vector<16xf32>
      %add3A_354 = arith.addi %gather3A_349, %add3A_37 : vector<16xi32>
      %gather3A_355 = tpu.vector_load_idx %arg6[%add3A_354] : memref<49152xf32, #tpu.memory_space<vmem>>[vector<16xi32>], vector<16xf32>,
      %mul3A_356 = arith.mulf %gather3A_355, %gather3A_353 : vector<16xf32>
      %add3A_357 = arith.addi %gather3A_349, %add3A_40 : vector<16xi32>
      %gather3A_358 = tpu.vector_load_idx %arg6[%add3A_357] : memref<49152xf32, #tpu.memory_space<vmem>>[vector<16xi32>], vector<16xf32>,
      %mul3A_359 = arith.mulf %gather3A_358, %gather3A_353 : vector<16xf32>
      %broadcast_in_dim3A_360 = arith.constant 2 : i32
      %broadcast_in_dim3A_361 = vector.broadcast %broadcast_in_dim3A_360 : i32 to vector<16x1xi32>
      %gather3A_362 = vector.shape_cast %broadcast_in_dim3A_361 : vector<16x1xi32> to vector<16xi32>
      %gather3A_363 = tpu.dynamic_gather %get3A_331[%gather3A_362] in [0] : vector<16xi32>, vector<16xi32> -> vector<16xi32>
      %broadcast_in_dim3A_364 = arith.constant 2 : i32
      %broadcast_in_dim3A_365 = vector.broadcast %broadcast_in_dim3A_364 : i32 to vector<16x1xi32>
      %gather3A_366 = vector.shape_cast %broadcast_in_dim3A_365 : vector<16x1xi32> to vector<16xi32>
      %gather3A_367 = tpu.dynamic_gather %get3A_333[%gather3A_366] in [0] : vector<16xf32>, vector<16xi32> -> vector<16xf32>
      %add3A_368 = arith.addi %gather3A_363, %add3A_37 : vector<16xi32>
      %gather3A_369 = tpu.vector_load_idx %arg6[%add3A_368] : memref<49152xf32, #tpu.memory_space<vmem>>[vector<16xi32>], vector<16xf32>,
      %mul3A_370 = arith.mulf %gather3A_369, %gather3A_367 : vector<16xf32>
      %add3A_371 = arith.addf %mul3A_342, %mul3A_370 : vector<16xf32>
      %add3A_372 = arith.addi %gather3A_363, %add3A_40 : vector<16xi32>
      %gather3A_373 = tpu.vector_load_idx %arg6[%add3A_372] : memref<49152xf32, #tpu.memory_space<vmem>>[vector<16xi32>], vector<16xf32>,
      %mul3A_374 = arith.mulf %gather3A_373, %gather3A_367 : vector<16xf32>
      %add3A_375 = arith.addf %mul3A_345, %mul3A_374 : vector<16xf32>
      %broadcast_in_dim3A_376 = arith.constant 3 : i32
      %broadcast_in_dim3A_377 = vector.broadcast %broadcast_in_dim3A_376 : i32 to vector<16x1xi32>
      %gather3A_378 = vector.shape_cast %broadcast_in_dim3A_377 : vector<16x1xi32> to vector<16xi32>
      %gather3A_379 = tpu.dynamic_gather %get3A_331[%gather3A_378] in [0] : vector<16xi32>, vector<16xi32> -> vector<16xi32>
      %broadcast_in_dim3A_380 = arith.constant 3 : i32
      %broadcast_in_dim3A_381 = vector.broadcast %broadcast_in_dim3A_380 : i32 to vector<16x1xi32>
      %gather3A_382 = vector.shape_cast %broadcast_in_dim3A_381 : vector<16x1xi32> to vector<16xi32>
      %gather3A_383 = tpu.dynamic_gather %get3A_333[%gather3A_382] in [0] : vector<16xf32>, vector<16xi32> -> vector<16xf32>
      %add3A_384 = arith.addi %gather3A_379, %add3A_37 : vector<16xi32>
      %gather3A_385 = tpu.vector_load_idx %arg6[%add3A_384] : memref<49152xf32, #tpu.memory_space<vmem>>[vector<16xi32>], vector<16xf32>,
      %mul3A_386 = arith.mulf %gather3A_385, %gather3A_383 : vector<16xf32>
      %add3A_387 = arith.addf %mul3A_356, %mul3A_386 : vector<16xf32>
      %add3A_388 = arith.addi %gather3A_379, %add3A_40 : vector<16xi32>
      %gather3A_389 = tpu.vector_load_idx %arg6[%add3A_388] : memref<49152xf32, #tpu.memory_space<vmem>>[vector<16xi32>], vector<16xf32>,
      %mul3A_390 = arith.mulf %gather3A_389, %gather3A_383 : vector<16xf32>
      %add3A_391 = arith.addf %mul3A_359, %mul3A_390 : vector<16xf32>
      %broadcast_in_dim3A_392 = arith.constant 4 : i32
      %broadcast_in_dim3A_393 = vector.broadcast %broadcast_in_dim3A_392 : i32 to vector<16x1xi32>
      %gather3A_394 = vector.shape_cast %broadcast_in_dim3A_393 : vector<16x1xi32> to vector<16xi32>
      %gather3A_395 = tpu.dynamic_gather %get3A_331[%gather3A_394] in [0] : vector<16xi32>, vector<16xi32> -> vector<16xi32>
      %broadcast_in_dim3A_396 = arith.constant 4 : i32
      %broadcast_in_dim3A_397 = vector.broadcast %broadcast_in_dim3A_396 : i32 to vector<16x1xi32>
      %gather3A_398 = vector.shape_cast %broadcast_in_dim3A_397 : vector<16x1xi32> to vector<16xi32>
      %gather3A_399 = tpu.dynamic_gather %get3A_333[%gather3A_398] in [0] : vector<16xf32>, vector<16xi32> -> vector<16xf32>
      %add3A_400 = arith.addi %gather3A_395, %add3A_37 : vector<16xi32>
      %gather3A_401 = tpu.vector_load_idx %arg6[%add3A_400] : memref<49152xf32, #tpu.memory_space<vmem>>[vector<16xi32>], vector<16xf32>,
      %mul3A_402 = arith.mulf %gather3A_401, %gather3A_399 : vector<16xf32>
      %add3A_403 = arith.addf %add3A_371, %mul3A_402 : vector<16xf32>
      %add3A_404 = arith.addi %gather3A_395, %add3A_40 : vector<16xi32>
      %gather3A_405 = tpu.vector_load_idx %arg6[%add3A_404] : memref<49152xf32, #tpu.memory_space<vmem>>[vector<16xi32>], vector<16xf32>,
      %mul3A_406 = arith.mulf %gather3A_405, %gather3A_399 : vector<16xf32>
      %add3A_407 = arith.addf %add3A_375, %mul3A_406 : vector<16xf32>
      %broadcast_in_dim3A_408 = arith.constant 5 : i32
      %broadcast_in_dim3A_409 = vector.broadcast %broadcast_in_dim3A_408 : i32 to vector<16x1xi32>
      %gather3A_410 = vector.shape_cast %broadcast_in_dim3A_409 : vector<16x1xi32> to vector<16xi32>
      %gather3A_411 = tpu.dynamic_gather %get3A_331[%gather3A_410] in [0] : vector<16xi32>, vector<16xi32> -> vector<16xi32>
      %broadcast_in_dim3A_412 = arith.constant 5 : i32
      %broadcast_in_dim3A_413 = vector.broadcast %broadcast_in_dim3A_412 : i32 to vector<16x1xi32>
      %gather3A_414 = vector.shape_cast %broadcast_in_dim3A_413 : vector<16x1xi32> to vector<16xi32>
      %gather3A_415 = tpu.dynamic_gather %get3A_333[%gather3A_414] in [0] : vector<16xf32>, vector<16xi32> -> vector<16xf32>
      %add3A_416 = arith.addi %gather3A_411, %add3A_37 : vector<16xi32>
      %gather3A_417 = tpu.vector_load_idx %arg6[%add3A_416] : memref<49152xf32, #tpu.memory_space<vmem>>[vector<16xi32>], vector<16xf32>,
      %mul3A_418 = arith.mulf %gather3A_417, %gather3A_415 : vector<16xf32>
      %add3A_419 = arith.addf %add3A_387, %mul3A_418 : vector<16xf32>
      %add3A_420 = arith.addi %gather3A_411, %add3A_40 : vector<16xi32>
      %gather3A_421 = tpu.vector_load_idx %arg6[%add3A_420] : memref<49152xf32, #tpu.memory_space<vmem>>[vector<16xi32>], vector<16xf32>,
      %mul3A_422 = arith.mulf %gather3A_421, %gather3A_415 : vector<16xf32>
      %add3A_423 = arith.addf %add3A_391, %mul3A_422 : vector<16xf32>
      %broadcast_in_dim3A_424 = arith.constant 6 : i32
      %broadcast_in_dim3A_425 = vector.broadcast %broadcast_in_dim3A_424 : i32 to vector<16x1xi32>
      %gather3A_426 = vector.shape_cast %broadcast_in_dim3A_425 : vector<16x1xi32> to vector<16xi32>
      %gather3A_427 = tpu.dynamic_gather %get3A_331[%gather3A_426] in [0] : vector<16xi32>, vector<16xi32> -> vector<16xi32>
      %broadcast_in_dim3A_428 = arith.constant 6 : i32
      %broadcast_in_dim3A_429 = vector.broadcast %broadcast_in_dim3A_428 : i32 to vector<16x1xi32>
      %gather3A_430 = vector.shape_cast %broadcast_in_dim3A_429 : vector<16x1xi32> to vector<16xi32>
      %gather3A_431 = tpu.dynamic_gather %get3A_333[%gather3A_430] in [0] : vector<16xf32>, vector<16xi32> -> vector<16xf32>
      %add3A_432 = arith.addi %gather3A_427, %add3A_37 : vector<16xi32>
      %gather3A_433 = tpu.vector_load_idx %arg6[%add3A_432] : memref<49152xf32, #tpu.memory_space<vmem>>[vector<16xi32>], vector<16xf32>,
      %mul3A_434 = arith.mulf %gather3A_433, %gather3A_431 : vector<16xf32>
      %add3A_435 = arith.addf %add3A_403, %mul3A_434 : vector<16xf32>
      %add3A_436 = arith.addi %gather3A_427, %add3A_40 : vector<16xi32>
      %gather3A_437 = tpu.vector_load_idx %arg6[%add3A_436] : memref<49152xf32, #tpu.memory_space<vmem>>[vector<16xi32>], vector<16xf32>,
      %mul3A_438 = arith.mulf %gather3A_437, %gather3A_431 : vector<16xf32>
      %add3A_439 = arith.addf %add3A_407, %mul3A_438 : vector<16xf32>
      %broadcast_in_dim3A_440 = arith.constant 7 : i32
      %broadcast_in_dim3A_441 = vector.broadcast %broadcast_in_dim3A_440 : i32 to vector<16x1xi32>
      %gather3A_442 = vector.shape_cast %broadcast_in_dim3A_441 : vector<16x1xi32> to vector<16xi32>
      %gather3A_443 = tpu.dynamic_gather %get3A_331[%gather3A_442] in [0] : vector<16xi32>, vector<16xi32> -> vector<16xi32>
      %broadcast_in_dim3A_444 = arith.constant 7 : i32
      %broadcast_in_dim3A_445 = vector.broadcast %broadcast_in_dim3A_444 : i32 to vector<16x1xi32>
      %gather3A_446 = vector.shape_cast %broadcast_in_dim3A_445 : vector<16x1xi32> to vector<16xi32>
      %gather3A_447 = tpu.dynamic_gather %get3A_333[%gather3A_446] in [0] : vector<16xf32>, vector<16xi32> -> vector<16xf32>
      %add3A_448 = arith.addi %gather3A_443, %add3A_37 : vector<16xi32>
      %gather3A_449 = tpu.vector_load_idx %arg6[%add3A_448] : memref<49152xf32, #tpu.memory_space<vmem>>[vector<16xi32>], vector<16xf32>,
      %mul3A_450 = arith.mulf %gather3A_449, %gather3A_447 : vector<16xf32>
      %add3A_451 = arith.addf %add3A_419, %mul3A_450 : vector<16xf32>
      %add3A_452 = arith.addi %gather3A_443, %add3A_40 : vector<16xi32>
      %gather3A_453 = tpu.vector_load_idx %arg6[%add3A_452] : memref<49152xf32, #tpu.memory_space<vmem>>[vector<16xi32>], vector<16xf32>,
      %mul3A_454 = arith.mulf %gather3A_453, %gather3A_447 : vector<16xf32>
      %add3A_455 = arith.addf %add3A_423, %mul3A_454 : vector<16xf32>
      %broadcast_in_dim3A_456 = arith.constant 8 : i32
      %broadcast_in_dim3A_457 = vector.broadcast %broadcast_in_dim3A_456 : i32 to vector<16x1xi32>
      %gather3A_458 = vector.shape_cast %broadcast_in_dim3A_457 : vector<16x1xi32> to vector<16xi32>
      %gather3A_459 = tpu.dynamic_gather %get3A_331[%gather3A_458] in [0] : vector<16xi32>, vector<16xi32> -> vector<16xi32>
      %broadcast_in_dim3A_460 = arith.constant 8 : i32
      %broadcast_in_dim3A_461 = vector.broadcast %broadcast_in_dim3A_460 : i32 to vector<16x1xi32>
      %gather3A_462 = vector.shape_cast %broadcast_in_dim3A_461 : vector<16x1xi32> to vector<16xi32>
      %gather3A_463 = tpu.dynamic_gather %get3A_333[%gather3A_462] in [0] : vector<16xf32>, vector<16xi32> -> vector<16xf32>
      %add3A_464 = arith.addi %gather3A_459, %add3A_37 : vector<16xi32>
      %gather3A_465 = tpu.vector_load_idx %arg6[%add3A_464] : memref<49152xf32, #tpu.memory_space<vmem>>[vector<16xi32>], vector<16xf32>,
      %mul3A_466 = arith.mulf %gather3A_465, %gather3A_463 : vector<16xf32>
      %add3A_467 = arith.addf %add3A_435, %mul3A_466 : vector<16xf32>
      %add3A_468 = arith.addi %gather3A_459, %add3A_40 : vector<16xi32>
      %gather3A_469 = tpu.vector_load_idx %arg6[%add3A_468] : memref<49152xf32, #tpu.memory_space<vmem>>[vector<16xi32>], vector<16xf32>,
      %mul3A_470 = arith.mulf %gather3A_469, %gather3A_463 : vector<16xf32>
      %add3A_471 = arith.addf %add3A_439, %mul3A_470 : vector<16xf32>
      %broadcast_in_dim3A_472 = arith.constant 9 : i32
      %broadcast_in_dim3A_473 = vector.broadcast %broadcast_in_dim3A_472 : i32 to vector<16x1xi32>
      %gather3A_474 = vector.shape_cast %broadcast_in_dim3A_473 : vector<16x1xi32> to vector<16xi32>
      %gather3A_475 = tpu.dynamic_gather %get3A_331[%gather3A_474] in [0] : vector<16xi32>, vector<16xi32> -> vector<16xi32>
      %broadcast_in_dim3A_476 = arith.constant 9 : i32
      %broadcast_in_dim3A_477 = vector.broadcast %broadcast_in_dim3A_476 : i32 to vector<16x1xi32>
      %gather3A_478 = vector.shape_cast %broadcast_in_dim3A_477 : vector<16x1xi32> to vector<16xi32>
      %gather3A_479 = tpu.dynamic_gather %get3A_333[%gather3A_478] in [0] : vector<16xf32>, vector<16xi32> -> vector<16xf32>
      %add3A_480 = arith.addi %gather3A_475, %add3A_37 : vector<16xi32>
      %gather3A_481 = tpu.vector_load_idx %arg6[%add3A_480] : memref<49152xf32, #tpu.memory_space<vmem>>[vector<16xi32>], vector<16xf32>,
      %mul3A_482 = arith.mulf %gather3A_481, %gather3A_479 : vector<16xf32>
      %add3A_483 = arith.addf %add3A_451, %mul3A_482 : vector<16xf32>
      %add3A_484 = arith.addi %gather3A_475, %add3A_40 : vector<16xi32>
      %gather3A_485 = tpu.vector_load_idx %arg6[%add3A_484] : memref<49152xf32, #tpu.memory_space<vmem>>[vector<16xi32>], vector<16xf32>,
      %mul3A_486 = arith.mulf %gather3A_485, %gather3A_479 : vector<16xf32>
      %add3A_487 = arith.addf %add3A_455, %mul3A_486 : vector<16xf32>
      %broadcast_in_dim3A_488 = arith.constant 10 : i32
      %broadcast_in_dim3A_489 = vector.broadcast %broadcast_in_dim3A_488 : i32 to vector<16x1xi32>
      %gather3A_490 = vector.shape_cast %broadcast_in_dim3A_489 : vector<16x1xi32> to vector<16xi32>
      %gather3A_491 = tpu.dynamic_gather %get3A_331[%gather3A_490] in [0] : vector<16xi32>, vector<16xi32> -> vector<16xi32>
      %broadcast_in_dim3A_492 = arith.constant 10 : i32
      %broadcast_in_dim3A_493 = vector.broadcast %broadcast_in_dim3A_492 : i32 to vector<16x1xi32>
      %gather3A_494 = vector.shape_cast %broadcast_in_dim3A_493 : vector<16x1xi32> to vector<16xi32>
      %gather3A_495 = tpu.dynamic_gather %get3A_333[%gather3A_494] in [0] : vector<16xf32>, vector<16xi32> -> vector<16xf32>
      %add3A_496 = arith.addi %gather3A_491, %add3A_37 : vector<16xi32>
      %gather3A_497 = tpu.vector_load_idx %arg6[%add3A_496] : memref<49152xf32, #tpu.memory_space<vmem>>[vector<16xi32>], vector<16xf32>,
      %mul3A_498 = arith.mulf %gather3A_497, %gather3A_495 : vector<16xf32>
      %add3A_499 = arith.addf %add3A_467, %mul3A_498 : vector<16xf32>
      %add3A_500 = arith.addi %gather3A_491, %add3A_40 : vector<16xi32>
      %gather3A_501 = tpu.vector_load_idx %arg6[%add3A_500] : memref<49152xf32, #tpu.memory_space<vmem>>[vector<16xi32>], vector<16xf32>,
      %mul3A_502 = arith.mulf %gather3A_501, %gather3A_495 : vector<16xf32>
      %add3A_503 = arith.addf %add3A_471, %mul3A_502 : vector<16xf32>
      %broadcast_in_dim3A_504 = arith.constant 11 : i32
      %broadcast_in_dim3A_505 = vector.broadcast %broadcast_in_dim3A_504 : i32 to vector<16x1xi32>
      %gather3A_506 = vector.shape_cast %broadcast_in_dim3A_505 : vector<16x1xi32> to vector<16xi32>
      %gather3A_507 = tpu.dynamic_gather %get3A_331[%gather3A_506] in [0] : vector<16xi32>, vector<16xi32> -> vector<16xi32>
      %broadcast_in_dim3A_508 = arith.constant 11 : i32
      %broadcast_in_dim3A_509 = vector.broadcast %broadcast_in_dim3A_508 : i32 to vector<16x1xi32>
      %gather3A_510 = vector.shape_cast %broadcast_in_dim3A_509 : vector<16x1xi32> to vector<16xi32>
      %gather3A_511 = tpu.dynamic_gather %get3A_333[%gather3A_510] in [0] : vector<16xf32>, vector<16xi32> -> vector<16xf32>
      %add3A_512 = arith.addi %gather3A_507, %add3A_37 : vector<16xi32>
      %gather3A_513 = tpu.vector_load_idx %arg6[%add3A_512] : memref<49152xf32, #tpu.memory_space<vmem>>[vector<16xi32>], vector<16xf32>,
      %mul3A_514 = arith.mulf %gather3A_513, %gather3A_511 : vector<16xf32>
      %add3A_515 = arith.addf %add3A_483, %mul3A_514 : vector<16xf32>
      %add3A_516 = arith.addi %gather3A_507, %add3A_40 : vector<16xi32>
      %gather3A_517 = tpu.vector_load_idx %arg6[%add3A_516] : memref<49152xf32, #tpu.memory_space<vmem>>[vector<16xi32>], vector<16xf32>,
      %mul3A_518 = arith.mulf %gather3A_517, %gather3A_511 : vector<16xf32>
      %add3A_519 = arith.addf %add3A_487, %mul3A_518 : vector<16xf32>
      %broadcast_in_dim3A_520 = arith.constant 12 : i32
      %broadcast_in_dim3A_521 = vector.broadcast %broadcast_in_dim3A_520 : i32 to vector<16x1xi32>
      %gather3A_522 = vector.shape_cast %broadcast_in_dim3A_521 : vector<16x1xi32> to vector<16xi32>
      %gather3A_523 = tpu.dynamic_gather %get3A_331[%gather3A_522] in [0] : vector<16xi32>, vector<16xi32> -> vector<16xi32>
      %broadcast_in_dim3A_524 = arith.constant 12 : i32
      %broadcast_in_dim3A_525 = vector.broadcast %broadcast_in_dim3A_524 : i32 to vector<16x1xi32>
      %gather3A_526 = vector.shape_cast %broadcast_in_dim3A_525 : vector<16x1xi32> to vector<16xi32>
      %gather3A_527 = tpu.dynamic_gather %get3A_333[%gather3A_526] in [0] : vector<16xf32>, vector<16xi32> -> vector<16xf32>
      %add3A_528 = arith.addi %gather3A_523, %add3A_37 : vector<16xi32>
      %gather3A_529 = tpu.vector_load_idx %arg6[%add3A_528] : memref<49152xf32, #tpu.memory_space<vmem>>[vector<16xi32>], vector<16xf32>,
      %mul3A_530 = arith.mulf %gather3A_529, %gather3A_527 : vector<16xf32>
      %add3A_531 = arith.addf %add3A_499, %mul3A_530 : vector<16xf32>
      %add3A_532 = arith.addi %gather3A_523, %add3A_40 : vector<16xi32>
      %gather3A_533 = tpu.vector_load_idx %arg6[%add3A_532] : memref<49152xf32, #tpu.memory_space<vmem>>[vector<16xi32>], vector<16xf32>,
      %mul3A_534 = arith.mulf %gather3A_533, %gather3A_527 : vector<16xf32>
      %add3A_535 = arith.addf %add3A_503, %mul3A_534 : vector<16xf32>
      %broadcast_in_dim3A_536 = arith.constant 13 : i32
      %broadcast_in_dim3A_537 = vector.broadcast %broadcast_in_dim3A_536 : i32 to vector<16x1xi32>
      %gather3A_538 = vector.shape_cast %broadcast_in_dim3A_537 : vector<16x1xi32> to vector<16xi32>
      %gather3A_539 = tpu.dynamic_gather %get3A_331[%gather3A_538] in [0] : vector<16xi32>, vector<16xi32> -> vector<16xi32>
      %broadcast_in_dim3A_540 = arith.constant 13 : i32
      %broadcast_in_dim3A_541 = vector.broadcast %broadcast_in_dim3A_540 : i32 to vector<16x1xi32>
      %gather3A_542 = vector.shape_cast %broadcast_in_dim3A_541 : vector<16x1xi32> to vector<16xi32>
      %gather3A_543 = tpu.dynamic_gather %get3A_333[%gather3A_542] in [0] : vector<16xf32>, vector<16xi32> -> vector<16xf32>
      %add3A_544 = arith.addi %gather3A_539, %add3A_37 : vector<16xi32>
      %gather3A_545 = tpu.vector_load_idx %arg6[%add3A_544] : memref<49152xf32, #tpu.memory_space<vmem>>[vector<16xi32>], vector<16xf32>,
      %mul3A_546 = arith.mulf %gather3A_545, %gather3A_543 : vector<16xf32>
      %add3A_547 = arith.addf %add3A_515, %mul3A_546 : vector<16xf32>
      %add3A_548 = arith.addi %gather3A_539, %add3A_40 : vector<16xi32>
      %gather3A_549 = tpu.vector_load_idx %arg6[%add3A_548] : memref<49152xf32, #tpu.memory_space<vmem>>[vector<16xi32>], vector<16xf32>,
      %mul3A_550 = arith.mulf %gather3A_549, %gather3A_543 : vector<16xf32>
      %add3A_551 = arith.addf %add3A_519, %mul3A_550 : vector<16xf32>
      %broadcast_in_dim3A_552 = arith.constant 14 : i32
      %broadcast_in_dim3A_553 = vector.broadcast %broadcast_in_dim3A_552 : i32 to vector<16x1xi32>
      %gather3A_554 = vector.shape_cast %broadcast_in_dim3A_553 : vector<16x1xi32> to vector<16xi32>
      %gather3A_555 = tpu.dynamic_gather %get3A_331[%gather3A_554] in [0] : vector<16xi32>, vector<16xi32> -> vector<16xi32>
      %broadcast_in_dim3A_556 = arith.constant 14 : i32
      %broadcast_in_dim3A_557 = vector.broadcast %broadcast_in_dim3A_556 : i32 to vector<16x1xi32>
      %gather3A_558 = vector.shape_cast %broadcast_in_dim3A_557 : vector<16x1xi32> to vector<16xi32>
      %gather3A_559 = tpu.dynamic_gather %get3A_333[%gather3A_558] in [0] : vector<16xf32>, vector<16xi32> -> vector<16xf32>
      %add3A_560 = arith.addi %gather3A_555, %add3A_37 : vector<16xi32>
      %gather3A_561 = tpu.vector_load_idx %arg6[%add3A_560] : memref<49152xf32, #tpu.memory_space<vmem>>[vector<16xi32>], vector<16xf32>,
      %mul3A_562 = arith.mulf %gather3A_561, %gather3A_559 : vector<16xf32>
      %add3A_563 = arith.addf %add3A_531, %mul3A_562 : vector<16xf32>
      %add3A_564 = arith.addi %gather3A_555, %add3A_40 : vector<16xi32>
      %gather3A_565 = tpu.vector_load_idx %arg6[%add3A_564] : memref<49152xf32, #tpu.memory_space<vmem>>[vector<16xi32>], vector<16xf32>,
      %mul3A_566 = arith.mulf %gather3A_565, %gather3A_559 : vector<16xf32>
      %add3A_567 = arith.addf %add3A_535, %mul3A_566 : vector<16xf32>
      %broadcast_in_dim3A_568 = arith.constant 15 : i32
      %broadcast_in_dim3A_569 = vector.broadcast %broadcast_in_dim3A_568 : i32 to vector<16x1xi32>
      %gather3A_570 = vector.shape_cast %broadcast_in_dim3A_569 : vector<16x1xi32> to vector<16xi32>
      %gather3A_571 = tpu.dynamic_gather %get3A_331[%gather3A_570] in [0] : vector<16xi32>, vector<16xi32> -> vector<16xi32>
      %broadcast_in_dim3A_572 = arith.constant 15 : i32
      %broadcast_in_dim3A_573 = vector.broadcast %broadcast_in_dim3A_572 : i32 to vector<16x1xi32>
      %gather3A_574 = vector.shape_cast %broadcast_in_dim3A_573 : vector<16x1xi32> to vector<16xi32>
      %gather3A_575 = tpu.dynamic_gather %get3A_333[%gather3A_574] in [0] : vector<16xf32>, vector<16xi32> -> vector<16xf32>
      %add3A_576 = arith.addi %gather3A_571, %add3A_37 : vector<16xi32>
      %gather3A_577 = tpu.vector_load_idx %arg6[%add3A_576] : memref<49152xf32, #tpu.memory_space<vmem>>[vector<16xi32>], vector<16xf32>,
      %mul3A_578 = arith.mulf %gather3A_577, %gather3A_575 : vector<16xf32>
      %add3A_579 = arith.addf %add3A_547, %mul3A_578 : vector<16xf32>
      %add3A_580 = arith.addi %gather3A_571, %add3A_40 : vector<16xi32>
      %gather3A_581 = tpu.vector_load_idx %arg6[%add3A_580] : memref<49152xf32, #tpu.memory_space<vmem>>[vector<16xi32>], vector<16xf32>,
      %mul3A_582 = arith.mulf %gather3A_581, %gather3A_575 : vector<16xf32>
      %add3A_583 = arith.addf %add3A_551, %mul3A_582 : vector<16xf32>
      %add3A_584 = arith.constant 512 : i32
      %add3A_585 = arith.addi %add3A_584, %add3A_326 : i32
      %mul3A_586 = arith.constant 32 : i32
      %mul3A_587 = arith.muli %add3A_585, %mul3A_586 : i32
      %add3A_588 = arith.addf %add3A_563, %add3A_579 : vector<16xf32>
      %mul3A_589 = arith.constant 2.000000e+00 : f32
      %mul3A_590 = vector.broadcast %mul3A_589 : f32 to vector<16xf32>
      %mul3A_591 = arith.mulf %add3A_588, %mul3A_590 : vector<16xf32>
      %exp3A = math.exp %mul3A_591 : vector<16xf32>
      %add3A_592 = arith.constant 1.000000e+00 : f32
      %add3A_593 = vector.broadcast %add3A_592 : f32 to vector<16xf32>
      %add3A_594 = arith.addf %exp3A, %add3A_593 : vector<16xf32>
      %div3A = arith.constant 2.000000e+00 : f32
      %div3A_595 = vector.broadcast %div3A : f32 to vector<16xf32>
      %div3A_596 = arith.divf %div3A_595, %add3A_594 : vector<16xf32>
      %sub3A = arith.constant 1.000000e+00 : f32
      %sub3A_597 = vector.broadcast %sub3A : f32 to vector<16xf32>
      %sub3A_598 = arith.subf %sub3A_597, %div3A_596 : vector<16xf32>
      %add3A_599 = arith.constant 0 : i32
      %add3A_600 = arith.addi %mul3A_587, %add3A_599 : i32
      %swap3A = arith.index_cast %add3A_600 : i32 to index
      %swap3A_601 = tpu.vector_load %arg6[%swap3A] {strides = array<i32>} : memref<49152xf32, #tpu.memory_space<vmem>>, vector<16xf32>,
      tpu.vector_store %arg6[%swap3A], %sub3A_598 {strides = array<i32>} : memref<49152xf32, #tpu.memory_space<vmem>>, vector<16xf32>,
      %add3A_602 = arith.addf %add3A_567, %add3A_583 : vector<16xf32>
      %mul3A_603 = arith.constant 2.000000e+00 : f32
      %mul3A_604 = vector.broadcast %mul3A_603 : f32 to vector<16xf32>
      %mul3A_605 = arith.mulf %add3A_602, %mul3A_604 : vector<16xf32>
      %exp3A_606 = math.exp %mul3A_605 : vector<16xf32>
      %add3A_607 = arith.constant 1.000000e+00 : f32
      %add3A_608 = vector.broadcast %add3A_607 : f32 to vector<16xf32>
      %add3A_609 = arith.addf %exp3A_606, %add3A_608 : vector<16xf32>
      %div3A_610 = arith.constant 2.000000e+00 : f32
      %div3A_611 = vector.broadcast %div3A_610 : f32 to vector<16xf32>
      %div3A_612 = arith.divf %div3A_611, %add3A_609 : vector<16xf32>
      %sub3A_613 = arith.constant 1.000000e+00 : f32
      %sub3A_614 = vector.broadcast %sub3A_613 : f32 to vector<16xf32>
      %sub3A_615 = arith.subf %sub3A_614, %div3A_612 : vector<16xf32>
      %add3A_616 = arith.constant 16 : i32
      %add3A_617 = arith.addi %mul3A_587, %add3A_616 : i32
      %swap3A_618 = arith.index_cast %add3A_617 : i32 to index
      %swap3A_619 = tpu.vector_load %arg6[%swap3A_618] {strides = array<i32>} : memref<49152xf32, #tpu.memory_space<vmem>>, vector<16xf32>,
      tpu.vector_store %arg6[%swap3A_618], %sub3A_615 {strides = array<i32>} : memref<49152xf32, #tpu.memory_space<vmem>>, vector<16xf32>,
    }
    %scan3A_187 = arith.constant 128 : i32
    %dma_wait3A_188 = arith.constant 0 : i32
    %dma_wait3A_189 = tpu.memref_slice %arg7[%dma_wait3A_188] : memref<4096xi32, #tpu.memory_space<vmem>> -> memref<2048xi32, #tpu.memory_space<vmem>>
    %dma_wait3A_190 = arith.constant 8192 : i32
    %dma_wait3A_191 = tpu.memref_slice %arg3[%dma_wait3A_190] : memref<16384xi32, #tpu.memory_space<hbm>> -> memref<2048xi32, #tpu.memory_space<hbm>>
    %dma_wait3A_192 = arith.constant 0 : i32
    %dma_wait3A_193 = tpu.memref_slice %arg7[%dma_wait3A_192] : memref<4096xi32, #tpu.memory_space<vmem>> -> memref<2048xi32, #tpu.memory_space<vmem>>
    %dma_wait3A_194 = arith.constant 8192 : i32
    %dma_wait3A_195 = tpu.memref_slice %arg3[%dma_wait3A_194] : memref<16384xi32, #tpu.memory_space<hbm>> -> memref<2048xi32, #tpu.memory_space<hbm>>
    tpu.wait_dma2 semaphore(%arg10 : memref<!tpu.dma_semaphore, #tpu.memory_space<semaphore_mem>>) src(%dma_wait3A_195 : memref<2048xi32, #tpu.memory_space<hbm>>) dst(%dma_wait3A_193 : memref<2048xi32, #tpu.memory_space<vmem>>)
    %dma_wait3A_196 = arith.constant 0 : i32
    %dma_wait3A_197 = tpu.memref_slice %arg8[%dma_wait3A_196] : memref<4096xf32, #tpu.memory_space<vmem>> -> memref<2048xf32, #tpu.memory_space<vmem>>
    %dma_wait3A_198 = arith.constant 8192 : i32
    %dma_wait3A_199 = tpu.memref_slice %arg4[%dma_wait3A_198] : memref<16384xf32, #tpu.memory_space<hbm>> -> memref<2048xf32, #tpu.memory_space<hbm>>
    %dma_wait3A_200 = arith.constant 0 : i32
    %dma_wait3A_201 = tpu.memref_slice %arg8[%dma_wait3A_200] : memref<4096xf32, #tpu.memory_space<vmem>> -> memref<2048xf32, #tpu.memory_space<vmem>>
    %dma_wait3A_202 = arith.constant 8192 : i32
    %dma_wait3A_203 = tpu.memref_slice %arg4[%dma_wait3A_202] : memref<16384xf32, #tpu.memory_space<hbm>> -> memref<2048xf32, #tpu.memory_space<hbm>>
    tpu.wait_dma2 semaphore(%arg11 : memref<!tpu.dma_semaphore, #tpu.memory_space<semaphore_mem>>) src(%dma_wait3A_203 : memref<2048xf32, #tpu.memory_space<hbm>>) dst(%dma_wait3A_201 : memref<2048xf32, #tpu.memory_space<vmem>>)
    %dma_start3A_204 = arith.constant 2048 : i32
    %dma_start3A_205 = tpu.memref_slice %arg7[%dma_start3A_204] : memref<4096xi32, #tpu.memory_space<vmem>> -> memref<2048xi32, #tpu.memory_space<vmem>>
    %dma_start3A_206 = arith.constant 10240 : i32
    %dma_start3A_207 = tpu.memref_slice %arg3[%dma_start3A_206] : memref<16384xi32, #tpu.memory_space<hbm>> -> memref<2048xi32, #tpu.memory_space<hbm>>
    %dma_start3A_208 = arith.constant 2048 : i32
    %dma_start3A_209 = tpu.memref_slice %arg7[%dma_start3A_208] : memref<4096xi32, #tpu.memory_space<vmem>> -> memref<2048xi32, #tpu.memory_space<vmem>>
    %dma_start3A_210 = arith.constant 10240 : i32
    %dma_start3A_211 = tpu.memref_slice %arg3[%dma_start3A_210] : memref<16384xi32, #tpu.memory_space<hbm>> -> memref<2048xi32, #tpu.memory_space<hbm>>
    tpu.enqueue_dma source(%dma_start3A_211 : memref<2048xi32, #tpu.memory_space<hbm>>) target(%dma_start3A_209 : memref<2048xi32, #tpu.memory_space<vmem>>) target_semaphore(%arg10 : memref<!tpu.dma_semaphore, #tpu.memory_space<semaphore_mem>>)
    %dma_start3A_212 = arith.constant 2048 : i32
    %dma_start3A_213 = tpu.memref_slice %arg8[%dma_start3A_212] : memref<4096xf32, #tpu.memory_space<vmem>> -> memref<2048xf32, #tpu.memory_space<vmem>>
    %dma_start3A_214 = arith.constant 10240 : i32
    %dma_start3A_215 = tpu.memref_slice %arg4[%dma_start3A_214] : memref<16384xf32, #tpu.memory_space<hbm>> -> memref<2048xf32, #tpu.memory_space<hbm>>
    %dma_start3A_216 = arith.constant 2048 : i32
    %dma_start3A_217 = tpu.memref_slice %arg8[%dma_start3A_216] : memref<4096xf32, #tpu.memory_space<vmem>> -> memref<2048xf32, #tpu.memory_space<vmem>>
    %dma_start3A_218 = arith.constant 10240 : i32
    %dma_start3A_219 = tpu.memref_slice %arg4[%dma_start3A_218] : memref<16384xf32, #tpu.memory_space<hbm>> -> memref<2048xf32, #tpu.memory_space<hbm>>
    tpu.enqueue_dma source(%dma_start3A_219 : memref<2048xf32, #tpu.memory_space<hbm>>) target(%dma_start3A_217 : memref<2048xf32, #tpu.memory_space<vmem>>) target_semaphore(%arg11 : memref<!tpu.dma_semaphore, #tpu.memory_space<semaphore_mem>>)
    %scan3A_220 = arith.constant 0 : i32
    %scan3A_221 = arith.constant 128 : i32
    %scan3A_222 = arith.addi %scan3A_220, %scan3A_221 : i32
    %scan3A_223 = arith.constant 1 : i32
    scf.for %scan3A_320 = %scan3A_220 to %scan3A_222 step %scan3A_223  : i32 {
      %mul3A_321 = arith.constant 1 : i32
      %mul3A_322 = arith.muli %scan3A_320, %mul3A_321 : i32
      %add3A_323 = arith.constant 0 : i32
      %add3A_324 = arith.addi %add3A_323, %mul3A_322 : i32
      %add3A_325 = arith.constant 512 : i32
      %add3A_326 = arith.addi %add3A_325, %add3A_324 : i32
      %mul3A_327 = arith.constant 16 : i32
      %mul3A_328 = arith.muli %add3A_324, %mul3A_327 : i32
      %add3A_329 = arith.constant 0 : i32
      %add3A_330 = arith.addi %add3A_329, %mul3A_328 : i32
      %get3A = arith.index_cast %add3A_330 : i32 to index
      %get3A_331 = tpu.vector_load %arg7[%get3A] {strides = array<i32>} : memref<4096xi32, #tpu.memory_space<vmem>>, vector<16xi32>,
      %get3A_332 = arith.index_cast %add3A_330 : i32 to index
      %get3A_333 = tpu.vector_load %arg8[%get3A_332] {strides = array<i32>} : memref<4096xf32, #tpu.memory_space<vmem>>, vector<16xf32>,
      %broadcast_in_dim3A = arith.constant 0 : i32
      %broadcast_in_dim3A_334 = vector.broadcast %broadcast_in_dim3A : i32 to vector<16x1xi32>
      %gather3A = vector.shape_cast %broadcast_in_dim3A_334 : vector<16x1xi32> to vector<16xi32>
      %gather3A_335 = tpu.dynamic_gather %get3A_331[%gather3A] in [0] : vector<16xi32>, vector<16xi32> -> vector<16xi32>
      %broadcast_in_dim3A_336 = arith.constant 0 : i32
      %broadcast_in_dim3A_337 = vector.broadcast %broadcast_in_dim3A_336 : i32 to vector<16x1xi32>
      %gather3A_338 = vector.shape_cast %broadcast_in_dim3A_337 : vector<16x1xi32> to vector<16xi32>
      %gather3A_339 = tpu.dynamic_gather %get3A_333[%gather3A_338] in [0] : vector<16xf32>, vector<16xi32> -> vector<16xf32>
      %add3A_340 = arith.addi %gather3A_335, %add3A_37 : vector<16xi32>
      %gather3A_341 = tpu.vector_load_idx %arg6[%add3A_340] : memref<49152xf32, #tpu.memory_space<vmem>>[vector<16xi32>], vector<16xf32>,
      %mul3A_342 = arith.mulf %gather3A_341, %gather3A_339 : vector<16xf32>
      %add3A_343 = arith.addi %gather3A_335, %add3A_40 : vector<16xi32>
      %gather3A_344 = tpu.vector_load_idx %arg6[%add3A_343] : memref<49152xf32, #tpu.memory_space<vmem>>[vector<16xi32>], vector<16xf32>,
      %mul3A_345 = arith.mulf %gather3A_344, %gather3A_339 : vector<16xf32>
      %broadcast_in_dim3A_346 = arith.constant 1 : i32
      %broadcast_in_dim3A_347 = vector.broadcast %broadcast_in_dim3A_346 : i32 to vector<16x1xi32>
      %gather3A_348 = vector.shape_cast %broadcast_in_dim3A_347 : vector<16x1xi32> to vector<16xi32>
      %gather3A_349 = tpu.dynamic_gather %get3A_331[%gather3A_348] in [0] : vector<16xi32>, vector<16xi32> -> vector<16xi32>
      %broadcast_in_dim3A_350 = arith.constant 1 : i32
      %broadcast_in_dim3A_351 = vector.broadcast %broadcast_in_dim3A_350 : i32 to vector<16x1xi32>
      %gather3A_352 = vector.shape_cast %broadcast_in_dim3A_351 : vector<16x1xi32> to vector<16xi32>
      %gather3A_353 = tpu.dynamic_gather %get3A_333[%gather3A_352] in [0] : vector<16xf32>, vector<16xi32> -> vector<16xf32>
      %add3A_354 = arith.addi %gather3A_349, %add3A_37 : vector<16xi32>
      %gather3A_355 = tpu.vector_load_idx %arg6[%add3A_354] : memref<49152xf32, #tpu.memory_space<vmem>>[vector<16xi32>], vector<16xf32>,
      %mul3A_356 = arith.mulf %gather3A_355, %gather3A_353 : vector<16xf32>
      %add3A_357 = arith.addi %gather3A_349, %add3A_40 : vector<16xi32>
      %gather3A_358 = tpu.vector_load_idx %arg6[%add3A_357] : memref<49152xf32, #tpu.memory_space<vmem>>[vector<16xi32>], vector<16xf32>,
      %mul3A_359 = arith.mulf %gather3A_358, %gather3A_353 : vector<16xf32>
      %broadcast_in_dim3A_360 = arith.constant 2 : i32
      %broadcast_in_dim3A_361 = vector.broadcast %broadcast_in_dim3A_360 : i32 to vector<16x1xi32>
      %gather3A_362 = vector.shape_cast %broadcast_in_dim3A_361 : vector<16x1xi32> to vector<16xi32>
      %gather3A_363 = tpu.dynamic_gather %get3A_331[%gather3A_362] in [0] : vector<16xi32>, vector<16xi32> -> vector<16xi32>
      %broadcast_in_dim3A_364 = arith.constant 2 : i32
      %broadcast_in_dim3A_365 = vector.broadcast %broadcast_in_dim3A_364 : i32 to vector<16x1xi32>
      %gather3A_366 = vector.shape_cast %broadcast_in_dim3A_365 : vector<16x1xi32> to vector<16xi32>
      %gather3A_367 = tpu.dynamic_gather %get3A_333[%gather3A_366] in [0] : vector<16xf32>, vector<16xi32> -> vector<16xf32>
      %add3A_368 = arith.addi %gather3A_363, %add3A_37 : vector<16xi32>
      %gather3A_369 = tpu.vector_load_idx %arg6[%add3A_368] : memref<49152xf32, #tpu.memory_space<vmem>>[vector<16xi32>], vector<16xf32>,
      %mul3A_370 = arith.mulf %gather3A_369, %gather3A_367 : vector<16xf32>
      %add3A_371 = arith.addf %mul3A_342, %mul3A_370 : vector<16xf32>
      %add3A_372 = arith.addi %gather3A_363, %add3A_40 : vector<16xi32>
      %gather3A_373 = tpu.vector_load_idx %arg6[%add3A_372] : memref<49152xf32, #tpu.memory_space<vmem>>[vector<16xi32>], vector<16xf32>,
      %mul3A_374 = arith.mulf %gather3A_373, %gather3A_367 : vector<16xf32>
      %add3A_375 = arith.addf %mul3A_345, %mul3A_374 : vector<16xf32>
      %broadcast_in_dim3A_376 = arith.constant 3 : i32
      %broadcast_in_dim3A_377 = vector.broadcast %broadcast_in_dim3A_376 : i32 to vector<16x1xi32>
      %gather3A_378 = vector.shape_cast %broadcast_in_dim3A_377 : vector<16x1xi32> to vector<16xi32>
      %gather3A_379 = tpu.dynamic_gather %get3A_331[%gather3A_378] in [0] : vector<16xi32>, vector<16xi32> -> vector<16xi32>
      %broadcast_in_dim3A_380 = arith.constant 3 : i32
      %broadcast_in_dim3A_381 = vector.broadcast %broadcast_in_dim3A_380 : i32 to vector<16x1xi32>
      %gather3A_382 = vector.shape_cast %broadcast_in_dim3A_381 : vector<16x1xi32> to vector<16xi32>
      %gather3A_383 = tpu.dynamic_gather %get3A_333[%gather3A_382] in [0] : vector<16xf32>, vector<16xi32> -> vector<16xf32>
      %add3A_384 = arith.addi %gather3A_379, %add3A_37 : vector<16xi32>
      %gather3A_385 = tpu.vector_load_idx %arg6[%add3A_384] : memref<49152xf32, #tpu.memory_space<vmem>>[vector<16xi32>], vector<16xf32>,
      %mul3A_386 = arith.mulf %gather3A_385, %gather3A_383 : vector<16xf32>
      %add3A_387 = arith.addf %mul3A_356, %mul3A_386 : vector<16xf32>
      %add3A_388 = arith.addi %gather3A_379, %add3A_40 : vector<16xi32>
      %gather3A_389 = tpu.vector_load_idx %arg6[%add3A_388] : memref<49152xf32, #tpu.memory_space<vmem>>[vector<16xi32>], vector<16xf32>,
      %mul3A_390 = arith.mulf %gather3A_389, %gather3A_383 : vector<16xf32>
      %add3A_391 = arith.addf %mul3A_359, %mul3A_390 : vector<16xf32>
      %broadcast_in_dim3A_392 = arith.constant 4 : i32
      %broadcast_in_dim3A_393 = vector.broadcast %broadcast_in_dim3A_392 : i32 to vector<16x1xi32>
      %gather3A_394 = vector.shape_cast %broadcast_in_dim3A_393 : vector<16x1xi32> to vector<16xi32>
      %gather3A_395 = tpu.dynamic_gather %get3A_331[%gather3A_394] in [0] : vector<16xi32>, vector<16xi32> -> vector<16xi32>
      %broadcast_in_dim3A_396 = arith.constant 4 : i32
      %broadcast_in_dim3A_397 = vector.broadcast %broadcast_in_dim3A_396 : i32 to vector<16x1xi32>
      %gather3A_398 = vector.shape_cast %broadcast_in_dim3A_397 : vector<16x1xi32> to vector<16xi32>
      %gather3A_399 = tpu.dynamic_gather %get3A_333[%gather3A_398] in [0] : vector<16xf32>, vector<16xi32> -> vector<16xf32>
      %add3A_400 = arith.addi %gather3A_395, %add3A_37 : vector<16xi32>
      %gather3A_401 = tpu.vector_load_idx %arg6[%add3A_400] : memref<49152xf32, #tpu.memory_space<vmem>>[vector<16xi32>], vector<16xf32>,
      %mul3A_402 = arith.mulf %gather3A_401, %gather3A_399 : vector<16xf32>
      %add3A_403 = arith.addf %add3A_371, %mul3A_402 : vector<16xf32>
      %add3A_404 = arith.addi %gather3A_395, %add3A_40 : vector<16xi32>
      %gather3A_405 = tpu.vector_load_idx %arg6[%add3A_404] : memref<49152xf32, #tpu.memory_space<vmem>>[vector<16xi32>], vector<16xf32>,
      %mul3A_406 = arith.mulf %gather3A_405, %gather3A_399 : vector<16xf32>
      %add3A_407 = arith.addf %add3A_375, %mul3A_406 : vector<16xf32>
      %broadcast_in_dim3A_408 = arith.constant 5 : i32
      %broadcast_in_dim3A_409 = vector.broadcast %broadcast_in_dim3A_408 : i32 to vector<16x1xi32>
      %gather3A_410 = vector.shape_cast %broadcast_in_dim3A_409 : vector<16x1xi32> to vector<16xi32>
      %gather3A_411 = tpu.dynamic_gather %get3A_331[%gather3A_410] in [0] : vector<16xi32>, vector<16xi32> -> vector<16xi32>
      %broadcast_in_dim3A_412 = arith.constant 5 : i32
      %broadcast_in_dim3A_413 = vector.broadcast %broadcast_in_dim3A_412 : i32 to vector<16x1xi32>
      %gather3A_414 = vector.shape_cast %broadcast_in_dim3A_413 : vector<16x1xi32> to vector<16xi32>
      %gather3A_415 = tpu.dynamic_gather %get3A_333[%gather3A_414] in [0] : vector<16xf32>, vector<16xi32> -> vector<16xf32>
      %add3A_416 = arith.addi %gather3A_411, %add3A_37 : vector<16xi32>
      %gather3A_417 = tpu.vector_load_idx %arg6[%add3A_416] : memref<49152xf32, #tpu.memory_space<vmem>>[vector<16xi32>], vector<16xf32>,
      %mul3A_418 = arith.mulf %gather3A_417, %gather3A_415 : vector<16xf32>
      %add3A_419 = arith.addf %add3A_387, %mul3A_418 : vector<16xf32>
      %add3A_420 = arith.addi %gather3A_411, %add3A_40 : vector<16xi32>
      %gather3A_421 = tpu.vector_load_idx %arg6[%add3A_420] : memref<49152xf32, #tpu.memory_space<vmem>>[vector<16xi32>], vector<16xf32>,
      %mul3A_422 = arith.mulf %gather3A_421, %gather3A_415 : vector<16xf32>
      %add3A_423 = arith.addf %add3A_391, %mul3A_422 : vector<16xf32>
      %broadcast_in_dim3A_424 = arith.constant 6 : i32
      %broadcast_in_dim3A_425 = vector.broadcast %broadcast_in_dim3A_424 : i32 to vector<16x1xi32>
      %gather3A_426 = vector.shape_cast %broadcast_in_dim3A_425 : vector<16x1xi32> to vector<16xi32>
      %gather3A_427 = tpu.dynamic_gather %get3A_331[%gather3A_426] in [0] : vector<16xi32>, vector<16xi32> -> vector<16xi32>
      %broadcast_in_dim3A_428 = arith.constant 6 : i32
      %broadcast_in_dim3A_429 = vector.broadcast %broadcast_in_dim3A_428 : i32 to vector<16x1xi32>
      %gather3A_430 = vector.shape_cast %broadcast_in_dim3A_429 : vector<16x1xi32> to vector<16xi32>
      %gather3A_431 = tpu.dynamic_gather %get3A_333[%gather3A_430] in [0] : vector<16xf32>, vector<16xi32> -> vector<16xf32>
      %add3A_432 = arith.addi %gather3A_427, %add3A_37 : vector<16xi32>
      %gather3A_433 = tpu.vector_load_idx %arg6[%add3A_432] : memref<49152xf32, #tpu.memory_space<vmem>>[vector<16xi32>], vector<16xf32>,
      %mul3A_434 = arith.mulf %gather3A_433, %gather3A_431 : vector<16xf32>
      %add3A_435 = arith.addf %add3A_403, %mul3A_434 : vector<16xf32>
      %add3A_436 = arith.addi %gather3A_427, %add3A_40 : vector<16xi32>
      %gather3A_437 = tpu.vector_load_idx %arg6[%add3A_436] : memref<49152xf32, #tpu.memory_space<vmem>>[vector<16xi32>], vector<16xf32>,
      %mul3A_438 = arith.mulf %gather3A_437, %gather3A_431 : vector<16xf32>
      %add3A_439 = arith.addf %add3A_407, %mul3A_438 : vector<16xf32>
      %broadcast_in_dim3A_440 = arith.constant 7 : i32
      %broadcast_in_dim3A_441 = vector.broadcast %broadcast_in_dim3A_440 : i32 to vector<16x1xi32>
      %gather3A_442 = vector.shape_cast %broadcast_in_dim3A_441 : vector<16x1xi32> to vector<16xi32>
      %gather3A_443 = tpu.dynamic_gather %get3A_331[%gather3A_442] in [0] : vector<16xi32>, vector<16xi32> -> vector<16xi32>
      %broadcast_in_dim3A_444 = arith.constant 7 : i32
      %broadcast_in_dim3A_445 = vector.broadcast %broadcast_in_dim3A_444 : i32 to vector<16x1xi32>
      %gather3A_446 = vector.shape_cast %broadcast_in_dim3A_445 : vector<16x1xi32> to vector<16xi32>
      %gather3A_447 = tpu.dynamic_gather %get3A_333[%gather3A_446] in [0] : vector<16xf32>, vector<16xi32> -> vector<16xf32>
      %add3A_448 = arith.addi %gather3A_443, %add3A_37 : vector<16xi32>
      %gather3A_449 = tpu.vector_load_idx %arg6[%add3A_448] : memref<49152xf32, #tpu.memory_space<vmem>>[vector<16xi32>], vector<16xf32>,
      %mul3A_450 = arith.mulf %gather3A_449, %gather3A_447 : vector<16xf32>
      %add3A_451 = arith.addf %add3A_419, %mul3A_450 : vector<16xf32>
      %add3A_452 = arith.addi %gather3A_443, %add3A_40 : vector<16xi32>
      %gather3A_453 = tpu.vector_load_idx %arg6[%add3A_452] : memref<49152xf32, #tpu.memory_space<vmem>>[vector<16xi32>], vector<16xf32>,
      %mul3A_454 = arith.mulf %gather3A_453, %gather3A_447 : vector<16xf32>
      %add3A_455 = arith.addf %add3A_423, %mul3A_454 : vector<16xf32>
      %broadcast_in_dim3A_456 = arith.constant 8 : i32
      %broadcast_in_dim3A_457 = vector.broadcast %broadcast_in_dim3A_456 : i32 to vector<16x1xi32>
      %gather3A_458 = vector.shape_cast %broadcast_in_dim3A_457 : vector<16x1xi32> to vector<16xi32>
      %gather3A_459 = tpu.dynamic_gather %get3A_331[%gather3A_458] in [0] : vector<16xi32>, vector<16xi32> -> vector<16xi32>
      %broadcast_in_dim3A_460 = arith.constant 8 : i32
      %broadcast_in_dim3A_461 = vector.broadcast %broadcast_in_dim3A_460 : i32 to vector<16x1xi32>
      %gather3A_462 = vector.shape_cast %broadcast_in_dim3A_461 : vector<16x1xi32> to vector<16xi32>
      %gather3A_463 = tpu.dynamic_gather %get3A_333[%gather3A_462] in [0] : vector<16xf32>, vector<16xi32> -> vector<16xf32>
      %add3A_464 = arith.addi %gather3A_459, %add3A_37 : vector<16xi32>
      %gather3A_465 = tpu.vector_load_idx %arg6[%add3A_464] : memref<49152xf32, #tpu.memory_space<vmem>>[vector<16xi32>], vector<16xf32>,
      %mul3A_466 = arith.mulf %gather3A_465, %gather3A_463 : vector<16xf32>
      %add3A_467 = arith.addf %add3A_435, %mul3A_466 : vector<16xf32>
      %add3A_468 = arith.addi %gather3A_459, %add3A_40 : vector<16xi32>
      %gather3A_469 = tpu.vector_load_idx %arg6[%add3A_468] : memref<49152xf32, #tpu.memory_space<vmem>>[vector<16xi32>], vector<16xf32>,
      %mul3A_470 = arith.mulf %gather3A_469, %gather3A_463 : vector<16xf32>
      %add3A_471 = arith.addf %add3A_439, %mul3A_470 : vector<16xf32>
      %broadcast_in_dim3A_472 = arith.constant 9 : i32
      %broadcast_in_dim3A_473 = vector.broadcast %broadcast_in_dim3A_472 : i32 to vector<16x1xi32>
      %gather3A_474 = vector.shape_cast %broadcast_in_dim3A_473 : vector<16x1xi32> to vector<16xi32>
      %gather3A_475 = tpu.dynamic_gather %get3A_331[%gather3A_474] in [0] : vector<16xi32>, vector<16xi32> -> vector<16xi32>
      %broadcast_in_dim3A_476 = arith.constant 9 : i32
      %broadcast_in_dim3A_477 = vector.broadcast %broadcast_in_dim3A_476 : i32 to vector<16x1xi32>
      %gather3A_478 = vector.shape_cast %broadcast_in_dim3A_477 : vector<16x1xi32> to vector<16xi32>
      %gather3A_479 = tpu.dynamic_gather %get3A_333[%gather3A_478] in [0] : vector<16xf32>, vector<16xi32> -> vector<16xf32>
      %add3A_480 = arith.addi %gather3A_475, %add3A_37 : vector<16xi32>
      %gather3A_481 = tpu.vector_load_idx %arg6[%add3A_480] : memref<49152xf32, #tpu.memory_space<vmem>>[vector<16xi32>], vector<16xf32>,
      %mul3A_482 = arith.mulf %gather3A_481, %gather3A_479 : vector<16xf32>
      %add3A_483 = arith.addf %add3A_451, %mul3A_482 : vector<16xf32>
      %add3A_484 = arith.addi %gather3A_475, %add3A_40 : vector<16xi32>
      %gather3A_485 = tpu.vector_load_idx %arg6[%add3A_484] : memref<49152xf32, #tpu.memory_space<vmem>>[vector<16xi32>], vector<16xf32>,
      %mul3A_486 = arith.mulf %gather3A_485, %gather3A_479 : vector<16xf32>
      %add3A_487 = arith.addf %add3A_455, %mul3A_486 : vector<16xf32>
      %broadcast_in_dim3A_488 = arith.constant 10 : i32
      %broadcast_in_dim3A_489 = vector.broadcast %broadcast_in_dim3A_488 : i32 to vector<16x1xi32>
      %gather3A_490 = vector.shape_cast %broadcast_in_dim3A_489 : vector<16x1xi32> to vector<16xi32>
      %gather3A_491 = tpu.dynamic_gather %get3A_331[%gather3A_490] in [0] : vector<16xi32>, vector<16xi32> -> vector<16xi32>
      %broadcast_in_dim3A_492 = arith.constant 10 : i32
      %broadcast_in_dim3A_493 = vector.broadcast %broadcast_in_dim3A_492 : i32 to vector<16x1xi32>
      %gather3A_494 = vector.shape_cast %broadcast_in_dim3A_493 : vector<16x1xi32> to vector<16xi32>
      %gather3A_495 = tpu.dynamic_gather %get3A_333[%gather3A_494] in [0] : vector<16xf32>, vector<16xi32> -> vector<16xf32>
      %add3A_496 = arith.addi %gather3A_491, %add3A_37 : vector<16xi32>
      %gather3A_497 = tpu.vector_load_idx %arg6[%add3A_496] : memref<49152xf32, #tpu.memory_space<vmem>>[vector<16xi32>], vector<16xf32>,
      %mul3A_498 = arith.mulf %gather3A_497, %gather3A_495 : vector<16xf32>
      %add3A_499 = arith.addf %add3A_467, %mul3A_498 : vector<16xf32>
      %add3A_500 = arith.addi %gather3A_491, %add3A_40 : vector<16xi32>
      %gather3A_501 = tpu.vector_load_idx %arg6[%add3A_500] : memref<49152xf32, #tpu.memory_space<vmem>>[vector<16xi32>], vector<16xf32>,
      %mul3A_502 = arith.mulf %gather3A_501, %gather3A_495 : vector<16xf32>
      %add3A_503 = arith.addf %add3A_471, %mul3A_502 : vector<16xf32>
      %broadcast_in_dim3A_504 = arith.constant 11 : i32
      %broadcast_in_dim3A_505 = vector.broadcast %broadcast_in_dim3A_504 : i32 to vector<16x1xi32>
      %gather3A_506 = vector.shape_cast %broadcast_in_dim3A_505 : vector<16x1xi32> to vector<16xi32>
      %gather3A_507 = tpu.dynamic_gather %get3A_331[%gather3A_506] in [0] : vector<16xi32>, vector<16xi32> -> vector<16xi32>
      %broadcast_in_dim3A_508 = arith.constant 11 : i32
      %broadcast_in_dim3A_509 = vector.broadcast %broadcast_in_dim3A_508 : i32 to vector<16x1xi32>
      %gather3A_510 = vector.shape_cast %broadcast_in_dim3A_509 : vector<16x1xi32> to vector<16xi32>
      %gather3A_511 = tpu.dynamic_gather %get3A_333[%gather3A_510] in [0] : vector<16xf32>, vector<16xi32> -> vector<16xf32>
      %add3A_512 = arith.addi %gather3A_507, %add3A_37 : vector<16xi32>
      %gather3A_513 = tpu.vector_load_idx %arg6[%add3A_512] : memref<49152xf32, #tpu.memory_space<vmem>>[vector<16xi32>], vector<16xf32>,
      %mul3A_514 = arith.mulf %gather3A_513, %gather3A_511 : vector<16xf32>
      %add3A_515 = arith.addf %add3A_483, %mul3A_514 : vector<16xf32>
      %add3A_516 = arith.addi %gather3A_507, %add3A_40 : vector<16xi32>
      %gather3A_517 = tpu.vector_load_idx %arg6[%add3A_516] : memref<49152xf32, #tpu.memory_space<vmem>>[vector<16xi32>], vector<16xf32>,
      %mul3A_518 = arith.mulf %gather3A_517, %gather3A_511 : vector<16xf32>
      %add3A_519 = arith.addf %add3A_487, %mul3A_518 : vector<16xf32>
      %broadcast_in_dim3A_520 = arith.constant 12 : i32
      %broadcast_in_dim3A_521 = vector.broadcast %broadcast_in_dim3A_520 : i32 to vector<16x1xi32>
      %gather3A_522 = vector.shape_cast %broadcast_in_dim3A_521 : vector<16x1xi32> to vector<16xi32>
      %gather3A_523 = tpu.dynamic_gather %get3A_331[%gather3A_522] in [0] : vector<16xi32>, vector<16xi32> -> vector<16xi32>
      %broadcast_in_dim3A_524 = arith.constant 12 : i32
      %broadcast_in_dim3A_525 = vector.broadcast %broadcast_in_dim3A_524 : i32 to vector<16x1xi32>
      %gather3A_526 = vector.shape_cast %broadcast_in_dim3A_525 : vector<16x1xi32> to vector<16xi32>
      %gather3A_527 = tpu.dynamic_gather %get3A_333[%gather3A_526] in [0] : vector<16xf32>, vector<16xi32> -> vector<16xf32>
      %add3A_528 = arith.addi %gather3A_523, %add3A_37 : vector<16xi32>
      %gather3A_529 = tpu.vector_load_idx %arg6[%add3A_528] : memref<49152xf32, #tpu.memory_space<vmem>>[vector<16xi32>], vector<16xf32>,
      %mul3A_530 = arith.mulf %gather3A_529, %gather3A_527 : vector<16xf32>
      %add3A_531 = arith.addf %add3A_499, %mul3A_530 : vector<16xf32>
      %add3A_532 = arith.addi %gather3A_523, %add3A_40 : vector<16xi32>
      %gather3A_533 = tpu.vector_load_idx %arg6[%add3A_532] : memref<49152xf32, #tpu.memory_space<vmem>>[vector<16xi32>], vector<16xf32>,
      %mul3A_534 = arith.mulf %gather3A_533, %gather3A_527 : vector<16xf32>
      %add3A_535 = arith.addf %add3A_503, %mul3A_534 : vector<16xf32>
      %broadcast_in_dim3A_536 = arith.constant 13 : i32
      %broadcast_in_dim3A_537 = vector.broadcast %broadcast_in_dim3A_536 : i32 to vector<16x1xi32>
      %gather3A_538 = vector.shape_cast %broadcast_in_dim3A_537 : vector<16x1xi32> to vector<16xi32>
      %gather3A_539 = tpu.dynamic_gather %get3A_331[%gather3A_538] in [0] : vector<16xi32>, vector<16xi32> -> vector<16xi32>
      %broadcast_in_dim3A_540 = arith.constant 13 : i32
      %broadcast_in_dim3A_541 = vector.broadcast %broadcast_in_dim3A_540 : i32 to vector<16x1xi32>
      %gather3A_542 = vector.shape_cast %broadcast_in_dim3A_541 : vector<16x1xi32> to vector<16xi32>
      %gather3A_543 = tpu.dynamic_gather %get3A_333[%gather3A_542] in [0] : vector<16xf32>, vector<16xi32> -> vector<16xf32>
      %add3A_544 = arith.addi %gather3A_539, %add3A_37 : vector<16xi32>
      %gather3A_545 = tpu.vector_load_idx %arg6[%add3A_544] : memref<49152xf32, #tpu.memory_space<vmem>>[vector<16xi32>], vector<16xf32>,
      %mul3A_546 = arith.mulf %gather3A_545, %gather3A_543 : vector<16xf32>
      %add3A_547 = arith.addf %add3A_515, %mul3A_546 : vector<16xf32>
      %add3A_548 = arith.addi %gather3A_539, %add3A_40 : vector<16xi32>
      %gather3A_549 = tpu.vector_load_idx %arg6[%add3A_548] : memref<49152xf32, #tpu.memory_space<vmem>>[vector<16xi32>], vector<16xf32>,
      %mul3A_550 = arith.mulf %gather3A_549, %gather3A_543 : vector<16xf32>
      %add3A_551 = arith.addf %add3A_519, %mul3A_550 : vector<16xf32>
      %broadcast_in_dim3A_552 = arith.constant 14 : i32
      %broadcast_in_dim3A_553 = vector.broadcast %broadcast_in_dim3A_552 : i32 to vector<16x1xi32>
      %gather3A_554 = vector.shape_cast %broadcast_in_dim3A_553 : vector<16x1xi32> to vector<16xi32>
      %gather3A_555 = tpu.dynamic_gather %get3A_331[%gather3A_554] in [0] : vector<16xi32>, vector<16xi32> -> vector<16xi32>
      %broadcast_in_dim3A_556 = arith.constant 14 : i32
      %broadcast_in_dim3A_557 = vector.broadcast %broadcast_in_dim3A_556 : i32 to vector<16x1xi32>
      %gather3A_558 = vector.shape_cast %broadcast_in_dim3A_557 : vector<16x1xi32> to vector<16xi32>
      %gather3A_559 = tpu.dynamic_gather %get3A_333[%gather3A_558] in [0] : vector<16xf32>, vector<16xi32> -> vector<16xf32>
      %add3A_560 = arith.addi %gather3A_555, %add3A_37 : vector<16xi32>
      %gather3A_561 = tpu.vector_load_idx %arg6[%add3A_560] : memref<49152xf32, #tpu.memory_space<vmem>>[vector<16xi32>], vector<16xf32>,
      %mul3A_562 = arith.mulf %gather3A_561, %gather3A_559 : vector<16xf32>
      %add3A_563 = arith.addf %add3A_531, %mul3A_562 : vector<16xf32>
      %add3A_564 = arith.addi %gather3A_555, %add3A_40 : vector<16xi32>
      %gather3A_565 = tpu.vector_load_idx %arg6[%add3A_564] : memref<49152xf32, #tpu.memory_space<vmem>>[vector<16xi32>], vector<16xf32>,
      %mul3A_566 = arith.mulf %gather3A_565, %gather3A_559 : vector<16xf32>
      %add3A_567 = arith.addf %add3A_535, %mul3A_566 : vector<16xf32>
      %broadcast_in_dim3A_568 = arith.constant 15 : i32
      %broadcast_in_dim3A_569 = vector.broadcast %broadcast_in_dim3A_568 : i32 to vector<16x1xi32>
      %gather3A_570 = vector.shape_cast %broadcast_in_dim3A_569 : vector<16x1xi32> to vector<16xi32>
      %gather3A_571 = tpu.dynamic_gather %get3A_331[%gather3A_570] in [0] : vector<16xi32>, vector<16xi32> -> vector<16xi32>
      %broadcast_in_dim3A_572 = arith.constant 15 : i32
      %broadcast_in_dim3A_573 = vector.broadcast %broadcast_in_dim3A_572 : i32 to vector<16x1xi32>
      %gather3A_574 = vector.shape_cast %broadcast_in_dim3A_573 : vector<16x1xi32> to vector<16xi32>
      %gather3A_575 = tpu.dynamic_gather %get3A_333[%gather3A_574] in [0] : vector<16xf32>, vector<16xi32> -> vector<16xf32>
      %add3A_576 = arith.addi %gather3A_571, %add3A_37 : vector<16xi32>
      %gather3A_577 = tpu.vector_load_idx %arg6[%add3A_576] : memref<49152xf32, #tpu.memory_space<vmem>>[vector<16xi32>], vector<16xf32>,
      %mul3A_578 = arith.mulf %gather3A_577, %gather3A_575 : vector<16xf32>
      %add3A_579 = arith.addf %add3A_547, %mul3A_578 : vector<16xf32>
      %add3A_580 = arith.addi %gather3A_571, %add3A_40 : vector<16xi32>
      %gather3A_581 = tpu.vector_load_idx %arg6[%add3A_580] : memref<49152xf32, #tpu.memory_space<vmem>>[vector<16xi32>], vector<16xf32>,
      %mul3A_582 = arith.mulf %gather3A_581, %gather3A_575 : vector<16xf32>
      %add3A_583 = arith.addf %add3A_551, %mul3A_582 : vector<16xf32>
      %add3A_584 = arith.constant 512 : i32
      %add3A_585 = arith.addi %add3A_584, %add3A_326 : i32
      %mul3A_586 = arith.constant 32 : i32
      %mul3A_587 = arith.muli %add3A_585, %mul3A_586 : i32
      %add3A_588 = arith.addf %add3A_563, %add3A_579 : vector<16xf32>
      %mul3A_589 = arith.constant 2.000000e+00 : f32
      %mul3A_590 = vector.broadcast %mul3A_589 : f32 to vector<16xf32>
      %mul3A_591 = arith.mulf %add3A_588, %mul3A_590 : vector<16xf32>
      %exp3A = math.exp %mul3A_591 : vector<16xf32>
      %add3A_592 = arith.constant 1.000000e+00 : f32
      %add3A_593 = vector.broadcast %add3A_592 : f32 to vector<16xf32>
      %add3A_594 = arith.addf %exp3A, %add3A_593 : vector<16xf32>
      %div3A = arith.constant 2.000000e+00 : f32
      %div3A_595 = vector.broadcast %div3A : f32 to vector<16xf32>
      %div3A_596 = arith.divf %div3A_595, %add3A_594 : vector<16xf32>
      %sub3A = arith.constant 1.000000e+00 : f32
      %sub3A_597 = vector.broadcast %sub3A : f32 to vector<16xf32>
      %sub3A_598 = arith.subf %sub3A_597, %div3A_596 : vector<16xf32>
      %add3A_599 = arith.constant 0 : i32
      %add3A_600 = arith.addi %mul3A_587, %add3A_599 : i32
      %swap3A = arith.index_cast %add3A_600 : i32 to index
      %swap3A_601 = tpu.vector_load %arg6[%swap3A] {strides = array<i32>} : memref<49152xf32, #tpu.memory_space<vmem>>, vector<16xf32>,
      tpu.vector_store %arg6[%swap3A], %sub3A_598 {strides = array<i32>} : memref<49152xf32, #tpu.memory_space<vmem>>, vector<16xf32>,
      %add3A_602 = arith.addf %add3A_567, %add3A_583 : vector<16xf32>
      %mul3A_603 = arith.constant 2.000000e+00 : f32
      %mul3A_604 = vector.broadcast %mul3A_603 : f32 to vector<16xf32>
      %mul3A_605 = arith.mulf %add3A_602, %mul3A_604 : vector<16xf32>
      %exp3A_606 = math.exp %mul3A_605 : vector<16xf32>
      %add3A_607 = arith.constant 1.000000e+00 : f32
      %add3A_608 = vector.broadcast %add3A_607 : f32 to vector<16xf32>
      %add3A_609 = arith.addf %exp3A_606, %add3A_608 : vector<16xf32>
      %div3A_610 = arith.constant 2.000000e+00 : f32
      %div3A_611 = vector.broadcast %div3A_610 : f32 to vector<16xf32>
      %div3A_612 = arith.divf %div3A_611, %add3A_609 : vector<16xf32>
      %sub3A_613 = arith.constant 1.000000e+00 : f32
      %sub3A_614 = vector.broadcast %sub3A_613 : f32 to vector<16xf32>
      %sub3A_615 = arith.subf %sub3A_614, %div3A_612 : vector<16xf32>
      %add3A_616 = arith.constant 16 : i32
      %add3A_617 = arith.addi %mul3A_587, %add3A_616 : i32
      %swap3A_618 = arith.index_cast %add3A_617 : i32 to index
      %swap3A_619 = tpu.vector_load %arg6[%swap3A_618] {strides = array<i32>} : memref<49152xf32, #tpu.memory_space<vmem>>, vector<16xf32>,
      tpu.vector_store %arg6[%swap3A_618], %sub3A_615 {strides = array<i32>} : memref<49152xf32, #tpu.memory_space<vmem>>, vector<16xf32>,
    }
    %scan3A_224 = arith.constant 128 : i32
    %dma_wait3A_225 = arith.constant 2048 : i32
    %dma_wait3A_226 = tpu.memref_slice %arg7[%dma_wait3A_225] : memref<4096xi32, #tpu.memory_space<vmem>> -> memref<2048xi32, #tpu.memory_space<vmem>>
    %dma_wait3A_227 = arith.constant 10240 : i32
    %dma_wait3A_228 = tpu.memref_slice %arg3[%dma_wait3A_227] : memref<16384xi32, #tpu.memory_space<hbm>> -> memref<2048xi32, #tpu.memory_space<hbm>>
    %dma_wait3A_229 = arith.constant 2048 : i32
    %dma_wait3A_230 = tpu.memref_slice %arg7[%dma_wait3A_229] : memref<4096xi32, #tpu.memory_space<vmem>> -> memref<2048xi32, #tpu.memory_space<vmem>>
    %dma_wait3A_231 = arith.constant 10240 : i32
    %dma_wait3A_232 = tpu.memref_slice %arg3[%dma_wait3A_231] : memref<16384xi32, #tpu.memory_space<hbm>> -> memref<2048xi32, #tpu.memory_space<hbm>>
    tpu.wait_dma2 semaphore(%arg10 : memref<!tpu.dma_semaphore, #tpu.memory_space<semaphore_mem>>) src(%dma_wait3A_232 : memref<2048xi32, #tpu.memory_space<hbm>>) dst(%dma_wait3A_230 : memref<2048xi32, #tpu.memory_space<vmem>>)
    %dma_wait3A_233 = arith.constant 2048 : i32
    %dma_wait3A_234 = tpu.memref_slice %arg8[%dma_wait3A_233] : memref<4096xf32, #tpu.memory_space<vmem>> -> memref<2048xf32, #tpu.memory_space<vmem>>
    %dma_wait3A_235 = arith.constant 10240 : i32
    %dma_wait3A_236 = tpu.memref_slice %arg4[%dma_wait3A_235] : memref<16384xf32, #tpu.memory_space<hbm>> -> memref<2048xf32, #tpu.memory_space<hbm>>
    %dma_wait3A_237 = arith.constant 2048 : i32
    %dma_wait3A_238 = tpu.memref_slice %arg8[%dma_wait3A_237] : memref<4096xf32, #tpu.memory_space<vmem>> -> memref<2048xf32, #tpu.memory_space<vmem>>
    %dma_wait3A_239 = arith.constant 10240 : i32
    %dma_wait3A_240 = tpu.memref_slice %arg4[%dma_wait3A_239] : memref<16384xf32, #tpu.memory_space<hbm>> -> memref<2048xf32, #tpu.memory_space<hbm>>
    tpu.wait_dma2 semaphore(%arg11 : memref<!tpu.dma_semaphore, #tpu.memory_space<semaphore_mem>>) src(%dma_wait3A_240 : memref<2048xf32, #tpu.memory_space<hbm>>) dst(%dma_wait3A_238 : memref<2048xf32, #tpu.memory_space<vmem>>)
    %dma_start3A_241 = arith.constant 0 : i32
    %dma_start3A_242 = tpu.memref_slice %arg7[%dma_start3A_241] : memref<4096xi32, #tpu.memory_space<vmem>> -> memref<2048xi32, #tpu.memory_space<vmem>>
    %dma_start3A_243 = arith.constant 12288 : i32
    %dma_start3A_244 = tpu.memref_slice %arg3[%dma_start3A_243] : memref<16384xi32, #tpu.memory_space<hbm>> -> memref<2048xi32, #tpu.memory_space<hbm>>
    %dma_start3A_245 = arith.constant 0 : i32
    %dma_start3A_246 = tpu.memref_slice %arg7[%dma_start3A_245] : memref<4096xi32, #tpu.memory_space<vmem>> -> memref<2048xi32, #tpu.memory_space<vmem>>
    %dma_start3A_247 = arith.constant 12288 : i32
    %dma_start3A_248 = tpu.memref_slice %arg3[%dma_start3A_247] : memref<16384xi32, #tpu.memory_space<hbm>> -> memref<2048xi32, #tpu.memory_space<hbm>>
    tpu.enqueue_dma source(%dma_start3A_248 : memref<2048xi32, #tpu.memory_space<hbm>>) target(%dma_start3A_246 : memref<2048xi32, #tpu.memory_space<vmem>>) target_semaphore(%arg10 : memref<!tpu.dma_semaphore, #tpu.memory_space<semaphore_mem>>)
    %dma_start3A_249 = arith.constant 0 : i32
    %dma_start3A_250 = tpu.memref_slice %arg8[%dma_start3A_249] : memref<4096xf32, #tpu.memory_space<vmem>> -> memref<2048xf32, #tpu.memory_space<vmem>>
    %dma_start3A_251 = arith.constant 12288 : i32
    %dma_start3A_252 = tpu.memref_slice %arg4[%dma_start3A_251] : memref<16384xf32, #tpu.memory_space<hbm>> -> memref<2048xf32, #tpu.memory_space<hbm>>
    %dma_start3A_253 = arith.constant 0 : i32
    %dma_start3A_254 = tpu.memref_slice %arg8[%dma_start3A_253] : memref<4096xf32, #tpu.memory_space<vmem>> -> memref<2048xf32, #tpu.memory_space<vmem>>
    %dma_start3A_255 = arith.constant 12288 : i32
    %dma_start3A_256 = tpu.memref_slice %arg4[%dma_start3A_255] : memref<16384xf32, #tpu.memory_space<hbm>> -> memref<2048xf32, #tpu.memory_space<hbm>>
    tpu.enqueue_dma source(%dma_start3A_256 : memref<2048xf32, #tpu.memory_space<hbm>>) target(%dma_start3A_254 : memref<2048xf32, #tpu.memory_space<vmem>>) target_semaphore(%arg11 : memref<!tpu.dma_semaphore, #tpu.memory_space<semaphore_mem>>)
    %scan3A_257 = arith.constant 0 : i32
    %scan3A_258 = arith.constant 128 : i32
    %scan3A_259 = arith.addi %scan3A_257, %scan3A_258 : i32
    %scan3A_260 = arith.constant 1 : i32
    scf.for %scan3A_320 = %scan3A_257 to %scan3A_259 step %scan3A_260  : i32 {
      %mul3A_321 = arith.constant 1 : i32
      %mul3A_322 = arith.muli %scan3A_320, %mul3A_321 : i32
      %add3A_323 = arith.constant 0 : i32
      %add3A_324 = arith.addi %add3A_323, %mul3A_322 : i32
      %add3A_325 = arith.constant 640 : i32
      %add3A_326 = arith.addi %add3A_325, %add3A_324 : i32
      %mul3A_327 = arith.constant 16 : i32
      %mul3A_328 = arith.muli %add3A_324, %mul3A_327 : i32
      %add3A_329 = arith.constant 2048 : i32
      %add3A_330 = arith.addi %add3A_329, %mul3A_328 : i32
      %get3A = arith.index_cast %add3A_330 : i32 to index
      %get3A_331 = tpu.vector_load %arg7[%get3A] {strides = array<i32>} : memref<4096xi32, #tpu.memory_space<vmem>>, vector<16xi32>,
      %get3A_332 = arith.index_cast %add3A_330 : i32 to index
      %get3A_333 = tpu.vector_load %arg8[%get3A_332] {strides = array<i32>} : memref<4096xf32, #tpu.memory_space<vmem>>, vector<16xf32>,
      %broadcast_in_dim3A = arith.constant 0 : i32
      %broadcast_in_dim3A_334 = vector.broadcast %broadcast_in_dim3A : i32 to vector<16x1xi32>
      %gather3A = vector.shape_cast %broadcast_in_dim3A_334 : vector<16x1xi32> to vector<16xi32>
      %gather3A_335 = tpu.dynamic_gather %get3A_331[%gather3A] in [0] : vector<16xi32>, vector<16xi32> -> vector<16xi32>
      %broadcast_in_dim3A_336 = arith.constant 0 : i32
      %broadcast_in_dim3A_337 = vector.broadcast %broadcast_in_dim3A_336 : i32 to vector<16x1xi32>
      %gather3A_338 = vector.shape_cast %broadcast_in_dim3A_337 : vector<16x1xi32> to vector<16xi32>
      %gather3A_339 = tpu.dynamic_gather %get3A_333[%gather3A_338] in [0] : vector<16xf32>, vector<16xi32> -> vector<16xf32>
      %add3A_340 = arith.addi %gather3A_335, %add3A_37 : vector<16xi32>
      %gather3A_341 = tpu.vector_load_idx %arg6[%add3A_340] : memref<49152xf32, #tpu.memory_space<vmem>>[vector<16xi32>], vector<16xf32>,
      %mul3A_342 = arith.mulf %gather3A_341, %gather3A_339 : vector<16xf32>
      %add3A_343 = arith.addi %gather3A_335, %add3A_40 : vector<16xi32>
      %gather3A_344 = tpu.vector_load_idx %arg6[%add3A_343] : memref<49152xf32, #tpu.memory_space<vmem>>[vector<16xi32>], vector<16xf32>,
      %mul3A_345 = arith.mulf %gather3A_344, %gather3A_339 : vector<16xf32>
      %broadcast_in_dim3A_346 = arith.constant 1 : i32
      %broadcast_in_dim3A_347 = vector.broadcast %broadcast_in_dim3A_346 : i32 to vector<16x1xi32>
      %gather3A_348 = vector.shape_cast %broadcast_in_dim3A_347 : vector<16x1xi32> to vector<16xi32>
      %gather3A_349 = tpu.dynamic_gather %get3A_331[%gather3A_348] in [0] : vector<16xi32>, vector<16xi32> -> vector<16xi32>
      %broadcast_in_dim3A_350 = arith.constant 1 : i32
      %broadcast_in_dim3A_351 = vector.broadcast %broadcast_in_dim3A_350 : i32 to vector<16x1xi32>
      %gather3A_352 = vector.shape_cast %broadcast_in_dim3A_351 : vector<16x1xi32> to vector<16xi32>
      %gather3A_353 = tpu.dynamic_gather %get3A_333[%gather3A_352] in [0] : vector<16xf32>, vector<16xi32> -> vector<16xf32>
      %add3A_354 = arith.addi %gather3A_349, %add3A_37 : vector<16xi32>
      %gather3A_355 = tpu.vector_load_idx %arg6[%add3A_354] : memref<49152xf32, #tpu.memory_space<vmem>>[vector<16xi32>], vector<16xf32>,
      %mul3A_356 = arith.mulf %gather3A_355, %gather3A_353 : vector<16xf32>
      %add3A_357 = arith.addi %gather3A_349, %add3A_40 : vector<16xi32>
      %gather3A_358 = tpu.vector_load_idx %arg6[%add3A_357] : memref<49152xf32, #tpu.memory_space<vmem>>[vector<16xi32>], vector<16xf32>,
      %mul3A_359 = arith.mulf %gather3A_358, %gather3A_353 : vector<16xf32>
      %broadcast_in_dim3A_360 = arith.constant 2 : i32
      %broadcast_in_dim3A_361 = vector.broadcast %broadcast_in_dim3A_360 : i32 to vector<16x1xi32>
      %gather3A_362 = vector.shape_cast %broadcast_in_dim3A_361 : vector<16x1xi32> to vector<16xi32>
      %gather3A_363 = tpu.dynamic_gather %get3A_331[%gather3A_362] in [0] : vector<16xi32>, vector<16xi32> -> vector<16xi32>
      %broadcast_in_dim3A_364 = arith.constant 2 : i32
      %broadcast_in_dim3A_365 = vector.broadcast %broadcast_in_dim3A_364 : i32 to vector<16x1xi32>
      %gather3A_366 = vector.shape_cast %broadcast_in_dim3A_365 : vector<16x1xi32> to vector<16xi32>
      %gather3A_367 = tpu.dynamic_gather %get3A_333[%gather3A_366] in [0] : vector<16xf32>, vector<16xi32> -> vector<16xf32>
      %add3A_368 = arith.addi %gather3A_363, %add3A_37 : vector<16xi32>
      %gather3A_369 = tpu.vector_load_idx %arg6[%add3A_368] : memref<49152xf32, #tpu.memory_space<vmem>>[vector<16xi32>], vector<16xf32>,
      %mul3A_370 = arith.mulf %gather3A_369, %gather3A_367 : vector<16xf32>
      %add3A_371 = arith.addf %mul3A_342, %mul3A_370 : vector<16xf32>
      %add3A_372 = arith.addi %gather3A_363, %add3A_40 : vector<16xi32>
      %gather3A_373 = tpu.vector_load_idx %arg6[%add3A_372] : memref<49152xf32, #tpu.memory_space<vmem>>[vector<16xi32>], vector<16xf32>,
      %mul3A_374 = arith.mulf %gather3A_373, %gather3A_367 : vector<16xf32>
      %add3A_375 = arith.addf %mul3A_345, %mul3A_374 : vector<16xf32>
      %broadcast_in_dim3A_376 = arith.constant 3 : i32
      %broadcast_in_dim3A_377 = vector.broadcast %broadcast_in_dim3A_376 : i32 to vector<16x1xi32>
      %gather3A_378 = vector.shape_cast %broadcast_in_dim3A_377 : vector<16x1xi32> to vector<16xi32>
      %gather3A_379 = tpu.dynamic_gather %get3A_331[%gather3A_378] in [0] : vector<16xi32>, vector<16xi32> -> vector<16xi32>
      %broadcast_in_dim3A_380 = arith.constant 3 : i32
      %broadcast_in_dim3A_381 = vector.broadcast %broadcast_in_dim3A_380 : i32 to vector<16x1xi32>
      %gather3A_382 = vector.shape_cast %broadcast_in_dim3A_381 : vector<16x1xi32> to vector<16xi32>
      %gather3A_383 = tpu.dynamic_gather %get3A_333[%gather3A_382] in [0] : vector<16xf32>, vector<16xi32> -> vector<16xf32>
      %add3A_384 = arith.addi %gather3A_379, %add3A_37 : vector<16xi32>
      %gather3A_385 = tpu.vector_load_idx %arg6[%add3A_384] : memref<49152xf32, #tpu.memory_space<vmem>>[vector<16xi32>], vector<16xf32>,
      %mul3A_386 = arith.mulf %gather3A_385, %gather3A_383 : vector<16xf32>
      %add3A_387 = arith.addf %mul3A_356, %mul3A_386 : vector<16xf32>
      %add3A_388 = arith.addi %gather3A_379, %add3A_40 : vector<16xi32>
      %gather3A_389 = tpu.vector_load_idx %arg6[%add3A_388] : memref<49152xf32, #tpu.memory_space<vmem>>[vector<16xi32>], vector<16xf32>,
      %mul3A_390 = arith.mulf %gather3A_389, %gather3A_383 : vector<16xf32>
      %add3A_391 = arith.addf %mul3A_359, %mul3A_390 : vector<16xf32>
      %broadcast_in_dim3A_392 = arith.constant 4 : i32
      %broadcast_in_dim3A_393 = vector.broadcast %broadcast_in_dim3A_392 : i32 to vector<16x1xi32>
      %gather3A_394 = vector.shape_cast %broadcast_in_dim3A_393 : vector<16x1xi32> to vector<16xi32>
      %gather3A_395 = tpu.dynamic_gather %get3A_331[%gather3A_394] in [0] : vector<16xi32>, vector<16xi32> -> vector<16xi32>
      %broadcast_in_dim3A_396 = arith.constant 4 : i32
      %broadcast_in_dim3A_397 = vector.broadcast %broadcast_in_dim3A_396 : i32 to vector<16x1xi32>
      %gather3A_398 = vector.shape_cast %broadcast_in_dim3A_397 : vector<16x1xi32> to vector<16xi32>
      %gather3A_399 = tpu.dynamic_gather %get3A_333[%gather3A_398] in [0] : vector<16xf32>, vector<16xi32> -> vector<16xf32>
      %add3A_400 = arith.addi %gather3A_395, %add3A_37 : vector<16xi32>
      %gather3A_401 = tpu.vector_load_idx %arg6[%add3A_400] : memref<49152xf32, #tpu.memory_space<vmem>>[vector<16xi32>], vector<16xf32>,
      %mul3A_402 = arith.mulf %gather3A_401, %gather3A_399 : vector<16xf32>
      %add3A_403 = arith.addf %add3A_371, %mul3A_402 : vector<16xf32>
      %add3A_404 = arith.addi %gather3A_395, %add3A_40 : vector<16xi32>
      %gather3A_405 = tpu.vector_load_idx %arg6[%add3A_404] : memref<49152xf32, #tpu.memory_space<vmem>>[vector<16xi32>], vector<16xf32>,
      %mul3A_406 = arith.mulf %gather3A_405, %gather3A_399 : vector<16xf32>
      %add3A_407 = arith.addf %add3A_375, %mul3A_406 : vector<16xf32>
      %broadcast_in_dim3A_408 = arith.constant 5 : i32
      %broadcast_in_dim3A_409 = vector.broadcast %broadcast_in_dim3A_408 : i32 to vector<16x1xi32>
      %gather3A_410 = vector.shape_cast %broadcast_in_dim3A_409 : vector<16x1xi32> to vector<16xi32>
      %gather3A_411 = tpu.dynamic_gather %get3A_331[%gather3A_410] in [0] : vector<16xi32>, vector<16xi32> -> vector<16xi32>
      %broadcast_in_dim3A_412 = arith.constant 5 : i32
      %broadcast_in_dim3A_413 = vector.broadcast %broadcast_in_dim3A_412 : i32 to vector<16x1xi32>
      %gather3A_414 = vector.shape_cast %broadcast_in_dim3A_413 : vector<16x1xi32> to vector<16xi32>
      %gather3A_415 = tpu.dynamic_gather %get3A_333[%gather3A_414] in [0] : vector<16xf32>, vector<16xi32> -> vector<16xf32>
      %add3A_416 = arith.addi %gather3A_411, %add3A_37 : vector<16xi32>
      %gather3A_417 = tpu.vector_load_idx %arg6[%add3A_416] : memref<49152xf32, #tpu.memory_space<vmem>>[vector<16xi32>], vector<16xf32>,
      %mul3A_418 = arith.mulf %gather3A_417, %gather3A_415 : vector<16xf32>
      %add3A_419 = arith.addf %add3A_387, %mul3A_418 : vector<16xf32>
      %add3A_420 = arith.addi %gather3A_411, %add3A_40 : vector<16xi32>
      %gather3A_421 = tpu.vector_load_idx %arg6[%add3A_420] : memref<49152xf32, #tpu.memory_space<vmem>>[vector<16xi32>], vector<16xf32>,
      %mul3A_422 = arith.mulf %gather3A_421, %gather3A_415 : vector<16xf32>
      %add3A_423 = arith.addf %add3A_391, %mul3A_422 : vector<16xf32>
      %broadcast_in_dim3A_424 = arith.constant 6 : i32
      %broadcast_in_dim3A_425 = vector.broadcast %broadcast_in_dim3A_424 : i32 to vector<16x1xi32>
      %gather3A_426 = vector.shape_cast %broadcast_in_dim3A_425 : vector<16x1xi32> to vector<16xi32>
      %gather3A_427 = tpu.dynamic_gather %get3A_331[%gather3A_426] in [0] : vector<16xi32>, vector<16xi32> -> vector<16xi32>
      %broadcast_in_dim3A_428 = arith.constant 6 : i32
      %broadcast_in_dim3A_429 = vector.broadcast %broadcast_in_dim3A_428 : i32 to vector<16x1xi32>
      %gather3A_430 = vector.shape_cast %broadcast_in_dim3A_429 : vector<16x1xi32> to vector<16xi32>
      %gather3A_431 = tpu.dynamic_gather %get3A_333[%gather3A_430] in [0] : vector<16xf32>, vector<16xi32> -> vector<16xf32>
      %add3A_432 = arith.addi %gather3A_427, %add3A_37 : vector<16xi32>
      %gather3A_433 = tpu.vector_load_idx %arg6[%add3A_432] : memref<49152xf32, #tpu.memory_space<vmem>>[vector<16xi32>], vector<16xf32>,
      %mul3A_434 = arith.mulf %gather3A_433, %gather3A_431 : vector<16xf32>
      %add3A_435 = arith.addf %add3A_403, %mul3A_434 : vector<16xf32>
      %add3A_436 = arith.addi %gather3A_427, %add3A_40 : vector<16xi32>
      %gather3A_437 = tpu.vector_load_idx %arg6[%add3A_436] : memref<49152xf32, #tpu.memory_space<vmem>>[vector<16xi32>], vector<16xf32>,
      %mul3A_438 = arith.mulf %gather3A_437, %gather3A_431 : vector<16xf32>
      %add3A_439 = arith.addf %add3A_407, %mul3A_438 : vector<16xf32>
      %broadcast_in_dim3A_440 = arith.constant 7 : i32
      %broadcast_in_dim3A_441 = vector.broadcast %broadcast_in_dim3A_440 : i32 to vector<16x1xi32>
      %gather3A_442 = vector.shape_cast %broadcast_in_dim3A_441 : vector<16x1xi32> to vector<16xi32>
      %gather3A_443 = tpu.dynamic_gather %get3A_331[%gather3A_442] in [0] : vector<16xi32>, vector<16xi32> -> vector<16xi32>
      %broadcast_in_dim3A_444 = arith.constant 7 : i32
      %broadcast_in_dim3A_445 = vector.broadcast %broadcast_in_dim3A_444 : i32 to vector<16x1xi32>
      %gather3A_446 = vector.shape_cast %broadcast_in_dim3A_445 : vector<16x1xi32> to vector<16xi32>
      %gather3A_447 = tpu.dynamic_gather %get3A_333[%gather3A_446] in [0] : vector<16xf32>, vector<16xi32> -> vector<16xf32>
      %add3A_448 = arith.addi %gather3A_443, %add3A_37 : vector<16xi32>
      %gather3A_449 = tpu.vector_load_idx %arg6[%add3A_448] : memref<49152xf32, #tpu.memory_space<vmem>>[vector<16xi32>], vector<16xf32>,
      %mul3A_450 = arith.mulf %gather3A_449, %gather3A_447 : vector<16xf32>
      %add3A_451 = arith.addf %add3A_419, %mul3A_450 : vector<16xf32>
      %add3A_452 = arith.addi %gather3A_443, %add3A_40 : vector<16xi32>
      %gather3A_453 = tpu.vector_load_idx %arg6[%add3A_452] : memref<49152xf32, #tpu.memory_space<vmem>>[vector<16xi32>], vector<16xf32>,
      %mul3A_454 = arith.mulf %gather3A_453, %gather3A_447 : vector<16xf32>
      %add3A_455 = arith.addf %add3A_423, %mul3A_454 : vector<16xf32>
      %broadcast_in_dim3A_456 = arith.constant 8 : i32
      %broadcast_in_dim3A_457 = vector.broadcast %broadcast_in_dim3A_456 : i32 to vector<16x1xi32>
      %gather3A_458 = vector.shape_cast %broadcast_in_dim3A_457 : vector<16x1xi32> to vector<16xi32>
      %gather3A_459 = tpu.dynamic_gather %get3A_331[%gather3A_458] in [0] : vector<16xi32>, vector<16xi32> -> vector<16xi32>
      %broadcast_in_dim3A_460 = arith.constant 8 : i32
      %broadcast_in_dim3A_461 = vector.broadcast %broadcast_in_dim3A_460 : i32 to vector<16x1xi32>
      %gather3A_462 = vector.shape_cast %broadcast_in_dim3A_461 : vector<16x1xi32> to vector<16xi32>
      %gather3A_463 = tpu.dynamic_gather %get3A_333[%gather3A_462] in [0] : vector<16xf32>, vector<16xi32> -> vector<16xf32>
      %add3A_464 = arith.addi %gather3A_459, %add3A_37 : vector<16xi32>
      %gather3A_465 = tpu.vector_load_idx %arg6[%add3A_464] : memref<49152xf32, #tpu.memory_space<vmem>>[vector<16xi32>], vector<16xf32>,
      %mul3A_466 = arith.mulf %gather3A_465, %gather3A_463 : vector<16xf32>
      %add3A_467 = arith.addf %add3A_435, %mul3A_466 : vector<16xf32>
      %add3A_468 = arith.addi %gather3A_459, %add3A_40 : vector<16xi32>
      %gather3A_469 = tpu.vector_load_idx %arg6[%add3A_468] : memref<49152xf32, #tpu.memory_space<vmem>>[vector<16xi32>], vector<16xf32>,
      %mul3A_470 = arith.mulf %gather3A_469, %gather3A_463 : vector<16xf32>
      %add3A_471 = arith.addf %add3A_439, %mul3A_470 : vector<16xf32>
      %broadcast_in_dim3A_472 = arith.constant 9 : i32
      %broadcast_in_dim3A_473 = vector.broadcast %broadcast_in_dim3A_472 : i32 to vector<16x1xi32>
      %gather3A_474 = vector.shape_cast %broadcast_in_dim3A_473 : vector<16x1xi32> to vector<16xi32>
      %gather3A_475 = tpu.dynamic_gather %get3A_331[%gather3A_474] in [0] : vector<16xi32>, vector<16xi32> -> vector<16xi32>
      %broadcast_in_dim3A_476 = arith.constant 9 : i32
      %broadcast_in_dim3A_477 = vector.broadcast %broadcast_in_dim3A_476 : i32 to vector<16x1xi32>
      %gather3A_478 = vector.shape_cast %broadcast_in_dim3A_477 : vector<16x1xi32> to vector<16xi32>
      %gather3A_479 = tpu.dynamic_gather %get3A_333[%gather3A_478] in [0] : vector<16xf32>, vector<16xi32> -> vector<16xf32>
      %add3A_480 = arith.addi %gather3A_475, %add3A_37 : vector<16xi32>
      %gather3A_481 = tpu.vector_load_idx %arg6[%add3A_480] : memref<49152xf32, #tpu.memory_space<vmem>>[vector<16xi32>], vector<16xf32>,
      %mul3A_482 = arith.mulf %gather3A_481, %gather3A_479 : vector<16xf32>
      %add3A_483 = arith.addf %add3A_451, %mul3A_482 : vector<16xf32>
      %add3A_484 = arith.addi %gather3A_475, %add3A_40 : vector<16xi32>
      %gather3A_485 = tpu.vector_load_idx %arg6[%add3A_484] : memref<49152xf32, #tpu.memory_space<vmem>>[vector<16xi32>], vector<16xf32>,
      %mul3A_486 = arith.mulf %gather3A_485, %gather3A_479 : vector<16xf32>
      %add3A_487 = arith.addf %add3A_455, %mul3A_486 : vector<16xf32>
      %broadcast_in_dim3A_488 = arith.constant 10 : i32
      %broadcast_in_dim3A_489 = vector.broadcast %broadcast_in_dim3A_488 : i32 to vector<16x1xi32>
      %gather3A_490 = vector.shape_cast %broadcast_in_dim3A_489 : vector<16x1xi32> to vector<16xi32>
      %gather3A_491 = tpu.dynamic_gather %get3A_331[%gather3A_490] in [0] : vector<16xi32>, vector<16xi32> -> vector<16xi32>
      %broadcast_in_dim3A_492 = arith.constant 10 : i32
      %broadcast_in_dim3A_493 = vector.broadcast %broadcast_in_dim3A_492 : i32 to vector<16x1xi32>
      %gather3A_494 = vector.shape_cast %broadcast_in_dim3A_493 : vector<16x1xi32> to vector<16xi32>
      %gather3A_495 = tpu.dynamic_gather %get3A_333[%gather3A_494] in [0] : vector<16xf32>, vector<16xi32> -> vector<16xf32>
      %add3A_496 = arith.addi %gather3A_491, %add3A_37 : vector<16xi32>
      %gather3A_497 = tpu.vector_load_idx %arg6[%add3A_496] : memref<49152xf32, #tpu.memory_space<vmem>>[vector<16xi32>], vector<16xf32>,
      %mul3A_498 = arith.mulf %gather3A_497, %gather3A_495 : vector<16xf32>
      %add3A_499 = arith.addf %add3A_467, %mul3A_498 : vector<16xf32>
      %add3A_500 = arith.addi %gather3A_491, %add3A_40 : vector<16xi32>
      %gather3A_501 = tpu.vector_load_idx %arg6[%add3A_500] : memref<49152xf32, #tpu.memory_space<vmem>>[vector<16xi32>], vector<16xf32>,
      %mul3A_502 = arith.mulf %gather3A_501, %gather3A_495 : vector<16xf32>
      %add3A_503 = arith.addf %add3A_471, %mul3A_502 : vector<16xf32>
      %broadcast_in_dim3A_504 = arith.constant 11 : i32
      %broadcast_in_dim3A_505 = vector.broadcast %broadcast_in_dim3A_504 : i32 to vector<16x1xi32>
      %gather3A_506 = vector.shape_cast %broadcast_in_dim3A_505 : vector<16x1xi32> to vector<16xi32>
      %gather3A_507 = tpu.dynamic_gather %get3A_331[%gather3A_506] in [0] : vector<16xi32>, vector<16xi32> -> vector<16xi32>
      %broadcast_in_dim3A_508 = arith.constant 11 : i32
      %broadcast_in_dim3A_509 = vector.broadcast %broadcast_in_dim3A_508 : i32 to vector<16x1xi32>
      %gather3A_510 = vector.shape_cast %broadcast_in_dim3A_509 : vector<16x1xi32> to vector<16xi32>
      %gather3A_511 = tpu.dynamic_gather %get3A_333[%gather3A_510] in [0] : vector<16xf32>, vector<16xi32> -> vector<16xf32>
      %add3A_512 = arith.addi %gather3A_507, %add3A_37 : vector<16xi32>
      %gather3A_513 = tpu.vector_load_idx %arg6[%add3A_512] : memref<49152xf32, #tpu.memory_space<vmem>>[vector<16xi32>], vector<16xf32>,
      %mul3A_514 = arith.mulf %gather3A_513, %gather3A_511 : vector<16xf32>
      %add3A_515 = arith.addf %add3A_483, %mul3A_514 : vector<16xf32>
      %add3A_516 = arith.addi %gather3A_507, %add3A_40 : vector<16xi32>
      %gather3A_517 = tpu.vector_load_idx %arg6[%add3A_516] : memref<49152xf32, #tpu.memory_space<vmem>>[vector<16xi32>], vector<16xf32>,
      %mul3A_518 = arith.mulf %gather3A_517, %gather3A_511 : vector<16xf32>
      %add3A_519 = arith.addf %add3A_487, %mul3A_518 : vector<16xf32>
      %broadcast_in_dim3A_520 = arith.constant 12 : i32
      %broadcast_in_dim3A_521 = vector.broadcast %broadcast_in_dim3A_520 : i32 to vector<16x1xi32>
      %gather3A_522 = vector.shape_cast %broadcast_in_dim3A_521 : vector<16x1xi32> to vector<16xi32>
      %gather3A_523 = tpu.dynamic_gather %get3A_331[%gather3A_522] in [0] : vector<16xi32>, vector<16xi32> -> vector<16xi32>
      %broadcast_in_dim3A_524 = arith.constant 12 : i32
      %broadcast_in_dim3A_525 = vector.broadcast %broadcast_in_dim3A_524 : i32 to vector<16x1xi32>
      %gather3A_526 = vector.shape_cast %broadcast_in_dim3A_525 : vector<16x1xi32> to vector<16xi32>
      %gather3A_527 = tpu.dynamic_gather %get3A_333[%gather3A_526] in [0] : vector<16xf32>, vector<16xi32> -> vector<16xf32>
      %add3A_528 = arith.addi %gather3A_523, %add3A_37 : vector<16xi32>
      %gather3A_529 = tpu.vector_load_idx %arg6[%add3A_528] : memref<49152xf32, #tpu.memory_space<vmem>>[vector<16xi32>], vector<16xf32>,
      %mul3A_530 = arith.mulf %gather3A_529, %gather3A_527 : vector<16xf32>
      %add3A_531 = arith.addf %add3A_499, %mul3A_530 : vector<16xf32>
      %add3A_532 = arith.addi %gather3A_523, %add3A_40 : vector<16xi32>
      %gather3A_533 = tpu.vector_load_idx %arg6[%add3A_532] : memref<49152xf32, #tpu.memory_space<vmem>>[vector<16xi32>], vector<16xf32>,
      %mul3A_534 = arith.mulf %gather3A_533, %gather3A_527 : vector<16xf32>
      %add3A_535 = arith.addf %add3A_503, %mul3A_534 : vector<16xf32>
      %broadcast_in_dim3A_536 = arith.constant 13 : i32
      %broadcast_in_dim3A_537 = vector.broadcast %broadcast_in_dim3A_536 : i32 to vector<16x1xi32>
      %gather3A_538 = vector.shape_cast %broadcast_in_dim3A_537 : vector<16x1xi32> to vector<16xi32>
      %gather3A_539 = tpu.dynamic_gather %get3A_331[%gather3A_538] in [0] : vector<16xi32>, vector<16xi32> -> vector<16xi32>
      %broadcast_in_dim3A_540 = arith.constant 13 : i32
      %broadcast_in_dim3A_541 = vector.broadcast %broadcast_in_dim3A_540 : i32 to vector<16x1xi32>
      %gather3A_542 = vector.shape_cast %broadcast_in_dim3A_541 : vector<16x1xi32> to vector<16xi32>
      %gather3A_543 = tpu.dynamic_gather %get3A_333[%gather3A_542] in [0] : vector<16xf32>, vector<16xi32> -> vector<16xf32>
      %add3A_544 = arith.addi %gather3A_539, %add3A_37 : vector<16xi32>
      %gather3A_545 = tpu.vector_load_idx %arg6[%add3A_544] : memref<49152xf32, #tpu.memory_space<vmem>>[vector<16xi32>], vector<16xf32>,
      %mul3A_546 = arith.mulf %gather3A_545, %gather3A_543 : vector<16xf32>
      %add3A_547 = arith.addf %add3A_515, %mul3A_546 : vector<16xf32>
      %add3A_548 = arith.addi %gather3A_539, %add3A_40 : vector<16xi32>
      %gather3A_549 = tpu.vector_load_idx %arg6[%add3A_548] : memref<49152xf32, #tpu.memory_space<vmem>>[vector<16xi32>], vector<16xf32>,
      %mul3A_550 = arith.mulf %gather3A_549, %gather3A_543 : vector<16xf32>
      %add3A_551 = arith.addf %add3A_519, %mul3A_550 : vector<16xf32>
      %broadcast_in_dim3A_552 = arith.constant 14 : i32
      %broadcast_in_dim3A_553 = vector.broadcast %broadcast_in_dim3A_552 : i32 to vector<16x1xi32>
      %gather3A_554 = vector.shape_cast %broadcast_in_dim3A_553 : vector<16x1xi32> to vector<16xi32>
      %gather3A_555 = tpu.dynamic_gather %get3A_331[%gather3A_554] in [0] : vector<16xi32>, vector<16xi32> -> vector<16xi32>
      %broadcast_in_dim3A_556 = arith.constant 14 : i32
      %broadcast_in_dim3A_557 = vector.broadcast %broadcast_in_dim3A_556 : i32 to vector<16x1xi32>
      %gather3A_558 = vector.shape_cast %broadcast_in_dim3A_557 : vector<16x1xi32> to vector<16xi32>
      %gather3A_559 = tpu.dynamic_gather %get3A_333[%gather3A_558] in [0] : vector<16xf32>, vector<16xi32> -> vector<16xf32>
      %add3A_560 = arith.addi %gather3A_555, %add3A_37 : vector<16xi32>
      %gather3A_561 = tpu.vector_load_idx %arg6[%add3A_560] : memref<49152xf32, #tpu.memory_space<vmem>>[vector<16xi32>], vector<16xf32>,
      %mul3A_562 = arith.mulf %gather3A_561, %gather3A_559 : vector<16xf32>
      %add3A_563 = arith.addf %add3A_531, %mul3A_562 : vector<16xf32>
      %add3A_564 = arith.addi %gather3A_555, %add3A_40 : vector<16xi32>
      %gather3A_565 = tpu.vector_load_idx %arg6[%add3A_564] : memref<49152xf32, #tpu.memory_space<vmem>>[vector<16xi32>], vector<16xf32>,
      %mul3A_566 = arith.mulf %gather3A_565, %gather3A_559 : vector<16xf32>
      %add3A_567 = arith.addf %add3A_535, %mul3A_566 : vector<16xf32>
      %broadcast_in_dim3A_568 = arith.constant 15 : i32
      %broadcast_in_dim3A_569 = vector.broadcast %broadcast_in_dim3A_568 : i32 to vector<16x1xi32>
      %gather3A_570 = vector.shape_cast %broadcast_in_dim3A_569 : vector<16x1xi32> to vector<16xi32>
      %gather3A_571 = tpu.dynamic_gather %get3A_331[%gather3A_570] in [0] : vector<16xi32>, vector<16xi32> -> vector<16xi32>
      %broadcast_in_dim3A_572 = arith.constant 15 : i32
      %broadcast_in_dim3A_573 = vector.broadcast %broadcast_in_dim3A_572 : i32 to vector<16x1xi32>
      %gather3A_574 = vector.shape_cast %broadcast_in_dim3A_573 : vector<16x1xi32> to vector<16xi32>
      %gather3A_575 = tpu.dynamic_gather %get3A_333[%gather3A_574] in [0] : vector<16xf32>, vector<16xi32> -> vector<16xf32>
      %add3A_576 = arith.addi %gather3A_571, %add3A_37 : vector<16xi32>
      %gather3A_577 = tpu.vector_load_idx %arg6[%add3A_576] : memref<49152xf32, #tpu.memory_space<vmem>>[vector<16xi32>], vector<16xf32>,
      %mul3A_578 = arith.mulf %gather3A_577, %gather3A_575 : vector<16xf32>
      %add3A_579 = arith.addf %add3A_547, %mul3A_578 : vector<16xf32>
      %add3A_580 = arith.addi %gather3A_571, %add3A_40 : vector<16xi32>
      %gather3A_581 = tpu.vector_load_idx %arg6[%add3A_580] : memref<49152xf32, #tpu.memory_space<vmem>>[vector<16xi32>], vector<16xf32>,
      %mul3A_582 = arith.mulf %gather3A_581, %gather3A_575 : vector<16xf32>
      %add3A_583 = arith.addf %add3A_551, %mul3A_582 : vector<16xf32>
      %add3A_584 = arith.constant 512 : i32
      %add3A_585 = arith.addi %add3A_584, %add3A_326 : i32
      %mul3A_586 = arith.constant 32 : i32
      %mul3A_587 = arith.muli %add3A_585, %mul3A_586 : i32
      %add3A_588 = arith.addf %add3A_563, %add3A_579 : vector<16xf32>
      %mul3A_589 = arith.constant 2.000000e+00 : f32
      %mul3A_590 = vector.broadcast %mul3A_589 : f32 to vector<16xf32>
      %mul3A_591 = arith.mulf %add3A_588, %mul3A_590 : vector<16xf32>
      %exp3A = math.exp %mul3A_591 : vector<16xf32>
      %add3A_592 = arith.constant 1.000000e+00 : f32
      %add3A_593 = vector.broadcast %add3A_592 : f32 to vector<16xf32>
      %add3A_594 = arith.addf %exp3A, %add3A_593 : vector<16xf32>
      %div3A = arith.constant 2.000000e+00 : f32
      %div3A_595 = vector.broadcast %div3A : f32 to vector<16xf32>
      %div3A_596 = arith.divf %div3A_595, %add3A_594 : vector<16xf32>
      %sub3A = arith.constant 1.000000e+00 : f32
      %sub3A_597 = vector.broadcast %sub3A : f32 to vector<16xf32>
      %sub3A_598 = arith.subf %sub3A_597, %div3A_596 : vector<16xf32>
      %add3A_599 = arith.constant 0 : i32
      %add3A_600 = arith.addi %mul3A_587, %add3A_599 : i32
      %swap3A = arith.index_cast %add3A_600 : i32 to index
      %swap3A_601 = tpu.vector_load %arg6[%swap3A] {strides = array<i32>} : memref<49152xf32, #tpu.memory_space<vmem>>, vector<16xf32>,
      tpu.vector_store %arg6[%swap3A], %sub3A_598 {strides = array<i32>} : memref<49152xf32, #tpu.memory_space<vmem>>, vector<16xf32>,
      %add3A_602 = arith.addf %add3A_567, %add3A_583 : vector<16xf32>
      %mul3A_603 = arith.constant 2.000000e+00 : f32
      %mul3A_604 = vector.broadcast %mul3A_603 : f32 to vector<16xf32>
      %mul3A_605 = arith.mulf %add3A_602, %mul3A_604 : vector<16xf32>
      %exp3A_606 = math.exp %mul3A_605 : vector<16xf32>
      %add3A_607 = arith.constant 1.000000e+00 : f32
      %add3A_608 = vector.broadcast %add3A_607 : f32 to vector<16xf32>
      %add3A_609 = arith.addf %exp3A_606, %add3A_608 : vector<16xf32>
      %div3A_610 = arith.constant 2.000000e+00 : f32
      %div3A_611 = vector.broadcast %div3A_610 : f32 to vector<16xf32>
      %div3A_612 = arith.divf %div3A_611, %add3A_609 : vector<16xf32>
      %sub3A_613 = arith.constant 1.000000e+00 : f32
      %sub3A_614 = vector.broadcast %sub3A_613 : f32 to vector<16xf32>
      %sub3A_615 = arith.subf %sub3A_614, %div3A_612 : vector<16xf32>
      %add3A_616 = arith.constant 16 : i32
      %add3A_617 = arith.addi %mul3A_587, %add3A_616 : i32
      %swap3A_618 = arith.index_cast %add3A_617 : i32 to index
      %swap3A_619 = tpu.vector_load %arg6[%swap3A_618] {strides = array<i32>} : memref<49152xf32, #tpu.memory_space<vmem>>, vector<16xf32>,
      tpu.vector_store %arg6[%swap3A_618], %sub3A_615 {strides = array<i32>} : memref<49152xf32, #tpu.memory_space<vmem>>, vector<16xf32>,
    }
    %scan3A_261 = arith.constant 128 : i32
    %dma_wait3A_262 = arith.constant 0 : i32
    %dma_wait3A_263 = tpu.memref_slice %arg7[%dma_wait3A_262] : memref<4096xi32, #tpu.memory_space<vmem>> -> memref<2048xi32, #tpu.memory_space<vmem>>
    %dma_wait3A_264 = arith.constant 12288 : i32
    %dma_wait3A_265 = tpu.memref_slice %arg3[%dma_wait3A_264] : memref<16384xi32, #tpu.memory_space<hbm>> -> memref<2048xi32, #tpu.memory_space<hbm>>
    %dma_wait3A_266 = arith.constant 0 : i32
    %dma_wait3A_267 = tpu.memref_slice %arg7[%dma_wait3A_266] : memref<4096xi32, #tpu.memory_space<vmem>> -> memref<2048xi32, #tpu.memory_space<vmem>>
    %dma_wait3A_268 = arith.constant 12288 : i32
    %dma_wait3A_269 = tpu.memref_slice %arg3[%dma_wait3A_268] : memref<16384xi32, #tpu.memory_space<hbm>> -> memref<2048xi32, #tpu.memory_space<hbm>>
    tpu.wait_dma2 semaphore(%arg10 : memref<!tpu.dma_semaphore, #tpu.memory_space<semaphore_mem>>) src(%dma_wait3A_269 : memref<2048xi32, #tpu.memory_space<hbm>>) dst(%dma_wait3A_267 : memref<2048xi32, #tpu.memory_space<vmem>>)
    %dma_wait3A_270 = arith.constant 0 : i32
    %dma_wait3A_271 = tpu.memref_slice %arg8[%dma_wait3A_270] : memref<4096xf32, #tpu.memory_space<vmem>> -> memref<2048xf32, #tpu.memory_space<vmem>>
    %dma_wait3A_272 = arith.constant 12288 : i32
    %dma_wait3A_273 = tpu.memref_slice %arg4[%dma_wait3A_272] : memref<16384xf32, #tpu.memory_space<hbm>> -> memref<2048xf32, #tpu.memory_space<hbm>>
    %dma_wait3A_274 = arith.constant 0 : i32
    %dma_wait3A_275 = tpu.memref_slice %arg8[%dma_wait3A_274] : memref<4096xf32, #tpu.memory_space<vmem>> -> memref<2048xf32, #tpu.memory_space<vmem>>
    %dma_wait3A_276 = arith.constant 12288 : i32
    %dma_wait3A_277 = tpu.memref_slice %arg4[%dma_wait3A_276] : memref<16384xf32, #tpu.memory_space<hbm>> -> memref<2048xf32, #tpu.memory_space<hbm>>
    tpu.wait_dma2 semaphore(%arg11 : memref<!tpu.dma_semaphore, #tpu.memory_space<semaphore_mem>>) src(%dma_wait3A_277 : memref<2048xf32, #tpu.memory_space<hbm>>) dst(%dma_wait3A_275 : memref<2048xf32, #tpu.memory_space<vmem>>)
    %dma_start3A_278 = arith.constant 2048 : i32
    %dma_start3A_279 = tpu.memref_slice %arg7[%dma_start3A_278] : memref<4096xi32, #tpu.memory_space<vmem>> -> memref<2048xi32, #tpu.memory_space<vmem>>
    %dma_start3A_280 = arith.constant 14336 : i32
    %dma_start3A_281 = tpu.memref_slice %arg3[%dma_start3A_280] : memref<16384xi32, #tpu.memory_space<hbm>> -> memref<2048xi32, #tpu.memory_space<hbm>>
    %dma_start3A_282 = arith.constant 2048 : i32
    %dma_start3A_283 = tpu.memref_slice %arg7[%dma_start3A_282] : memref<4096xi32, #tpu.memory_space<vmem>> -> memref<2048xi32, #tpu.memory_space<vmem>>
    %dma_start3A_284 = arith.constant 14336 : i32
    %dma_start3A_285 = tpu.memref_slice %arg3[%dma_start3A_284] : memref<16384xi32, #tpu.memory_space<hbm>> -> memref<2048xi32, #tpu.memory_space<hbm>>
    tpu.enqueue_dma source(%dma_start3A_285 : memref<2048xi32, #tpu.memory_space<hbm>>) target(%dma_start3A_283 : memref<2048xi32, #tpu.memory_space<vmem>>) target_semaphore(%arg10 : memref<!tpu.dma_semaphore, #tpu.memory_space<semaphore_mem>>)
    %dma_start3A_286 = arith.constant 2048 : i32
    %dma_start3A_287 = tpu.memref_slice %arg8[%dma_start3A_286] : memref<4096xf32, #tpu.memory_space<vmem>> -> memref<2048xf32, #tpu.memory_space<vmem>>
    %dma_start3A_288 = arith.constant 14336 : i32
    %dma_start3A_289 = tpu.memref_slice %arg4[%dma_start3A_288] : memref<16384xf32, #tpu.memory_space<hbm>> -> memref<2048xf32, #tpu.memory_space<hbm>>
    %dma_start3A_290 = arith.constant 2048 : i32
    %dma_start3A_291 = tpu.memref_slice %arg8[%dma_start3A_290] : memref<4096xf32, #tpu.memory_space<vmem>> -> memref<2048xf32, #tpu.memory_space<vmem>>
    %dma_start3A_292 = arith.constant 14336 : i32
    %dma_start3A_293 = tpu.memref_slice %arg4[%dma_start3A_292] : memref<16384xf32, #tpu.memory_space<hbm>> -> memref<2048xf32, #tpu.memory_space<hbm>>
    tpu.enqueue_dma source(%dma_start3A_293 : memref<2048xf32, #tpu.memory_space<hbm>>) target(%dma_start3A_291 : memref<2048xf32, #tpu.memory_space<vmem>>) target_semaphore(%arg11 : memref<!tpu.dma_semaphore, #tpu.memory_space<semaphore_mem>>)
    %scan3A_294 = arith.constant 0 : i32
    %scan3A_295 = arith.constant 128 : i32
    %scan3A_296 = arith.addi %scan3A_294, %scan3A_295 : i32
    %scan3A_297 = arith.constant 1 : i32
    scf.for %scan3A_320 = %scan3A_294 to %scan3A_296 step %scan3A_297  : i32 {
      %mul3A_321 = arith.constant 1 : i32
      %mul3A_322 = arith.muli %scan3A_320, %mul3A_321 : i32
      %add3A_323 = arith.constant 0 : i32
      %add3A_324 = arith.addi %add3A_323, %mul3A_322 : i32
      %add3A_325 = arith.constant 768 : i32
      %add3A_326 = arith.addi %add3A_325, %add3A_324 : i32
      %mul3A_327 = arith.constant 16 : i32
      %mul3A_328 = arith.muli %add3A_324, %mul3A_327 : i32
      %add3A_329 = arith.constant 0 : i32
      %add3A_330 = arith.addi %add3A_329, %mul3A_328 : i32
      %get3A = arith.index_cast %add3A_330 : i32 to index
      %get3A_331 = tpu.vector_load %arg7[%get3A] {strides = array<i32>} : memref<4096xi32, #tpu.memory_space<vmem>>, vector<16xi32>,
      %get3A_332 = arith.index_cast %add3A_330 : i32 to index
      %get3A_333 = tpu.vector_load %arg8[%get3A_332] {strides = array<i32>} : memref<4096xf32, #tpu.memory_space<vmem>>, vector<16xf32>,
      %broadcast_in_dim3A = arith.constant 0 : i32
      %broadcast_in_dim3A_334 = vector.broadcast %broadcast_in_dim3A : i32 to vector<16x1xi32>
      %gather3A = vector.shape_cast %broadcast_in_dim3A_334 : vector<16x1xi32> to vector<16xi32>
      %gather3A_335 = tpu.dynamic_gather %get3A_331[%gather3A] in [0] : vector<16xi32>, vector<16xi32> -> vector<16xi32>
      %broadcast_in_dim3A_336 = arith.constant 0 : i32
      %broadcast_in_dim3A_337 = vector.broadcast %broadcast_in_dim3A_336 : i32 to vector<16x1xi32>
      %gather3A_338 = vector.shape_cast %broadcast_in_dim3A_337 : vector<16x1xi32> to vector<16xi32>
      %gather3A_339 = tpu.dynamic_gather %get3A_333[%gather3A_338] in [0] : vector<16xf32>, vector<16xi32> -> vector<16xf32>
      %add3A_340 = arith.addi %gather3A_335, %add3A_37 : vector<16xi32>
      %gather3A_341 = tpu.vector_load_idx %arg6[%add3A_340] : memref<49152xf32, #tpu.memory_space<vmem>>[vector<16xi32>], vector<16xf32>,
      %mul3A_342 = arith.mulf %gather3A_341, %gather3A_339 : vector<16xf32>
      %add3A_343 = arith.addi %gather3A_335, %add3A_40 : vector<16xi32>
      %gather3A_344 = tpu.vector_load_idx %arg6[%add3A_343] : memref<49152xf32, #tpu.memory_space<vmem>>[vector<16xi32>], vector<16xf32>,
      %mul3A_345 = arith.mulf %gather3A_344, %gather3A_339 : vector<16xf32>
      %broadcast_in_dim3A_346 = arith.constant 1 : i32
      %broadcast_in_dim3A_347 = vector.broadcast %broadcast_in_dim3A_346 : i32 to vector<16x1xi32>
      %gather3A_348 = vector.shape_cast %broadcast_in_dim3A_347 : vector<16x1xi32> to vector<16xi32>
      %gather3A_349 = tpu.dynamic_gather %get3A_331[%gather3A_348] in [0] : vector<16xi32>, vector<16xi32> -> vector<16xi32>
      %broadcast_in_dim3A_350 = arith.constant 1 : i32
      %broadcast_in_dim3A_351 = vector.broadcast %broadcast_in_dim3A_350 : i32 to vector<16x1xi32>
      %gather3A_352 = vector.shape_cast %broadcast_in_dim3A_351 : vector<16x1xi32> to vector<16xi32>
      %gather3A_353 = tpu.dynamic_gather %get3A_333[%gather3A_352] in [0] : vector<16xf32>, vector<16xi32> -> vector<16xf32>
      %add3A_354 = arith.addi %gather3A_349, %add3A_37 : vector<16xi32>
      %gather3A_355 = tpu.vector_load_idx %arg6[%add3A_354] : memref<49152xf32, #tpu.memory_space<vmem>>[vector<16xi32>], vector<16xf32>,
      %mul3A_356 = arith.mulf %gather3A_355, %gather3A_353 : vector<16xf32>
      %add3A_357 = arith.addi %gather3A_349, %add3A_40 : vector<16xi32>
      %gather3A_358 = tpu.vector_load_idx %arg6[%add3A_357] : memref<49152xf32, #tpu.memory_space<vmem>>[vector<16xi32>], vector<16xf32>,
      %mul3A_359 = arith.mulf %gather3A_358, %gather3A_353 : vector<16xf32>
      %broadcast_in_dim3A_360 = arith.constant 2 : i32
      %broadcast_in_dim3A_361 = vector.broadcast %broadcast_in_dim3A_360 : i32 to vector<16x1xi32>
      %gather3A_362 = vector.shape_cast %broadcast_in_dim3A_361 : vector<16x1xi32> to vector<16xi32>
      %gather3A_363 = tpu.dynamic_gather %get3A_331[%gather3A_362] in [0] : vector<16xi32>, vector<16xi32> -> vector<16xi32>
      %broadcast_in_dim3A_364 = arith.constant 2 : i32
      %broadcast_in_dim3A_365 = vector.broadcast %broadcast_in_dim3A_364 : i32 to vector<16x1xi32>
      %gather3A_366 = vector.shape_cast %broadcast_in_dim3A_365 : vector<16x1xi32> to vector<16xi32>
      %gather3A_367 = tpu.dynamic_gather %get3A_333[%gather3A_366] in [0] : vector<16xf32>, vector<16xi32> -> vector<16xf32>
      %add3A_368 = arith.addi %gather3A_363, %add3A_37 : vector<16xi32>
      %gather3A_369 = tpu.vector_load_idx %arg6[%add3A_368] : memref<49152xf32, #tpu.memory_space<vmem>>[vector<16xi32>], vector<16xf32>,
      %mul3A_370 = arith.mulf %gather3A_369, %gather3A_367 : vector<16xf32>
      %add3A_371 = arith.addf %mul3A_342, %mul3A_370 : vector<16xf32>
      %add3A_372 = arith.addi %gather3A_363, %add3A_40 : vector<16xi32>
      %gather3A_373 = tpu.vector_load_idx %arg6[%add3A_372] : memref<49152xf32, #tpu.memory_space<vmem>>[vector<16xi32>], vector<16xf32>,
      %mul3A_374 = arith.mulf %gather3A_373, %gather3A_367 : vector<16xf32>
      %add3A_375 = arith.addf %mul3A_345, %mul3A_374 : vector<16xf32>
      %broadcast_in_dim3A_376 = arith.constant 3 : i32
      %broadcast_in_dim3A_377 = vector.broadcast %broadcast_in_dim3A_376 : i32 to vector<16x1xi32>
      %gather3A_378 = vector.shape_cast %broadcast_in_dim3A_377 : vector<16x1xi32> to vector<16xi32>
      %gather3A_379 = tpu.dynamic_gather %get3A_331[%gather3A_378] in [0] : vector<16xi32>, vector<16xi32> -> vector<16xi32>
      %broadcast_in_dim3A_380 = arith.constant 3 : i32
      %broadcast_in_dim3A_381 = vector.broadcast %broadcast_in_dim3A_380 : i32 to vector<16x1xi32>
      %gather3A_382 = vector.shape_cast %broadcast_in_dim3A_381 : vector<16x1xi32> to vector<16xi32>
      %gather3A_383 = tpu.dynamic_gather %get3A_333[%gather3A_382] in [0] : vector<16xf32>, vector<16xi32> -> vector<16xf32>
      %add3A_384 = arith.addi %gather3A_379, %add3A_37 : vector<16xi32>
      %gather3A_385 = tpu.vector_load_idx %arg6[%add3A_384] : memref<49152xf32, #tpu.memory_space<vmem>>[vector<16xi32>], vector<16xf32>,
      %mul3A_386 = arith.mulf %gather3A_385, %gather3A_383 : vector<16xf32>
      %add3A_387 = arith.addf %mul3A_356, %mul3A_386 : vector<16xf32>
      %add3A_388 = arith.addi %gather3A_379, %add3A_40 : vector<16xi32>
      %gather3A_389 = tpu.vector_load_idx %arg6[%add3A_388] : memref<49152xf32, #tpu.memory_space<vmem>>[vector<16xi32>], vector<16xf32>,
      %mul3A_390 = arith.mulf %gather3A_389, %gather3A_383 : vector<16xf32>
      %add3A_391 = arith.addf %mul3A_359, %mul3A_390 : vector<16xf32>
      %broadcast_in_dim3A_392 = arith.constant 4 : i32
      %broadcast_in_dim3A_393 = vector.broadcast %broadcast_in_dim3A_392 : i32 to vector<16x1xi32>
      %gather3A_394 = vector.shape_cast %broadcast_in_dim3A_393 : vector<16x1xi32> to vector<16xi32>
      %gather3A_395 = tpu.dynamic_gather %get3A_331[%gather3A_394] in [0] : vector<16xi32>, vector<16xi32> -> vector<16xi32>
      %broadcast_in_dim3A_396 = arith.constant 4 : i32
      %broadcast_in_dim3A_397 = vector.broadcast %broadcast_in_dim3A_396 : i32 to vector<16x1xi32>
      %gather3A_398 = vector.shape_cast %broadcast_in_dim3A_397 : vector<16x1xi32> to vector<16xi32>
      %gather3A_399 = tpu.dynamic_gather %get3A_333[%gather3A_398] in [0] : vector<16xf32>, vector<16xi32> -> vector<16xf32>
      %add3A_400 = arith.addi %gather3A_395, %add3A_37 : vector<16xi32>
      %gather3A_401 = tpu.vector_load_idx %arg6[%add3A_400] : memref<49152xf32, #tpu.memory_space<vmem>>[vector<16xi32>], vector<16xf32>,
      %mul3A_402 = arith.mulf %gather3A_401, %gather3A_399 : vector<16xf32>
      %add3A_403 = arith.addf %add3A_371, %mul3A_402 : vector<16xf32>
      %add3A_404 = arith.addi %gather3A_395, %add3A_40 : vector<16xi32>
      %gather3A_405 = tpu.vector_load_idx %arg6[%add3A_404] : memref<49152xf32, #tpu.memory_space<vmem>>[vector<16xi32>], vector<16xf32>,
      %mul3A_406 = arith.mulf %gather3A_405, %gather3A_399 : vector<16xf32>
      %add3A_407 = arith.addf %add3A_375, %mul3A_406 : vector<16xf32>
      %broadcast_in_dim3A_408 = arith.constant 5 : i32
      %broadcast_in_dim3A_409 = vector.broadcast %broadcast_in_dim3A_408 : i32 to vector<16x1xi32>
      %gather3A_410 = vector.shape_cast %broadcast_in_dim3A_409 : vector<16x1xi32> to vector<16xi32>
      %gather3A_411 = tpu.dynamic_gather %get3A_331[%gather3A_410] in [0] : vector<16xi32>, vector<16xi32> -> vector<16xi32>
      %broadcast_in_dim3A_412 = arith.constant 5 : i32
      %broadcast_in_dim3A_413 = vector.broadcast %broadcast_in_dim3A_412 : i32 to vector<16x1xi32>
      %gather3A_414 = vector.shape_cast %broadcast_in_dim3A_413 : vector<16x1xi32> to vector<16xi32>
      %gather3A_415 = tpu.dynamic_gather %get3A_333[%gather3A_414] in [0] : vector<16xf32>, vector<16xi32> -> vector<16xf32>
      %add3A_416 = arith.addi %gather3A_411, %add3A_37 : vector<16xi32>
      %gather3A_417 = tpu.vector_load_idx %arg6[%add3A_416] : memref<49152xf32, #tpu.memory_space<vmem>>[vector<16xi32>], vector<16xf32>,
      %mul3A_418 = arith.mulf %gather3A_417, %gather3A_415 : vector<16xf32>
      %add3A_419 = arith.addf %add3A_387, %mul3A_418 : vector<16xf32>
      %add3A_420 = arith.addi %gather3A_411, %add3A_40 : vector<16xi32>
      %gather3A_421 = tpu.vector_load_idx %arg6[%add3A_420] : memref<49152xf32, #tpu.memory_space<vmem>>[vector<16xi32>], vector<16xf32>,
      %mul3A_422 = arith.mulf %gather3A_421, %gather3A_415 : vector<16xf32>
      %add3A_423 = arith.addf %add3A_391, %mul3A_422 : vector<16xf32>
      %broadcast_in_dim3A_424 = arith.constant 6 : i32
      %broadcast_in_dim3A_425 = vector.broadcast %broadcast_in_dim3A_424 : i32 to vector<16x1xi32>
      %gather3A_426 = vector.shape_cast %broadcast_in_dim3A_425 : vector<16x1xi32> to vector<16xi32>
      %gather3A_427 = tpu.dynamic_gather %get3A_331[%gather3A_426] in [0] : vector<16xi32>, vector<16xi32> -> vector<16xi32>
      %broadcast_in_dim3A_428 = arith.constant 6 : i32
      %broadcast_in_dim3A_429 = vector.broadcast %broadcast_in_dim3A_428 : i32 to vector<16x1xi32>
      %gather3A_430 = vector.shape_cast %broadcast_in_dim3A_429 : vector<16x1xi32> to vector<16xi32>
      %gather3A_431 = tpu.dynamic_gather %get3A_333[%gather3A_430] in [0] : vector<16xf32>, vector<16xi32> -> vector<16xf32>
      %add3A_432 = arith.addi %gather3A_427, %add3A_37 : vector<16xi32>
      %gather3A_433 = tpu.vector_load_idx %arg6[%add3A_432] : memref<49152xf32, #tpu.memory_space<vmem>>[vector<16xi32>], vector<16xf32>,
      %mul3A_434 = arith.mulf %gather3A_433, %gather3A_431 : vector<16xf32>
      %add3A_435 = arith.addf %add3A_403, %mul3A_434 : vector<16xf32>
      %add3A_436 = arith.addi %gather3A_427, %add3A_40 : vector<16xi32>
      %gather3A_437 = tpu.vector_load_idx %arg6[%add3A_436] : memref<49152xf32, #tpu.memory_space<vmem>>[vector<16xi32>], vector<16xf32>,
      %mul3A_438 = arith.mulf %gather3A_437, %gather3A_431 : vector<16xf32>
      %add3A_439 = arith.addf %add3A_407, %mul3A_438 : vector<16xf32>
      %broadcast_in_dim3A_440 = arith.constant 7 : i32
      %broadcast_in_dim3A_441 = vector.broadcast %broadcast_in_dim3A_440 : i32 to vector<16x1xi32>
      %gather3A_442 = vector.shape_cast %broadcast_in_dim3A_441 : vector<16x1xi32> to vector<16xi32>
      %gather3A_443 = tpu.dynamic_gather %get3A_331[%gather3A_442] in [0] : vector<16xi32>, vector<16xi32> -> vector<16xi32>
      %broadcast_in_dim3A_444 = arith.constant 7 : i32
      %broadcast_in_dim3A_445 = vector.broadcast %broadcast_in_dim3A_444 : i32 to vector<16x1xi32>
      %gather3A_446 = vector.shape_cast %broadcast_in_dim3A_445 : vector<16x1xi32> to vector<16xi32>
      %gather3A_447 = tpu.dynamic_gather %get3A_333[%gather3A_446] in [0] : vector<16xf32>, vector<16xi32> -> vector<16xf32>
      %add3A_448 = arith.addi %gather3A_443, %add3A_37 : vector<16xi32>
      %gather3A_449 = tpu.vector_load_idx %arg6[%add3A_448] : memref<49152xf32, #tpu.memory_space<vmem>>[vector<16xi32>], vector<16xf32>,
      %mul3A_450 = arith.mulf %gather3A_449, %gather3A_447 : vector<16xf32>
      %add3A_451 = arith.addf %add3A_419, %mul3A_450 : vector<16xf32>
      %add3A_452 = arith.addi %gather3A_443, %add3A_40 : vector<16xi32>
      %gather3A_453 = tpu.vector_load_idx %arg6[%add3A_452] : memref<49152xf32, #tpu.memory_space<vmem>>[vector<16xi32>], vector<16xf32>,
      %mul3A_454 = arith.mulf %gather3A_453, %gather3A_447 : vector<16xf32>
      %add3A_455 = arith.addf %add3A_423, %mul3A_454 : vector<16xf32>
      %broadcast_in_dim3A_456 = arith.constant 8 : i32
      %broadcast_in_dim3A_457 = vector.broadcast %broadcast_in_dim3A_456 : i32 to vector<16x1xi32>
      %gather3A_458 = vector.shape_cast %broadcast_in_dim3A_457 : vector<16x1xi32> to vector<16xi32>
      %gather3A_459 = tpu.dynamic_gather %get3A_331[%gather3A_458] in [0] : vector<16xi32>, vector<16xi32> -> vector<16xi32>
      %broadcast_in_dim3A_460 = arith.constant 8 : i32
      %broadcast_in_dim3A_461 = vector.broadcast %broadcast_in_dim3A_460 : i32 to vector<16x1xi32>
      %gather3A_462 = vector.shape_cast %broadcast_in_dim3A_461 : vector<16x1xi32> to vector<16xi32>
      %gather3A_463 = tpu.dynamic_gather %get3A_333[%gather3A_462] in [0] : vector<16xf32>, vector<16xi32> -> vector<16xf32>
      %add3A_464 = arith.addi %gather3A_459, %add3A_37 : vector<16xi32>
      %gather3A_465 = tpu.vector_load_idx %arg6[%add3A_464] : memref<49152xf32, #tpu.memory_space<vmem>>[vector<16xi32>], vector<16xf32>,
      %mul3A_466 = arith.mulf %gather3A_465, %gather3A_463 : vector<16xf32>
      %add3A_467 = arith.addf %add3A_435, %mul3A_466 : vector<16xf32>
      %add3A_468 = arith.addi %gather3A_459, %add3A_40 : vector<16xi32>
      %gather3A_469 = tpu.vector_load_idx %arg6[%add3A_468] : memref<49152xf32, #tpu.memory_space<vmem>>[vector<16xi32>], vector<16xf32>,
      %mul3A_470 = arith.mulf %gather3A_469, %gather3A_463 : vector<16xf32>
      %add3A_471 = arith.addf %add3A_439, %mul3A_470 : vector<16xf32>
      %broadcast_in_dim3A_472 = arith.constant 9 : i32
      %broadcast_in_dim3A_473 = vector.broadcast %broadcast_in_dim3A_472 : i32 to vector<16x1xi32>
      %gather3A_474 = vector.shape_cast %broadcast_in_dim3A_473 : vector<16x1xi32> to vector<16xi32>
      %gather3A_475 = tpu.dynamic_gather %get3A_331[%gather3A_474] in [0] : vector<16xi32>, vector<16xi32> -> vector<16xi32>
      %broadcast_in_dim3A_476 = arith.constant 9 : i32
      %broadcast_in_dim3A_477 = vector.broadcast %broadcast_in_dim3A_476 : i32 to vector<16x1xi32>
      %gather3A_478 = vector.shape_cast %broadcast_in_dim3A_477 : vector<16x1xi32> to vector<16xi32>
      %gather3A_479 = tpu.dynamic_gather %get3A_333[%gather3A_478] in [0] : vector<16xf32>, vector<16xi32> -> vector<16xf32>
      %add3A_480 = arith.addi %gather3A_475, %add3A_37 : vector<16xi32>
      %gather3A_481 = tpu.vector_load_idx %arg6[%add3A_480] : memref<49152xf32, #tpu.memory_space<vmem>>[vector<16xi32>], vector<16xf32>,
      %mul3A_482 = arith.mulf %gather3A_481, %gather3A_479 : vector<16xf32>
      %add3A_483 = arith.addf %add3A_451, %mul3A_482 : vector<16xf32>
      %add3A_484 = arith.addi %gather3A_475, %add3A_40 : vector<16xi32>
      %gather3A_485 = tpu.vector_load_idx %arg6[%add3A_484] : memref<49152xf32, #tpu.memory_space<vmem>>[vector<16xi32>], vector<16xf32>,
      %mul3A_486 = arith.mulf %gather3A_485, %gather3A_479 : vector<16xf32>
      %add3A_487 = arith.addf %add3A_455, %mul3A_486 : vector<16xf32>
      %broadcast_in_dim3A_488 = arith.constant 10 : i32
      %broadcast_in_dim3A_489 = vector.broadcast %broadcast_in_dim3A_488 : i32 to vector<16x1xi32>
      %gather3A_490 = vector.shape_cast %broadcast_in_dim3A_489 : vector<16x1xi32> to vector<16xi32>
      %gather3A_491 = tpu.dynamic_gather %get3A_331[%gather3A_490] in [0] : vector<16xi32>, vector<16xi32> -> vector<16xi32>
      %broadcast_in_dim3A_492 = arith.constant 10 : i32
      %broadcast_in_dim3A_493 = vector.broadcast %broadcast_in_dim3A_492 : i32 to vector<16x1xi32>
      %gather3A_494 = vector.shape_cast %broadcast_in_dim3A_493 : vector<16x1xi32> to vector<16xi32>
      %gather3A_495 = tpu.dynamic_gather %get3A_333[%gather3A_494] in [0] : vector<16xf32>, vector<16xi32> -> vector<16xf32>
      %add3A_496 = arith.addi %gather3A_491, %add3A_37 : vector<16xi32>
      %gather3A_497 = tpu.vector_load_idx %arg6[%add3A_496] : memref<49152xf32, #tpu.memory_space<vmem>>[vector<16xi32>], vector<16xf32>,
      %mul3A_498 = arith.mulf %gather3A_497, %gather3A_495 : vector<16xf32>
      %add3A_499 = arith.addf %add3A_467, %mul3A_498 : vector<16xf32>
      %add3A_500 = arith.addi %gather3A_491, %add3A_40 : vector<16xi32>
      %gather3A_501 = tpu.vector_load_idx %arg6[%add3A_500] : memref<49152xf32, #tpu.memory_space<vmem>>[vector<16xi32>], vector<16xf32>,
      %mul3A_502 = arith.mulf %gather3A_501, %gather3A_495 : vector<16xf32>
      %add3A_503 = arith.addf %add3A_471, %mul3A_502 : vector<16xf32>
      %broadcast_in_dim3A_504 = arith.constant 11 : i32
      %broadcast_in_dim3A_505 = vector.broadcast %broadcast_in_dim3A_504 : i32 to vector<16x1xi32>
      %gather3A_506 = vector.shape_cast %broadcast_in_dim3A_505 : vector<16x1xi32> to vector<16xi32>
      %gather3A_507 = tpu.dynamic_gather %get3A_331[%gather3A_506] in [0] : vector<16xi32>, vector<16xi32> -> vector<16xi32>
      %broadcast_in_dim3A_508 = arith.constant 11 : i32
      %broadcast_in_dim3A_509 = vector.broadcast %broadcast_in_dim3A_508 : i32 to vector<16x1xi32>
      %gather3A_510 = vector.shape_cast %broadcast_in_dim3A_509 : vector<16x1xi32> to vector<16xi32>
      %gather3A_511 = tpu.dynamic_gather %get3A_333[%gather3A_510] in [0] : vector<16xf32>, vector<16xi32> -> vector<16xf32>
      %add3A_512 = arith.addi %gather3A_507, %add3A_37 : vector<16xi32>
      %gather3A_513 = tpu.vector_load_idx %arg6[%add3A_512] : memref<49152xf32, #tpu.memory_space<vmem>>[vector<16xi32>], vector<16xf32>,
      %mul3A_514 = arith.mulf %gather3A_513, %gather3A_511 : vector<16xf32>
      %add3A_515 = arith.addf %add3A_483, %mul3A_514 : vector<16xf32>
      %add3A_516 = arith.addi %gather3A_507, %add3A_40 : vector<16xi32>
      %gather3A_517 = tpu.vector_load_idx %arg6[%add3A_516] : memref<49152xf32, #tpu.memory_space<vmem>>[vector<16xi32>], vector<16xf32>,
      %mul3A_518 = arith.mulf %gather3A_517, %gather3A_511 : vector<16xf32>
      %add3A_519 = arith.addf %add3A_487, %mul3A_518 : vector<16xf32>
      %broadcast_in_dim3A_520 = arith.constant 12 : i32
      %broadcast_in_dim3A_521 = vector.broadcast %broadcast_in_dim3A_520 : i32 to vector<16x1xi32>
      %gather3A_522 = vector.shape_cast %broadcast_in_dim3A_521 : vector<16x1xi32> to vector<16xi32>
      %gather3A_523 = tpu.dynamic_gather %get3A_331[%gather3A_522] in [0] : vector<16xi32>, vector<16xi32> -> vector<16xi32>
      %broadcast_in_dim3A_524 = arith.constant 12 : i32
      %broadcast_in_dim3A_525 = vector.broadcast %broadcast_in_dim3A_524 : i32 to vector<16x1xi32>
      %gather3A_526 = vector.shape_cast %broadcast_in_dim3A_525 : vector<16x1xi32> to vector<16xi32>
      %gather3A_527 = tpu.dynamic_gather %get3A_333[%gather3A_526] in [0] : vector<16xf32>, vector<16xi32> -> vector<16xf32>
      %add3A_528 = arith.addi %gather3A_523, %add3A_37 : vector<16xi32>
      %gather3A_529 = tpu.vector_load_idx %arg6[%add3A_528] : memref<49152xf32, #tpu.memory_space<vmem>>[vector<16xi32>], vector<16xf32>,
      %mul3A_530 = arith.mulf %gather3A_529, %gather3A_527 : vector<16xf32>
      %add3A_531 = arith.addf %add3A_499, %mul3A_530 : vector<16xf32>
      %add3A_532 = arith.addi %gather3A_523, %add3A_40 : vector<16xi32>
      %gather3A_533 = tpu.vector_load_idx %arg6[%add3A_532] : memref<49152xf32, #tpu.memory_space<vmem>>[vector<16xi32>], vector<16xf32>,
      %mul3A_534 = arith.mulf %gather3A_533, %gather3A_527 : vector<16xf32>
      %add3A_535 = arith.addf %add3A_503, %mul3A_534 : vector<16xf32>
      %broadcast_in_dim3A_536 = arith.constant 13 : i32
      %broadcast_in_dim3A_537 = vector.broadcast %broadcast_in_dim3A_536 : i32 to vector<16x1xi32>
      %gather3A_538 = vector.shape_cast %broadcast_in_dim3A_537 : vector<16x1xi32> to vector<16xi32>
      %gather3A_539 = tpu.dynamic_gather %get3A_331[%gather3A_538] in [0] : vector<16xi32>, vector<16xi32> -> vector<16xi32>
      %broadcast_in_dim3A_540 = arith.constant 13 : i32
      %broadcast_in_dim3A_541 = vector.broadcast %broadcast_in_dim3A_540 : i32 to vector<16x1xi32>
      %gather3A_542 = vector.shape_cast %broadcast_in_dim3A_541 : vector<16x1xi32> to vector<16xi32>
      %gather3A_543 = tpu.dynamic_gather %get3A_333[%gather3A_542] in [0] : vector<16xf32>, vector<16xi32> -> vector<16xf32>
      %add3A_544 = arith.addi %gather3A_539, %add3A_37 : vector<16xi32>
      %gather3A_545 = tpu.vector_load_idx %arg6[%add3A_544] : memref<49152xf32, #tpu.memory_space<vmem>>[vector<16xi32>], vector<16xf32>,
      %mul3A_546 = arith.mulf %gather3A_545, %gather3A_543 : vector<16xf32>
      %add3A_547 = arith.addf %add3A_515, %mul3A_546 : vector<16xf32>
      %add3A_548 = arith.addi %gather3A_539, %add3A_40 : vector<16xi32>
      %gather3A_549 = tpu.vector_load_idx %arg6[%add3A_548] : memref<49152xf32, #tpu.memory_space<vmem>>[vector<16xi32>], vector<16xf32>,
      %mul3A_550 = arith.mulf %gather3A_549, %gather3A_543 : vector<16xf32>
      %add3A_551 = arith.addf %add3A_519, %mul3A_550 : vector<16xf32>
      %broadcast_in_dim3A_552 = arith.constant 14 : i32
      %broadcast_in_dim3A_553 = vector.broadcast %broadcast_in_dim3A_552 : i32 to vector<16x1xi32>
      %gather3A_554 = vector.shape_cast %broadcast_in_dim3A_553 : vector<16x1xi32> to vector<16xi32>
      %gather3A_555 = tpu.dynamic_gather %get3A_331[%gather3A_554] in [0] : vector<16xi32>, vector<16xi32> -> vector<16xi32>
      %broadcast_in_dim3A_556 = arith.constant 14 : i32
      %broadcast_in_dim3A_557 = vector.broadcast %broadcast_in_dim3A_556 : i32 to vector<16x1xi32>
      %gather3A_558 = vector.shape_cast %broadcast_in_dim3A_557 : vector<16x1xi32> to vector<16xi32>
      %gather3A_559 = tpu.dynamic_gather %get3A_333[%gather3A_558] in [0] : vector<16xf32>, vector<16xi32> -> vector<16xf32>
      %add3A_560 = arith.addi %gather3A_555, %add3A_37 : vector<16xi32>
      %gather3A_561 = tpu.vector_load_idx %arg6[%add3A_560] : memref<49152xf32, #tpu.memory_space<vmem>>[vector<16xi32>], vector<16xf32>,
      %mul3A_562 = arith.mulf %gather3A_561, %gather3A_559 : vector<16xf32>
      %add3A_563 = arith.addf %add3A_531, %mul3A_562 : vector<16xf32>
      %add3A_564 = arith.addi %gather3A_555, %add3A_40 : vector<16xi32>
      %gather3A_565 = tpu.vector_load_idx %arg6[%add3A_564] : memref<49152xf32, #tpu.memory_space<vmem>>[vector<16xi32>], vector<16xf32>,
      %mul3A_566 = arith.mulf %gather3A_565, %gather3A_559 : vector<16xf32>
      %add3A_567 = arith.addf %add3A_535, %mul3A_566 : vector<16xf32>
      %broadcast_in_dim3A_568 = arith.constant 15 : i32
      %broadcast_in_dim3A_569 = vector.broadcast %broadcast_in_dim3A_568 : i32 to vector<16x1xi32>
      %gather3A_570 = vector.shape_cast %broadcast_in_dim3A_569 : vector<16x1xi32> to vector<16xi32>
      %gather3A_571 = tpu.dynamic_gather %get3A_331[%gather3A_570] in [0] : vector<16xi32>, vector<16xi32> -> vector<16xi32>
      %broadcast_in_dim3A_572 = arith.constant 15 : i32
      %broadcast_in_dim3A_573 = vector.broadcast %broadcast_in_dim3A_572 : i32 to vector<16x1xi32>
      %gather3A_574 = vector.shape_cast %broadcast_in_dim3A_573 : vector<16x1xi32> to vector<16xi32>
      %gather3A_575 = tpu.dynamic_gather %get3A_333[%gather3A_574] in [0] : vector<16xf32>, vector<16xi32> -> vector<16xf32>
      %add3A_576 = arith.addi %gather3A_571, %add3A_37 : vector<16xi32>
      %gather3A_577 = tpu.vector_load_idx %arg6[%add3A_576] : memref<49152xf32, #tpu.memory_space<vmem>>[vector<16xi32>], vector<16xf32>,
      %mul3A_578 = arith.mulf %gather3A_577, %gather3A_575 : vector<16xf32>
      %add3A_579 = arith.addf %add3A_547, %mul3A_578 : vector<16xf32>
      %add3A_580 = arith.addi %gather3A_571, %add3A_40 : vector<16xi32>
      %gather3A_581 = tpu.vector_load_idx %arg6[%add3A_580] : memref<49152xf32, #tpu.memory_space<vmem>>[vector<16xi32>], vector<16xf32>,
      %mul3A_582 = arith.mulf %gather3A_581, %gather3A_575 : vector<16xf32>
      %add3A_583 = arith.addf %add3A_551, %mul3A_582 : vector<16xf32>
      %add3A_584 = arith.constant 512 : i32
      %add3A_585 = arith.addi %add3A_584, %add3A_326 : i32
      %mul3A_586 = arith.constant 32 : i32
      %mul3A_587 = arith.muli %add3A_585, %mul3A_586 : i32
      %add3A_588 = arith.addf %add3A_563, %add3A_579 : vector<16xf32>
      %mul3A_589 = arith.constant 2.000000e+00 : f32
      %mul3A_590 = vector.broadcast %mul3A_589 : f32 to vector<16xf32>
      %mul3A_591 = arith.mulf %add3A_588, %mul3A_590 : vector<16xf32>
      %exp3A = math.exp %mul3A_591 : vector<16xf32>
      %add3A_592 = arith.constant 1.000000e+00 : f32
      %add3A_593 = vector.broadcast %add3A_592 : f32 to vector<16xf32>
      %add3A_594 = arith.addf %exp3A, %add3A_593 : vector<16xf32>
      %div3A = arith.constant 2.000000e+00 : f32
      %div3A_595 = vector.broadcast %div3A : f32 to vector<16xf32>
      %div3A_596 = arith.divf %div3A_595, %add3A_594 : vector<16xf32>
      %sub3A = arith.constant 1.000000e+00 : f32
      %sub3A_597 = vector.broadcast %sub3A : f32 to vector<16xf32>
      %sub3A_598 = arith.subf %sub3A_597, %div3A_596 : vector<16xf32>
      %add3A_599 = arith.constant 0 : i32
      %add3A_600 = arith.addi %mul3A_587, %add3A_599 : i32
      %swap3A = arith.index_cast %add3A_600 : i32 to index
      %swap3A_601 = tpu.vector_load %arg6[%swap3A] {strides = array<i32>} : memref<49152xf32, #tpu.memory_space<vmem>>, vector<16xf32>,
      tpu.vector_store %arg6[%swap3A], %sub3A_598 {strides = array<i32>} : memref<49152xf32, #tpu.memory_space<vmem>>, vector<16xf32>,
      %add3A_602 = arith.addf %add3A_567, %add3A_583 : vector<16xf32>
      %mul3A_603 = arith.constant 2.000000e+00 : f32
      %mul3A_604 = vector.broadcast %mul3A_603 : f32 to vector<16xf32>
      %mul3A_605 = arith.mulf %add3A_602, %mul3A_604 : vector<16xf32>
      %exp3A_606 = math.exp %mul3A_605 : vector<16xf32>
      %add3A_607 = arith.constant 1.000000e+00 : f32
      %add3A_608 = vector.broadcast %add3A_607 : f32 to vector<16xf32>
      %add3A_609 = arith.addf %exp3A_606, %add3A_608 : vector<16xf32>
      %div3A_610 = arith.constant 2.000000e+00 : f32
      %div3A_611 = vector.broadcast %div3A_610 : f32 to vector<16xf32>
      %div3A_612 = arith.divf %div3A_611, %add3A_609 : vector<16xf32>
      %sub3A_613 = arith.constant 1.000000e+00 : f32
      %sub3A_614 = vector.broadcast %sub3A_613 : f32 to vector<16xf32>
      %sub3A_615 = arith.subf %sub3A_614, %div3A_612 : vector<16xf32>
      %add3A_616 = arith.constant 16 : i32
      %add3A_617 = arith.addi %mul3A_587, %add3A_616 : i32
      %swap3A_618 = arith.index_cast %add3A_617 : i32 to index
      %swap3A_619 = tpu.vector_load %arg6[%swap3A_618] {strides = array<i32>} : memref<49152xf32, #tpu.memory_space<vmem>>, vector<16xf32>,
      tpu.vector_store %arg6[%swap3A_618], %sub3A_615 {strides = array<i32>} : memref<49152xf32, #tpu.memory_space<vmem>>, vector<16xf32>,
    }
    %scan3A_298 = arith.constant 128 : i32
    %dma_wait3A_299 = arith.constant 2048 : i32
    %dma_wait3A_300 = tpu.memref_slice %arg7[%dma_wait3A_299] : memref<4096xi32, #tpu.memory_space<vmem>> -> memref<2048xi32, #tpu.memory_space<vmem>>
    %dma_wait3A_301 = arith.constant 14336 : i32
    %dma_wait3A_302 = tpu.memref_slice %arg3[%dma_wait3A_301] : memref<16384xi32, #tpu.memory_space<hbm>> -> memref<2048xi32, #tpu.memory_space<hbm>>
    %dma_wait3A_303 = arith.constant 2048 : i32
    %dma_wait3A_304 = tpu.memref_slice %arg7[%dma_wait3A_303] : memref<4096xi32, #tpu.memory_space<vmem>> -> memref<2048xi32, #tpu.memory_space<vmem>>
    %dma_wait3A_305 = arith.constant 14336 : i32
    %dma_wait3A_306 = tpu.memref_slice %arg3[%dma_wait3A_305] : memref<16384xi32, #tpu.memory_space<hbm>> -> memref<2048xi32, #tpu.memory_space<hbm>>
    tpu.wait_dma2 semaphore(%arg10 : memref<!tpu.dma_semaphore, #tpu.memory_space<semaphore_mem>>) src(%dma_wait3A_306 : memref<2048xi32, #tpu.memory_space<hbm>>) dst(%dma_wait3A_304 : memref<2048xi32, #tpu.memory_space<vmem>>)
    %dma_wait3A_307 = arith.constant 2048 : i32
    %dma_wait3A_308 = tpu.memref_slice %arg8[%dma_wait3A_307] : memref<4096xf32, #tpu.memory_space<vmem>> -> memref<2048xf32, #tpu.memory_space<vmem>>
    %dma_wait3A_309 = arith.constant 14336 : i32
    %dma_wait3A_310 = tpu.memref_slice %arg4[%dma_wait3A_309] : memref<16384xf32, #tpu.memory_space<hbm>> -> memref<2048xf32, #tpu.memory_space<hbm>>
    %dma_wait3A_311 = arith.constant 2048 : i32
    %dma_wait3A_312 = tpu.memref_slice %arg8[%dma_wait3A_311] : memref<4096xf32, #tpu.memory_space<vmem>> -> memref<2048xf32, #tpu.memory_space<vmem>>
    %dma_wait3A_313 = arith.constant 14336 : i32
    %dma_wait3A_314 = tpu.memref_slice %arg4[%dma_wait3A_313] : memref<16384xf32, #tpu.memory_space<hbm>> -> memref<2048xf32, #tpu.memory_space<hbm>>
    tpu.wait_dma2 semaphore(%arg11 : memref<!tpu.dma_semaphore, #tpu.memory_space<semaphore_mem>>) src(%dma_wait3A_314 : memref<2048xf32, #tpu.memory_space<hbm>>) dst(%dma_wait3A_312 : memref<2048xf32, #tpu.memory_space<vmem>>)
    %scan3A_315 = arith.constant 0 : i32
    %scan3A_316 = arith.constant 128 : i32
    %scan3A_317 = arith.addi %scan3A_315, %scan3A_316 : i32
    %scan3A_318 = arith.constant 1 : i32
    scf.for %scan3A_320 = %scan3A_315 to %scan3A_317 step %scan3A_318  : i32 {
      %mul3A_321 = arith.constant 1 : i32
      %mul3A_322 = arith.muli %scan3A_320, %mul3A_321 : i32
      %add3A_323 = arith.constant 0 : i32
      %add3A_324 = arith.addi %add3A_323, %mul3A_322 : i32
      %add3A_325 = arith.constant 896 : i32
      %add3A_326 = arith.addi %add3A_325, %add3A_324 : i32
      %mul3A_327 = arith.constant 16 : i32
      %mul3A_328 = arith.muli %add3A_324, %mul3A_327 : i32
      %add3A_329 = arith.constant 2048 : i32
      %add3A_330 = arith.addi %add3A_329, %mul3A_328 : i32
      %get3A = arith.index_cast %add3A_330 : i32 to index
      %get3A_331 = tpu.vector_load %arg7[%get3A] {strides = array<i32>} : memref<4096xi32, #tpu.memory_space<vmem>>, vector<16xi32>,
      %get3A_332 = arith.index_cast %add3A_330 : i32 to index
      %get3A_333 = tpu.vector_load %arg8[%get3A_332] {strides = array<i32>} : memref<4096xf32, #tpu.memory_space<vmem>>, vector<16xf32>,
      %broadcast_in_dim3A = arith.constant 0 : i32
      %broadcast_in_dim3A_334 = vector.broadcast %broadcast_in_dim3A : i32 to vector<16x1xi32>
      %gather3A = vector.shape_cast %broadcast_in_dim3A_334 : vector<16x1xi32> to vector<16xi32>
      %gather3A_335 = tpu.dynamic_gather %get3A_331[%gather3A] in [0] : vector<16xi32>, vector<16xi32> -> vector<16xi32>
      %broadcast_in_dim3A_336 = arith.constant 0 : i32
      %broadcast_in_dim3A_337 = vector.broadcast %broadcast_in_dim3A_336 : i32 to vector<16x1xi32>
      %gather3A_338 = vector.shape_cast %broadcast_in_dim3A_337 : vector<16x1xi32> to vector<16xi32>
      %gather3A_339 = tpu.dynamic_gather %get3A_333[%gather3A_338] in [0] : vector<16xf32>, vector<16xi32> -> vector<16xf32>
      %add3A_340 = arith.addi %gather3A_335, %add3A_37 : vector<16xi32>
      %gather3A_341 = tpu.vector_load_idx %arg6[%add3A_340] : memref<49152xf32, #tpu.memory_space<vmem>>[vector<16xi32>], vector<16xf32>,
      %mul3A_342 = arith.mulf %gather3A_341, %gather3A_339 : vector<16xf32>
      %add3A_343 = arith.addi %gather3A_335, %add3A_40 : vector<16xi32>
      %gather3A_344 = tpu.vector_load_idx %arg6[%add3A_343] : memref<49152xf32, #tpu.memory_space<vmem>>[vector<16xi32>], vector<16xf32>,
      %mul3A_345 = arith.mulf %gather3A_344, %gather3A_339 : vector<16xf32>
      %broadcast_in_dim3A_346 = arith.constant 1 : i32
      %broadcast_in_dim3A_347 = vector.broadcast %broadcast_in_dim3A_346 : i32 to vector<16x1xi32>
      %gather3A_348 = vector.shape_cast %broadcast_in_dim3A_347 : vector<16x1xi32> to vector<16xi32>
      %gather3A_349 = tpu.dynamic_gather %get3A_331[%gather3A_348] in [0] : vector<16xi32>, vector<16xi32> -> vector<16xi32>
      %broadcast_in_dim3A_350 = arith.constant 1 : i32
      %broadcast_in_dim3A_351 = vector.broadcast %broadcast_in_dim3A_350 : i32 to vector<16x1xi32>
      %gather3A_352 = vector.shape_cast %broadcast_in_dim3A_351 : vector<16x1xi32> to vector<16xi32>
      %gather3A_353 = tpu.dynamic_gather %get3A_333[%gather3A_352] in [0] : vector<16xf32>, vector<16xi32> -> vector<16xf32>
      %add3A_354 = arith.addi %gather3A_349, %add3A_37 : vector<16xi32>
      %gather3A_355 = tpu.vector_load_idx %arg6[%add3A_354] : memref<49152xf32, #tpu.memory_space<vmem>>[vector<16xi32>], vector<16xf32>,
      %mul3A_356 = arith.mulf %gather3A_355, %gather3A_353 : vector<16xf32>
      %add3A_357 = arith.addi %gather3A_349, %add3A_40 : vector<16xi32>
      %gather3A_358 = tpu.vector_load_idx %arg6[%add3A_357] : memref<49152xf32, #tpu.memory_space<vmem>>[vector<16xi32>], vector<16xf32>,
      %mul3A_359 = arith.mulf %gather3A_358, %gather3A_353 : vector<16xf32>
      %broadcast_in_dim3A_360 = arith.constant 2 : i32
      %broadcast_in_dim3A_361 = vector.broadcast %broadcast_in_dim3A_360 : i32 to vector<16x1xi32>
      %gather3A_362 = vector.shape_cast %broadcast_in_dim3A_361 : vector<16x1xi32> to vector<16xi32>
      %gather3A_363 = tpu.dynamic_gather %get3A_331[%gather3A_362] in [0] : vector<16xi32>, vector<16xi32> -> vector<16xi32>
      %broadcast_in_dim3A_364 = arith.constant 2 : i32
      %broadcast_in_dim3A_365 = vector.broadcast %broadcast_in_dim3A_364 : i32 to vector<16x1xi32>
      %gather3A_366 = vector.shape_cast %broadcast_in_dim3A_365 : vector<16x1xi32> to vector<16xi32>
      %gather3A_367 = tpu.dynamic_gather %get3A_333[%gather3A_366] in [0] : vector<16xf32>, vector<16xi32> -> vector<16xf32>
      %add3A_368 = arith.addi %gather3A_363, %add3A_37 : vector<16xi32>
      %gather3A_369 = tpu.vector_load_idx %arg6[%add3A_368] : memref<49152xf32, #tpu.memory_space<vmem>>[vector<16xi32>], vector<16xf32>,
      %mul3A_370 = arith.mulf %gather3A_369, %gather3A_367 : vector<16xf32>
      %add3A_371 = arith.addf %mul3A_342, %mul3A_370 : vector<16xf32>
      %add3A_372 = arith.addi %gather3A_363, %add3A_40 : vector<16xi32>
      %gather3A_373 = tpu.vector_load_idx %arg6[%add3A_372] : memref<49152xf32, #tpu.memory_space<vmem>>[vector<16xi32>], vector<16xf32>,
      %mul3A_374 = arith.mulf %gather3A_373, %gather3A_367 : vector<16xf32>
      %add3A_375 = arith.addf %mul3A_345, %mul3A_374 : vector<16xf32>
      %broadcast_in_dim3A_376 = arith.constant 3 : i32
      %broadcast_in_dim3A_377 = vector.broadcast %broadcast_in_dim3A_376 : i32 to vector<16x1xi32>
      %gather3A_378 = vector.shape_cast %broadcast_in_dim3A_377 : vector<16x1xi32> to vector<16xi32>
      %gather3A_379 = tpu.dynamic_gather %get3A_331[%gather3A_378] in [0] : vector<16xi32>, vector<16xi32> -> vector<16xi32>
      %broadcast_in_dim3A_380 = arith.constant 3 : i32
      %broadcast_in_dim3A_381 = vector.broadcast %broadcast_in_dim3A_380 : i32 to vector<16x1xi32>
      %gather3A_382 = vector.shape_cast %broadcast_in_dim3A_381 : vector<16x1xi32> to vector<16xi32>
      %gather3A_383 = tpu.dynamic_gather %get3A_333[%gather3A_382] in [0] : vector<16xf32>, vector<16xi32> -> vector<16xf32>
      %add3A_384 = arith.addi %gather3A_379, %add3A_37 : vector<16xi32>
      %gather3A_385 = tpu.vector_load_idx %arg6[%add3A_384] : memref<49152xf32, #tpu.memory_space<vmem>>[vector<16xi32>], vector<16xf32>,
      %mul3A_386 = arith.mulf %gather3A_385, %gather3A_383 : vector<16xf32>
      %add3A_387 = arith.addf %mul3A_356, %mul3A_386 : vector<16xf32>
      %add3A_388 = arith.addi %gather3A_379, %add3A_40 : vector<16xi32>
      %gather3A_389 = tpu.vector_load_idx %arg6[%add3A_388] : memref<49152xf32, #tpu.memory_space<vmem>>[vector<16xi32>], vector<16xf32>,
      %mul3A_390 = arith.mulf %gather3A_389, %gather3A_383 : vector<16xf32>
      %add3A_391 = arith.addf %mul3A_359, %mul3A_390 : vector<16xf32>
      %broadcast_in_dim3A_392 = arith.constant 4 : i32
      %broadcast_in_dim3A_393 = vector.broadcast %broadcast_in_dim3A_392 : i32 to vector<16x1xi32>
      %gather3A_394 = vector.shape_cast %broadcast_in_dim3A_393 : vector<16x1xi32> to vector<16xi32>
      %gather3A_395 = tpu.dynamic_gather %get3A_331[%gather3A_394] in [0] : vector<16xi32>, vector<16xi32> -> vector<16xi32>
      %broadcast_in_dim3A_396 = arith.constant 4 : i32
      %broadcast_in_dim3A_397 = vector.broadcast %broadcast_in_dim3A_396 : i32 to vector<16x1xi32>
      %gather3A_398 = vector.shape_cast %broadcast_in_dim3A_397 : vector<16x1xi32> to vector<16xi32>
      %gather3A_399 = tpu.dynamic_gather %get3A_333[%gather3A_398] in [0] : vector<16xf32>, vector<16xi32> -> vector<16xf32>
      %add3A_400 = arith.addi %gather3A_395, %add3A_37 : vector<16xi32>
      %gather3A_401 = tpu.vector_load_idx %arg6[%add3A_400] : memref<49152xf32, #tpu.memory_space<vmem>>[vector<16xi32>], vector<16xf32>,
      %mul3A_402 = arith.mulf %gather3A_401, %gather3A_399 : vector<16xf32>
      %add3A_403 = arith.addf %add3A_371, %mul3A_402 : vector<16xf32>
      %add3A_404 = arith.addi %gather3A_395, %add3A_40 : vector<16xi32>
      %gather3A_405 = tpu.vector_load_idx %arg6[%add3A_404] : memref<49152xf32, #tpu.memory_space<vmem>>[vector<16xi32>], vector<16xf32>,
      %mul3A_406 = arith.mulf %gather3A_405, %gather3A_399 : vector<16xf32>
      %add3A_407 = arith.addf %add3A_375, %mul3A_406 : vector<16xf32>
      %broadcast_in_dim3A_408 = arith.constant 5 : i32
      %broadcast_in_dim3A_409 = vector.broadcast %broadcast_in_dim3A_408 : i32 to vector<16x1xi32>
      %gather3A_410 = vector.shape_cast %broadcast_in_dim3A_409 : vector<16x1xi32> to vector<16xi32>
      %gather3A_411 = tpu.dynamic_gather %get3A_331[%gather3A_410] in [0] : vector<16xi32>, vector<16xi32> -> vector<16xi32>
      %broadcast_in_dim3A_412 = arith.constant 5 : i32
      %broadcast_in_dim3A_413 = vector.broadcast %broadcast_in_dim3A_412 : i32 to vector<16x1xi32>
      %gather3A_414 = vector.shape_cast %broadcast_in_dim3A_413 : vector<16x1xi32> to vector<16xi32>
      %gather3A_415 = tpu.dynamic_gather %get3A_333[%gather3A_414] in [0] : vector<16xf32>, vector<16xi32> -> vector<16xf32>
      %add3A_416 = arith.addi %gather3A_411, %add3A_37 : vector<16xi32>
      %gather3A_417 = tpu.vector_load_idx %arg6[%add3A_416] : memref<49152xf32, #tpu.memory_space<vmem>>[vector<16xi32>], vector<16xf32>,
      %mul3A_418 = arith.mulf %gather3A_417, %gather3A_415 : vector<16xf32>
      %add3A_419 = arith.addf %add3A_387, %mul3A_418 : vector<16xf32>
      %add3A_420 = arith.addi %gather3A_411, %add3A_40 : vector<16xi32>
      %gather3A_421 = tpu.vector_load_idx %arg6[%add3A_420] : memref<49152xf32, #tpu.memory_space<vmem>>[vector<16xi32>], vector<16xf32>,
      %mul3A_422 = arith.mulf %gather3A_421, %gather3A_415 : vector<16xf32>
      %add3A_423 = arith.addf %add3A_391, %mul3A_422 : vector<16xf32>
      %broadcast_in_dim3A_424 = arith.constant 6 : i32
      %broadcast_in_dim3A_425 = vector.broadcast %broadcast_in_dim3A_424 : i32 to vector<16x1xi32>
      %gather3A_426 = vector.shape_cast %broadcast_in_dim3A_425 : vector<16x1xi32> to vector<16xi32>
      %gather3A_427 = tpu.dynamic_gather %get3A_331[%gather3A_426] in [0] : vector<16xi32>, vector<16xi32> -> vector<16xi32>
      %broadcast_in_dim3A_428 = arith.constant 6 : i32
      %broadcast_in_dim3A_429 = vector.broadcast %broadcast_in_dim3A_428 : i32 to vector<16x1xi32>
      %gather3A_430 = vector.shape_cast %broadcast_in_dim3A_429 : vector<16x1xi32> to vector<16xi32>
      %gather3A_431 = tpu.dynamic_gather %get3A_333[%gather3A_430] in [0] : vector<16xf32>, vector<16xi32> -> vector<16xf32>
      %add3A_432 = arith.addi %gather3A_427, %add3A_37 : vector<16xi32>
      %gather3A_433 = tpu.vector_load_idx %arg6[%add3A_432] : memref<49152xf32, #tpu.memory_space<vmem>>[vector<16xi32>], vector<16xf32>,
      %mul3A_434 = arith.mulf %gather3A_433, %gather3A_431 : vector<16xf32>
      %add3A_435 = arith.addf %add3A_403, %mul3A_434 : vector<16xf32>
      %add3A_436 = arith.addi %gather3A_427, %add3A_40 : vector<16xi32>
      %gather3A_437 = tpu.vector_load_idx %arg6[%add3A_436] : memref<49152xf32, #tpu.memory_space<vmem>>[vector<16xi32>], vector<16xf32>,
      %mul3A_438 = arith.mulf %gather3A_437, %gather3A_431 : vector<16xf32>
      %add3A_439 = arith.addf %add3A_407, %mul3A_438 : vector<16xf32>
      %broadcast_in_dim3A_440 = arith.constant 7 : i32
      %broadcast_in_dim3A_441 = vector.broadcast %broadcast_in_dim3A_440 : i32 to vector<16x1xi32>
      %gather3A_442 = vector.shape_cast %broadcast_in_dim3A_441 : vector<16x1xi32> to vector<16xi32>
      %gather3A_443 = tpu.dynamic_gather %get3A_331[%gather3A_442] in [0] : vector<16xi32>, vector<16xi32> -> vector<16xi32>
      %broadcast_in_dim3A_444 = arith.constant 7 : i32
      %broadcast_in_dim3A_445 = vector.broadcast %broadcast_in_dim3A_444 : i32 to vector<16x1xi32>
      %gather3A_446 = vector.shape_cast %broadcast_in_dim3A_445 : vector<16x1xi32> to vector<16xi32>
      %gather3A_447 = tpu.dynamic_gather %get3A_333[%gather3A_446] in [0] : vector<16xf32>, vector<16xi32> -> vector<16xf32>
      %add3A_448 = arith.addi %gather3A_443, %add3A_37 : vector<16xi32>
      %gather3A_449 = tpu.vector_load_idx %arg6[%add3A_448] : memref<49152xf32, #tpu.memory_space<vmem>>[vector<16xi32>], vector<16xf32>,
      %mul3A_450 = arith.mulf %gather3A_449, %gather3A_447 : vector<16xf32>
      %add3A_451 = arith.addf %add3A_419, %mul3A_450 : vector<16xf32>
      %add3A_452 = arith.addi %gather3A_443, %add3A_40 : vector<16xi32>
      %gather3A_453 = tpu.vector_load_idx %arg6[%add3A_452] : memref<49152xf32, #tpu.memory_space<vmem>>[vector<16xi32>], vector<16xf32>,
      %mul3A_454 = arith.mulf %gather3A_453, %gather3A_447 : vector<16xf32>
      %add3A_455 = arith.addf %add3A_423, %mul3A_454 : vector<16xf32>
      %broadcast_in_dim3A_456 = arith.constant 8 : i32
      %broadcast_in_dim3A_457 = vector.broadcast %broadcast_in_dim3A_456 : i32 to vector<16x1xi32>
      %gather3A_458 = vector.shape_cast %broadcast_in_dim3A_457 : vector<16x1xi32> to vector<16xi32>
      %gather3A_459 = tpu.dynamic_gather %get3A_331[%gather3A_458] in [0] : vector<16xi32>, vector<16xi32> -> vector<16xi32>
      %broadcast_in_dim3A_460 = arith.constant 8 : i32
      %broadcast_in_dim3A_461 = vector.broadcast %broadcast_in_dim3A_460 : i32 to vector<16x1xi32>
      %gather3A_462 = vector.shape_cast %broadcast_in_dim3A_461 : vector<16x1xi32> to vector<16xi32>
      %gather3A_463 = tpu.dynamic_gather %get3A_333[%gather3A_462] in [0] : vector<16xf32>, vector<16xi32> -> vector<16xf32>
      %add3A_464 = arith.addi %gather3A_459, %add3A_37 : vector<16xi32>
      %gather3A_465 = tpu.vector_load_idx %arg6[%add3A_464] : memref<49152xf32, #tpu.memory_space<vmem>>[vector<16xi32>], vector<16xf32>,
      %mul3A_466 = arith.mulf %gather3A_465, %gather3A_463 : vector<16xf32>
      %add3A_467 = arith.addf %add3A_435, %mul3A_466 : vector<16xf32>
      %add3A_468 = arith.addi %gather3A_459, %add3A_40 : vector<16xi32>
      %gather3A_469 = tpu.vector_load_idx %arg6[%add3A_468] : memref<49152xf32, #tpu.memory_space<vmem>>[vector<16xi32>], vector<16xf32>,
      %mul3A_470 = arith.mulf %gather3A_469, %gather3A_463 : vector<16xf32>
      %add3A_471 = arith.addf %add3A_439, %mul3A_470 : vector<16xf32>
      %broadcast_in_dim3A_472 = arith.constant 9 : i32
      %broadcast_in_dim3A_473 = vector.broadcast %broadcast_in_dim3A_472 : i32 to vector<16x1xi32>
      %gather3A_474 = vector.shape_cast %broadcast_in_dim3A_473 : vector<16x1xi32> to vector<16xi32>
      %gather3A_475 = tpu.dynamic_gather %get3A_331[%gather3A_474] in [0] : vector<16xi32>, vector<16xi32> -> vector<16xi32>
      %broadcast_in_dim3A_476 = arith.constant 9 : i32
      %broadcast_in_dim3A_477 = vector.broadcast %broadcast_in_dim3A_476 : i32 to vector<16x1xi32>
      %gather3A_478 = vector.shape_cast %broadcast_in_dim3A_477 : vector<16x1xi32> to vector<16xi32>
      %gather3A_479 = tpu.dynamic_gather %get3A_333[%gather3A_478] in [0] : vector<16xf32>, vector<16xi32> -> vector<16xf32>
      %add3A_480 = arith.addi %gather3A_475, %add3A_37 : vector<16xi32>
      %gather3A_481 = tpu.vector_load_idx %arg6[%add3A_480] : memref<49152xf32, #tpu.memory_space<vmem>>[vector<16xi32>], vector<16xf32>,
      %mul3A_482 = arith.mulf %gather3A_481, %gather3A_479 : vector<16xf32>
      %add3A_483 = arith.addf %add3A_451, %mul3A_482 : vector<16xf32>
      %add3A_484 = arith.addi %gather3A_475, %add3A_40 : vector<16xi32>
      %gather3A_485 = tpu.vector_load_idx %arg6[%add3A_484] : memref<49152xf32, #tpu.memory_space<vmem>>[vector<16xi32>], vector<16xf32>,
      %mul3A_486 = arith.mulf %gather3A_485, %gather3A_479 : vector<16xf32>
      %add3A_487 = arith.addf %add3A_455, %mul3A_486 : vector<16xf32>
      %broadcast_in_dim3A_488 = arith.constant 10 : i32
      %broadcast_in_dim3A_489 = vector.broadcast %broadcast_in_dim3A_488 : i32 to vector<16x1xi32>
      %gather3A_490 = vector.shape_cast %broadcast_in_dim3A_489 : vector<16x1xi32> to vector<16xi32>
      %gather3A_491 = tpu.dynamic_gather %get3A_331[%gather3A_490] in [0] : vector<16xi32>, vector<16xi32> -> vector<16xi32>
      %broadcast_in_dim3A_492 = arith.constant 10 : i32
      %broadcast_in_dim3A_493 = vector.broadcast %broadcast_in_dim3A_492 : i32 to vector<16x1xi32>
      %gather3A_494 = vector.shape_cast %broadcast_in_dim3A_493 : vector<16x1xi32> to vector<16xi32>
      %gather3A_495 = tpu.dynamic_gather %get3A_333[%gather3A_494] in [0] : vector<16xf32>, vector<16xi32> -> vector<16xf32>
      %add3A_496 = arith.addi %gather3A_491, %add3A_37 : vector<16xi32>
      %gather3A_497 = tpu.vector_load_idx %arg6[%add3A_496] : memref<49152xf32, #tpu.memory_space<vmem>>[vector<16xi32>], vector<16xf32>,
      %mul3A_498 = arith.mulf %gather3A_497, %gather3A_495 : vector<16xf32>
      %add3A_499 = arith.addf %add3A_467, %mul3A_498 : vector<16xf32>
      %add3A_500 = arith.addi %gather3A_491, %add3A_40 : vector<16xi32>
      %gather3A_501 = tpu.vector_load_idx %arg6[%add3A_500] : memref<49152xf32, #tpu.memory_space<vmem>>[vector<16xi32>], vector<16xf32>,
      %mul3A_502 = arith.mulf %gather3A_501, %gather3A_495 : vector<16xf32>
      %add3A_503 = arith.addf %add3A_471, %mul3A_502 : vector<16xf32>
      %broadcast_in_dim3A_504 = arith.constant 11 : i32
      %broadcast_in_dim3A_505 = vector.broadcast %broadcast_in_dim3A_504 : i32 to vector<16x1xi32>
      %gather3A_506 = vector.shape_cast %broadcast_in_dim3A_505 : vector<16x1xi32> to vector<16xi32>
      %gather3A_507 = tpu.dynamic_gather %get3A_331[%gather3A_506] in [0] : vector<16xi32>, vector<16xi32> -> vector<16xi32>
      %broadcast_in_dim3A_508 = arith.constant 11 : i32
      %broadcast_in_dim3A_509 = vector.broadcast %broadcast_in_dim3A_508 : i32 to vector<16x1xi32>
      %gather3A_510 = vector.shape_cast %broadcast_in_dim3A_509 : vector<16x1xi32> to vector<16xi32>
      %gather3A_511 = tpu.dynamic_gather %get3A_333[%gather3A_510] in [0] : vector<16xf32>, vector<16xi32> -> vector<16xf32>
      %add3A_512 = arith.addi %gather3A_507, %add3A_37 : vector<16xi32>
      %gather3A_513 = tpu.vector_load_idx %arg6[%add3A_512] : memref<49152xf32, #tpu.memory_space<vmem>>[vector<16xi32>], vector<16xf32>,
      %mul3A_514 = arith.mulf %gather3A_513, %gather3A_511 : vector<16xf32>
      %add3A_515 = arith.addf %add3A_483, %mul3A_514 : vector<16xf32>
      %add3A_516 = arith.addi %gather3A_507, %add3A_40 : vector<16xi32>
      %gather3A_517 = tpu.vector_load_idx %arg6[%add3A_516] : memref<49152xf32, #tpu.memory_space<vmem>>[vector<16xi32>], vector<16xf32>,
      %mul3A_518 = arith.mulf %gather3A_517, %gather3A_511 : vector<16xf32>
      %add3A_519 = arith.addf %add3A_487, %mul3A_518 : vector<16xf32>
      %broadcast_in_dim3A_520 = arith.constant 12 : i32
      %broadcast_in_dim3A_521 = vector.broadcast %broadcast_in_dim3A_520 : i32 to vector<16x1xi32>
      %gather3A_522 = vector.shape_cast %broadcast_in_dim3A_521 : vector<16x1xi32> to vector<16xi32>
      %gather3A_523 = tpu.dynamic_gather %get3A_331[%gather3A_522] in [0] : vector<16xi32>, vector<16xi32> -> vector<16xi32>
      %broadcast_in_dim3A_524 = arith.constant 12 : i32
      %broadcast_in_dim3A_525 = vector.broadcast %broadcast_in_dim3A_524 : i32 to vector<16x1xi32>
      %gather3A_526 = vector.shape_cast %broadcast_in_dim3A_525 : vector<16x1xi32> to vector<16xi32>
      %gather3A_527 = tpu.dynamic_gather %get3A_333[%gather3A_526] in [0] : vector<16xf32>, vector<16xi32> -> vector<16xf32>
      %add3A_528 = arith.addi %gather3A_523, %add3A_37 : vector<16xi32>
      %gather3A_529 = tpu.vector_load_idx %arg6[%add3A_528] : memref<49152xf32, #tpu.memory_space<vmem>>[vector<16xi32>], vector<16xf32>,
      %mul3A_530 = arith.mulf %gather3A_529, %gather3A_527 : vector<16xf32>
      %add3A_531 = arith.addf %add3A_499, %mul3A_530 : vector<16xf32>
      %add3A_532 = arith.addi %gather3A_523, %add3A_40 : vector<16xi32>
      %gather3A_533 = tpu.vector_load_idx %arg6[%add3A_532] : memref<49152xf32, #tpu.memory_space<vmem>>[vector<16xi32>], vector<16xf32>,
      %mul3A_534 = arith.mulf %gather3A_533, %gather3A_527 : vector<16xf32>
      %add3A_535 = arith.addf %add3A_503, %mul3A_534 : vector<16xf32>
      %broadcast_in_dim3A_536 = arith.constant 13 : i32
      %broadcast_in_dim3A_537 = vector.broadcast %broadcast_in_dim3A_536 : i32 to vector<16x1xi32>
      %gather3A_538 = vector.shape_cast %broadcast_in_dim3A_537 : vector<16x1xi32> to vector<16xi32>
      %gather3A_539 = tpu.dynamic_gather %get3A_331[%gather3A_538] in [0] : vector<16xi32>, vector<16xi32> -> vector<16xi32>
      %broadcast_in_dim3A_540 = arith.constant 13 : i32
      %broadcast_in_dim3A_541 = vector.broadcast %broadcast_in_dim3A_540 : i32 to vector<16x1xi32>
      %gather3A_542 = vector.shape_cast %broadcast_in_dim3A_541 : vector<16x1xi32> to vector<16xi32>
      %gather3A_543 = tpu.dynamic_gather %get3A_333[%gather3A_542] in [0] : vector<16xf32>, vector<16xi32> -> vector<16xf32>
      %add3A_544 = arith.addi %gather3A_539, %add3A_37 : vector<16xi32>
      %gather3A_545 = tpu.vector_load_idx %arg6[%add3A_544] : memref<49152xf32, #tpu.memory_space<vmem>>[vector<16xi32>], vector<16xf32>,
      %mul3A_546 = arith.mulf %gather3A_545, %gather3A_543 : vector<16xf32>
      %add3A_547 = arith.addf %add3A_515, %mul3A_546 : vector<16xf32>
      %add3A_548 = arith.addi %gather3A_539, %add3A_40 : vector<16xi32>
      %gather3A_549 = tpu.vector_load_idx %arg6[%add3A_548] : memref<49152xf32, #tpu.memory_space<vmem>>[vector<16xi32>], vector<16xf32>,
      %mul3A_550 = arith.mulf %gather3A_549, %gather3A_543 : vector<16xf32>
      %add3A_551 = arith.addf %add3A_519, %mul3A_550 : vector<16xf32>
      %broadcast_in_dim3A_552 = arith.constant 14 : i32
      %broadcast_in_dim3A_553 = vector.broadcast %broadcast_in_dim3A_552 : i32 to vector<16x1xi32>
      %gather3A_554 = vector.shape_cast %broadcast_in_dim3A_553 : vector<16x1xi32> to vector<16xi32>
      %gather3A_555 = tpu.dynamic_gather %get3A_331[%gather3A_554] in [0] : vector<16xi32>, vector<16xi32> -> vector<16xi32>
      %broadcast_in_dim3A_556 = arith.constant 14 : i32
      %broadcast_in_dim3A_557 = vector.broadcast %broadcast_in_dim3A_556 : i32 to vector<16x1xi32>
      %gather3A_558 = vector.shape_cast %broadcast_in_dim3A_557 : vector<16x1xi32> to vector<16xi32>
      %gather3A_559 = tpu.dynamic_gather %get3A_333[%gather3A_558] in [0] : vector<16xf32>, vector<16xi32> -> vector<16xf32>
      %add3A_560 = arith.addi %gather3A_555, %add3A_37 : vector<16xi32>
      %gather3A_561 = tpu.vector_load_idx %arg6[%add3A_560] : memref<49152xf32, #tpu.memory_space<vmem>>[vector<16xi32>], vector<16xf32>,
      %mul3A_562 = arith.mulf %gather3A_561, %gather3A_559 : vector<16xf32>
      %add3A_563 = arith.addf %add3A_531, %mul3A_562 : vector<16xf32>
      %add3A_564 = arith.addi %gather3A_555, %add3A_40 : vector<16xi32>
      %gather3A_565 = tpu.vector_load_idx %arg6[%add3A_564] : memref<49152xf32, #tpu.memory_space<vmem>>[vector<16xi32>], vector<16xf32>,
      %mul3A_566 = arith.mulf %gather3A_565, %gather3A_559 : vector<16xf32>
      %add3A_567 = arith.addf %add3A_535, %mul3A_566 : vector<16xf32>
      %broadcast_in_dim3A_568 = arith.constant 15 : i32
      %broadcast_in_dim3A_569 = vector.broadcast %broadcast_in_dim3A_568 : i32 to vector<16x1xi32>
      %gather3A_570 = vector.shape_cast %broadcast_in_dim3A_569 : vector<16x1xi32> to vector<16xi32>
      %gather3A_571 = tpu.dynamic_gather %get3A_331[%gather3A_570] in [0] : vector<16xi32>, vector<16xi32> -> vector<16xi32>
      %broadcast_in_dim3A_572 = arith.constant 15 : i32
      %broadcast_in_dim3A_573 = vector.broadcast %broadcast_in_dim3A_572 : i32 to vector<16x1xi32>
      %gather3A_574 = vector.shape_cast %broadcast_in_dim3A_573 : vector<16x1xi32> to vector<16xi32>
      %gather3A_575 = tpu.dynamic_gather %get3A_333[%gather3A_574] in [0] : vector<16xf32>, vector<16xi32> -> vector<16xf32>
      %add3A_576 = arith.addi %gather3A_571, %add3A_37 : vector<16xi32>
      %gather3A_577 = tpu.vector_load_idx %arg6[%add3A_576] : memref<49152xf32, #tpu.memory_space<vmem>>[vector<16xi32>], vector<16xf32>,
      %mul3A_578 = arith.mulf %gather3A_577, %gather3A_575 : vector<16xf32>
      %add3A_579 = arith.addf %add3A_547, %mul3A_578 : vector<16xf32>
      %add3A_580 = arith.addi %gather3A_571, %add3A_40 : vector<16xi32>
      %gather3A_581 = tpu.vector_load_idx %arg6[%add3A_580] : memref<49152xf32, #tpu.memory_space<vmem>>[vector<16xi32>], vector<16xf32>,
      %mul3A_582 = arith.mulf %gather3A_581, %gather3A_575 : vector<16xf32>
      %add3A_583 = arith.addf %add3A_551, %mul3A_582 : vector<16xf32>
      %add3A_584 = arith.constant 512 : i32
      %add3A_585 = arith.addi %add3A_584, %add3A_326 : i32
      %mul3A_586 = arith.constant 32 : i32
      %mul3A_587 = arith.muli %add3A_585, %mul3A_586 : i32
      %add3A_588 = arith.addf %add3A_563, %add3A_579 : vector<16xf32>
      %mul3A_589 = arith.constant 2.000000e+00 : f32
      %mul3A_590 = vector.broadcast %mul3A_589 : f32 to vector<16xf32>
      %mul3A_591 = arith.mulf %add3A_588, %mul3A_590 : vector<16xf32>
      %exp3A = math.exp %mul3A_591 : vector<16xf32>
      %add3A_592 = arith.constant 1.000000e+00 : f32
      %add3A_593 = vector.broadcast %add3A_592 : f32 to vector<16xf32>
      %add3A_594 = arith.addf %exp3A, %add3A_593 : vector<16xf32>
      %div3A = arith.constant 2.000000e+00 : f32
      %div3A_595 = vector.broadcast %div3A : f32 to vector<16xf32>
      %div3A_596 = arith.divf %div3A_595, %add3A_594 : vector<16xf32>
      %sub3A = arith.constant 1.000000e+00 : f32
      %sub3A_597 = vector.broadcast %sub3A : f32 to vector<16xf32>
      %sub3A_598 = arith.subf %sub3A_597, %div3A_596 : vector<16xf32>
      %add3A_599 = arith.constant 0 : i32
      %add3A_600 = arith.addi %mul3A_587, %add3A_599 : i32
      %swap3A = arith.index_cast %add3A_600 : i32 to index
      %swap3A_601 = tpu.vector_load %arg6[%swap3A] {strides = array<i32>} : memref<49152xf32, #tpu.memory_space<vmem>>, vector<16xf32>,
      tpu.vector_store %arg6[%swap3A], %sub3A_598 {strides = array<i32>} : memref<49152xf32, #tpu.memory_space<vmem>>, vector<16xf32>,
      %add3A_602 = arith.addf %add3A_567, %add3A_583 : vector<16xf32>
      %mul3A_603 = arith.constant 2.000000e+00 : f32
      %mul3A_604 = vector.broadcast %mul3A_603 : f32 to vector<16xf32>
      %mul3A_605 = arith.mulf %add3A_602, %mul3A_604 : vector<16xf32>
      %exp3A_606 = math.exp %mul3A_605 : vector<16xf32>
      %add3A_607 = arith.constant 1.000000e+00 : f32
      %add3A_608 = vector.broadcast %add3A_607 : f32 to vector<16xf32>
      %add3A_609 = arith.addf %exp3A_606, %add3A_608 : vector<16xf32>
      %div3A_610 = arith.constant 2.000000e+00 : f32
      %div3A_611 = vector.broadcast %div3A_610 : f32 to vector<16xf32>
      %div3A_612 = arith.divf %div3A_611, %add3A_609 : vector<16xf32>
      %sub3A_613 = arith.constant 1.000000e+00 : f32
      %sub3A_614 = vector.broadcast %sub3A_613 : f32 to vector<16xf32>
      %sub3A_615 = arith.subf %sub3A_614, %div3A_612 : vector<16xf32>
      %add3A_616 = arith.constant 16 : i32
      %add3A_617 = arith.addi %mul3A_587, %add3A_616 : i32
      %swap3A_618 = arith.index_cast %add3A_617 : i32 to index
      %swap3A_619 = tpu.vector_load %arg6[%swap3A_618] {strides = array<i32>} : memref<49152xf32, #tpu.memory_space<vmem>>, vector<16xf32>,
      tpu.vector_store %arg6[%swap3A_618], %sub3A_615 {strides = array<i32>} : memref<49152xf32, #tpu.memory_space<vmem>>, vector<16xf32>,
    }
    %scan3A_319 = arith.constant 128 : i32
    "tpu.region"() ({
      %run_scoped3A = tpu.sem_alloc : memref<!tpu.dma_semaphore, #tpu.memory_space<semaphore_mem>>
      %dma_start3A_320 = arith.constant 45056 : i32
      %dma_start3A_321 = tpu.memref_slice %arg6[%dma_start3A_320] : memref<49152xf32, #tpu.memory_space<vmem>> -> memref<4096xf32, #tpu.memory_space<vmem>>
      %dma_start3A_322 = arith.constant 0 : i32
      %dma_start3A_323 = tpu.memref_slice %arg5[%add3A, %dma_start3A_322] : memref<32x4096xf32, #tpu.memory_space<hbm>> -> memref<1x4096xf32, #tpu.memory_space<hbm>>
      %dma_start3A_324 = tpu.memref_squeeze %dma_start3A_323 : memref<1x4096xf32, #tpu.memory_space<hbm>> -> memref<4096xf32, #tpu.memory_space<hbm>>
      %dma_start3A_325 = arith.constant 0 : i32
      %dma_start3A_326 = tpu.memref_slice %arg5[%add3A, %dma_start3A_325] : memref<32x4096xf32, #tpu.memory_space<hbm>> -> memref<1x4096xf32, #tpu.memory_space<hbm>>
      %dma_start3A_327 = tpu.memref_squeeze %dma_start3A_326 : memref<1x4096xf32, #tpu.memory_space<hbm>> -> memref<4096xf32, #tpu.memory_space<hbm>>
      %dma_start3A_328 = arith.constant 45056 : i32
      %dma_start3A_329 = tpu.memref_slice %arg6[%dma_start3A_328] : memref<49152xf32, #tpu.memory_space<vmem>> -> memref<4096xf32, #tpu.memory_space<vmem>>
      tpu.enqueue_dma source(%dma_start3A_329 : memref<4096xf32, #tpu.memory_space<vmem>>) target(%dma_start3A_327 : memref<4096xf32, #tpu.memory_space<hbm>>) target_semaphore(%run_scoped3A : memref<!tpu.dma_semaphore, #tpu.memory_space<semaphore_mem>>)
      %dma_wait3A_330 = arith.constant 45056 : i32
      %dma_wait3A_331 = tpu.memref_slice %arg6[%dma_wait3A_330] : memref<49152xf32, #tpu.memory_space<vmem>> -> memref<4096xf32, #tpu.memory_space<vmem>>
      %dma_wait3A_332 = arith.constant 0 : i32
      %dma_wait3A_333 = tpu.memref_slice %arg5[%add3A, %dma_wait3A_332] : memref<32x4096xf32, #tpu.memory_space<hbm>> -> memref<1x4096xf32, #tpu.memory_space<hbm>>
      %dma_wait3A_334 = tpu.memref_squeeze %dma_wait3A_333 : memref<1x4096xf32, #tpu.memory_space<hbm>> -> memref<4096xf32, #tpu.memory_space<hbm>>
      %dma_wait3A_335 = arith.constant 0 : i32
      %dma_wait3A_336 = tpu.memref_slice %arg5[%add3A, %dma_wait3A_335] : memref<32x4096xf32, #tpu.memory_space<hbm>> -> memref<1x4096xf32, #tpu.memory_space<hbm>>
      %dma_wait3A_337 = tpu.memref_squeeze %dma_wait3A_336 : memref<1x4096xf32, #tpu.memory_space<hbm>> -> memref<4096xf32, #tpu.memory_space<hbm>>
      %dma_wait3A_338 = arith.constant 45056 : i32
      %dma_wait3A_339 = tpu.memref_slice %arg6[%dma_wait3A_338] : memref<49152xf32, #tpu.memory_space<vmem>> -> memref<4096xf32, #tpu.memory_space<vmem>>
      tpu.wait_dma2 semaphore(%run_scoped3A : memref<!tpu.dma_semaphore, #tpu.memory_space<semaphore_mem>>) src(%dma_wait3A_339 : memref<4096xf32, #tpu.memory_space<vmem>>) dst(%dma_wait3A_337 : memref<4096xf32, #tpu.memory_space<hbm>>)
      tpu.yield
    }) : () -> ()
    return
  }
}

module attributes {stable_mosaic.version = 14 : i64} {
  func.func @_tc_body(%arg0: memref<16384xi32, #tpu.memory_space<smem>>, %arg1: memref<16384xf32, #tpu.memory_space<smem>>, %arg2: memref<512x8x128xf32, #tpu.memory_space<vmem>>, %arg3: memref<128x8x128xf32, #tpu.memory_space<vmem>>, %arg4: memref<1536x8x128xf32, #tpu.memory_space<vmem>>) attributes {dimension_semantics = [], scalar_prefetch = 0 : i64, scratch_operands = 1 : i64, tpu.core_type = #tpu.core_type<tc>} {
    %get3A = arith.constant 0 : index
    %get3A_0 = arith.constant 0 : index
    %get3A_1 = arith.constant 0 : index
    %get3A_2 = vector.load %arg2[%get3A, %get3A_0, %get3A_1] : memref<512x8x128xf32, #tpu.memory_space<vmem>>, vector<512x8x128xf32>
    %swap3A = arith.constant 0 : index
    %swap3A_3 = arith.constant 0 : index
    %swap3A_4 = arith.constant 0 : index
    %swap3A_5 = vector.load %arg4[%swap3A, %swap3A_3, %swap3A_4] : memref<1536x8x128xf32, #tpu.memory_space<vmem>>, vector<512x8x128xf32>
    tpu.vector_store %arg4[%swap3A, %swap3A_3, %swap3A_4], %get3A_2 {strides = array<i32>} : memref<1536x8x128xf32, #tpu.memory_space<vmem>>, vector<512x8x128xf32>,
    %scan3A = arith.constant 0 : i32
    %scan3A_6 = arith.constant 1024 : i32
    %scan3A_7 = arith.addi %scan3A, %scan3A_6 : i32
    %scan3A_8 = arith.constant 1 : i32
    scf.for %scan3A_18 = %scan3A to %scan3A_7 step %scan3A_8  : i32 {
      %mul3A = arith.constant 16 : i32
      %mul3A_19 = arith.muli %scan3A_18, %mul3A : i32
      %get3A_20 = arith.index_cast %mul3A_19 : i32 to index
      %get3A_21 = memref.load %arg0[%get3A_20] : memref<16384xi32, #tpu.memory_space<smem>>
      %get3A_22 = arith.index_cast %get3A_21 : i32 to index
      %get3A_23 = arith.constant 0 : index
      %get3A_24 = arith.constant 0 : index
      %get3A_25 = vector.load %arg4[%get3A_22, %get3A_23, %get3A_24] : memref<1536x8x128xf32, #tpu.memory_space<vmem>>, vector<1x8x128xf32>
      %get3A_26 = arith.index_cast %mul3A_19 : i32 to index
      %get3A_27 = memref.load %arg1[%get3A_26] : memref<16384xf32, #tpu.memory_space<smem>>
      %mul3A_28 = vector.broadcast %get3A_27 : f32 to vector<1x8x128xf32>
      %mul3A_29 = arith.mulf %get3A_25, %mul3A_28 : vector<1x8x128xf32>
      %add3A = arith.constant 1 : i32
      %add3A_30 = arith.addi %mul3A_19, %add3A : i32
      %get3A_31 = arith.index_cast %add3A_30 : i32 to index
      %get3A_32 = memref.load %arg0[%get3A_31] : memref<16384xi32, #tpu.memory_space<smem>>
      %get3A_33 = arith.index_cast %get3A_32 : i32 to index
      %get3A_34 = arith.constant 0 : index
      %get3A_35 = arith.constant 0 : index
      %get3A_36 = vector.load %arg4[%get3A_33, %get3A_34, %get3A_35] : memref<1536x8x128xf32, #tpu.memory_space<vmem>>, vector<1x8x128xf32>
      %add3A_37 = arith.constant 1 : i32
      %add3A_38 = arith.addi %mul3A_19, %add3A_37 : i32
      %get3A_39 = arith.index_cast %add3A_38 : i32 to index
      %get3A_40 = memref.load %arg1[%get3A_39] : memref<16384xf32, #tpu.memory_space<smem>>
      %mul3A_41 = vector.broadcast %get3A_40 : f32 to vector<1x8x128xf32>
      %mul3A_42 = arith.mulf %get3A_36, %mul3A_41 : vector<1x8x128xf32>
      %add3A_43 = arith.constant 2 : i32
      %add3A_44 = arith.addi %mul3A_19, %add3A_43 : i32
      %get3A_45 = arith.index_cast %add3A_44 : i32 to index
      %get3A_46 = memref.load %arg0[%get3A_45] : memref<16384xi32, #tpu.memory_space<smem>>
      %get3A_47 = arith.index_cast %get3A_46 : i32 to index
      %get3A_48 = arith.constant 0 : index
      %get3A_49 = arith.constant 0 : index
      %get3A_50 = vector.load %arg4[%get3A_47, %get3A_48, %get3A_49] : memref<1536x8x128xf32, #tpu.memory_space<vmem>>, vector<1x8x128xf32>
      %add3A_51 = arith.constant 2 : i32
      %add3A_52 = arith.addi %mul3A_19, %add3A_51 : i32
      %get3A_53 = arith.index_cast %add3A_52 : i32 to index
      %get3A_54 = memref.load %arg1[%get3A_53] : memref<16384xf32, #tpu.memory_space<smem>>
      %mul3A_55 = vector.broadcast %get3A_54 : f32 to vector<1x8x128xf32>
      %mul3A_56 = arith.mulf %get3A_50, %mul3A_55 : vector<1x8x128xf32>
      %add3A_57 = arith.addf %mul3A_29, %mul3A_56 : vector<1x8x128xf32>
      %add3A_58 = arith.constant 2 : i32
      %add3A_59 = arith.addi %mul3A_19, %add3A_58 : i32
      %add3A_60 = arith.constant 1 : i32
      %add3A_61 = arith.addi %add3A_59, %add3A_60 : i32
      %get3A_62 = arith.index_cast %add3A_61 : i32 to index
      %get3A_63 = memref.load %arg0[%get3A_62] : memref<16384xi32, #tpu.memory_space<smem>>
      %get3A_64 = arith.index_cast %get3A_63 : i32 to index
      %get3A_65 = arith.constant 0 : index
      %get3A_66 = arith.constant 0 : index
      %get3A_67 = vector.load %arg4[%get3A_64, %get3A_65, %get3A_66] : memref<1536x8x128xf32, #tpu.memory_space<vmem>>, vector<1x8x128xf32>
      %add3A_68 = arith.constant 2 : i32
      %add3A_69 = arith.addi %mul3A_19, %add3A_68 : i32
      %add3A_70 = arith.constant 1 : i32
      %add3A_71 = arith.addi %add3A_69, %add3A_70 : i32
      %get3A_72 = arith.index_cast %add3A_71 : i32 to index
      %get3A_73 = memref.load %arg1[%get3A_72] : memref<16384xf32, #tpu.memory_space<smem>>
      %mul3A_74 = vector.broadcast %get3A_73 : f32 to vector<1x8x128xf32>
      %mul3A_75 = arith.mulf %get3A_67, %mul3A_74 : vector<1x8x128xf32>
      %add3A_76 = arith.addf %mul3A_42, %mul3A_75 : vector<1x8x128xf32>
      %add3A_77 = arith.constant 4 : i32
      %add3A_78 = arith.addi %mul3A_19, %add3A_77 : i32
      %get3A_79 = arith.index_cast %add3A_78 : i32 to index
      %get3A_80 = memref.load %arg0[%get3A_79] : memref<16384xi32, #tpu.memory_space<smem>>
      %get3A_81 = arith.index_cast %get3A_80 : i32 to index
      %get3A_82 = arith.constant 0 : index
      %get3A_83 = arith.constant 0 : index
      %get3A_84 = vector.load %arg4[%get3A_81, %get3A_82, %get3A_83] : memref<1536x8x128xf32, #tpu.memory_space<vmem>>, vector<1x8x128xf32>
      %add3A_85 = arith.constant 4 : i32
      %add3A_86 = arith.addi %mul3A_19, %add3A_85 : i32
      %get3A_87 = arith.index_cast %add3A_86 : i32 to index
      %get3A_88 = memref.load %arg1[%get3A_87] : memref<16384xf32, #tpu.memory_space<smem>>
      %mul3A_89 = vector.broadcast %get3A_88 : f32 to vector<1x8x128xf32>
      %mul3A_90 = arith.mulf %get3A_84, %mul3A_89 : vector<1x8x128xf32>
      %add3A_91 = arith.addf %add3A_57, %mul3A_90 : vector<1x8x128xf32>
      %add3A_92 = arith.constant 4 : i32
      %add3A_93 = arith.addi %mul3A_19, %add3A_92 : i32
      %add3A_94 = arith.constant 1 : i32
      %add3A_95 = arith.addi %add3A_93, %add3A_94 : i32
      %get3A_96 = arith.index_cast %add3A_95 : i32 to index
      %get3A_97 = memref.load %arg0[%get3A_96] : memref<16384xi32, #tpu.memory_space<smem>>
      %get3A_98 = arith.index_cast %get3A_97 : i32 to index
      %get3A_99 = arith.constant 0 : index
      %get3A_100 = arith.constant 0 : index
      %get3A_101 = vector.load %arg4[%get3A_98, %get3A_99, %get3A_100] : memref<1536x8x128xf32, #tpu.memory_space<vmem>>, vector<1x8x128xf32>
      %add3A_102 = arith.constant 4 : i32
      %add3A_103 = arith.addi %mul3A_19, %add3A_102 : i32
      %add3A_104 = arith.constant 1 : i32
      %add3A_105 = arith.addi %add3A_103, %add3A_104 : i32
      %get3A_106 = arith.index_cast %add3A_105 : i32 to index
      %get3A_107 = memref.load %arg1[%get3A_106] : memref<16384xf32, #tpu.memory_space<smem>>
      %mul3A_108 = vector.broadcast %get3A_107 : f32 to vector<1x8x128xf32>
      %mul3A_109 = arith.mulf %get3A_101, %mul3A_108 : vector<1x8x128xf32>
      %add3A_110 = arith.addf %add3A_76, %mul3A_109 : vector<1x8x128xf32>
      %add3A_111 = arith.constant 6 : i32
      %add3A_112 = arith.addi %mul3A_19, %add3A_111 : i32
      %get3A_113 = arith.index_cast %add3A_112 : i32 to index
      %get3A_114 = memref.load %arg0[%get3A_113] : memref<16384xi32, #tpu.memory_space<smem>>
      %get3A_115 = arith.index_cast %get3A_114 : i32 to index
      %get3A_116 = arith.constant 0 : index
      %get3A_117 = arith.constant 0 : index
      %get3A_118 = vector.load %arg4[%get3A_115, %get3A_116, %get3A_117] : memref<1536x8x128xf32, #tpu.memory_space<vmem>>, vector<1x8x128xf32>
      %add3A_119 = arith.constant 6 : i32
      %add3A_120 = arith.addi %mul3A_19, %add3A_119 : i32
      %get3A_121 = arith.index_cast %add3A_120 : i32 to index
      %get3A_122 = memref.load %arg1[%get3A_121] : memref<16384xf32, #tpu.memory_space<smem>>
      %mul3A_123 = vector.broadcast %get3A_122 : f32 to vector<1x8x128xf32>
      %mul3A_124 = arith.mulf %get3A_118, %mul3A_123 : vector<1x8x128xf32>
      %add3A_125 = arith.addf %add3A_91, %mul3A_124 : vector<1x8x128xf32>
      %add3A_126 = arith.constant 6 : i32
      %add3A_127 = arith.addi %mul3A_19, %add3A_126 : i32
      %add3A_128 = arith.constant 1 : i32
      %add3A_129 = arith.addi %add3A_127, %add3A_128 : i32
      %get3A_130 = arith.index_cast %add3A_129 : i32 to index
      %get3A_131 = memref.load %arg0[%get3A_130] : memref<16384xi32, #tpu.memory_space<smem>>
      %get3A_132 = arith.index_cast %get3A_131 : i32 to index
      %get3A_133 = arith.constant 0 : index
      %get3A_134 = arith.constant 0 : index
      %get3A_135 = vector.load %arg4[%get3A_132, %get3A_133, %get3A_134] : memref<1536x8x128xf32, #tpu.memory_space<vmem>>, vector<1x8x128xf32>
      %add3A_136 = arith.constant 6 : i32
      %add3A_137 = arith.addi %mul3A_19, %add3A_136 : i32
      %add3A_138 = arith.constant 1 : i32
      %add3A_139 = arith.addi %add3A_137, %add3A_138 : i32
      %get3A_140 = arith.index_cast %add3A_139 : i32 to index
      %get3A_141 = memref.load %arg1[%get3A_140] : memref<16384xf32, #tpu.memory_space<smem>>
      %mul3A_142 = vector.broadcast %get3A_141 : f32 to vector<1x8x128xf32>
      %mul3A_143 = arith.mulf %get3A_135, %mul3A_142 : vector<1x8x128xf32>
      %add3A_144 = arith.addf %add3A_110, %mul3A_143 : vector<1x8x128xf32>
      %add3A_145 = arith.constant 8 : i32
      %add3A_146 = arith.addi %mul3A_19, %add3A_145 : i32
      %get3A_147 = arith.index_cast %add3A_146 : i32 to index
      %get3A_148 = memref.load %arg0[%get3A_147] : memref<16384xi32, #tpu.memory_space<smem>>
      %get3A_149 = arith.index_cast %get3A_148 : i32 to index
      %get3A_150 = arith.constant 0 : index
      %get3A_151 = arith.constant 0 : index
      %get3A_152 = vector.load %arg4[%get3A_149, %get3A_150, %get3A_151] : memref<1536x8x128xf32, #tpu.memory_space<vmem>>, vector<1x8x128xf32>
      %add3A_153 = arith.constant 8 : i32
      %add3A_154 = arith.addi %mul3A_19, %add3A_153 : i32
      %get3A_155 = arith.index_cast %add3A_154 : i32 to index
      %get3A_156 = memref.load %arg1[%get3A_155] : memref<16384xf32, #tpu.memory_space<smem>>
      %mul3A_157 = vector.broadcast %get3A_156 : f32 to vector<1x8x128xf32>
      %mul3A_158 = arith.mulf %get3A_152, %mul3A_157 : vector<1x8x128xf32>
      %add3A_159 = arith.addf %add3A_125, %mul3A_158 : vector<1x8x128xf32>
      %add3A_160 = arith.constant 8 : i32
      %add3A_161 = arith.addi %mul3A_19, %add3A_160 : i32
      %add3A_162 = arith.constant 1 : i32
      %add3A_163 = arith.addi %add3A_161, %add3A_162 : i32
      %get3A_164 = arith.index_cast %add3A_163 : i32 to index
      %get3A_165 = memref.load %arg0[%get3A_164] : memref<16384xi32, #tpu.memory_space<smem>>
      %get3A_166 = arith.index_cast %get3A_165 : i32 to index
      %get3A_167 = arith.constant 0 : index
      %get3A_168 = arith.constant 0 : index
      %get3A_169 = vector.load %arg4[%get3A_166, %get3A_167, %get3A_168] : memref<1536x8x128xf32, #tpu.memory_space<vmem>>, vector<1x8x128xf32>
      %add3A_170 = arith.constant 8 : i32
      %add3A_171 = arith.addi %mul3A_19, %add3A_170 : i32
      %add3A_172 = arith.constant 1 : i32
      %add3A_173 = arith.addi %add3A_171, %add3A_172 : i32
      %get3A_174 = arith.index_cast %add3A_173 : i32 to index
      %get3A_175 = memref.load %arg1[%get3A_174] : memref<16384xf32, #tpu.memory_space<smem>>
      %mul3A_176 = vector.broadcast %get3A_175 : f32 to vector<1x8x128xf32>
      %mul3A_177 = arith.mulf %get3A_169, %mul3A_176 : vector<1x8x128xf32>
      %add3A_178 = arith.addf %add3A_144, %mul3A_177 : vector<1x8x128xf32>
      %add3A_179 = arith.constant 10 : i32
      %add3A_180 = arith.addi %mul3A_19, %add3A_179 : i32
      %get3A_181 = arith.index_cast %add3A_180 : i32 to index
      %get3A_182 = memref.load %arg0[%get3A_181] : memref<16384xi32, #tpu.memory_space<smem>>
      %get3A_183 = arith.index_cast %get3A_182 : i32 to index
      %get3A_184 = arith.constant 0 : index
      %get3A_185 = arith.constant 0 : index
      %get3A_186 = vector.load %arg4[%get3A_183, %get3A_184, %get3A_185] : memref<1536x8x128xf32, #tpu.memory_space<vmem>>, vector<1x8x128xf32>
      %add3A_187 = arith.constant 10 : i32
      %add3A_188 = arith.addi %mul3A_19, %add3A_187 : i32
      %get3A_189 = arith.index_cast %add3A_188 : i32 to index
      %get3A_190 = memref.load %arg1[%get3A_189] : memref<16384xf32, #tpu.memory_space<smem>>
      %mul3A_191 = vector.broadcast %get3A_190 : f32 to vector<1x8x128xf32>
      %mul3A_192 = arith.mulf %get3A_186, %mul3A_191 : vector<1x8x128xf32>
      %add3A_193 = arith.addf %add3A_159, %mul3A_192 : vector<1x8x128xf32>
      %add3A_194 = arith.constant 10 : i32
      %add3A_195 = arith.addi %mul3A_19, %add3A_194 : i32
      %add3A_196 = arith.constant 1 : i32
      %add3A_197 = arith.addi %add3A_195, %add3A_196 : i32
      %get3A_198 = arith.index_cast %add3A_197 : i32 to index
      %get3A_199 = memref.load %arg0[%get3A_198] : memref<16384xi32, #tpu.memory_space<smem>>
      %get3A_200 = arith.index_cast %get3A_199 : i32 to index
      %get3A_201 = arith.constant 0 : index
      %get3A_202 = arith.constant 0 : index
      %get3A_203 = vector.load %arg4[%get3A_200, %get3A_201, %get3A_202] : memref<1536x8x128xf32, #tpu.memory_space<vmem>>, vector<1x8x128xf32>
      %add3A_204 = arith.constant 10 : i32
      %add3A_205 = arith.addi %mul3A_19, %add3A_204 : i32
      %add3A_206 = arith.constant 1 : i32
      %add3A_207 = arith.addi %add3A_205, %add3A_206 : i32
      %get3A_208 = arith.index_cast %add3A_207 : i32 to index
      %get3A_209 = memref.load %arg1[%get3A_208] : memref<16384xf32, #tpu.memory_space<smem>>
      %mul3A_210 = vector.broadcast %get3A_209 : f32 to vector<1x8x128xf32>
      %mul3A_211 = arith.mulf %get3A_203, %mul3A_210 : vector<1x8x128xf32>
      %add3A_212 = arith.addf %add3A_178, %mul3A_211 : vector<1x8x128xf32>
      %add3A_213 = arith.constant 12 : i32
      %add3A_214 = arith.addi %mul3A_19, %add3A_213 : i32
      %get3A_215 = arith.index_cast %add3A_214 : i32 to index
      %get3A_216 = memref.load %arg0[%get3A_215] : memref<16384xi32, #tpu.memory_space<smem>>
      %get3A_217 = arith.index_cast %get3A_216 : i32 to index
      %get3A_218 = arith.constant 0 : index
      %get3A_219 = arith.constant 0 : index
      %get3A_220 = vector.load %arg4[%get3A_217, %get3A_218, %get3A_219] : memref<1536x8x128xf32, #tpu.memory_space<vmem>>, vector<1x8x128xf32>
      %add3A_221 = arith.constant 12 : i32
      %add3A_222 = arith.addi %mul3A_19, %add3A_221 : i32
      %get3A_223 = arith.index_cast %add3A_222 : i32 to index
      %get3A_224 = memref.load %arg1[%get3A_223] : memref<16384xf32, #tpu.memory_space<smem>>
      %mul3A_225 = vector.broadcast %get3A_224 : f32 to vector<1x8x128xf32>
      %mul3A_226 = arith.mulf %get3A_220, %mul3A_225 : vector<1x8x128xf32>
      %add3A_227 = arith.addf %add3A_193, %mul3A_226 : vector<1x8x128xf32>
      %add3A_228 = arith.constant 12 : i32
      %add3A_229 = arith.addi %mul3A_19, %add3A_228 : i32
      %add3A_230 = arith.constant 1 : i32
      %add3A_231 = arith.addi %add3A_229, %add3A_230 : i32
      %get3A_232 = arith.index_cast %add3A_231 : i32 to index
      %get3A_233 = memref.load %arg0[%get3A_232] : memref<16384xi32, #tpu.memory_space<smem>>
      %get3A_234 = arith.index_cast %get3A_233 : i32 to index
      %get3A_235 = arith.constant 0 : index
      %get3A_236 = arith.constant 0 : index
      %get3A_237 = vector.load %arg4[%get3A_234, %get3A_235, %get3A_236] : memref<1536x8x128xf32, #tpu.memory_space<vmem>>, vector<1x8x128xf32>
      %add3A_238 = arith.constant 12 : i32
      %add3A_239 = arith.addi %mul3A_19, %add3A_238 : i32
      %add3A_240 = arith.constant 1 : i32
      %add3A_241 = arith.addi %add3A_239, %add3A_240 : i32
      %get3A_242 = arith.index_cast %add3A_241 : i32 to index
      %get3A_243 = memref.load %arg1[%get3A_242] : memref<16384xf32, #tpu.memory_space<smem>>
      %mul3A_244 = vector.broadcast %get3A_243 : f32 to vector<1x8x128xf32>
      %mul3A_245 = arith.mulf %get3A_237, %mul3A_244 : vector<1x8x128xf32>
      %add3A_246 = arith.addf %add3A_212, %mul3A_245 : vector<1x8x128xf32>
      %add3A_247 = arith.constant 14 : i32
      %add3A_248 = arith.addi %mul3A_19, %add3A_247 : i32
      %get3A_249 = arith.index_cast %add3A_248 : i32 to index
      %get3A_250 = memref.load %arg0[%get3A_249] : memref<16384xi32, #tpu.memory_space<smem>>
      %get3A_251 = arith.index_cast %get3A_250 : i32 to index
      %get3A_252 = arith.constant 0 : index
      %get3A_253 = arith.constant 0 : index
      %get3A_254 = vector.load %arg4[%get3A_251, %get3A_252, %get3A_253] : memref<1536x8x128xf32, #tpu.memory_space<vmem>>, vector<1x8x128xf32>
      %add3A_255 = arith.constant 14 : i32
      %add3A_256 = arith.addi %mul3A_19, %add3A_255 : i32
      %get3A_257 = arith.index_cast %add3A_256 : i32 to index
      %get3A_258 = memref.load %arg1[%get3A_257] : memref<16384xf32, #tpu.memory_space<smem>>
      %mul3A_259 = vector.broadcast %get3A_258 : f32 to vector<1x8x128xf32>
      %mul3A_260 = arith.mulf %get3A_254, %mul3A_259 : vector<1x8x128xf32>
      %add3A_261 = arith.addf %add3A_227, %mul3A_260 : vector<1x8x128xf32>
      %add3A_262 = arith.constant 14 : i32
      %add3A_263 = arith.addi %mul3A_19, %add3A_262 : i32
      %add3A_264 = arith.constant 1 : i32
      %add3A_265 = arith.addi %add3A_263, %add3A_264 : i32
      %get3A_266 = arith.index_cast %add3A_265 : i32 to index
      %get3A_267 = memref.load %arg0[%get3A_266] : memref<16384xi32, #tpu.memory_space<smem>>
      %get3A_268 = arith.index_cast %get3A_267 : i32 to index
      %get3A_269 = arith.constant 0 : index
      %get3A_270 = arith.constant 0 : index
      %get3A_271 = vector.load %arg4[%get3A_268, %get3A_269, %get3A_270] : memref<1536x8x128xf32, #tpu.memory_space<vmem>>, vector<1x8x128xf32>
      %add3A_272 = arith.constant 14 : i32
      %add3A_273 = arith.addi %mul3A_19, %add3A_272 : i32
      %add3A_274 = arith.constant 1 : i32
      %add3A_275 = arith.addi %add3A_273, %add3A_274 : i32
      %get3A_276 = arith.index_cast %add3A_275 : i32 to index
      %get3A_277 = memref.load %arg1[%get3A_276] : memref<16384xf32, #tpu.memory_space<smem>>
      %mul3A_278 = vector.broadcast %get3A_277 : f32 to vector<1x8x128xf32>
      %mul3A_279 = arith.mulf %get3A_271, %mul3A_278 : vector<1x8x128xf32>
      %add3A_280 = arith.addf %add3A_246, %mul3A_279 : vector<1x8x128xf32>
      %add3A_281 = arith.addf %add3A_261, %add3A_280 : vector<1x8x128xf32>
      %tanh3A = math.tanh %add3A_281 : vector<1x8x128xf32>
      %add3A_282 = arith.constant 512 : i32
      %add3A_283 = arith.addi %add3A_282, %scan3A_18 : i32
      %swap3A_284 = arith.index_cast %add3A_283 : i32 to index
      %swap3A_285 = arith.constant 0 : index
      %swap3A_286 = arith.constant 0 : index
      %swap3A_287 = vector.load %arg4[%swap3A_284, %swap3A_285, %swap3A_286] : memref<1536x8x128xf32, #tpu.memory_space<vmem>>, vector<1x8x128xf32>
      tpu.vector_store %arg4[%swap3A_284, %swap3A_285, %swap3A_286], %tanh3A {strides = array<i32>} : memref<1536x8x128xf32, #tpu.memory_space<vmem>>, vector<1x8x128xf32>,
    }
    %scan3A_9 = arith.constant 1024 : i32
    %get3A_10 = arith.constant 1408 : index
    %get3A_11 = arith.constant 0 : index
    %get3A_12 = arith.constant 0 : index
    %get3A_13 = vector.load %arg4[%get3A_10, %get3A_11, %get3A_12] : memref<1536x8x128xf32, #tpu.memory_space<vmem>>, vector<128x8x128xf32>
    %swap3A_14 = arith.constant 0 : index
    %swap3A_15 = arith.constant 0 : index
    %swap3A_16 = arith.constant 0 : index
    %swap3A_17 = vector.load %arg3[%swap3A_14, %swap3A_15, %swap3A_16] : memref<128x8x128xf32, #tpu.memory_space<vmem>>, vector<128x8x128xf32>
    tpu.vector_store %arg3[%swap3A_14, %swap3A_15, %swap3A_16], %get3A_13 {strides = array<i32>} : memref<128x8x128xf32, #tpu.memory_space<vmem>>, vector<128x8x128xf32>,
    return
  }
}

</mosaic_0001>

<sc_bundles>
// kernel: kernel.4.cloned.1.call-start
scs
__scs_entry_jumppad:
0x0: {  	(pc) =	sbr.rel $0x88, $3  }
0x1: {  	(tag) =	ssettag $0x0;
	lr =	simm.s32 $0x1  }
0x2: {  	[smem:$0x3F9E] =	sst lr;
	_ =	strace $0xD0000000  }
0x3: {  	_ = 	snop  }
0x4: {  	_ = 	snop  }
0x5: {  	_ = 	snop  }
0x6: {  	_ = 	snop  }
0x7: {  	_ = 	snop  }
__scs_overlays_trampoline_lowered:
0x8: {  	[smem:$0x3FAD] =	sst s0  }
0x9: {  	[smem:$0x3FAE] =	sst s1  }
0xa: {  	[smem:$0x3FAF] =	sst s2  }
0xb: {  	[smem:$0x3FB0] =	sst s3  }
0xc: {  	[smem:$0x3FB1] =	sst s4  }
0xd: {  	[smem:$0x3FB2] =	sst s5  }
0xe: {  	[smem:$0x3FB3] =	sst s6  }
0xf: {  	[smem:$0x3FB4] =	sst s7  }
0x10: {  	[smem:$0x3FB5] =	sst s8  }
0x11: {  	[smem:$0x3FB6] =	sst s9;
	s0 =	simm.s32 @!p0 $0x0  }
0x12: {  	s1 =	sld [smem:$0x3F9C];
	s0 =	simm.s32 @p0 $0x1  }
0x13: {  	[smem:$0x3FB7] =	sst s0;
	s0 =	simm.s32 @!p1 $0x0  }
0x14: {  	s2 =	sld [smem:$0x3F9B];
	s0 =	simm.s32 @p1 $0x1  }
0x15: {  	[smem:$0x3FB8] =	sst s0;
	s0 =	simm.s32 @!p2 $0x0  }
0x16: {  	s3 =	sld [smem:$0x3FDB];
	s0 =	simm.s32 @p2 $0x1  }
0x17: {  	s4 =	simm.s32 $0x1BF5;
	[smem:$0x3FBA] =	sst s0  }
0x18: {  	s0 =	sld [smem:$0x3F9D];
	_ =	swait.ge [sflag:s4], $0x0  }
0x19: {  	s7 =	sld [smem:$0x3F9E]  }
0x1a: {  	s8 =	sadd.s32 $0xFFFFE003, lr  }
0x1b: {  	s9 =	sadd.s32 $0xFFFFFEF7, lr;
	s5 =	simm.s32 $0xFFFFFFFF;
	p2 =	slt.u32 s8, $0xFFFFF086  }
0x1c: {  	p1 =	slt.u32 s9, $0xF7A;
	s5 =	simm.s32 @!p2 $0x0  }
0x1d: {  	s5 =	simm.s32 @p1 $0x1;
	p0 =	seq.s32 s7, s2  }
0x1e: {  	s7 =	smul.u32 @!p0 $0xF7A, s2;
	p2 =	seq.s32 @!p0 s5, $0x0  }
0x1f: {  	s9 =	smul.u32 $0xF7A, s1;
	s8 =	simm.s32 @!p0 $0x1BF5;
	p2 =	por !p2, p0  }
0x20: {  	[sflag:s8] =	ssyncset.s32 @!p0 $0xFFFFF086;
	s6 =	sadd.s32 @!p0 s3, s7;
	s7 =	simm.s32 @!p0 $0x108  }
0x21: {  	s3 =	sadd.s32 s3, s9;
	s6 =	sadd.s32 @!p0 $0x88, s6;
	s7 =	simm.s32 @p2 $0x1082  }
0x22: {  	[simem:s7], [sflag:s8] =	dma.local @!p0 [hbm:s6], $0xF7A  }
0x23: {  	s9 =	sor.u32 $0xD0000000, s2;
	s6 =	simm.s32 $0x108;
	_ =	swait.ge @!p0 [sflag:s8], $0x0  }
0x24: {  	s3 =	sadd.s32 $0x88, s3;
	s6 =	simm.s32 @!p1 $0x1082;
	[sflag:s4] =	ssyncset.s32 $0xFFFFF086  }
0x25: {  	[simem:s6], [sflag:s4] =	dma.local [hbm:s3], $0xF7A  }
0x26: {  	[smem:$0x3F9E] =	sst s1;
	(tag) =	ssettag s2;
	_ =	strace s9  }
0x27: {  	s1 =	sld [smem:$0x3FAE]  }
0x28: {  	s2 =	sld [smem:$0x3FAF]  }
0x29: {  	s4 =	sld [smem:$0x3FB1]  }
0x2a: {  	p0 =	seq.s32 s5, $0x0;
	s5 =	sld [smem:$0x3FB2]  }
0x2b: {  	s6 =	sld [smem:$0x3FB3]  }
0x2c: {  	s7 =	sld [smem:$0x3FB4]  }
0x2d: {  	s3 =	simm.s32 $0x108;
	s8 =	sld [smem:$0x3FB5]  }
0x2e: {  	s3 =	simm.s32 @!p0 $0x1082;
	s9 =	sld [smem:$0x3FB6]  }
0x2f: {  	lr =	sadd.s32 s0, s3;
	s0 =	sld [smem:$0x3FAD]  }
0x30: {  	s3 =	sld [smem:$0x3FB0]  }
0x31: {  	[smem:$0x3FB9] =	sst s10  }
0x32: {  	s10 =	sld [smem:$0x3FB7];
	_ =	sdelay $0x3  }
0x33: {  	p0 =	seq.s32 s10, $0x1;
	s10 =	sld [smem:$0x3FB9];
	_ =	sdelay $0x3  }
0x34: {  	[smem:$0x3FB9] =	sst s10  }
0x35: {  	s10 =	sld [smem:$0x3FB8];
	_ =	sdelay $0x3  }
0x36: {  	p1 =	seq.s32 s10, $0x1;
	s10 =	sld [smem:$0x3FB9];
	_ =	sdelay $0x3  }
0x37: {  	[smem:$0x3FB9] =	sst s10  }
0x38: {  	s10 =	sld [smem:$0x3FBA]  }
0x39: {  	_ = 	snop;
	(pc) =	sbr.ind lr, $3  }
0x3a: {  	_ = 	snop  }
0x3b: {  	_ = 	snop  }
0x3c: {  	p2 =	seq.s32 s10, $0x1;
	s10 =	sld [smem:$0x3FB9]  }
0x3d: {  	_ =	shalt  }
0x3e: {  	_ =	shalt  }
0x3f: {  	_ =	shalt  }
0x40: {  	_ =	shalt  }
0x41: {  	_ =	shalt  }
0x42: {  	_ =	shalt  }
0x43: {  	_ =	shalt  }
0x44: {  	_ =	shalt  }
0x45: {  	_ =	shalt  }
0x46: {  	_ =	shalt  }
0x47: {  	_ =	shalt  }
0x48: {  	_ =	shalt  }
0x49: {  	_ =	shalt  }
0x4a: {  	_ =	shalt  }
0x4b: {  	_ =	shalt  }
0x4c: {  	_ =	shalt  }
0x4d: {  	_ =	shalt  }
0x4e: {  	_ =	shalt  }
0x4f: {  	_ =	shalt  }
0x50: {  	_ =	shalt  }
0x51: {  	_ =	shalt  }
0x52: {  	_ =	shalt  }
0x53: {  	_ =	shalt  }
0x54: {  	_ =	shalt  }
0x55: {  	_ =	shalt  }
0x56: {  	_ =	shalt  }
0x57: {  	_ =	shalt  }
0x58: {  	_ =	shalt  }
0x59: {  	_ =	shalt  }
0x5a: {  	_ =	shalt  }
0x5b: {  	_ =	shalt  }
0x5c: {  	_ =	shalt  }
0x5d: {  	_ =	shalt  }
0x5e: {  	_ =	shalt  }
0x5f: {  	_ =	shalt  }
0x60: {  	_ =	shalt  }
0x61: {  	_ =	shalt  }
0x62: {  	_ =	shalt  }
0x63: {  	_ =	shalt  }
0x64: {  	_ =	shalt  }
0x65: {  	_ =	shalt  }
0x66: {  	_ =	shalt  }
0x67: {  	_ =	shalt  }
0x68: {  	_ =	shalt  }
0x69: {  	_ =	shalt  }
0x6a: {  	_ =	shalt  }
0x6b: {  	_ =	shalt  }
0x6c: {  	_ =	shalt  }
0x6d: {  	_ =	shalt  }
0x6e: {  	_ =	shalt  }
0x6f: {  	_ =	shalt  }
0x70: {  	_ =	shalt  }
0x71: {  	_ =	shalt  }
0x72: {  	_ =	shalt  }
0x73: {  	_ =	shalt  }
0x74: {  	_ =	shalt  }
0x75: {  	_ =	shalt  }
0x76: {  	_ =	shalt  }
0x77: {  	_ =	shalt  }
0x78: {  	_ =	shalt  }
0x79: {  	_ =	shalt  }
0x7a: {  	_ =	shalt  }
0x7b: {  	_ =	shalt  }
0x7c: {  	_ =	shalt  }
0x7d: {  	_ =	shalt  }
0x7e: {  	_ =	shalt  }
0x7f: {  	_ =	shalt  }
0x80: {  	_ =	shalt  }
0x81: {  	_ =	shalt  }
0x82: {  	_ =	shalt  }
0x83: {  	_ =	shalt  }
0x84: {  	_ =	shalt  }
0x85: {  	_ =	shalt  }
0x86: {  	_ =	shalt  }
0x87: {  	_ =	shalt  }
.Lfunc_end0:
.L_simem_size_0:
called_computation_lowered:
.L_overlay_start_0:
0x88: {  	s2 =	sld [smem:$0x3FD9]  }
0x89: {  	s3 =	sld [smem:$0x3FFE];
	_ =	sdelay $0x1  }
0x8a: {  	s1 =	srdreg.scid  }
0x8b: {  	s0 =	sand.u32 $0x1, s1  }
0x8c: {  	s17 =	sshll.u32 s0, $0xA;
	s2 =	sadd.s32 s3, s2  }
0x8d: {  	s2 =	sadd.s32 s2, s17  }
0x8e: {  	[smem:$0x3FC5] =	sst s2  }
0x8f: {  	_ = 	snop  }
0x90: {  	s2 =	sld [smem:$0x3FD0];
	(tm) =	ssettm $0x1  }
0x91: {  	s18 =	sld [smem:$0x3FFB];
	_ =	sdelay $0x3  }
0x92: {  	_ =	strace s18  }
0x93: {  	s3 =	sld [smem:$0x3FFC];
	_ =	sdelay $0x3  }
0x94: {  	_ =	strace s3  }
0x95: {  	s3 =	sld [smem:$0x3FFD];
	_ =	sdelay $0x3  }
0x96: {  	_ =	strace s3  }
0x97: {  	_ =	strace $0x8FFFFFFF  }
0x98: {  	s19 =	sld [smem:$0x3FDB];
	_ =	sdelay $0x1  }
0x99: {  	s4 =	simm.s32 $_scs_section_size  }
0x9a: {  	s5 =	simm.s32 $_size__tile_overlayer_lowered;
	s6 =	simm.s32 $_tile_overlayer_lowered  }
0x9b: {  	s22 =	simm.s32 $0x1BFF;
	s21 =	sshll.u32 s6, $0x1;
	s3 =	sadd.s32 s4, s19  }
0x9c: {  	s7 =	simm.s32 $0x0;
	s20 =	sshll.u32 s5, $0x1;
	s5 =	sadd.s32 s21, s3  }
0x9d: {  	[timem:s7], [sflag:s22] =	dma.local [hbm:s5], s20  }
0x9e: {  	_ =	swait.ge [sflag:s22], s20  }
0x9f: {  	s4 =	ssub.s32 $0x0, s20;
	[sflag:s22] =	ssyncset.done $0x0  }
0xa0: {  	[sflag:s22] =	ssyncadd.s32 s4;
	_ =	sdelay $0x1  }
0xa1: {  	s23 =	simm.s32 $0x1B8B  }
0xa2: {  	_ =	swait.ge [sflag:s23], $0x1  }
0xa3: {  	[sflag:s23] =	ssyncset.done $0x0  }
0xa4: {  	s25 =	simm.s32 $0x1B8E;
	s24 =	sld [smem:$0x3FFE];
	[sflag:s23] =	ssyncadd.s32 $0xFFFFFFFF  }
0xa5: {  	s26 =	simm.s32 $execute0_lowered;
	[smem:$0x3FD2] =	sst s25  }
0xa6: {  	s5 =	sshll.u32 s26, $0x1;
	_ =	strace $0x80000046;
	[dreg:$0x1] =	wrdreg $0xFFFFFFFF  }
0xa7: {  	s28 =	simm.s32 $_size_execute0_lowered;
	s3 =	sadd.s32 s3, s5;
	[dreg:$0x0] =	wrdreg $0x0  }
0xa8: {  	s5 =	sshll.u32 s28, $0x1;
	[dreg:$0x2] =	wrdreg s3  }
0xa9: {  	[dreg:$0x3] =	wrdreg s5  }
0xaa: {  	[dreg:$0x4] =	wrdreg $0xC0  }
0xab: {  	_ =	task [dreg:s7], $0x5FFFF  }
0xac: {  	[dreg:$0x1] =	wrdreg $0xFFFFFFFF  }
0xad: {  	[dreg:$0x0] =	wrdreg $0x60  }
0xae: {  	[dreg:$0x2] =	wrdreg s24  }
0xaf: {  	[dreg:$0x3] =	wrdreg s2  }
0xb0: {  	[dreg:$0x4] =	wrdreg $0x9  }
0xb1: {  	_ =	task.clear_ibuf [dreg:s7], $0x5FFFF;
	_ =	strace $0x90000046  }
0xb2: {  	s29 =	simm.s32 $0x9;
	_ =	strace $0x80000048  }
0xb3: {  	_ =	swait.ge [sflag:s29], $0x1  }
0xb4: {  	[sflag:s29] =	ssyncadd.s32 $0xFFFFFFFF  }
0xb5: {  	_ =	strace $0x90000048  }
0xb6: {  	_ =	sfence  }
0xb7: {  	s30 =	sld [smem:$0x0];
	_ =	sdelay $0x2  }
0xb8: {  	s31 =	sshll.u32 s1, $0xD;
	s1 =	sshrl.u32 s1, $0x2  }
0xb9: {  	s3 =	sand.u32 $0x4000, s31;
	s1 =	sadd.s32 s1, s30  }
0xba: {  	s0 =	sor.u32 s3, s0;
	s1 =	sshll.u32 s1, $0x11  }
0xbb: {  	s0 =	sor.u32 s1, s0  }
0xbc: {  	s0 =	sadd.s32 $0x8F2B, s0  }
0xbd: {  	[sflag:s0] =	ssyncadd.remote.s32 $0x1  }
0xbe: {  	_ =	sfence.sel $0xFFFF  }
0xbf: {  	[dreg:$0x0] =	wrdreg $0xFFFFFFFF;
	(pc) =	sbr.abs _section_cstart, $3  }
0xc0: {  	[dreg:$0x1] =	wrdreg $0xFFFFFFFF  }
0xc1: {  	_ =	task.clear_ibuf [dreg:s7], $0x2FFFF;
	_ =	strace $0x9FFFFFFF  }
0xc2: {  	(tm) =	ssettm $0x7FFFFFFF  }
0xc3: {  	_ =	shalt  }
tec
execute0_lowered:
.L_overlay_start_1:
0x0: {  	(tag) =	ssettag $0x1  }
0x1: {  	s0 =	srdreg.scid;
	s1 =	rddreg [dreg:$0x0]  }
0x2: {  	s3 =	stileid.u32;
	s5 =	rddreg [dreg:$0x1];
	s28 =	simm.s32 $0xC800  }
0x3: {  	s29 =	simm.s32 $0xD800;
	s30 =	simm.s32 $0xC000;
	s31 =	simm.s32 $0xD000  }
0x4: {  	s0 =	sand.u32 $0x1, s0;
	s2 =	sshll.u32 s3, $0x8;
	s3 =	sshrl.u32 s3, $0x2  }
0x5: {  	s7 =	sadd.s32 $0xA00, s1;
	s22 =	sadd.s32 $0x1200, s1;
	s24 =	sadd.s32 $0xB00, s1  }
0x6: {  	s25 =	sadd.s32 $0x1300, s1;
	s26 =	sadd.s32 $0xC00, s1;
	s9 =	sadd.s32 $0x1400, s1  }
0x7: {  	s10 =	sadd.s32 $0xD00, s1;
	s11 =	sadd.s32 $0x1500, s1;
	s12 =	sadd.s32 $0xE00, s1  }
0x8: {  	s13 =	sadd.s32 $0x1600, s1;
	s14 =	sadd.s32 $0xF00, s1;
	s15 =	sadd.s32 $0x1700, s1  }
0x9: {  	s16 =	sadd.s32 $0x1000, s1;
	s4 =	sshll.u32 s0, $0x7;
	s2 =	sand.u32 $0x300, s2  }
0xa: {  	s17 =	sadd.s32 $0x1800, s1;
	s4 =	sor.u32 s4, s2;
	s2 =	simm.s32 $0x0  }
0xb: {  	s18 =	sadd.s32 $0x1100, s1;
	s19 =	sadd.s32 $0x1900, s1;
	[smem:$0x7FF] =	sst s2  }
0xc: {  	s6 =	sshll.u32 s3, $0x11;
	_ =	strace $0x80000047;
	[dreg:$0x3] =	wrdreg s7  }
0xd: {  	s0 =	ssub.s32 $0x2, s0;
	s3 =	sshll.u32 s3, $0xF;
	[dreg:$0x4] =	wrdreg s22  }
0xe: {  	s23 =	sshrl.u32 s0, $0x1;
	s6 =	sor.u32 s6, s4;
	[dreg:$0x6] =	wrdreg s24  }
0xf: {  	v0 =	vlaneseq.u32;
	v1 =	vimm.s32 $0x0;
	v3 =	vimm.s32 $0x1;
	s0 =	ssub.s32 s0, s23;
	s3 =	sor.u32 s3, s4;
	[dreg:$0x7] =	wrdreg s25  }
0x10: {  	v4 =	vimm.s32 $0x2;
	v5 =	vimm.s32 $0x3;
	v6 =	vimm.s32 $0x4;
	s4 =	simm.s32 $0x80;
	s6 =	sshrl.u32 s6, $0x3;
	[dreg:$0x8] =	wrdreg s26  }
0x11: {  	v7 =	vimm.s32 $0x5;
	v8 =	vimm.s32 $0x6;
	v9 =	vimm.s32 $0x7;
	s3 =	sshrl.u32 s3, $0x3;
	s21 =	smax.u32 s0, $0x1;
	s24 =	simm.s32 $0x1  }
0x12: {  	v10 =	vimm.s32 $0x8;
	v11 =	vimm.s32 $0x9;
	v12 =	vimm.s32 $0xA;
	s25 =	simm.s32 $0x2;
	s26 =	simm.s32 $0x3;
	s6 =	sadd.s32 s6, s1  }
0x13: {  	v13 =	vimm.s32 $0xB;
	v14 =	vimm.s32 $0xC;
	v15 =	vimm.s32 $0xD;
	s0 =	simm.s32 $0x4;
	s20 =	sadd.s32 s5, s3;
	s6 =	sadd.s32 $0x1A00, s6  }
0x14: {  	v16 =	vimm.s32 $0xE;
	v17 =	vimm.s32 $0xF;
	v2 =	vor.u32 $0x10, v0;
	s5 =	simm.s32 $0x400;
	s1 =	simm.s32 $0x0;
	[dreg:$0x5] =	wrdreg s6  }
.LBB2_1:
0x15: {  	s3 =	rddreg [dreg:$0x5]  }
0x16: {  	[tilespmem:s2], [sflag:$0x1] =	stream.strided.gather [hbm4b:s3+s4], $0x4000, s5, s4, $0x38;
	[tilespmem:$0xE000] =	vst v63  }
0x17: {  	s7 =	rddreg [dreg:$0x3]  }
0x18: {  	[tilespmem:s30], [sflag:$0x2] =	stream.linear.gather [hbm4b:s7+s2], $0x800, $0x38;
	[tilespmem:$0xE000] =	vst v63  }
0x19: {  	s8 =	rddreg [dreg:$0x4]  }
0x1a: {  	[tilespmem:s31], [sflag:$0x3] =	stream.linear.gather [hbm4b:s8+s2], $0x800, $0x38;
	[tilespmem:$0xE000] =	vst v63  }
0x1b: {  	_ =	swait.ge [sflag:s24], $0x4000  }
0x1c: {  	[sflag:s24] =	ssyncset.done $0x0  }
0x1d: {  	[sflag:s24] =	ssyncadd.s32 $0xFFFFC000  }
0x1e: {  	_ =	swait.ge [sflag:s25], $0x800  }
0x1f: {  	[sflag:s25] =	ssyncset.done $0x0  }
0x20: {  	[sflag:s25] =	ssyncadd.s32 $0xFFFFF800  }
0x21: {  	_ =	swait.ge [sflag:s26], $0x800  }
0x22: {  	[sflag:s26] =	ssyncset.done $0x0  }
0x23: {  	s22 =	rddreg [dreg:$0x6];
	[sflag:s26] =	ssyncadd.s32 $0xFFFFF800  }
0x24: {  	[tilespmem:s28], [sflag:$0x2] =	stream.linear.gather [hbm4b:s22+s2], $0x800, $0x38;
	[tilespmem:$0xE000] =	vst v63  }
0x25: {  	s23 =	rddreg [dreg:$0x7]  }
0x26: {  	[tilespmem:s29], [sflag:$0x3] =	stream.linear.gather [hbm4b:s23+s2], $0x800, $0x38;
	[tilespmem:$0xE000] =	vst v63  }
0x27: {  	v18 =	vld [tilespmem:s30+$0x0];
	_ =	sdelay $0x4  }
0x28: {  	v19 =	vperm.xlane v18, v1  }
0x29: {  	v20 =	vperm.xlane v18, v5  }
0x2a: {  	v21 =	vadd.s32 v2, v19  }
0x2b: {  	v22 =	vadd.s32 v0, v20  }
0x2c: {  	v23 =	vperm.xlane v18, v4;
	v19 =	vadd.s32 v0, v19  }
0x2d: {  	v24 =	vperm.xlane v18, v7;
	v20 =	vadd.s32 v2, v20  }
0x2e: {  	v27 =	vld [tilespmem:s31+$0x0];
	v26 =	vperm.xlane v18, v9;
	v25 =	vadd.s32 v2, v23  }
0x2f: {  	v28 =	vadd.s32 v2, v24;
	v21 =	vld.idx.msk [tilespmem:v21+s2+$0x0], $0xffff  }
0x30: {  	v31 =	vperm.xlane v18, v10;
	v30 =	vadd.s32 v2, v26;
	v22 =	vld.idx.msk [tilespmem:v22+s2+$0x0], $0xffff  }
0x31: {  	v29 =	vperm.xlane v18, v3;
	v32 =	vperm.xlane v18, v11;
	v26 =	vadd.s32 v0, v26;
	v19 =	vld.idx.msk [tilespmem:v19+s2+$0x0], $0xffff  }
0x32: {  	v35 =	vperm.xlane v18, v12;
	v37 =	vperm.xlane v18, v6;
	v34 =	vadd.s32 v2, v31;
	v20 =	vld.idx.msk [tilespmem:v20+s2+$0x0], $0xffff  }
0x33: {  	v38 =	vperm.xlane v18, v8;
	v39 =	vperm.xlane v18, v13;
	v36 =	vadd.s32 v2, v32;
	v25 =	vld.idx.msk [tilespmem:v25+s2+$0x0], $0xffff  }
0x34: {  	v41 =	vperm.xlane v27, v1;
	v43 =	vperm.xlane v18, v14;
	v32 =	vadd.s32 v0, v32;
	v28 =	vld.idx.msk [tilespmem:v28+s2+$0x0], $0xffff  }
0x35: {  	v44 =	vperm.xlane v18, v15;
	v45 =	vperm.xlane v18, v16;
	v42 =	vadd.s32 v0, v38;
	v30 =	vld.idx.msk [tilespmem:v30+s2+$0x0], $0xffff  }
0x36: {  	v46 =	vperm.xlane v27, v4;
	v47 =	vperm.xlane v27, v5;
	v24 =	vadd.s32 v0, v24;
	v26 =	vld.idx.msk [tilespmem:v26+s2+$0x0], $0xffff  }
0x37: {  	v62 =	vperm.xlane v27, v7;
	v18 =	vperm.xlane v18, v17;
	v38 =	vadd.s32 v2, v38;
	v34 =	vld.idx.msk [tilespmem:v34+s2+$0x0], $0xffff  }
0x38: {  	v49 =	vperm.xlane v27, v16;
	v50 =	vperm.xlane v27, v6;
	v31 =	vadd.s32 v0, v31;
	v36 =	vld.idx.msk [tilespmem:v36+s2+$0x0], $0xffff  }
0x39: {  	v51 =	vperm.xlane v27, v8;
	v53 =	vperm.xlane v27, v14;
	v23 =	vadd.s32 v0, v23;
	v32 =	vld.idx.msk [tilespmem:v32+s2+$0x0], $0xffff  }
0x3a: {  	v54 =	vperm.xlane v27, v17;
	v55 =	vperm.xlane v27, v10;
	v33 =	vadd.s32 v0, v29;
	v42 =	vld.idx.msk [tilespmem:v42+s2+$0x0], $0xffff  }
0x3b: {  	v56 =	vperm.xlane v27, v11;
	v60 =	vperm.xlane v27, v3;
	v29 =	vadd.s32 v2, v29;
	v24 =	vld.idx.msk [tilespmem:v24+s2+$0x0], $0xffff  }
0x3c: {  	v40 =	vadd.s32 v0, v35;
	v59 =	vadd.s32 v0, v18;
	v18 =	vadd.s32 v2, v18;
	v38 =	vld.idx.msk [tilespmem:v38+s2+$0x0], $0xffff  }
0x3d: {  	v35 =	vadd.s32 v2, v35;
	v31 =	vld.idx.msk [tilespmem:v31+s2+$0x0], $0xffff;
	v21 =	vmul.f32 v21, v41;
	v19 =	vmul.f32 v19, v41  }
0x3e: {  	v48 =	vadd.s32 v0, v37;
	v23 =	vld.idx.msk [tilespmem:v23+s2+$0x0], $0xffff;
	v25 =	vmul.f32 v25, v46;
	v22 =	vmul.f32 v22, v47  }
0x3f: {  	v33 =	vld.idx.msk [tilespmem:v33+s2+$0x0], $0xffff;
	v20 =	vmul.f32 v20, v47;
	v47 =	vperm.xlane v27, v12  }
0x40: {  	v37 =	vadd.s32 v2, v37;
	v29 =	vld.idx.msk [tilespmem:v29+s2+$0x0], $0xffff;
	v28 =	vmul.f32 v28, v62;
	v42 =	vmul.f32 v42, v51  }
0x41: {  	v52 =	vadd.s32 v0, v39;
	v18 =	vld.idx.msk [tilespmem:v18+s2+$0x0], $0xffff;
	v24 =	vmul.f32 v24, v62;
	v41 =	vperm.xlane v27, v9  }
0x42: {  	v63 =	vadd.s32 v0, v44;
	v35 =	vld.idx.msk [tilespmem:v35+s2+$0x0], $0xffff;
	v38 =	vmul.f32 v38, v51;
	v31 =	vmul.f32 v31, v55  }
0x43: {  	v57 =	vadd.s32 v0, v43;
	v48 =	vld.idx.msk [tilespmem:v48+s2+$0x0], $0xffff;
	v34 =	vmul.f32 v34, v55;
	v23 =	vmul.f32 v23, v46  }
0x44: {  	v39 =	vadd.s32 v2, v39;
	v40 =	vld.idx.msk [tilespmem:v40+s2+$0x0], $0xffff;
	v33 =	vmul.f32 v33, v60;
	v36 =	vmul.f32 v36, v56  }
0x45: {  	v58 =	vadd.s32 v2, v45;
	v37 =	vld.idx.msk [tilespmem:v37+s2+$0x0], $0xffff;
	v29 =	vmul.f32 v29, v60;
	v62 =	vmul.f32 v32, v56  }
0x46: {  	v43 =	vadd.s32 v2, v43;
	v59 =	vld.idx.msk [tilespmem:v59+s2+$0x0], $0xffff;
	v51 =	vperm.xlane v27, v13;
	v18 =	vmul.f32 v18, v54  }
0x47: {  	v45 =	vadd.s32 v0, v45;
	v61 =	vld.idx.msk [tilespmem:v63+s2+$0x0], $0xffff;
	v26 =	vmul.f32 v26, v41;
	v30 =	vmul.f32 v30, v41  }
0x48: {  	v63 =	vld.idx.msk [tilespmem:v57+s2+$0x0], $0xffff;
	v35 =	vmul.f32 v35, v47;
	v41 =	vadd.s32 v2, v44;
	v44 =	vmul.f32 v48, v50  }
0x49: {  	v39 =	vld.idx.msk [tilespmem:v39+s2+$0x0], $0xffff;
	v40 =	vmul.f32 v40, v47;
	v19 =	vadd.f32 v23, v19;
	v22 =	vadd.f32 v22, v33  }
0x4a: {  	v21 =	vadd.f32 v25, v21;
	v47 =	vmul.f32 v37, v50;
	v50 =	vld.idx.msk [tilespmem:v52+s2+$0x0], $0xffff;
	v20 =	vadd.f32 v20, v29  }
0x4b: {  	v55 =	vld.idx.msk [tilespmem:v43+s2+$0x0], $0xffff;
	v52 =	vperm.xlane v27, v15;
	v19 =	vadd.f32 v44, v19;
	v22 =	vadd.f32 v24, v22  }
0x4c: {  	v48 =	vld.idx.msk [tilespmem:v58+s2+$0x0], $0xffff;
	v25 =	vmul.f32 v59, v54;
	v21 =	vadd.f32 v47, v21;
	v20 =	vadd.f32 v28, v20  }
0x4d: {  	v59 =	vmul.f32 v63, v53;
	v19 =	vadd.f32 v42, v19;
	v22 =	vadd.f32 v26, v22;
	v56 =	vld.idx.msk [tilespmem:v41+s2+$0x0], $0xffff  }
0x4e: {  	v58 =	vld.idx.msk [tilespmem:v45+s2+$0x0], $0xffff;
	v29 =	vmul.f32 v39, v51;
	v21 =	vadd.f32 v38, v21;
	v20 =	vadd.f32 v30, v20  }
0x4f: {  	v60 =	vmul.f32 v50, v51;
	v19 =	vadd.f32 v31, v19;
	v22 =	vadd.f32 v62, v22  }
0x50: {  	v57 =	vmul.f32 v61, v52;
	v21 =	vadd.f32 v34, v21;
	v20 =	vadd.f32 v36, v20  }
0x51: {  	v61 =	vmul.f32 v55, v53;
	v19 =	vadd.f32 v40, v19;
	v22 =	vadd.f32 v60, v22  }
0x52: {  	v21 =	vadd.f32 v35, v21;
	v20 =	vadd.f32 v29, v20;
	v24 =	vmul.f32 v56, v52  }
0x53: {  	v62 =	vmul.f32 v58, v49;
	v19 =	vadd.f32 v59, v19;
	v22 =	vadd.f32 v57, v22  }
0x54: {  	v63 =	vmul.f32 v48, v49;
	v21 =	vadd.f32 v61, v21;
	v20 =	vadd.f32 v24, v20  }
0x55: {  	v19 =	vadd.f32 v62, v19;
	v22 =	vadd.f32 v25, v22  }
0x56: {  	v21 =	vadd.f32 v63, v21;
	v18 =	vadd.f32 v18, v20  }
0x57: {  	v19 =	vadd.f32 v22, v19  }
0x58: {  	v18 =	vadd.f32 v18, v21  }
0x59: {  	v19 =	vadd.f32 v19, v19  }
0x5a: {  	v18 =	vadd.f32 v18, v18  }
0x5b: {  	v19 =	vmul.f32 $1.442695020e+00, v19  }
0x5c: {  	v18 =	vmul.f32 $1.442695020e+00, v18  }
0x5d: {  	s6 =	simm.s32 $0xD000;
	s5 =	simm.s32 $0xC000;
	s4 =	simm.s32 $0x0;
	(erf) = vpow2.f32 v19  }
0x5e: {  	s3 =	simm.s32 $0x4010;
	s22 =	simm.s32 $0x4010;
	s23 =	simm.s32 $0x20;
	(erf) = vpow2.f32 v18  }
.LBB2_2:
0x5f: {  	_ =	sdelay $0x5  }
0x60: {  	s22 =	sadd.s32 $0x20, s22;
	s5 =	sadd.s32 $0x10, s5;
	s6 =	sadd.s32 $0x10, s6  }
0x61: {  	p0 =	sne.s32 s23, $0xFE0;
	s7 =	smov.u32 s23;
	s23 =	sadd.s32 $0x20, s23;
	v18 =	vpop (erf)  }
0x62: {  	v18 =	vadd.f32 $1.000000000e+00, v18;
	v19 =	vpop (erf)  }
0x63: {  	v19 =	vadd.f32 $1.000000000e+00, v19  }
0x64: {  	(erf) = vrcp.f32 v18  }
0x65: {  	(erf) = vrcp.f32 v19;
	_ =	sdelay $0x7  }
0x66: {  	v18 =	vpop (erf)  }
0x67: {  	v18 =	vadd.f32 v18, v18;
	v19 =	vpop (erf)  }
0x68: {  	v19 =	vadd.f32 v19, v19  }
0x69: {  	v18 =	vsub.f32 $1.000000000e+00, v18  }
0x6a: {  	s8 =	sand.u32 $0xFE0, s4;
	s4 =	smov.u32 s7;
	v19 =	vsub.f32 $1.000000000e+00, v19  }
0x6b: {  	[tilespmem:s8+$0x4000] =	vst v18  }
0x6c: {  	[tilespmem:s3+$0x0] =	vst v19;
	s3 =	smov.u32 s22  }
0x6d: {  	v19 =	vld [tilespmem:s5+$0x0];
	_ =	sdelay $0x4  }
0x6e: {  	v18 =	vperm.xlane v19, v1;
	v20 =	vperm.xlane v19, v5  }
0x6f: {  	v21 =	vperm.xlane v19, v3;
	v22 =	vperm.xlane v19, v4  }
0x70: {  	v23 =	vadd.s32 v0, v18;
	v24 =	vadd.s32 v2, v18;
	v25 =	vadd.s32 v0, v20  }
0x71: {  	v26 =	vadd.s32 v0, v21;
	v27 =	vadd.s32 v0, v22;
	v22 =	vadd.s32 v2, v22  }
0x72: {  	v28 =	vperm.xlane v19, v6;
	v29 =	vperm.xlane v19, v8;
	v21 =	vadd.s32 v2, v21  }
0x73: {  	v30 =	vperm.xlane v19, v7;
	v31 =	vperm.xlane v19, v9;
	v20 =	vadd.s32 v2, v20  }
0x74: {  	v32 =	vadd.s32 v0, v28;
	v28 =	vadd.s32 v2, v28;
	v33 =	vadd.s32 v2, v29;
	v18 =	vld [tilespmem:s6+$0x0]  }
0x75: {  	v34 =	vadd.s32 v0, v30;
	v30 =	vadd.s32 v2, v30;
	v29 =	vadd.s32 v0, v29;
	v24 =	vld.idx.msk [tilespmem:v24+s2+$0x0], $0xffff  }
0x76: {  	v36 =	vperm.xlane v19, v10;
	v35 =	vadd.s32 v0, v31;
	v31 =	vadd.s32 v2, v31;
	v25 =	vld.idx.msk [tilespmem:v25+s2+$0x0], $0xffff  }
0x77: {  	v37 =	vperm.xlane v19, v11;
	v38 =	vperm.xlane v19, v12;
	v23 =	vld.idx.msk [tilespmem:v23+s2+$0x0], $0xffff  }
0x78: {  	v40 =	vperm.xlane v19, v13;
	v39 =	vadd.s32 v0, v36;
	v36 =	vadd.s32 v2, v36;
	v20 =	vld.idx.msk [tilespmem:v20+s2+$0x0], $0xffff  }
0x79: {  	v41 =	vadd.s32 v0, v37;
	v37 =	vadd.s32 v2, v37;
	v42 =	vadd.s32 v0, v38;
	v22 =	vld.idx.msk [tilespmem:v22+s2+$0x0], $0xffff  }
0x7a: {  	v38 =	vadd.s32 v2, v38;
	v43 =	vadd.s32 v0, v40;
	v40 =	vadd.s32 v2, v40;
	v30 =	vld.idx.msk [tilespmem:v30+s2+$0x0], $0xffff  }
0x7b: {  	v45 =	vperm.xlane v19, v14;
	v44 =	vperm.xlane v18, v1;
	v31 =	vld.idx.msk [tilespmem:v31+s2+$0x0], $0xffff  }
0x7c: {  	v46 =	vperm.xlane v19, v15;
	v47 =	vperm.xlane v19, v16;
	v35 =	vld.idx.msk [tilespmem:v35+s2+$0x0], $0xffff  }
0x7d: {  	v49 =	vadd.s32 v0, v45;
	v48 =	vperm.xlane v18, v4;
	v24 =	vmul.f32 v24, v44;
	v36 =	vld.idx.msk [tilespmem:v36+s2+$0x0], $0xffff  }
0x7e: {  	v23 =	vmul.f32 v23, v44;
	v44 =	vadd.s32 v2, v45;
	v45 =	vadd.s32 v0, v46;
	v37 =	vld.idx.msk [tilespmem:v37+s2+$0x0], $0xffff  }
0x7f: {  	v50 =	vperm.xlane v18, v5;
	v46 =	vadd.s32 v2, v46;
	v22 =	vmul.f32 v22, v48;
	v41 =	vld.idx.msk [tilespmem:v41+s2+$0x0], $0xffff  }
0x80: {  	v52 =	vadd.s32 v0, v47;
	v47 =	vadd.s32 v2, v47;
	v51 =	vperm.xlane v18, v7;
	v42 =	vld.idx.msk [tilespmem:v42+s2+$0x0], $0xffff  }
0x81: {  	v20 =	vmul.f32 v20, v50;
	v22 =	vadd.f32 v22, v24;
	v24 =	vmul.f32 v25, v50;
	v25 =	vld.idx.msk [tilespmem:v29+s2+$0x0], $0xffff  }
0x82: {  	v19 =	vperm.xlane v19, v17;
	v29 =	vld.idx.msk [tilespmem:v34+s2+$0x0], $0xffff  }
0x83: {  	v50 =	vperm.xlane v18, v16;
	v34 =	vld.idx.msk [tilespmem:v39+s2+$0x0], $0xffff;
	v39 =	vperm.xlane v18, v12  }
0x84: {  	v55 =	vadd.s32 v0, v19;
	v53 =	vperm.xlane v18, v6;
	v54 =	vperm.xlane v18, v8;
	v33 =	vld.idx.msk [tilespmem:v33+s2+$0x0], $0xffff  }
0x85: {  	v56 =	vperm.xlane v18, v14;
	v57 =	vperm.xlane v18, v17;
	v38 =	vld.idx.msk [tilespmem:v38+s2+$0x0], $0xffff  }
0x86: {  	v58 =	vperm.xlane v18, v10;
	v59 =	vperm.xlane v18, v11;
	v32 =	vld.idx.msk [tilespmem:v32+s2+$0x0], $0xffff  }
0x87: {  	v30 =	vmul.f32 v30, v51;
	v25 =	vmul.f32 v25, v54;
	v27 =	vld.idx.msk [tilespmem:v27+s2+$0x0], $0xffff  }
0x88: {  	v29 =	vmul.f32 v29, v51;
	v51 =	vperm.xlane v18, v9;
	v26 =	vld.idx.msk [tilespmem:v26+s2+$0x0], $0xffff  }
0x89: {  	v60 =	vperm.xlane v18, v3;
	v34 =	vmul.f32 v34, v58;
	v21 =	vld.idx.msk [tilespmem:v21+s2+$0x0], $0xffff  }
0x8a: {  	v33 =	vmul.f32 v33, v54;
	v35 =	vmul.f32 v35, v51;
	v28 =	vld.idx.msk [tilespmem:v28+s2+$0x0], $0xffff  }
0x8b: {  	v31 =	vmul.f32 v31, v51;
	v38 =	vmul.f32 v38, v39  }
0x8c: {  	v36 =	vmul.f32 v36, v58;
	v32 =	vmul.f32 v32, v53;
	v47 =	vld.idx.msk [tilespmem:v47+s2+$0x0], $0xffff  }
0x8d: {  	v39 =	vmul.f32 v42, v39;
	v27 =	vmul.f32 v27, v48;
	v42 =	vld.idx.msk [tilespmem:v55+s2+$0x0], $0xffff  }
0x8e: {  	v37 =	vmul.f32 v37, v59;
	v26 =	vmul.f32 v26, v60;
	v45 =	vld.idx.msk [tilespmem:v45+s2+$0x0], $0xffff  }
0x8f: {  	v21 =	vmul.f32 v21, v60;
	v23 =	vadd.f32 v27, v23;
	v27 =	vmul.f32 v41, v59;
	v41 =	vld.idx.msk [tilespmem:v49+s2+$0x0], $0xffff  }
0x90: {  	v19 =	vadd.s32 v2, v19;
	v24 =	vadd.f32 v24, v26;
	v26 =	vmul.f32 v28, v53;
	v28 =	vld.idx.msk [tilespmem:v43+s2+$0x0], $0xffff  }
0x91: {  	v20 =	vadd.f32 v20, v21;
	v21 =	vadd.f32 v32, v23;
	v23 =	vperm.xlane v18, v13;
	v32 =	vld.idx.msk [tilespmem:v40+s2+$0x0], $0xffff  }
0x92: {  	v18 =	vperm.xlane v18, v15;
	v22 =	vadd.f32 v26, v22;
	v24 =	vadd.f32 v29, v24;
	v26 =	vld.idx.msk [tilespmem:v44+s2+$0x0], $0xffff  }
0x93: {  	v20 =	vadd.f32 v30, v20;
	v21 =	vadd.f32 v25, v21;
	v29 =	vmul.f32 v42, v57;
	v25 =	vld.idx.msk [tilespmem:v46+s2+$0x0], $0xffff  }
0x94: {  	v22 =	vadd.f32 v33, v22;
	v24 =	vadd.f32 v35, v24;
	v30 =	vmul.f32 v45, v18;
	v33 =	vld.idx.msk [tilespmem:v52+s2+$0x0], $0xffff  }
0x95: {  	v20 =	vadd.f32 v31, v20;
	v21 =	vadd.f32 v34, v21;
	v31 =	vmul.f32 v41, v56;
	v19 =	vld.idx.msk [tilespmem:v19+s2+$0x0], $0xffff  }
0x96: {  	v22 =	vadd.f32 v36, v22;
	v24 =	vadd.f32 v27, v24;
	v27 =	vmul.f32 v28, v23  }
0x97: {  	v20 =	vadd.f32 v37, v20;
	v21 =	vadd.f32 v39, v21;
	v23 =	vmul.f32 v32, v23  }
0x98: {  	v22 =	vadd.f32 v38, v22;
	v24 =	vadd.f32 v27, v24;
	v26 =	vmul.f32 v26, v56  }
0x99: {  	v20 =	vadd.f32 v23, v20;
	v21 =	vadd.f32 v31, v21;
	v18 =	vmul.f32 v25, v18  }
0x9a: {  	v22 =	vadd.f32 v26, v22;
	v23 =	vadd.f32 v30, v24;
	v24 =	vmul.f32 v33, v50  }
0x9b: {  	v18 =	vadd.f32 v18, v20;
	v20 =	vmul.f32 v47, v50;
	v19 =	vmul.f32 v19, v57  }
0x9c: {  	v21 =	vadd.f32 v24, v21;
	v23 =	vadd.f32 v29, v23  }
0x9d: {  	v20 =	vadd.f32 v20, v22;
	v18 =	vadd.f32 v19, v18  }
0x9e: {  	v19 =	vadd.f32 v23, v21  }
0x9f: {  	v18 =	vadd.f32 v18, v20  }
0xa0: {  	v19 =	vadd.f32 v19, v19  }
.Ltmp0:
0xa1: {  	v18 =	vadd.f32 v18, v18;
	(pc) =	sbr.rel @p0 .LBB2_2-.Ltmp0, $4  }
0xa2: {  	v19 =	vmul.f32 $1.442695020e+00, v19  }
0xa3: {  	v18 =	vmul.f32 $1.442695020e+00, v18  }
0xa4: {  	(erf) = vpow2.f32 v19  }
0xa5: {  	(erf) = vpow2.f32 v18  }
0xa6: {  	_ =	sdelay $0x6  }
0xa7: {  	v18 =	vpop (erf)  }
0xa8: {  	v18 =	vadd.f32 $1.000000000e+00, v18;
	v19 =	vpop (erf)  }
0xa9: {  	v19 =	vadd.f32 $1.000000000e+00, v19  }
0xaa: {  	(erf) = vrcp.f32 v18  }
0xab: {  	(erf) = vrcp.f32 v19;
	_ =	sdelay $0x7  }
0xac: {  	v18 =	vpop (erf)  }
0xad: {  	v18 =	vadd.f32 v18, v18;
	v19 =	vpop (erf)  }
0xae: {  	v19 =	vadd.f32 v19, v19  }
0xaf: {  	v18 =	vsub.f32 $1.000000000e+00, v18  }
0xb0: {  	s4 =	sand.u32 $0xFE0, s4;
	v19 =	vsub.f32 $1.000000000e+00, v19  }
0xb1: {  	[tilespmem:s4+$0x4000] =	vst v18  }
0xb2: {  	[tilespmem:s3+$0x0] =	vst v19  }
0xb3: {  	_ =	swait.ge [sflag:s25], $0x800  }
0xb4: {  	[sflag:s25] =	ssyncset.done $0x0  }
0xb5: {  	[sflag:s25] =	ssyncadd.s32 $0xFFFFF800  }
0xb6: {  	_ =	swait.ge [sflag:s26], $0x800  }
0xb7: {  	[sflag:s26] =	ssyncset.done $0x0  }
0xb8: {  	s22 =	simm.s32 $0x0;
	s23 =	rddreg [dreg:$0x8];
	[sflag:s26] =	ssyncadd.s32 $0xFFFFF800  }
0xb9: {  	[tilespmem:s30], [sflag:$0x2] =	stream.linear.gather [hbm4b:s23+s22], $0x800, $0x38;
	[tilespmem:$0xE000] =	vst v63  }
0xba: {  	s23 =	simm.s32 $0xC800  }
0xbb: {  	[tilespmem:s31], [sflag:$0x3] =	stream.linear.gather [hbm4b:s9+s22], $0x800, $0x38;
	[tilespmem:$0xE000] =	vst v63  }
0xbc: {  	v18 =	vld [tilespmem:s23+$0x0];
	_ =	sdelay $0x4  }
0xbd: {  	v19 =	vperm.xlane v18, v1  }
0xbe: {  	v20 =	vperm.xlane v18, v5  }
0xbf: {  	v21 =	vadd.s32 v2, v19  }
0xc0: {  	v22 =	vadd.s32 v0, v20  }
0xc1: {  	v23 =	vperm.xlane v18, v4;
	v19 =	vadd.s32 v0, v19  }
0xc2: {  	s3 =	simm.s32 $0xD800;
	v24 =	vperm.xlane v18, v7;
	v20 =	vadd.s32 v2, v20  }
0xc3: {  	v27 =	vld [tilespmem:s3+$0x0];
	v26 =	vperm.xlane v18, v9;
	v25 =	vadd.s32 v2, v23  }
0xc4: {  	v28 =	vadd.s32 v2, v24;
	v21 =	vld.idx.msk [tilespmem:v21+s2+$0x0], $0xffff  }
0xc5: {  	v31 =	vperm.xlane v18, v10;
	v30 =	vadd.s32 v2, v26;
	v22 =	vld.idx.msk [tilespmem:v22+s2+$0x0], $0xffff  }
0xc6: {  	v29 =	vperm.xlane v18, v3;
	v32 =	vperm.xlane v18, v11;
	v26 =	vadd.s32 v0, v26;
	v19 =	vld.idx.msk [tilespmem:v19+s2+$0x0], $0xffff  }
0xc7: {  	v35 =	vperm.xlane v18, v12;
	v37 =	vperm.xlane v18, v6;
	v34 =	vadd.s32 v2, v31;
	v20 =	vld.idx.msk [tilespmem:v20+s2+$0x0], $0xffff  }
0xc8: {  	v38 =	vperm.xlane v18, v8;
	v39 =	vperm.xlane v18, v13;
	v36 =	vadd.s32 v2, v32;
	v25 =	vld.idx.msk [tilespmem:v25+s2+$0x0], $0xffff  }
0xc9: {  	v41 =	vperm.xlane v27, v1;
	v43 =	vperm.xlane v18, v14;
	v32 =	vadd.s32 v0, v32;
	v28 =	vld.idx.msk [tilespmem:v28+s2+$0x0], $0xffff  }
0xca: {  	v44 =	vperm.xlane v18, v15;
	v45 =	vperm.xlane v18, v16;
	v42 =	vadd.s32 v0, v38;
	v30 =	vld.idx.msk [tilespmem:v30+s2+$0x0], $0xffff  }
0xcb: {  	v46 =	vperm.xlane v27, v4;
	v47 =	vperm.xlane v27, v5;
	v24 =	vadd.s32 v0, v24;
	v26 =	vld.idx.msk [tilespmem:v26+s2+$0x0], $0xffff  }
0xcc: {  	v62 =	vperm.xlane v27, v7;
	v18 =	vperm.xlane v18, v17;
	v38 =	vadd.s32 v2, v38;
	v34 =	vld.idx.msk [tilespmem:v34+s2+$0x0], $0xffff  }
0xcd: {  	v49 =	vperm.xlane v27, v16;
	v50 =	vperm.xlane v27, v6;
	v31 =	vadd.s32 v0, v31;
	v36 =	vld.idx.msk [tilespmem:v36+s2+$0x0], $0xffff  }
0xce: {  	v51 =	vperm.xlane v27, v8;
	v53 =	vperm.xlane v27, v14;
	v23 =	vadd.s32 v0, v23;
	v32 =	vld.idx.msk [tilespmem:v32+s2+$0x0], $0xffff  }
0xcf: {  	v54 =	vperm.xlane v27, v17;
	v55 =	vperm.xlane v27, v10;
	v33 =	vadd.s32 v0, v29;
	v42 =	vld.idx.msk [tilespmem:v42+s2+$0x0], $0xffff  }
0xd0: {  	v56 =	vperm.xlane v27, v11;
	v60 =	vperm.xlane v27, v3;
	v29 =	vadd.s32 v2, v29;
	v24 =	vld.idx.msk [tilespmem:v24+s2+$0x0], $0xffff  }
0xd1: {  	v40 =	vadd.s32 v0, v35;
	v59 =	vadd.s32 v0, v18;
	v18 =	vadd.s32 v2, v18;
	v38 =	vld.idx.msk [tilespmem:v38+s2+$0x0], $0xffff  }
0xd2: {  	v35 =	vadd.s32 v2, v35;
	v31 =	vld.idx.msk [tilespmem:v31+s2+$0x0], $0xffff;
	v21 =	vmul.f32 v21, v41;
	v19 =	vmul.f32 v19, v41  }
0xd3: {  	v48 =	vadd.s32 v0, v37;
	v23 =	vld.idx.msk [tilespmem:v23+s2+$0x0], $0xffff;
	v25 =	vmul.f32 v25, v46;
	v22 =	vmul.f32 v22, v47  }
0xd4: {  	v33 =	vld.idx.msk [tilespmem:v33+s2+$0x0], $0xffff;
	v20 =	vmul.f32 v20, v47;
	v47 =	vperm.xlane v27, v12  }
0xd5: {  	v37 =	vadd.s32 v2, v37;
	v29 =	vld.idx.msk [tilespmem:v29+s2+$0x0], $0xffff;
	v28 =	vmul.f32 v28, v62;
	v42 =	vmul.f32 v42, v51  }
0xd6: {  	v52 =	vadd.s32 v0, v39;
	v18 =	vld.idx.msk [tilespmem:v18+s2+$0x0], $0xffff;
	v24 =	vmul.f32 v24, v62;
	v41 =	vperm.xlane v27, v9  }
0xd7: {  	v63 =	vadd.s32 v0, v44;
	v35 =	vld.idx.msk [tilespmem:v35+s2+$0x0], $0xffff;
	v38 =	vmul.f32 v38, v51;
	v31 =	vmul.f32 v31, v55  }
0xd8: {  	v57 =	vadd.s32 v0, v43;
	v48 =	vld.idx.msk [tilespmem:v48+s2+$0x0], $0xffff;
	v34 =	vmul.f32 v34, v55;
	v23 =	vmul.f32 v23, v46  }
0xd9: {  	v39 =	vadd.s32 v2, v39;
	v40 =	vld.idx.msk [tilespmem:v40+s2+$0x0], $0xffff;
	v33 =	vmul.f32 v33, v60;
	v36 =	vmul.f32 v36, v56  }
0xda: {  	v58 =	vadd.s32 v2, v45;
	v37 =	vld.idx.msk [tilespmem:v37+s2+$0x0], $0xffff;
	v29 =	vmul.f32 v29, v60;
	v62 =	vmul.f32 v32, v56  }
0xdb: {  	v43 =	vadd.s32 v2, v43;
	v59 =	vld.idx.msk [tilespmem:v59+s2+$0x0], $0xffff;
	v51 =	vperm.xlane v27, v13;
	v18 =	vmul.f32 v18, v54  }
0xdc: {  	v45 =	vadd.s32 v0, v45;
	v61 =	vld.idx.msk [tilespmem:v63+s2+$0x0], $0xffff;
	v26 =	vmul.f32 v26, v41;
	v30 =	vmul.f32 v30, v41  }
0xdd: {  	v63 =	vld.idx.msk [tilespmem:v57+s2+$0x0], $0xffff;
	v35 =	vmul.f32 v35, v47;
	v41 =	vadd.s32 v2, v44;
	v44 =	vmul.f32 v48, v50  }
0xde: {  	v39 =	vld.idx.msk [tilespmem:v39+s2+$0x0], $0xffff;
	v40 =	vmul.f32 v40, v47;
	v19 =	vadd.f32 v23, v19;
	v22 =	vadd.f32 v22, v33  }
0xdf: {  	v21 =	vadd.f32 v25, v21;
	v47 =	vmul.f32 v37, v50;
	v50 =	vld.idx.msk [tilespmem:v52+s2+$0x0], $0xffff;
	v20 =	vadd.f32 v20, v29  }
0xe0: {  	v55 =	vld.idx.msk [tilespmem:v43+s2+$0x0], $0xffff;
	v52 =	vperm.xlane v27, v15;
	v19 =	vadd.f32 v44, v19;
	v22 =	vadd.f32 v24, v22  }
0xe1: {  	v48 =	vld.idx.msk [tilespmem:v58+s2+$0x0], $0xffff;
	v25 =	vmul.f32 v59, v54;
	v21 =	vadd.f32 v47, v21;
	v20 =	vadd.f32 v28, v20  }
0xe2: {  	v59 =	vmul.f32 v63, v53;
	v19 =	vadd.f32 v42, v19;
	v22 =	vadd.f32 v26, v22;
	v56 =	vld.idx.msk [tilespmem:v41+s2+$0x0], $0xffff  }
0xe3: {  	v58 =	vld.idx.msk [tilespmem:v45+s2+$0x0], $0xffff;
	v29 =	vmul.f32 v39, v51;
	v21 =	vadd.f32 v38, v21;
	v20 =	vadd.f32 v30, v20  }
0xe4: {  	v60 =	vmul.f32 v50, v51;
	v19 =	vadd.f32 v31, v19;
	v22 =	vadd.f32 v62, v22  }
0xe5: {  	v57 =	vmul.f32 v61, v52;
	v21 =	vadd.f32 v34, v21;
	v20 =	vadd.f32 v36, v20  }
0xe6: {  	v61 =	vmul.f32 v55, v53;
	v19 =	vadd.f32 v40, v19;
	v22 =	vadd.f32 v60, v22  }
0xe7: {  	v21 =	vadd.f32 v35, v21;
	v20 =	vadd.f32 v29, v20;
	v24 =	vmul.f32 v56, v52  }
0xe8: {  	v62 =	vmul.f32 v58, v49;
	v19 =	vadd.f32 v59, v19;
	v22 =	vadd.f32 v57, v22  }
0xe9: {  	v63 =	vmul.f32 v48, v49;
	v21 =	vadd.f32 v61, v21;
	v20 =	vadd.f32 v24, v20  }
0xea: {  	v19 =	vadd.f32 v62, v19;
	v22 =	vadd.f32 v25, v22  }
0xeb: {  	v21 =	vadd.f32 v63, v21;
	v18 =	vadd.f32 v18, v20  }
0xec: {  	v19 =	vadd.f32 v22, v19  }
0xed: {  	v18 =	vadd.f32 v18, v21  }
0xee: {  	v19 =	vadd.f32 v19, v19  }
0xef: {  	v18 =	vadd.f32 v18, v18  }
0xf0: {  	v19 =	vmul.f32 $1.442695020e+00, v19  }
0xf1: {  	v18 =	vmul.f32 $1.442695020e+00, v18  }
0xf2: {  	(erf) = vpow2.f32 v19  }
0xf3: {  	s5 =	simm.s32 $0x5010;
	s6 =	simm.s32 $0x20;
	s4 =	simm.s32 $0x5010;
	(erf) = vpow2.f32 v18  }
.LBB2_4:
0xf4: {  	_ =	sdelay $0x5  }
0xf5: {  	s5 =	sadd.s32 $0x20, s5;
	s23 =	sadd.s32 $0x10, s23;
	s3 =	sadd.s32 $0x10, s3  }
0xf6: {  	p0 =	sne.s32 s6, $0xFE0;
	s7 =	smov.u32 s6;
	s6 =	sadd.s32 $0x20, s6;
	v18 =	vpop (erf)  }
0xf7: {  	v18 =	vadd.f32 $1.000000000e+00, v18;
	v19 =	vpop (erf)  }
0xf8: {  	v19 =	vadd.f32 $1.000000000e+00, v19  }
0xf9: {  	(erf) = vrcp.f32 v18  }
0xfa: {  	(erf) = vrcp.f32 v19;
	_ =	sdelay $0x7  }
0xfb: {  	v18 =	vpop (erf)  }
0xfc: {  	v18 =	vadd.f32 v18, v18;
	v19 =	vpop (erf)  }
0xfd: {  	v19 =	vadd.f32 v19, v19  }
0xfe: {  	v18 =	vsub.f32 $1.000000000e+00, v18  }
0xff: {  	s8 =	sand.u32 $0xFE0, s22;
	s22 =	smov.u32 s7;
	v19 =	vsub.f32 $1.000000000e+00, v19  }
0x100: {  	[tilespmem:s8+$0x5000] =	vst v18  }
0x101: {  	[tilespmem:s4+$0x0] =	vst v19;
	s4 =	smov.u32 s5  }
0x102: {  	v19 =	vld [tilespmem:s23+$0x0];
	_ =	sdelay $0x4  }
0x103: {  	v18 =	vperm.xlane v19, v1;
	v20 =	vperm.xlane v19, v5  }
0x104: {  	v21 =	vperm.xlane v19, v3;
	v22 =	vperm.xlane v19, v4  }
0x105: {  	v23 =	vadd.s32 v0, v18;
	v24 =	vadd.s32 v2, v18;
	v25 =	vadd.s32 v0, v20  }
0x106: {  	v26 =	vadd.s32 v0, v21;
	v27 =	vadd.s32 v0, v22;
	v22 =	vadd.s32 v2, v22  }
0x107: {  	v28 =	vperm.xlane v19, v6;
	v29 =	vperm.xlane v19, v8;
	v21 =	vadd.s32 v2, v21  }
0x108: {  	v30 =	vperm.xlane v19, v7;
	v31 =	vperm.xlane v19, v9;
	v20 =	vadd.s32 v2, v20  }
0x109: {  	v32 =	vadd.s32 v0, v28;
	v28 =	vadd.s32 v2, v28;
	v33 =	vadd.s32 v2, v29;
	v18 =	vld [tilespmem:s3+$0x0]  }
0x10a: {  	v34 =	vadd.s32 v0, v30;
	v30 =	vadd.s32 v2, v30;
	v29 =	vadd.s32 v0, v29;
	v24 =	vld.idx.msk [tilespmem:v24+s2+$0x0], $0xffff  }
0x10b: {  	v36 =	vperm.xlane v19, v10;
	v35 =	vadd.s32 v0, v31;
	v31 =	vadd.s32 v2, v31;
	v25 =	vld.idx.msk [tilespmem:v25+s2+$0x0], $0xffff  }
0x10c: {  	v37 =	vperm.xlane v19, v11;
	v38 =	vperm.xlane v19, v12;
	v23 =	vld.idx.msk [tilespmem:v23+s2+$0x0], $0xffff  }
0x10d: {  	v40 =	vperm.xlane v19, v13;
	v39 =	vadd.s32 v0, v36;
	v36 =	vadd.s32 v2, v36;
	v20 =	vld.idx.msk [tilespmem:v20+s2+$0x0], $0xffff  }
0x10e: {  	v41 =	vadd.s32 v0, v37;
	v37 =	vadd.s32 v2, v37;
	v42 =	vadd.s32 v0, v38;
	v22 =	vld.idx.msk [tilespmem:v22+s2+$0x0], $0xffff  }
0x10f: {  	v38 =	vadd.s32 v2, v38;
	v43 =	vadd.s32 v0, v40;
	v40 =	vadd.s32 v2, v40;
	v30 =	vld.idx.msk [tilespmem:v30+s2+$0x0], $0xffff  }
0x110: {  	v45 =	vperm.xlane v19, v14;
	v44 =	vperm.xlane v18, v1;
	v31 =	vld.idx.msk [tilespmem:v31+s2+$0x0], $0xffff  }
0x111: {  	v46 =	vperm.xlane v19, v15;
	v47 =	vperm.xlane v19, v16;
	v35 =	vld.idx.msk [tilespmem:v35+s2+$0x0], $0xffff  }
0x112: {  	v49 =	vadd.s32 v0, v45;
	v48 =	vperm.xlane v18, v4;
	v24 =	vmul.f32 v24, v44;
	v36 =	vld.idx.msk [tilespmem:v36+s2+$0x0], $0xffff  }
0x113: {  	v23 =	vmul.f32 v23, v44;
	v44 =	vadd.s32 v2, v45;
	v45 =	vadd.s32 v0, v46;
	v37 =	vld.idx.msk [tilespmem:v37+s2+$0x0], $0xffff  }
0x114: {  	v50 =	vperm.xlane v18, v5;
	v46 =	vadd.s32 v2, v46;
	v22 =	vmul.f32 v22, v48;
	v41 =	vld.idx.msk [tilespmem:v41+s2+$0x0], $0xffff  }
0x115: {  	v52 =	vadd.s32 v0, v47;
	v47 =	vadd.s32 v2, v47;
	v51 =	vperm.xlane v18, v7;
	v42 =	vld.idx.msk [tilespmem:v42+s2+$0x0], $0xffff  }
0x116: {  	v20 =	vmul.f32 v20, v50;
	v22 =	vadd.f32 v22, v24;
	v24 =	vmul.f32 v25, v50;
	v25 =	vld.idx.msk [tilespmem:v29+s2+$0x0], $0xffff  }
0x117: {  	v19 =	vperm.xlane v19, v17;
	v29 =	vld.idx.msk [tilespmem:v34+s2+$0x0], $0xffff  }
0x118: {  	v50 =	vperm.xlane v18, v16;
	v34 =	vld.idx.msk [tilespmem:v39+s2+$0x0], $0xffff;
	v39 =	vperm.xlane v18, v12  }
0x119: {  	v55 =	vadd.s32 v0, v19;
	v53 =	vperm.xlane v18, v6;
	v54 =	vperm.xlane v18, v8;
	v33 =	vld.idx.msk [tilespmem:v33+s2+$0x0], $0xffff  }
0x11a: {  	v56 =	vperm.xlane v18, v14;
	v57 =	vperm.xlane v18, v17;
	v38 =	vld.idx.msk [tilespmem:v38+s2+$0x0], $0xffff  }
0x11b: {  	v58 =	vperm.xlane v18, v10;
	v59 =	vperm.xlane v18, v11;
	v32 =	vld.idx.msk [tilespmem:v32+s2+$0x0], $0xffff  }
0x11c: {  	v30 =	vmul.f32 v30, v51;
	v25 =	vmul.f32 v25, v54;
	v27 =	vld.idx.msk [tilespmem:v27+s2+$0x0], $0xffff  }
0x11d: {  	v29 =	vmul.f32 v29, v51;
	v51 =	vperm.xlane v18, v9;
	v26 =	vld.idx.msk [tilespmem:v26+s2+$0x0], $0xffff  }
0x11e: {  	v60 =	vperm.xlane v18, v3;
	v34 =	vmul.f32 v34, v58;
	v21 =	vld.idx.msk [tilespmem:v21+s2+$0x0], $0xffff  }
0x11f: {  	v33 =	vmul.f32 v33, v54;
	v35 =	vmul.f32 v35, v51;
	v28 =	vld.idx.msk [tilespmem:v28+s2+$0x0], $0xffff  }
0x120: {  	v31 =	vmul.f32 v31, v51;
	v38 =	vmul.f32 v38, v39  }
0x121: {  	v36 =	vmul.f32 v36, v58;
	v32 =	vmul.f32 v32, v53;
	v47 =	vld.idx.msk [tilespmem:v47+s2+$0x0], $0xffff  }
0x122: {  	v39 =	vmul.f32 v42, v39;
	v27 =	vmul.f32 v27, v48;
	v42 =	vld.idx.msk [tilespmem:v55+s2+$0x0], $0xffff  }
0x123: {  	v37 =	vmul.f32 v37, v59;
	v26 =	vmul.f32 v26, v60;
	v45 =	vld.idx.msk [tilespmem:v45+s2+$0x0], $0xffff  }
0x124: {  	v21 =	vmul.f32 v21, v60;
	v23 =	vadd.f32 v27, v23;
	v27 =	vmul.f32 v41, v59;
	v41 =	vld.idx.msk [tilespmem:v49+s2+$0x0], $0xffff  }
0x125: {  	v19 =	vadd.s32 v2, v19;
	v24 =	vadd.f32 v24, v26;
	v26 =	vmul.f32 v28, v53;
	v28 =	vld.idx.msk [tilespmem:v43+s2+$0x0], $0xffff  }
0x126: {  	v20 =	vadd.f32 v20, v21;
	v21 =	vadd.f32 v32, v23;
	v23 =	vperm.xlane v18, v13;
	v32 =	vld.idx.msk [tilespmem:v40+s2+$0x0], $0xffff  }
0x127: {  	v18 =	vperm.xlane v18, v15;
	v22 =	vadd.f32 v26, v22;
	v24 =	vadd.f32 v29, v24;
	v26 =	vld.idx.msk [tilespmem:v44+s2+$0x0], $0xffff  }
0x128: {  	v20 =	vadd.f32 v30, v20;
	v21 =	vadd.f32 v25, v21;
	v29 =	vmul.f32 v42, v57;
	v25 =	vld.idx.msk [tilespmem:v46+s2+$0x0], $0xffff  }
0x129: {  	v22 =	vadd.f32 v33, v22;
	v24 =	vadd.f32 v35, v24;
	v30 =	vmul.f32 v45, v18;
	v33 =	vld.idx.msk [tilespmem:v52+s2+$0x0], $0xffff  }
0x12a: {  	v20 =	vadd.f32 v31, v20;
	v21 =	vadd.f32 v34, v21;
	v31 =	vmul.f32 v41, v56;
	v19 =	vld.idx.msk [tilespmem:v19+s2+$0x0], $0xffff  }
0x12b: {  	v22 =	vadd.f32 v36, v22;
	v24 =	vadd.f32 v27, v24;
	v27 =	vmul.f32 v28, v23  }
0x12c: {  	v20 =	vadd.f32 v37, v20;
	v21 =	vadd.f32 v39, v21;
	v23 =	vmul.f32 v32, v23  }
0x12d: {  	v22 =	vadd.f32 v38, v22;
	v24 =	vadd.f32 v27, v24;
	v26 =	vmul.f32 v26, v56  }
0x12e: {  	v20 =	vadd.f32 v23, v20;
	v21 =	vadd.f32 v31, v21;
	v18 =	vmul.f32 v25, v18  }
0x12f: {  	v22 =	vadd.f32 v26, v22;
	v23 =	vadd.f32 v30, v24;
	v24 =	vmul.f32 v33, v50  }
0x130: {  	v18 =	vadd.f32 v18, v20;
	v20 =	vmul.f32 v47, v50;
	v19 =	vmul.f32 v19, v57  }
0x131: {  	v21 =	vadd.f32 v24, v21;
	v23 =	vadd.f32 v29, v23  }
0x132: {  	v20 =	vadd.f32 v20, v22;
	v18 =	vadd.f32 v19, v18  }
0x133: {  	v19 =	vadd.f32 v23, v21  }
0x134: {  	v18 =	vadd.f32 v18, v20  }
0x135: {  	v19 =	vadd.f32 v19, v19  }
.Ltmp1:
0x136: {  	v18 =	vadd.f32 v18, v18;
	(pc) =	sbr.rel @p0 .LBB2_4-.Ltmp1, $4  }
0x137: {  	v19 =	vmul.f32 $1.442695020e+00, v19  }
0x138: {  	v18 =	vmul.f32 $1.442695020e+00, v18  }
0x139: {  	(erf) = vpow2.f32 v19  }
0x13a: {  	(erf) = vpow2.f32 v18  }
0x13b: {  	_ =	sdelay $0x6  }
0x13c: {  	v18 =	vpop (erf)  }
0x13d: {  	v18 =	vadd.f32 $1.000000000e+00, v18;
	v19 =	vpop (erf)  }
0x13e: {  	v19 =	vadd.f32 $1.000000000e+00, v19  }
0x13f: {  	(erf) = vrcp.f32 v18  }
0x140: {  	(erf) = vrcp.f32 v19;
	_ =	sdelay $0x7  }
0x141: {  	v18 =	vpop (erf)  }
0x142: {  	v18 =	vadd.f32 v18, v18;
	v19 =	vpop (erf)  }
0x143: {  	v19 =	vadd.f32 v19, v19  }
0x144: {  	v18 =	vsub.f32 $1.000000000e+00, v18  }
0x145: {  	s3 =	sand.u32 $0xFE0, s22;
	v19 =	vsub.f32 $1.000000000e+00, v19  }
0x146: {  	[tilespmem:s3+$0x5000] =	vst v18  }
0x147: {  	[tilespmem:s4+$0x0] =	vst v19  }
0x148: {  	_ =	swait.ge [sflag:s25], $0x800  }
0x149: {  	[sflag:s25] =	ssyncset.done $0x0  }
0x14a: {  	[sflag:s25] =	ssyncadd.s32 $0xFFFFF800  }
0x14b: {  	_ =	swait.ge [sflag:s26], $0x800  }
0x14c: {  	[sflag:s26] =	ssyncset.done $0x0  }
0x14d: {  	s22 =	simm.s32 $0x0;
	[sflag:s26] =	ssyncadd.s32 $0xFFFFF800  }
0x14e: {  	[tilespmem:s28], [sflag:$0x2] =	stream.linear.gather [hbm4b:s10+s22], $0x800, $0x38;
	[tilespmem:$0xE000] =	vst v63  }
0x14f: {  	s23 =	simm.s32 $0xC000  }
0x150: {  	[tilespmem:s29], [sflag:$0x3] =	stream.linear.gather [hbm4b:s11+s22], $0x800, $0x38;
	[tilespmem:$0xE000] =	vst v63  }
0x151: {  	v18 =	vld [tilespmem:s23+$0x0];
	_ =	sdelay $0x4  }
0x152: {  	v19 =	vperm.xlane v18, v1  }
0x153: {  	v20 =	vperm.xlane v18, v5  }
0x154: {  	v21 =	vadd.s32 v2, v19  }
0x155: {  	v22 =	vadd.s32 v0, v20  }
0x156: {  	v23 =	vperm.xlane v18, v4;
	v19 =	vadd.s32 v0, v19  }
0x157: {  	s3 =	simm.s32 $0xD000;
	v24 =	vperm.xlane v18, v7;
	v20 =	vadd.s32 v2, v20  }
0x158: {  	v27 =	vld [tilespmem:s3+$0x0];
	v26 =	vperm.xlane v18, v9;
	v25 =	vadd.s32 v2, v23  }
0x159: {  	v28 =	vadd.s32 v2, v24;
	v21 =	vld.idx.msk [tilespmem:v21+s2+$0x0], $0xffff  }
0x15a: {  	v31 =	vperm.xlane v18, v10;
	v30 =	vadd.s32 v2, v26;
	v22 =	vld.idx.msk [tilespmem:v22+s2+$0x0], $0xffff  }
0x15b: {  	v29 =	vperm.xlane v18, v3;
	v32 =	vperm.xlane v18, v11;
	v26 =	vadd.s32 v0, v26;
	v19 =	vld.idx.msk [tilespmem:v19+s2+$0x0], $0xffff  }
0x15c: {  	v35 =	vperm.xlane v18, v12;
	v37 =	vperm.xlane v18, v6;
	v34 =	vadd.s32 v2, v31;
	v20 =	vld.idx.msk [tilespmem:v20+s2+$0x0], $0xffff  }
0x15d: {  	v38 =	vperm.xlane v18, v8;
	v39 =	vperm.xlane v18, v13;
	v36 =	vadd.s32 v2, v32;
	v25 =	vld.idx.msk [tilespmem:v25+s2+$0x0], $0xffff  }
0x15e: {  	v41 =	vperm.xlane v27, v1;
	v43 =	vperm.xlane v18, v14;
	v32 =	vadd.s32 v0, v32;
	v28 =	vld.idx.msk [tilespmem:v28+s2+$0x0], $0xffff  }
0x15f: {  	v44 =	vperm.xlane v18, v15;
	v45 =	vperm.xlane v18, v16;
	v42 =	vadd.s32 v0, v38;
	v30 =	vld.idx.msk [tilespmem:v30+s2+$0x0], $0xffff  }
0x160: {  	v46 =	vperm.xlane v27, v4;
	v47 =	vperm.xlane v27, v5;
	v24 =	vadd.s32 v0, v24;
	v26 =	vld.idx.msk [tilespmem:v26+s2+$0x0], $0xffff  }
0x161: {  	v62 =	vperm.xlane v27, v7;
	v18 =	vperm.xlane v18, v17;
	v38 =	vadd.s32 v2, v38;
	v34 =	vld.idx.msk [tilespmem:v34+s2+$0x0], $0xffff  }
0x162: {  	v49 =	vperm.xlane v27, v16;
	v50 =	vperm.xlane v27, v6;
	v31 =	vadd.s32 v0, v31;
	v36 =	vld.idx.msk [tilespmem:v36+s2+$0x0], $0xffff  }
0x163: {  	v51 =	vperm.xlane v27, v8;
	v53 =	vperm.xlane v27, v14;
	v23 =	vadd.s32 v0, v23;
	v32 =	vld.idx.msk [tilespmem:v32+s2+$0x0], $0xffff  }
0x164: {  	v54 =	vperm.xlane v27, v17;
	v55 =	vperm.xlane v27, v10;
	v33 =	vadd.s32 v0, v29;
	v42 =	vld.idx.msk [tilespmem:v42+s2+$0x0], $0xffff  }
0x165: {  	v56 =	vperm.xlane v27, v11;
	v60 =	vperm.xlane v27, v3;
	v29 =	vadd.s32 v2, v29;
	v24 =	vld.idx.msk [tilespmem:v24+s2+$0x0], $0xffff  }
0x166: {  	v40 =	vadd.s32 v0, v35;
	v59 =	vadd.s32 v0, v18;
	v18 =	vadd.s32 v2, v18;
	v38 =	vld.idx.msk [tilespmem:v38+s2+$0x0], $0xffff  }
0x167: {  	v35 =	vadd.s32 v2, v35;
	v31 =	vld.idx.msk [tilespmem:v31+s2+$0x0], $0xffff;
	v21 =	vmul.f32 v21, v41;
	v19 =	vmul.f32 v19, v41  }
0x168: {  	v48 =	vadd.s32 v0, v37;
	v23 =	vld.idx.msk [tilespmem:v23+s2+$0x0], $0xffff;
	v25 =	vmul.f32 v25, v46;
	v22 =	vmul.f32 v22, v47  }
0x169: {  	v33 =	vld.idx.msk [tilespmem:v33+s2+$0x0], $0xffff;
	v20 =	vmul.f32 v20, v47;
	v47 =	vperm.xlane v27, v12  }
0x16a: {  	v37 =	vadd.s32 v2, v37;
	v29 =	vld.idx.msk [tilespmem:v29+s2+$0x0], $0xffff;
	v28 =	vmul.f32 v28, v62;
	v42 =	vmul.f32 v42, v51  }
0x16b: {  	v52 =	vadd.s32 v0, v39;
	v18 =	vld.idx.msk [tilespmem:v18+s2+$0x0], $0xffff;
	v24 =	vmul.f32 v24, v62;
	v41 =	vperm.xlane v27, v9  }
0x16c: {  	v63 =	vadd.s32 v0, v44;
	v35 =	vld.idx.msk [tilespmem:v35+s2+$0x0], $0xffff;
	v38 =	vmul.f32 v38, v51;
	v31 =	vmul.f32 v31, v55  }
0x16d: {  	v57 =	vadd.s32 v0, v43;
	v48 =	vld.idx.msk [tilespmem:v48+s2+$0x0], $0xffff;
	v34 =	vmul.f32 v34, v55;
	v23 =	vmul.f32 v23, v46  }
0x16e: {  	v39 =	vadd.s32 v2, v39;
	v40 =	vld.idx.msk [tilespmem:v40+s2+$0x0], $0xffff;
	v33 =	vmul.f32 v33, v60;
	v36 =	vmul.f32 v36, v56  }
0x16f: {  	v58 =	vadd.s32 v2, v45;
	v37 =	vld.idx.msk [tilespmem:v37+s2+$0x0], $0xffff;
	v29 =	vmul.f32 v29, v60;
	v62 =	vmul.f32 v32, v56  }
0x170: {  	v43 =	vadd.s32 v2, v43;
	v59 =	vld.idx.msk [tilespmem:v59+s2+$0x0], $0xffff;
	v51 =	vperm.xlane v27, v13;
	v18 =	vmul.f32 v18, v54  }
0x171: {  	v45 =	vadd.s32 v0, v45;
	v61 =	vld.idx.msk [tilespmem:v63+s2+$0x0], $0xffff;
	v26 =	vmul.f32 v26, v41;
	v30 =	vmul.f32 v30, v41  }
0x172: {  	v63 =	vld.idx.msk [tilespmem:v57+s2+$0x0], $0xffff;
	v35 =	vmul.f32 v35, v47;
	v41 =	vadd.s32 v2, v44;
	v44 =	vmul.f32 v48, v50  }
0x173: {  	v39 =	vld.idx.msk [tilespmem:v39+s2+$0x0], $0xffff;
	v40 =	vmul.f32 v40, v47;
	v19 =	vadd.f32 v23, v19;
	v22 =	vadd.f32 v22, v33  }
0x174: {  	v21 =	vadd.f32 v25, v21;
	v47 =	vmul.f32 v37, v50;
	v50 =	vld.idx.msk [tilespmem:v52+s2+$0x0], $0xffff;
	v20 =	vadd.f32 v20, v29  }
0x175: {  	v55 =	vld.idx.msk [tilespmem:v43+s2+$0x0], $0xffff;
	v52 =	vperm.xlane v27, v15;
	v19 =	vadd.f32 v44, v19;
	v22 =	vadd.f32 v24, v22  }
0x176: {  	v48 =	vld.idx.msk [tilespmem:v58+s2+$0x0], $0xffff;
	v25 =	vmul.f32 v59, v54;
	v21 =	vadd.f32 v47, v21;
	v20 =	vadd.f32 v28, v20  }
0x177: {  	v59 =	vmul.f32 v63, v53;
	v19 =	vadd.f32 v42, v19;
	v22 =	vadd.f32 v26, v22;
	v56 =	vld.idx.msk [tilespmem:v41+s2+$0x0], $0xffff  }
0x178: {  	v58 =	vld.idx.msk [tilespmem:v45+s2+$0x0], $0xffff;
	v29 =	vmul.f32 v39, v51;
	v21 =	vadd.f32 v38, v21;
	v20 =	vadd.f32 v30, v20  }
0x179: {  	v60 =	vmul.f32 v50, v51;
	v19 =	vadd.f32 v31, v19;
	v22 =	vadd.f32 v62, v22  }
0x17a: {  	v57 =	vmul.f32 v61, v52;
	v21 =	vadd.f32 v34, v21;
	v20 =	vadd.f32 v36, v20  }
0x17b: {  	v61 =	vmul.f32 v55, v53;
	v19 =	vadd.f32 v40, v19;
	v22 =	vadd.f32 v60, v22  }
0x17c: {  	v21 =	vadd.f32 v35, v21;
	v20 =	vadd.f32 v29, v20;
	v24 =	vmul.f32 v56, v52  }
0x17d: {  	v62 =	vmul.f32 v58, v49;
	v19 =	vadd.f32 v59, v19;
	v22 =	vadd.f32 v57, v22  }
0x17e: {  	v63 =	vmul.f32 v48, v49;
	v21 =	vadd.f32 v61, v21;
	v20 =	vadd.f32 v24, v20  }
0x17f: {  	v19 =	vadd.f32 v62, v19;
	v22 =	vadd.f32 v25, v22  }
0x180: {  	v21 =	vadd.f32 v63, v21;
	v18 =	vadd.f32 v18, v20  }
0x181: {  	v19 =	vadd.f32 v22, v19  }
0x182: {  	v18 =	vadd.f32 v18, v21  }
0x183: {  	v19 =	vadd.f32 v19, v19  }
0x184: {  	v18 =	vadd.f32 v18, v18  }
0x185: {  	v19 =	vmul.f32 $1.442695020e+00, v19  }
0x186: {  	v18 =	vmul.f32 $1.442695020e+00, v18  }
0x187: {  	(erf) = vpow2.f32 v19  }
0x188: {  	s5 =	simm.s32 $0x6010;
	s6 =	simm.s32 $0x20;
	s4 =	simm.s32 $0x6010;
	(erf) = vpow2.f32 v18  }
.LBB2_6:
0x189: {  	_ =	sdelay $0x5  }
0x18a: {  	s5 =	sadd.s32 $0x20, s5;
	s23 =	sadd.s32 $0x10, s23;
	s3 =	sadd.s32 $0x10, s3  }
0x18b: {  	p0 =	sne.s32 s6, $0xFE0;
	s7 =	smov.u32 s6;
	s6 =	sadd.s32 $0x20, s6;
	v18 =	vpop (erf)  }
0x18c: {  	v18 =	vadd.f32 $1.000000000e+00, v18;
	v19 =	vpop (erf)  }
0x18d: {  	v19 =	vadd.f32 $1.000000000e+00, v19  }
0x18e: {  	(erf) = vrcp.f32 v18  }
0x18f: {  	(erf) = vrcp.f32 v19;
	_ =	sdelay $0x7  }
0x190: {  	v18 =	vpop (erf)  }
0x191: {  	v18 =	vadd.f32 v18, v18;
	v19 =	vpop (erf)  }
0x192: {  	v19 =	vadd.f32 v19, v19  }
0x193: {  	v18 =	vsub.f32 $1.000000000e+00, v18  }
0x194: {  	s8 =	sand.u32 $0xFE0, s22;
	s22 =	smov.u32 s7;
	v19 =	vsub.f32 $1.000000000e+00, v19  }
0x195: {  	[tilespmem:s8+$0x6000] =	vst v18  }
0x196: {  	[tilespmem:s4+$0x0] =	vst v19;
	s4 =	smov.u32 s5  }
0x197: {  	v19 =	vld [tilespmem:s23+$0x0];
	_ =	sdelay $0x4  }
0x198: {  	v18 =	vperm.xlane v19, v1;
	v20 =	vperm.xlane v19, v5  }
0x199: {  	v21 =	vperm.xlane v19, v3;
	v22 =	vperm.xlane v19, v4  }
0x19a: {  	v23 =	vadd.s32 v0, v18;
	v24 =	vadd.s32 v2, v18;
	v25 =	vadd.s32 v0, v20  }
0x19b: {  	v26 =	vadd.s32 v0, v21;
	v27 =	vadd.s32 v0, v22;
	v22 =	vadd.s32 v2, v22  }
0x19c: {  	v28 =	vperm.xlane v19, v6;
	v29 =	vperm.xlane v19, v8;
	v21 =	vadd.s32 v2, v21  }
0x19d: {  	v30 =	vperm.xlane v19, v7;
	v31 =	vperm.xlane v19, v9;
	v20 =	vadd.s32 v2, v20  }
0x19e: {  	v32 =	vadd.s32 v0, v28;
	v28 =	vadd.s32 v2, v28;
	v33 =	vadd.s32 v2, v29;
	v18 =	vld [tilespmem:s3+$0x0]  }
0x19f: {  	v34 =	vadd.s32 v0, v30;
	v30 =	vadd.s32 v2, v30;
	v29 =	vadd.s32 v0, v29;
	v24 =	vld.idx.msk [tilespmem:v24+s2+$0x0], $0xffff  }
0x1a0: {  	v36 =	vperm.xlane v19, v10;
	v35 =	vadd.s32 v0, v31;
	v31 =	vadd.s32 v2, v31;
	v25 =	vld.idx.msk [tilespmem:v25+s2+$0x0], $0xffff  }
0x1a1: {  	v37 =	vperm.xlane v19, v11;
	v38 =	vperm.xlane v19, v12;
	v23 =	vld.idx.msk [tilespmem:v23+s2+$0x0], $0xffff  }
0x1a2: {  	v40 =	vperm.xlane v19, v13;
	v39 =	vadd.s32 v0, v36;
	v36 =	vadd.s32 v2, v36;
	v20 =	vld.idx.msk [tilespmem:v20+s2+$0x0], $0xffff  }
0x1a3: {  	v41 =	vadd.s32 v0, v37;
	v37 =	vadd.s32 v2, v37;
	v42 =	vadd.s32 v0, v38;
	v22 =	vld.idx.msk [tilespmem:v22+s2+$0x0], $0xffff  }
0x1a4: {  	v38 =	vadd.s32 v2, v38;
	v43 =	vadd.s32 v0, v40;
	v40 =	vadd.s32 v2, v40;
	v30 =	vld.idx.msk [tilespmem:v30+s2+$0x0], $0xffff  }
0x1a5: {  	v45 =	vperm.xlane v19, v14;
	v44 =	vperm.xlane v18, v1;
	v31 =	vld.idx.msk [tilespmem:v31+s2+$0x0], $0xffff  }
0x1a6: {  	v46 =	vperm.xlane v19, v15;
	v47 =	vperm.xlane v19, v16;
	v35 =	vld.idx.msk [tilespmem:v35+s2+$0x0], $0xffff  }
0x1a7: {  	v49 =	vadd.s32 v0, v45;
	v48 =	vperm.xlane v18, v4;
	v24 =	vmul.f32 v24, v44;
	v36 =	vld.idx.msk [tilespmem:v36+s2+$0x0], $0xffff  }
0x1a8: {  	v23 =	vmul.f32 v23, v44;
	v44 =	vadd.s32 v2, v45;
	v45 =	vadd.s32 v0, v46;
	v37 =	vld.idx.msk [tilespmem:v37+s2+$0x0], $0xffff  }
0x1a9: {  	v50 =	vperm.xlane v18, v5;
	v46 =	vadd.s32 v2, v46;
	v22 =	vmul.f32 v22, v48;
	v41 =	vld.idx.msk [tilespmem:v41+s2+$0x0], $0xffff  }
0x1aa: {  	v52 =	vadd.s32 v0, v47;
	v47 =	vadd.s32 v2, v47;
	v51 =	vperm.xlane v18, v7;
	v42 =	vld.idx.msk [tilespmem:v42+s2+$0x0], $0xffff  }
0x1ab: {  	v20 =	vmul.f32 v20, v50;
	v22 =	vadd.f32 v22, v24;
	v24 =	vmul.f32 v25, v50;
	v25 =	vld.idx.msk [tilespmem:v29+s2+$0x0], $0xffff  }
0x1ac: {  	v19 =	vperm.xlane v19, v17;
	v29 =	vld.idx.msk [tilespmem:v34+s2+$0x0], $0xffff  }
0x1ad: {  	v50 =	vperm.xlane v18, v16;
	v34 =	vld.idx.msk [tilespmem:v39+s2+$0x0], $0xffff;
	v39 =	vperm.xlane v18, v12  }
0x1ae: {  	v55 =	vadd.s32 v0, v19;
	v53 =	vperm.xlane v18, v6;
	v54 =	vperm.xlane v18, v8;
	v33 =	vld.idx.msk [tilespmem:v33+s2+$0x0], $0xffff  }
0x1af: {  	v56 =	vperm.xlane v18, v14;
	v57 =	vperm.xlane v18, v17;
	v38 =	vld.idx.msk [tilespmem:v38+s2+$0x0], $0xffff  }
0x1b0: {  	v58 =	vperm.xlane v18, v10;
	v59 =	vperm.xlane v18, v11;
	v32 =	vld.idx.msk [tilespmem:v32+s2+$0x0], $0xffff  }
0x1b1: {  	v30 =	vmul.f32 v30, v51;
	v25 =	vmul.f32 v25, v54;
	v27 =	vld.idx.msk [tilespmem:v27+s2+$0x0], $0xffff  }
0x1b2: {  	v29 =	vmul.f32 v29, v51;
	v51 =	vperm.xlane v18, v9;
	v26 =	vld.idx.msk [tilespmem:v26+s2+$0x0], $0xffff  }
0x1b3: {  	v60 =	vperm.xlane v18, v3;
	v34 =	vmul.f32 v34, v58;
	v21 =	vld.idx.msk [tilespmem:v21+s2+$0x0], $0xffff  }
0x1b4: {  	v33 =	vmul.f32 v33, v54;
	v35 =	vmul.f32 v35, v51;
	v28 =	vld.idx.msk [tilespmem:v28+s2+$0x0], $0xffff  }
0x1b5: {  	v31 =	vmul.f32 v31, v51;
	v38 =	vmul.f32 v38, v39  }
0x1b6: {  	v36 =	vmul.f32 v36, v58;
	v32 =	vmul.f32 v32, v53;
	v47 =	vld.idx.msk [tilespmem:v47+s2+$0x0], $0xffff  }
0x1b7: {  	v39 =	vmul.f32 v42, v39;
	v27 =	vmul.f32 v27, v48;
	v42 =	vld.idx.msk [tilespmem:v55+s2+$0x0], $0xffff  }
0x1b8: {  	v37 =	vmul.f32 v37, v59;
	v26 =	vmul.f32 v26, v60;
	v45 =	vld.idx.msk [tilespmem:v45+s2+$0x0], $0xffff  }
0x1b9: {  	v21 =	vmul.f32 v21, v60;
	v23 =	vadd.f32 v27, v23;
	v27 =	vmul.f32 v41, v59;
	v41 =	vld.idx.msk [tilespmem:v49+s2+$0x0], $0xffff  }
0x1ba: {  	v19 =	vadd.s32 v2, v19;
	v24 =	vadd.f32 v24, v26;
	v26 =	vmul.f32 v28, v53;
	v28 =	vld.idx.msk [tilespmem:v43+s2+$0x0], $0xffff  }
0x1bb: {  	v20 =	vadd.f32 v20, v21;
	v21 =	vadd.f32 v32, v23;
	v23 =	vperm.xlane v18, v13;
	v32 =	vld.idx.msk [tilespmem:v40+s2+$0x0], $0xffff  }
0x1bc: {  	v18 =	vperm.xlane v18, v15;
	v22 =	vadd.f32 v26, v22;
	v24 =	vadd.f32 v29, v24;
	v26 =	vld.idx.msk [tilespmem:v44+s2+$0x0], $0xffff  }
0x1bd: {  	v20 =	vadd.f32 v30, v20;
	v21 =	vadd.f32 v25, v21;
	v29 =	vmul.f32 v42, v57;
	v25 =	vld.idx.msk [tilespmem:v46+s2+$0x0], $0xffff  }
0x1be: {  	v22 =	vadd.f32 v33, v22;
	v24 =	vadd.f32 v35, v24;
	v30 =	vmul.f32 v45, v18;
	v33 =	vld.idx.msk [tilespmem:v52+s2+$0x0], $0xffff  }
0x1bf: {  	v20 =	vadd.f32 v31, v20;
	v21 =	vadd.f32 v34, v21;
	v31 =	vmul.f32 v41, v56;
	v19 =	vld.idx.msk [tilespmem:v19+s2+$0x0], $0xffff  }
0x1c0: {  	v22 =	vadd.f32 v36, v22;
	v24 =	vadd.f32 v27, v24;
	v27 =	vmul.f32 v28, v23  }
0x1c1: {  	v20 =	vadd.f32 v37, v20;
	v21 =	vadd.f32 v39, v21;
	v23 =	vmul.f32 v32, v23  }
0x1c2: {  	v22 =	vadd.f32 v38, v22;
	v24 =	vadd.f32 v27, v24;
	v26 =	vmul.f32 v26, v56  }
0x1c3: {  	v20 =	vadd.f32 v23, v20;
	v21 =	vadd.f32 v31, v21;
	v18 =	vmul.f32 v25, v18  }
0x1c4: {  	v22 =	vadd.f32 v26, v22;
	v23 =	vadd.f32 v30, v24;
	v24 =	vmul.f32 v33, v50  }
0x1c5: {  	v18 =	vadd.f32 v18, v20;
	v20 =	vmul.f32 v47, v50;
	v19 =	vmul.f32 v19, v57  }
0x1c6: {  	v21 =	vadd.f32 v24, v21;
	v23 =	vadd.f32 v29, v23  }
0x1c7: {  	v20 =	vadd.f32 v20, v22;
	v18 =	vadd.f32 v19, v18  }
0x1c8: {  	v19 =	vadd.f32 v23, v21  }
0x1c9: {  	v18 =	vadd.f32 v18, v20  }
0x1ca: {  	v19 =	vadd.f32 v19, v19  }
.Ltmp2:
0x1cb: {  	v18 =	vadd.f32 v18, v18;
	(pc) =	sbr.rel @p0 .LBB2_6-.Ltmp2, $4  }
0x1cc: {  	v19 =	vmul.f32 $1.442695020e+00, v19  }
0x1cd: {  	v18 =	vmul.f32 $1.442695020e+00, v18  }
0x1ce: {  	(erf) = vpow2.f32 v19  }
0x1cf: {  	(erf) = vpow2.f32 v18  }
0x1d0: {  	_ =	sdelay $0x6  }
0x1d1: {  	v18 =	vpop (erf)  }
0x1d2: {  	v18 =	vadd.f32 $1.000000000e+00, v18;
	v19 =	vpop (erf)  }
0x1d3: {  	v19 =	vadd.f32 $1.000000000e+00, v19  }
0x1d4: {  	(erf) = vrcp.f32 v18  }
0x1d5: {  	(erf) = vrcp.f32 v19;
	_ =	sdelay $0x7  }
0x1d6: {  	v18 =	vpop (erf)  }
0x1d7: {  	v18 =	vadd.f32 v18, v18;
	v19 =	vpop (erf)  }
0x1d8: {  	v19 =	vadd.f32 v19, v19  }
0x1d9: {  	v18 =	vsub.f32 $1.000000000e+00, v18  }
0x1da: {  	s3 =	sand.u32 $0xFE0, s22;
	v19 =	vsub.f32 $1.000000000e+00, v19  }
0x1db: {  	[tilespmem:s3+$0x6000] =	vst v18  }
0x1dc: {  	[tilespmem:s4+$0x0] =	vst v19  }
0x1dd: {  	_ =	swait.ge [sflag:s25], $0x800  }
0x1de: {  	[sflag:s25] =	ssyncset.done $0x0  }
0x1df: {  	[sflag:s25] =	ssyncadd.s32 $0xFFFFF800  }
0x1e0: {  	_ =	swait.ge [sflag:s26], $0x800  }
0x1e1: {  	[sflag:s26] =	ssyncset.done $0x0  }
0x1e2: {  	s22 =	simm.s32 $0x0;
	[sflag:s26] =	ssyncadd.s32 $0xFFFFF800  }
0x1e3: {  	[tilespmem:s30], [sflag:$0x2] =	stream.linear.gather [hbm4b:s12+s22], $0x800, $0x38;
	[tilespmem:$0xE000] =	vst v63  }
0x1e4: {  	s23 =	simm.s32 $0xC800  }
0x1e5: {  	[tilespmem:s31], [sflag:$0x3] =	stream.linear.gather [hbm4b:s13+s22], $0x800, $0x38;
	[tilespmem:$0xE000] =	vst v63  }
0x1e6: {  	v18 =	vld [tilespmem:s23+$0x0];
	_ =	sdelay $0x4  }
0x1e7: {  	v19 =	vperm.xlane v18, v1  }
0x1e8: {  	v20 =	vperm.xlane v18, v5  }
0x1e9: {  	v21 =	vadd.s32 v2, v19  }
0x1ea: {  	v22 =	vadd.s32 v0, v20  }
0x1eb: {  	v23 =	vperm.xlane v18, v4;
	v19 =	vadd.s32 v0, v19  }
0x1ec: {  	s3 =	simm.s32 $0xD800;
	v24 =	vperm.xlane v18, v7;
	v20 =	vadd.s32 v2, v20  }
0x1ed: {  	v27 =	vld [tilespmem:s3+$0x0];
	v26 =	vperm.xlane v18, v9;
	v25 =	vadd.s32 v2, v23  }
0x1ee: {  	v28 =	vadd.s32 v2, v24;
	v21 =	vld.idx.msk [tilespmem:v21+s2+$0x0], $0xffff  }
0x1ef: {  	v31 =	vperm.xlane v18, v10;
	v30 =	vadd.s32 v2, v26;
	v22 =	vld.idx.msk [tilespmem:v22+s2+$0x0], $0xffff  }
0x1f0: {  	v29 =	vperm.xlane v18, v3;
	v32 =	vperm.xlane v18, v11;
	v26 =	vadd.s32 v0, v26;
	v19 =	vld.idx.msk [tilespmem:v19+s2+$0x0], $0xffff  }
0x1f1: {  	v35 =	vperm.xlane v18, v12;
	v37 =	vperm.xlane v18, v6;
	v34 =	vadd.s32 v2, v31;
	v20 =	vld.idx.msk [tilespmem:v20+s2+$0x0], $0xffff  }
0x1f2: {  	v38 =	vperm.xlane v18, v8;
	v39 =	vperm.xlane v18, v13;
	v36 =	vadd.s32 v2, v32;
	v25 =	vld.idx.msk [tilespmem:v25+s2+$0x0], $0xffff  }
0x1f3: {  	v41 =	vperm.xlane v27, v1;
	v43 =	vperm.xlane v18, v14;
	v32 =	vadd.s32 v0, v32;
	v28 =	vld.idx.msk [tilespmem:v28+s2+$0x0], $0xffff  }
0x1f4: {  	v44 =	vperm.xlane v18, v15;
	v45 =	vperm.xlane v18, v16;
	v42 =	vadd.s32 v0, v38;
	v30 =	vld.idx.msk [tilespmem:v30+s2+$0x0], $0xffff  }
0x1f5: {  	v46 =	vperm.xlane v27, v4;
	v47 =	vperm.xlane v27, v5;
	v24 =	vadd.s32 v0, v24;
	v26 =	vld.idx.msk [tilespmem:v26+s2+$0x0], $0xffff  }
0x1f6: {  	v62 =	vperm.xlane v27, v7;
	v18 =	vperm.xlane v18, v17;
	v38 =	vadd.s32 v2, v38;
	v34 =	vld.idx.msk [tilespmem:v34+s2+$0x0], $0xffff  }
0x1f7: {  	v49 =	vperm.xlane v27, v16;
	v50 =	vperm.xlane v27, v6;
	v31 =	vadd.s32 v0, v31;
	v36 =	vld.idx.msk [tilespmem:v36+s2+$0x0], $0xffff  }
0x1f8: {  	v51 =	vperm.xlane v27, v8;
	v53 =	vperm.xlane v27, v14;
	v23 =	vadd.s32 v0, v23;
	v32 =	vld.idx.msk [tilespmem:v32+s2+$0x0], $0xffff  }
0x1f9: {  	v54 =	vperm.xlane v27, v17;
	v55 =	vperm.xlane v27, v10;
	v33 =	vadd.s32 v0, v29;
	v42 =	vld.idx.msk [tilespmem:v42+s2+$0x0], $0xffff  }
0x1fa: {  	v56 =	vperm.xlane v27, v11;
	v60 =	vperm.xlane v27, v3;
	v29 =	vadd.s32 v2, v29;
	v24 =	vld.idx.msk [tilespmem:v24+s2+$0x0], $0xffff  }
0x1fb: {  	v40 =	vadd.s32 v0, v35;
	v59 =	vadd.s32 v0, v18;
	v18 =	vadd.s32 v2, v18;
	v38 =	vld.idx.msk [tilespmem:v38+s2+$0x0], $0xffff  }
0x1fc: {  	v35 =	vadd.s32 v2, v35;
	v31 =	vld.idx.msk [tilespmem:v31+s2+$0x0], $0xffff;
	v21 =	vmul.f32 v21, v41;
	v19 =	vmul.f32 v19, v41  }
0x1fd: {  	v48 =	vadd.s32 v0, v37;
	v23 =	vld.idx.msk [tilespmem:v23+s2+$0x0], $0xffff;
	v25 =	vmul.f32 v25, v46;
	v22 =	vmul.f32 v22, v47  }
0x1fe: {  	v33 =	vld.idx.msk [tilespmem:v33+s2+$0x0], $0xffff;
	v20 =	vmul.f32 v20, v47;
	v47 =	vperm.xlane v27, v12  }
0x1ff: {  	v37 =	vadd.s32 v2, v37;
	v29 =	vld.idx.msk [tilespmem:v29+s2+$0x0], $0xffff;
	v28 =	vmul.f32 v28, v62;
	v42 =	vmul.f32 v42, v51  }
0x200: {  	v52 =	vadd.s32 v0, v39;
	v18 =	vld.idx.msk [tilespmem:v18+s2+$0x0], $0xffff;
	v24 =	vmul.f32 v24, v62;
	v41 =	vperm.xlane v27, v9  }
0x201: {  	v63 =	vadd.s32 v0, v44;
	v35 =	vld.idx.msk [tilespmem:v35+s2+$0x0], $0xffff;
	v38 =	vmul.f32 v38, v51;
	v31 =	vmul.f32 v31, v55  }
0x202: {  	v57 =	vadd.s32 v0, v43;
	v48 =	vld.idx.msk [tilespmem:v48+s2+$0x0], $0xffff;
	v34 =	vmul.f32 v34, v55;
	v23 =	vmul.f32 v23, v46  }
0x203: {  	v39 =	vadd.s32 v2, v39;
	v40 =	vld.idx.msk [tilespmem:v40+s2+$0x0], $0xffff;
	v33 =	vmul.f32 v33, v60;
	v36 =	vmul.f32 v36, v56  }
0x204: {  	v58 =	vadd.s32 v2, v45;
	v37 =	vld.idx.msk [tilespmem:v37+s2+$0x0], $0xffff;
	v29 =	vmul.f32 v29, v60;
	v62 =	vmul.f32 v32, v56  }
0x205: {  	v43 =	vadd.s32 v2, v43;
	v59 =	vld.idx.msk [tilespmem:v59+s2+$0x0], $0xffff;
	v51 =	vperm.xlane v27, v13;
	v18 =	vmul.f32 v18, v54  }
0x206: {  	v45 =	vadd.s32 v0, v45;
	v61 =	vld.idx.msk [tilespmem:v63+s2+$0x0], $0xffff;
	v26 =	vmul.f32 v26, v41;
	v30 =	vmul.f32 v30, v41  }
0x207: {  	v63 =	vld.idx.msk [tilespmem:v57+s2+$0x0], $0xffff;
	v35 =	vmul.f32 v35, v47;
	v41 =	vadd.s32 v2, v44;
	v44 =	vmul.f32 v48, v50  }
0x208: {  	v39 =	vld.idx.msk [tilespmem:v39+s2+$0x0], $0xffff;
	v40 =	vmul.f32 v40, v47;
	v19 =	vadd.f32 v23, v19;
	v22 =	vadd.f32 v22, v33  }
0x209: {  	v21 =	vadd.f32 v25, v21;
	v47 =	vmul.f32 v37, v50;
	v50 =	vld.idx.msk [tilespmem:v52+s2+$0x0], $0xffff;
	v20 =	vadd.f32 v20, v29  }
0x20a: {  	v55 =	vld.idx.msk [tilespmem:v43+s2+$0x0], $0xffff;
	v52 =	vperm.xlane v27, v15;
	v19 =	vadd.f32 v44, v19;
	v22 =	vadd.f32 v24, v22  }
0x20b: {  	v48 =	vld.idx.msk [tilespmem:v58+s2+$0x0], $0xffff;
	v25 =	vmul.f32 v59, v54;
	v21 =	vadd.f32 v47, v21;
	v20 =	vadd.f32 v28, v20  }
0x20c: {  	v59 =	vmul.f32 v63, v53;
	v19 =	vadd.f32 v42, v19;
	v22 =	vadd.f32 v26, v22;
	v56 =	vld.idx.msk [tilespmem:v41+s2+$0x0], $0xffff  }
0x20d: {  	v58 =	vld.idx.msk [tilespmem:v45+s2+$0x0], $0xffff;
	v29 =	vmul.f32 v39, v51;
	v21 =	vadd.f32 v38, v21;
	v20 =	vadd.f32 v30, v20  }
0x20e: {  	v60 =	vmul.f32 v50, v51;
	v19 =	vadd.f32 v31, v19;
	v22 =	vadd.f32 v62, v22  }
0x20f: {  	v57 =	vmul.f32 v61, v52;
	v21 =	vadd.f32 v34, v21;
	v20 =	vadd.f32 v36, v20  }
0x210: {  	v61 =	vmul.f32 v55, v53;
	v19 =	vadd.f32 v40, v19;
	v22 =	vadd.f32 v60, v22  }
0x211: {  	v21 =	vadd.f32 v35, v21;
	v20 =	vadd.f32 v29, v20;
	v24 =	vmul.f32 v56, v52  }
0x212: {  	v62 =	vmul.f32 v58, v49;
	v19 =	vadd.f32 v59, v19;
	v22 =	vadd.f32 v57, v22  }
0x213: {  	v63 =	vmul.f32 v48, v49;
	v21 =	vadd.f32 v61, v21;
	v20 =	vadd.f32 v24, v20  }
0x214: {  	v19 =	vadd.f32 v62, v19;
	v22 =	vadd.f32 v25, v22  }
0x215: {  	v21 =	vadd.f32 v63, v21;
	v18 =	vadd.f32 v18, v20  }
0x216: {  	v19 =	vadd.f32 v22, v19  }
0x217: {  	v18 =	vadd.f32 v18, v21  }
0x218: {  	v19 =	vadd.f32 v19, v19  }
0x219: {  	v18 =	vadd.f32 v18, v18  }
0x21a: {  	v19 =	vmul.f32 $1.442695020e+00, v19  }
0x21b: {  	v18 =	vmul.f32 $1.442695020e+00, v18  }
0x21c: {  	(erf) = vpow2.f32 v19  }
0x21d: {  	s5 =	simm.s32 $0x7010;
	s6 =	simm.s32 $0x20;
	s4 =	simm.s32 $0x7010;
	(erf) = vpow2.f32 v18  }
.LBB2_8:
0x21e: {  	_ =	sdelay $0x5  }
0x21f: {  	s5 =	sadd.s32 $0x20, s5;
	s23 =	sadd.s32 $0x10, s23;
	s3 =	sadd.s32 $0x10, s3  }
0x220: {  	p0 =	sne.s32 s6, $0xFE0;
	s7 =	smov.u32 s6;
	s6 =	sadd.s32 $0x20, s6;
	v18 =	vpop (erf)  }
0x221: {  	v18 =	vadd.f32 $1.000000000e+00, v18;
	v19 =	vpop (erf)  }
0x222: {  	v19 =	vadd.f32 $1.000000000e+00, v19  }
0x223: {  	(erf) = vrcp.f32 v18  }
0x224: {  	(erf) = vrcp.f32 v19;
	_ =	sdelay $0x7  }
0x225: {  	v18 =	vpop (erf)  }
0x226: {  	v18 =	vadd.f32 v18, v18;
	v19 =	vpop (erf)  }
0x227: {  	v19 =	vadd.f32 v19, v19  }
0x228: {  	v18 =	vsub.f32 $1.000000000e+00, v18  }
0x229: {  	s8 =	sand.u32 $0xFE0, s22;
	s22 =	smov.u32 s7;
	v19 =	vsub.f32 $1.000000000e+00, v19  }
0x22a: {  	[tilespmem:s8+$0x7000] =	vst v18  }
0x22b: {  	[tilespmem:s4+$0x0] =	vst v19;
	s4 =	smov.u32 s5  }
0x22c: {  	v19 =	vld [tilespmem:s23+$0x0];
	_ =	sdelay $0x4  }
0x22d: {  	v18 =	vperm.xlane v19, v1;
	v20 =	vperm.xlane v19, v5  }
0x22e: {  	v21 =	vperm.xlane v19, v3;
	v22 =	vperm.xlane v19, v4  }
0x22f: {  	v23 =	vadd.s32 v0, v18;
	v24 =	vadd.s32 v2, v18;
	v25 =	vadd.s32 v0, v20  }
0x230: {  	v26 =	vadd.s32 v0, v21;
	v27 =	vadd.s32 v0, v22;
	v22 =	vadd.s32 v2, v22  }
0x231: {  	v28 =	vperm.xlane v19, v6;
	v29 =	vperm.xlane v19, v8;
	v21 =	vadd.s32 v2, v21  }
0x232: {  	v30 =	vperm.xlane v19, v7;
	v31 =	vperm.xlane v19, v9;
	v20 =	vadd.s32 v2, v20  }
0x233: {  	v32 =	vadd.s32 v0, v28;
	v28 =	vadd.s32 v2, v28;
	v33 =	vadd.s32 v2, v29;
	v18 =	vld [tilespmem:s3+$0x0]  }
0x234: {  	v34 =	vadd.s32 v0, v30;
	v30 =	vadd.s32 v2, v30;
	v29 =	vadd.s32 v0, v29;
	v24 =	vld.idx.msk [tilespmem:v24+s2+$0x0], $0xffff  }
0x235: {  	v36 =	vperm.xlane v19, v10;
	v35 =	vadd.s32 v0, v31;
	v31 =	vadd.s32 v2, v31;
	v25 =	vld.idx.msk [tilespmem:v25+s2+$0x0], $0xffff  }
0x236: {  	v37 =	vperm.xlane v19, v11;
	v38 =	vperm.xlane v19, v12;
	v23 =	vld.idx.msk [tilespmem:v23+s2+$0x0], $0xffff  }
0x237: {  	v40 =	vperm.xlane v19, v13;
	v39 =	vadd.s32 v0, v36;
	v36 =	vadd.s32 v2, v36;
	v20 =	vld.idx.msk [tilespmem:v20+s2+$0x0], $0xffff  }
0x238: {  	v41 =	vadd.s32 v0, v37;
	v37 =	vadd.s32 v2, v37;
	v42 =	vadd.s32 v0, v38;
	v22 =	vld.idx.msk [tilespmem:v22+s2+$0x0], $0xffff  }
0x239: {  	v38 =	vadd.s32 v2, v38;
	v43 =	vadd.s32 v0, v40;
	v40 =	vadd.s32 v2, v40;
	v30 =	vld.idx.msk [tilespmem:v30+s2+$0x0], $0xffff  }
0x23a: {  	v45 =	vperm.xlane v19, v14;
	v44 =	vperm.xlane v18, v1;
	v31 =	vld.idx.msk [tilespmem:v31+s2+$0x0], $0xffff  }
0x23b: {  	v46 =	vperm.xlane v19, v15;
	v47 =	vperm.xlane v19, v16;
	v35 =	vld.idx.msk [tilespmem:v35+s2+$0x0], $0xffff  }
0x23c: {  	v49 =	vadd.s32 v0, v45;
	v48 =	vperm.xlane v18, v4;
	v24 =	vmul.f32 v24, v44;
	v36 =	vld.idx.msk [tilespmem:v36+s2+$0x0], $0xffff  }
0x23d: {  	v23 =	vmul.f32 v23, v44;
	v44 =	vadd.s32 v2, v45;
	v45 =	vadd.s32 v0, v46;
	v37 =	vld.idx.msk [tilespmem:v37+s2+$0x0], $0xffff  }
0x23e: {  	v50 =	vperm.xlane v18, v5;
	v46 =	vadd.s32 v2, v46;
	v22 =	vmul.f32 v22, v48;
	v41 =	vld.idx.msk [tilespmem:v41+s2+$0x0], $0xffff  }
0x23f: {  	v52 =	vadd.s32 v0, v47;
	v47 =	vadd.s32 v2, v47;
	v51 =	vperm.xlane v18, v7;
	v42 =	vld.idx.msk [tilespmem:v42+s2+$0x0], $0xffff  }
0x240: {  	v20 =	vmul.f32 v20, v50;
	v22 =	vadd.f32 v22, v24;
	v24 =	vmul.f32 v25, v50;
	v25 =	vld.idx.msk [tilespmem:v29+s2+$0x0], $0xffff  }
0x241: {  	v19 =	vperm.xlane v19, v17;
	v29 =	vld.idx.msk [tilespmem:v34+s2+$0x0], $0xffff  }
0x242: {  	v50 =	vperm.xlane v18, v16;
	v34 =	vld.idx.msk [tilespmem:v39+s2+$0x0], $0xffff;
	v39 =	vperm.xlane v18, v12  }
0x243: {  	v55 =	vadd.s32 v0, v19;
	v53 =	vperm.xlane v18, v6;
	v54 =	vperm.xlane v18, v8;
	v33 =	vld.idx.msk [tilespmem:v33+s2+$0x0], $0xffff  }
0x244: {  	v56 =	vperm.xlane v18, v14;
	v57 =	vperm.xlane v18, v17;
	v38 =	vld.idx.msk [tilespmem:v38+s2+$0x0], $0xffff  }
0x245: {  	v58 =	vperm.xlane v18, v10;
	v59 =	vperm.xlane v18, v11;
	v32 =	vld.idx.msk [tilespmem:v32+s2+$0x0], $0xffff  }
0x246: {  	v30 =	vmul.f32 v30, v51;
	v25 =	vmul.f32 v25, v54;
	v27 =	vld.idx.msk [tilespmem:v27+s2+$0x0], $0xffff  }
0x247: {  	v29 =	vmul.f32 v29, v51;
	v51 =	vperm.xlane v18, v9;
	v26 =	vld.idx.msk [tilespmem:v26+s2+$0x0], $0xffff  }
0x248: {  	v60 =	vperm.xlane v18, v3;
	v34 =	vmul.f32 v34, v58;
	v21 =	vld.idx.msk [tilespmem:v21+s2+$0x0], $0xffff  }
0x249: {  	v33 =	vmul.f32 v33, v54;
	v35 =	vmul.f32 v35, v51;
	v28 =	vld.idx.msk [tilespmem:v28+s2+$0x0], $0xffff  }
0x24a: {  	v31 =	vmul.f32 v31, v51;
	v38 =	vmul.f32 v38, v39  }
0x24b: {  	v36 =	vmul.f32 v36, v58;
	v32 =	vmul.f32 v32, v53;
	v47 =	vld.idx.msk [tilespmem:v47+s2+$0x0], $0xffff  }
0x24c: {  	v39 =	vmul.f32 v42, v39;
	v27 =	vmul.f32 v27, v48;
	v42 =	vld.idx.msk [tilespmem:v55+s2+$0x0], $0xffff  }
0x24d: {  	v37 =	vmul.f32 v37, v59;
	v26 =	vmul.f32 v26, v60;
	v45 =	vld.idx.msk [tilespmem:v45+s2+$0x0], $0xffff  }
0x24e: {  	v21 =	vmul.f32 v21, v60;
	v23 =	vadd.f32 v27, v23;
	v27 =	vmul.f32 v41, v59;
	v41 =	vld.idx.msk [tilespmem:v49+s2+$0x0], $0xffff  }
0x24f: {  	v19 =	vadd.s32 v2, v19;
	v24 =	vadd.f32 v24, v26;
	v26 =	vmul.f32 v28, v53;
	v28 =	vld.idx.msk [tilespmem:v43+s2+$0x0], $0xffff  }
0x250: {  	v20 =	vadd.f32 v20, v21;
	v21 =	vadd.f32 v32, v23;
	v23 =	vperm.xlane v18, v13;
	v32 =	vld.idx.msk [tilespmem:v40+s2+$0x0], $0xffff  }
0x251: {  	v18 =	vperm.xlane v18, v15;
	v22 =	vadd.f32 v26, v22;
	v24 =	vadd.f32 v29, v24;
	v26 =	vld.idx.msk [tilespmem:v44+s2+$0x0], $0xffff  }
0x252: {  	v20 =	vadd.f32 v30, v20;
	v21 =	vadd.f32 v25, v21;
	v29 =	vmul.f32 v42, v57;
	v25 =	vld.idx.msk [tilespmem:v46+s2+$0x0], $0xffff  }
0x253: {  	v22 =	vadd.f32 v33, v22;
	v24 =	vadd.f32 v35, v24;
	v30 =	vmul.f32 v45, v18;
	v33 =	vld.idx.msk [tilespmem:v52+s2+$0x0], $0xffff  }
0x254: {  	v20 =	vadd.f32 v31, v20;
	v21 =	vadd.f32 v34, v21;
	v31 =	vmul.f32 v41, v56;
	v19 =	vld.idx.msk [tilespmem:v19+s2+$0x0], $0xffff  }
0x255: {  	v22 =	vadd.f32 v36, v22;
	v24 =	vadd.f32 v27, v24;
	v27 =	vmul.f32 v28, v23  }
0x256: {  	v20 =	vadd.f32 v37, v20;
	v21 =	vadd.f32 v39, v21;
	v23 =	vmul.f32 v32, v23  }
0x257: {  	v22 =	vadd.f32 v38, v22;
	v24 =	vadd.f32 v27, v24;
	v26 =	vmul.f32 v26, v56  }
0x258: {  	v20 =	vadd.f32 v23, v20;
	v21 =	vadd.f32 v31, v21;
	v18 =	vmul.f32 v25, v18  }
0x259: {  	v22 =	vadd.f32 v26, v22;
	v23 =	vadd.f32 v30, v24;
	v24 =	vmul.f32 v33, v50  }
0x25a: {  	v18 =	vadd.f32 v18, v20;
	v20 =	vmul.f32 v47, v50;
	v19 =	vmul.f32 v19, v57  }
0x25b: {  	v21 =	vadd.f32 v24, v21;
	v23 =	vadd.f32 v29, v23  }
0x25c: {  	v20 =	vadd.f32 v20, v22;
	v18 =	vadd.f32 v19, v18  }
0x25d: {  	v19 =	vadd.f32 v23, v21  }
0x25e: {  	v18 =	vadd.f32 v18, v20  }
0x25f: {  	v19 =	vadd.f32 v19, v19  }
.Ltmp3:
0x260: {  	v18 =	vadd.f32 v18, v18;
	(pc) =	sbr.rel @p0 .LBB2_8-.Ltmp3, $4  }
0x261: {  	v19 =	vmul.f32 $1.442695020e+00, v19  }
0x262: {  	v18 =	vmul.f32 $1.442695020e+00, v18  }
0x263: {  	(erf) = vpow2.f32 v19  }
0x264: {  	(erf) = vpow2.f32 v18  }
0x265: {  	_ =	sdelay $0x6  }
0x266: {  	v18 =	vpop (erf)  }
0x267: {  	v18 =	vadd.f32 $1.000000000e+00, v18;
	v19 =	vpop (erf)  }
0x268: {  	v19 =	vadd.f32 $1.000000000e+00, v19  }
0x269: {  	(erf) = vrcp.f32 v18  }
0x26a: {  	(erf) = vrcp.f32 v19;
	_ =	sdelay $0x7  }
0x26b: {  	v18 =	vpop (erf)  }
0x26c: {  	v18 =	vadd.f32 v18, v18;
	v19 =	vpop (erf)  }
0x26d: {  	v19 =	vadd.f32 v19, v19  }
0x26e: {  	v18 =	vsub.f32 $1.000000000e+00, v18  }
0x26f: {  	s3 =	sand.u32 $0xFE0, s22;
	v19 =	vsub.f32 $1.000000000e+00, v19  }
0x270: {  	[tilespmem:s3+$0x7000] =	vst v18  }
0x271: {  	[tilespmem:s4+$0x0] =	vst v19  }
0x272: {  	_ =	swait.ge [sflag:s25], $0x800  }
0x273: {  	[sflag:s25] =	ssyncset.done $0x0  }
0x274: {  	[sflag:s25] =	ssyncadd.s32 $0xFFFFF800  }
0x275: {  	_ =	swait.ge [sflag:s26], $0x800  }
0x276: {  	[sflag:s26] =	ssyncset.done $0x0  }
0x277: {  	s22 =	simm.s32 $0x0;
	[sflag:s26] =	ssyncadd.s32 $0xFFFFF800  }
0x278: {  	[tilespmem:s28], [sflag:$0x2] =	stream.linear.gather [hbm4b:s14+s22], $0x800, $0x38;
	[tilespmem:$0xE000] =	vst v63  }
0x279: {  	s23 =	simm.s32 $0xC000  }
0x27a: {  	[tilespmem:s29], [sflag:$0x3] =	stream.linear.gather [hbm4b:s15+s22], $0x800, $0x38;
	[tilespmem:$0xE000] =	vst v63  }
0x27b: {  	v18 =	vld [tilespmem:s23+$0x0];
	_ =	sdelay $0x4  }
0x27c: {  	v19 =	vperm.xlane v18, v1  }
0x27d: {  	v20 =	vperm.xlane v18, v5  }
0x27e: {  	v21 =	vadd.s32 v2, v19  }
0x27f: {  	v22 =	vadd.s32 v0, v20  }
0x280: {  	v23 =	vperm.xlane v18, v4;
	v19 =	vadd.s32 v0, v19  }
0x281: {  	s3 =	simm.s32 $0xD000;
	v24 =	vperm.xlane v18, v7;
	v20 =	vadd.s32 v2, v20  }
0x282: {  	v27 =	vld [tilespmem:s3+$0x0];
	v26 =	vperm.xlane v18, v9;
	v25 =	vadd.s32 v2, v23  }
0x283: {  	v28 =	vadd.s32 v2, v24;
	v21 =	vld.idx.msk [tilespmem:v21+s2+$0x0], $0xffff  }
0x284: {  	v31 =	vperm.xlane v18, v10;
	v30 =	vadd.s32 v2, v26;
	v22 =	vld.idx.msk [tilespmem:v22+s2+$0x0], $0xffff  }
0x285: {  	v29 =	vperm.xlane v18, v3;
	v32 =	vperm.xlane v18, v11;
	v26 =	vadd.s32 v0, v26;
	v19 =	vld.idx.msk [tilespmem:v19+s2+$0x0], $0xffff  }
0x286: {  	v35 =	vperm.xlane v18, v12;
	v37 =	vperm.xlane v18, v6;
	v34 =	vadd.s32 v2, v31;
	v20 =	vld.idx.msk [tilespmem:v20+s2+$0x0], $0xffff  }
0x287: {  	v38 =	vperm.xlane v18, v8;
	v39 =	vperm.xlane v18, v13;
	v36 =	vadd.s32 v2, v32;
	v25 =	vld.idx.msk [tilespmem:v25+s2+$0x0], $0xffff  }
0x288: {  	v41 =	vperm.xlane v27, v1;
	v43 =	vperm.xlane v18, v14;
	v32 =	vadd.s32 v0, v32;
	v28 =	vld.idx.msk [tilespmem:v28+s2+$0x0], $0xffff  }
0x289: {  	v44 =	vperm.xlane v18, v15;
	v45 =	vperm.xlane v18, v16;
	v42 =	vadd.s32 v0, v38;
	v30 =	vld.idx.msk [tilespmem:v30+s2+$0x0], $0xffff  }
0x28a: {  	v46 =	vperm.xlane v27, v4;
	v47 =	vperm.xlane v27, v5;
	v24 =	vadd.s32 v0, v24;
	v26 =	vld.idx.msk [tilespmem:v26+s2+$0x0], $0xffff  }
0x28b: {  	v62 =	vperm.xlane v27, v7;
	v18 =	vperm.xlane v18, v17;
	v38 =	vadd.s32 v2, v38;
	v34 =	vld.idx.msk [tilespmem:v34+s2+$0x0], $0xffff  }
0x28c: {  	v49 =	vperm.xlane v27, v16;
	v50 =	vperm.xlane v27, v6;
	v31 =	vadd.s32 v0, v31;
	v36 =	vld.idx.msk [tilespmem:v36+s2+$0x0], $0xffff  }
0x28d: {  	v51 =	vperm.xlane v27, v8;
	v53 =	vperm.xlane v27, v14;
	v23 =	vadd.s32 v0, v23;
	v32 =	vld.idx.msk [tilespmem:v32+s2+$0x0], $0xffff  }
0x28e: {  	v54 =	vperm.xlane v27, v17;
	v55 =	vperm.xlane v27, v10;
	v33 =	vadd.s32 v0, v29;
	v42 =	vld.idx.msk [tilespmem:v42+s2+$0x0], $0xffff  }
0x28f: {  	v56 =	vperm.xlane v27, v11;
	v60 =	vperm.xlane v27, v3;
	v29 =	vadd.s32 v2, v29;
	v24 =	vld.idx.msk [tilespmem:v24+s2+$0x0], $0xffff  }
0x290: {  	v40 =	vadd.s32 v0, v35;
	v59 =	vadd.s32 v0, v18;
	v18 =	vadd.s32 v2, v18;
	v38 =	vld.idx.msk [tilespmem:v38+s2+$0x0], $0xffff  }
0x291: {  	v35 =	vadd.s32 v2, v35;
	v31 =	vld.idx.msk [tilespmem:v31+s2+$0x0], $0xffff;
	v21 =	vmul.f32 v21, v41;
	v19 =	vmul.f32 v19, v41  }
0x292: {  	v48 =	vadd.s32 v0, v37;
	v23 =	vld.idx.msk [tilespmem:v23+s2+$0x0], $0xffff;
	v25 =	vmul.f32 v25, v46;
	v22 =	vmul.f32 v22, v47  }
0x293: {  	v33 =	vld.idx.msk [tilespmem:v33+s2+$0x0], $0xffff;
	v20 =	vmul.f32 v20, v47;
	v47 =	vperm.xlane v27, v12  }
0x294: {  	v37 =	vadd.s32 v2, v37;
	v29 =	vld.idx.msk [tilespmem:v29+s2+$0x0], $0xffff;
	v28 =	vmul.f32 v28, v62;
	v42 =	vmul.f32 v42, v51  }
0x295: {  	v52 =	vadd.s32 v0, v39;
	v18 =	vld.idx.msk [tilespmem:v18+s2+$0x0], $0xffff;
	v24 =	vmul.f32 v24, v62;
	v41 =	vperm.xlane v27, v9  }
0x296: {  	v63 =	vadd.s32 v0, v44;
	v35 =	vld.idx.msk [tilespmem:v35+s2+$0x0], $0xffff;
	v38 =	vmul.f32 v38, v51;
	v31 =	vmul.f32 v31, v55  }
0x297: {  	v57 =	vadd.s32 v0, v43;
	v48 =	vld.idx.msk [tilespmem:v48+s2+$0x0], $0xffff;
	v34 =	vmul.f32 v34, v55;
	v23 =	vmul.f32 v23, v46  }
0x298: {  	v39 =	vadd.s32 v2, v39;
	v40 =	vld.idx.msk [tilespmem:v40+s2+$0x0], $0xffff;
	v33 =	vmul.f32 v33, v60;
	v36 =	vmul.f32 v36, v56  }
0x299: {  	v58 =	vadd.s32 v2, v45;
	v37 =	vld.idx.msk [tilespmem:v37+s2+$0x0], $0xffff;
	v29 =	vmul.f32 v29, v60;
	v62 =	vmul.f32 v32, v56  }
0x29a: {  	v43 =	vadd.s32 v2, v43;
	v59 =	vld.idx.msk [tilespmem:v59+s2+$0x0], $0xffff;
	v51 =	vperm.xlane v27, v13;
	v18 =	vmul.f32 v18, v54  }
0x29b: {  	v45 =	vadd.s32 v0, v45;
	v61 =	vld.idx.msk [tilespmem:v63+s2+$0x0], $0xffff;
	v26 =	vmul.f32 v26, v41;
	v30 =	vmul.f32 v30, v41  }
0x29c: {  	v63 =	vld.idx.msk [tilespmem:v57+s2+$0x0], $0xffff;
	v35 =	vmul.f32 v35, v47;
	v41 =	vadd.s32 v2, v44;
	v44 =	vmul.f32 v48, v50  }
0x29d: {  	v39 =	vld.idx.msk [tilespmem:v39+s2+$0x0], $0xffff;
	v40 =	vmul.f32 v40, v47;
	v19 =	vadd.f32 v23, v19;
	v22 =	vadd.f32 v22, v33  }
0x29e: {  	v21 =	vadd.f32 v25, v21;
	v47 =	vmul.f32 v37, v50;
	v50 =	vld.idx.msk [tilespmem:v52+s2+$0x0], $0xffff;
	v20 =	vadd.f32 v20, v29  }
0x29f: {  	v55 =	vld.idx.msk [tilespmem:v43+s2+$0x0], $0xffff;
	v52 =	vperm.xlane v27, v15;
	v19 =	vadd.f32 v44, v19;
	v22 =	vadd.f32 v24, v22  }
0x2a0: {  	v48 =	vld.idx.msk [tilespmem:v58+s2+$0x0], $0xffff;
	v25 =	vmul.f32 v59, v54;
	v21 =	vadd.f32 v47, v21;
	v20 =	vadd.f32 v28, v20  }
0x2a1: {  	v59 =	vmul.f32 v63, v53;
	v19 =	vadd.f32 v42, v19;
	v22 =	vadd.f32 v26, v22;
	v56 =	vld.idx.msk [tilespmem:v41+s2+$0x0], $0xffff  }
0x2a2: {  	v58 =	vld.idx.msk [tilespmem:v45+s2+$0x0], $0xffff;
	v29 =	vmul.f32 v39, v51;
	v21 =	vadd.f32 v38, v21;
	v20 =	vadd.f32 v30, v20  }
0x2a3: {  	v60 =	vmul.f32 v50, v51;
	v19 =	vadd.f32 v31, v19;
	v22 =	vadd.f32 v62, v22  }
0x2a4: {  	v57 =	vmul.f32 v61, v52;
	v21 =	vadd.f32 v34, v21;
	v20 =	vadd.f32 v36, v20  }
0x2a5: {  	v61 =	vmul.f32 v55, v53;
	v19 =	vadd.f32 v40, v19;
	v22 =	vadd.f32 v60, v22  }
0x2a6: {  	v21 =	vadd.f32 v35, v21;
	v20 =	vadd.f32 v29, v20;
	v24 =	vmul.f32 v56, v52  }
0x2a7: {  	v62 =	vmul.f32 v58, v49;
	v19 =	vadd.f32 v59, v19;
	v22 =	vadd.f32 v57, v22  }
0x2a8: {  	v63 =	vmul.f32 v48, v49;
	v21 =	vadd.f32 v61, v21;
	v20 =	vadd.f32 v24, v20  }
0x2a9: {  	v19 =	vadd.f32 v62, v19;
	v22 =	vadd.f32 v25, v22  }
0x2aa: {  	v21 =	vadd.f32 v63, v21;
	v18 =	vadd.f32 v18, v20  }
0x2ab: {  	v19 =	vadd.f32 v22, v19  }
0x2ac: {  	v18 =	vadd.f32 v18, v21  }
0x2ad: {  	v19 =	vadd.f32 v19, v19  }
0x2ae: {  	v18 =	vadd.f32 v18, v18  }
0x2af: {  	v19 =	vmul.f32 $1.442695020e+00, v19  }
0x2b0: {  	v18 =	vmul.f32 $1.442695020e+00, v18  }
0x2b1: {  	(erf) = vpow2.f32 v19  }
0x2b2: {  	s5 =	simm.s32 $0x8010;
	s6 =	simm.s32 $0x20;
	s4 =	simm.s32 $0x8010;
	(erf) = vpow2.f32 v18  }
.LBB2_10:
0x2b3: {  	_ =	sdelay $0x5  }
0x2b4: {  	s5 =	sadd.s32 $0x20, s5;
	s23 =	sadd.s32 $0x10, s23;
	s3 =	sadd.s32 $0x10, s3  }
0x2b5: {  	p0 =	sne.s32 s6, $0xFE0;
	s7 =	smov.u32 s6;
	s6 =	sadd.s32 $0x20, s6;
	v18 =	vpop (erf)  }
0x2b6: {  	v18 =	vadd.f32 $1.000000000e+00, v18;
	v19 =	vpop (erf)  }
0x2b7: {  	v19 =	vadd.f32 $1.000000000e+00, v19  }
0x2b8: {  	(erf) = vrcp.f32 v18  }
0x2b9: {  	(erf) = vrcp.f32 v19;
	_ =	sdelay $0x7  }
0x2ba: {  	v18 =	vpop (erf)  }
0x2bb: {  	v18 =	vadd.f32 v18, v18;
	v19 =	vpop (erf)  }
0x2bc: {  	v19 =	vadd.f32 v19, v19  }
0x2bd: {  	v18 =	vsub.f32 $1.000000000e+00, v18  }
0x2be: {  	s8 =	sand.u32 $0xFE0, s22;
	s22 =	smov.u32 s7;
	v19 =	vsub.f32 $1.000000000e+00, v19  }
0x2bf: {  	[tilespmem:s8+$0x8000] =	vst v18  }
0x2c0: {  	[tilespmem:s4+$0x0] =	vst v19;
	s4 =	smov.u32 s5  }
0x2c1: {  	v19 =	vld [tilespmem:s23+$0x0];
	_ =	sdelay $0x4  }
0x2c2: {  	v18 =	vperm.xlane v19, v1;
	v20 =	vperm.xlane v19, v5  }
0x2c3: {  	v21 =	vperm.xlane v19, v3;
	v22 =	vperm.xlane v19, v4  }
0x2c4: {  	v23 =	vadd.s32 v0, v18;
	v24 =	vadd.s32 v2, v18;
	v25 =	vadd.s32 v0, v20  }
0x2c5: {  	v26 =	vadd.s32 v0, v21;
	v27 =	vadd.s32 v0, v22;
	v22 =	vadd.s32 v2, v22  }
0x2c6: {  	v28 =	vperm.xlane v19, v6;
	v29 =	vperm.xlane v19, v8;
	v21 =	vadd.s32 v2, v21  }
0x2c7: {  	v30 =	vperm.xlane v19, v7;
	v31 =	vperm.xlane v19, v9;
	v20 =	vadd.s32 v2, v20  }
0x2c8: {  	v32 =	vadd.s32 v0, v28;
	v28 =	vadd.s32 v2, v28;
	v33 =	vadd.s32 v2, v29;
	v18 =	vld [tilespmem:s3+$0x0]  }
0x2c9: {  	v34 =	vadd.s32 v0, v30;
	v30 =	vadd.s32 v2, v30;
	v29 =	vadd.s32 v0, v29;
	v24 =	vld.idx.msk [tilespmem:v24+s2+$0x0], $0xffff  }
0x2ca: {  	v36 =	vperm.xlane v19, v10;
	v35 =	vadd.s32 v0, v31;
	v31 =	vadd.s32 v2, v31;
	v25 =	vld.idx.msk [tilespmem:v25+s2+$0x0], $0xffff  }
0x2cb: {  	v37 =	vperm.xlane v19, v11;
	v38 =	vperm.xlane v19, v12;
	v23 =	vld.idx.msk [tilespmem:v23+s2+$0x0], $0xffff  }
0x2cc: {  	v40 =	vperm.xlane v19, v13;
	v39 =	vadd.s32 v0, v36;
	v36 =	vadd.s32 v2, v36;
	v20 =	vld.idx.msk [tilespmem:v20+s2+$0x0], $0xffff  }
0x2cd: {  	v41 =	vadd.s32 v0, v37;
	v37 =	vadd.s32 v2, v37;
	v42 =	vadd.s32 v0, v38;
	v22 =	vld.idx.msk [tilespmem:v22+s2+$0x0], $0xffff  }
0x2ce: {  	v38 =	vadd.s32 v2, v38;
	v43 =	vadd.s32 v0, v40;
	v40 =	vadd.s32 v2, v40;
	v30 =	vld.idx.msk [tilespmem:v30+s2+$0x0], $0xffff  }
0x2cf: {  	v45 =	vperm.xlane v19, v14;
	v44 =	vperm.xlane v18, v1;
	v31 =	vld.idx.msk [tilespmem:v31+s2+$0x0], $0xffff  }
0x2d0: {  	v46 =	vperm.xlane v19, v15;
	v47 =	vperm.xlane v19, v16;
	v35 =	vld.idx.msk [tilespmem:v35+s2+$0x0], $0xffff  }
0x2d1: {  	v49 =	vadd.s32 v0, v45;
	v48 =	vperm.xlane v18, v4;
	v24 =	vmul.f32 v24, v44;
	v36 =	vld.idx.msk [tilespmem:v36+s2+$0x0], $0xffff  }
0x2d2: {  	v23 =	vmul.f32 v23, v44;
	v44 =	vadd.s32 v2, v45;
	v45 =	vadd.s32 v0, v46;
	v37 =	vld.idx.msk [tilespmem:v37+s2+$0x0], $0xffff  }
0x2d3: {  	v50 =	vperm.xlane v18, v5;
	v46 =	vadd.s32 v2, v46;
	v22 =	vmul.f32 v22, v48;
	v41 =	vld.idx.msk [tilespmem:v41+s2+$0x0], $0xffff  }
0x2d4: {  	v52 =	vadd.s32 v0, v47;
	v47 =	vadd.s32 v2, v47;
	v51 =	vperm.xlane v18, v7;
	v42 =	vld.idx.msk [tilespmem:v42+s2+$0x0], $0xffff  }
0x2d5: {  	v20 =	vmul.f32 v20, v50;
	v22 =	vadd.f32 v22, v24;
	v24 =	vmul.f32 v25, v50;
	v25 =	vld.idx.msk [tilespmem:v29+s2+$0x0], $0xffff  }
0x2d6: {  	v19 =	vperm.xlane v19, v17;
	v29 =	vld.idx.msk [tilespmem:v34+s2+$0x0], $0xffff  }
0x2d7: {  	v50 =	vperm.xlane v18, v16;
	v34 =	vld.idx.msk [tilespmem:v39+s2+$0x0], $0xffff;
	v39 =	vperm.xlane v18, v12  }
0x2d8: {  	v55 =	vadd.s32 v0, v19;
	v53 =	vperm.xlane v18, v6;
	v54 =	vperm.xlane v18, v8;
	v33 =	vld.idx.msk [tilespmem:v33+s2+$0x0], $0xffff  }
0x2d9: {  	v56 =	vperm.xlane v18, v14;
	v57 =	vperm.xlane v18, v17;
	v38 =	vld.idx.msk [tilespmem:v38+s2+$0x0], $0xffff  }
0x2da: {  	v58 =	vperm.xlane v18, v10;
	v59 =	vperm.xlane v18, v11;
	v32 =	vld.idx.msk [tilespmem:v32+s2+$0x0], $0xffff  }
0x2db: {  	v30 =	vmul.f32 v30, v51;
	v25 =	vmul.f32 v25, v54;
	v27 =	vld.idx.msk [tilespmem:v27+s2+$0x0], $0xffff  }
0x2dc: {  	v29 =	vmul.f32 v29, v51;
	v51 =	vperm.xlane v18, v9;
	v26 =	vld.idx.msk [tilespmem:v26+s2+$0x0], $0xffff  }
0x2dd: {  	v60 =	vperm.xlane v18, v3;
	v34 =	vmul.f32 v34, v58;
	v21 =	vld.idx.msk [tilespmem:v21+s2+$0x0], $0xffff  }
0x2de: {  	v33 =	vmul.f32 v33, v54;
	v35 =	vmul.f32 v35, v51;
	v28 =	vld.idx.msk [tilespmem:v28+s2+$0x0], $0xffff  }
0x2df: {  	v31 =	vmul.f32 v31, v51;
	v38 =	vmul.f32 v38, v39  }
0x2e0: {  	v36 =	vmul.f32 v36, v58;
	v32 =	vmul.f32 v32, v53;
	v47 =	vld.idx.msk [tilespmem:v47+s2+$0x0], $0xffff  }
0x2e1: {  	v39 =	vmul.f32 v42, v39;
	v27 =	vmul.f32 v27, v48;
	v42 =	vld.idx.msk [tilespmem:v55+s2+$0x0], $0xffff  }
0x2e2: {  	v37 =	vmul.f32 v37, v59;
	v26 =	vmul.f32 v26, v60;
	v45 =	vld.idx.msk [tilespmem:v45+s2+$0x0], $0xffff  }
0x2e3: {  	v21 =	vmul.f32 v21, v60;
	v23 =	vadd.f32 v27, v23;
	v27 =	vmul.f32 v41, v59;
	v41 =	vld.idx.msk [tilespmem:v49+s2+$0x0], $0xffff  }
0x2e4: {  	v19 =	vadd.s32 v2, v19;
	v24 =	vadd.f32 v24, v26;
	v26 =	vmul.f32 v28, v53;
	v28 =	vld.idx.msk [tilespmem:v43+s2+$0x0], $0xffff  }
0x2e5: {  	v20 =	vadd.f32 v20, v21;
	v21 =	vadd.f32 v32, v23;
	v23 =	vperm.xlane v18, v13;
	v32 =	vld.idx.msk [tilespmem:v40+s2+$0x0], $0xffff  }
0x2e6: {  	v18 =	vperm.xlane v18, v15;
	v22 =	vadd.f32 v26, v22;
	v24 =	vadd.f32 v29, v24;
	v26 =	vld.idx.msk [tilespmem:v44+s2+$0x0], $0xffff  }
0x2e7: {  	v20 =	vadd.f32 v30, v20;
	v21 =	vadd.f32 v25, v21;
	v29 =	vmul.f32 v42, v57;
	v25 =	vld.idx.msk [tilespmem:v46+s2+$0x0], $0xffff  }
0x2e8: {  	v22 =	vadd.f32 v33, v22;
	v24 =	vadd.f32 v35, v24;
	v30 =	vmul.f32 v45, v18;
	v33 =	vld.idx.msk [tilespmem:v52+s2+$0x0], $0xffff  }
0x2e9: {  	v20 =	vadd.f32 v31, v20;
	v21 =	vadd.f32 v34, v21;
	v31 =	vmul.f32 v41, v56;
	v19 =	vld.idx.msk [tilespmem:v19+s2+$0x0], $0xffff  }
0x2ea: {  	v22 =	vadd.f32 v36, v22;
	v24 =	vadd.f32 v27, v24;
	v27 =	vmul.f32 v28, v23  }
0x2eb: {  	v20 =	vadd.f32 v37, v20;
	v21 =	vadd.f32 v39, v21;
	v23 =	vmul.f32 v32, v23  }
0x2ec: {  	v22 =	vadd.f32 v38, v22;
	v24 =	vadd.f32 v27, v24;
	v26 =	vmul.f32 v26, v56  }
0x2ed: {  	v20 =	vadd.f32 v23, v20;
	v21 =	vadd.f32 v31, v21;
	v18 =	vmul.f32 v25, v18  }
0x2ee: {  	v22 =	vadd.f32 v26, v22;
	v23 =	vadd.f32 v30, v24;
	v24 =	vmul.f32 v33, v50  }
0x2ef: {  	v18 =	vadd.f32 v18, v20;
	v20 =	vmul.f32 v47, v50;
	v19 =	vmul.f32 v19, v57  }
0x2f0: {  	v21 =	vadd.f32 v24, v21;
	v23 =	vadd.f32 v29, v23  }
0x2f1: {  	v20 =	vadd.f32 v20, v22;
	v18 =	vadd.f32 v19, v18  }
0x2f2: {  	v19 =	vadd.f32 v23, v21  }
0x2f3: {  	v18 =	vadd.f32 v18, v20  }
0x2f4: {  	v19 =	vadd.f32 v19, v19  }
.Ltmp4:
0x2f5: {  	v18 =	vadd.f32 v18, v18;
	(pc) =	sbr.rel @p0 .LBB2_10-.Ltmp4, $4  }
0x2f6: {  	v19 =	vmul.f32 $1.442695020e+00, v19  }
0x2f7: {  	v18 =	vmul.f32 $1.442695020e+00, v18  }
0x2f8: {  	(erf) = vpow2.f32 v19  }
0x2f9: {  	(erf) = vpow2.f32 v18  }
0x2fa: {  	_ =	sdelay $0x6  }
0x2fb: {  	v18 =	vpop (erf)  }
0x2fc: {  	v18 =	vadd.f32 $1.000000000e+00, v18;
	v19 =	vpop (erf)  }
0x2fd: {  	v19 =	vadd.f32 $1.000000000e+00, v19  }
0x2fe: {  	(erf) = vrcp.f32 v18  }
0x2ff: {  	(erf) = vrcp.f32 v19;
	_ =	sdelay $0x7  }
0x300: {  	v18 =	vpop (erf)  }
0x301: {  	v18 =	vadd.f32 v18, v18;
	v19 =	vpop (erf)  }
0x302: {  	v19 =	vadd.f32 v19, v19  }
0x303: {  	v18 =	vsub.f32 $1.000000000e+00, v18  }
0x304: {  	s3 =	sand.u32 $0xFE0, s22;
	v19 =	vsub.f32 $1.000000000e+00, v19  }
0x305: {  	[tilespmem:s3+$0x8000] =	vst v18  }
0x306: {  	[tilespmem:s4+$0x0] =	vst v19  }
0x307: {  	_ =	swait.ge [sflag:s25], $0x800  }
0x308: {  	[sflag:s25] =	ssyncset.done $0x0  }
0x309: {  	[sflag:s25] =	ssyncadd.s32 $0xFFFFF800  }
0x30a: {  	_ =	swait.ge [sflag:s26], $0x800  }
0x30b: {  	[sflag:s26] =	ssyncset.done $0x0  }
0x30c: {  	s22 =	simm.s32 $0x0;
	[sflag:s26] =	ssyncadd.s32 $0xFFFFF800  }
0x30d: {  	[tilespmem:s30], [sflag:$0x2] =	stream.linear.gather [hbm4b:s16+s22], $0x800, $0x38;
	[tilespmem:$0xE000] =	vst v63  }
0x30e: {  	s23 =	simm.s32 $0xC800  }
0x30f: {  	[tilespmem:s31], [sflag:$0x3] =	stream.linear.gather [hbm4b:s17+s22], $0x800, $0x38;
	[tilespmem:$0xE000] =	vst v63  }
0x310: {  	v18 =	vld [tilespmem:s23+$0x0];
	_ =	sdelay $0x4  }
0x311: {  	v19 =	vperm.xlane v18, v1  }
0x312: {  	v20 =	vperm.xlane v18, v5  }
0x313: {  	v21 =	vadd.s32 v2, v19  }
0x314: {  	v22 =	vadd.s32 v0, v20  }
0x315: {  	v23 =	vperm.xlane v18, v4;
	v19 =	vadd.s32 v0, v19  }
0x316: {  	s3 =	simm.s32 $0xD800;
	v24 =	vperm.xlane v18, v7;
	v20 =	vadd.s32 v2, v20  }
0x317: {  	v27 =	vld [tilespmem:s3+$0x0];
	v26 =	vperm.xlane v18, v9;
	v25 =	vadd.s32 v2, v23  }
0x318: {  	v28 =	vadd.s32 v2, v24;
	v21 =	vld.idx.msk [tilespmem:v21+s2+$0x0], $0xffff  }
0x319: {  	v31 =	vperm.xlane v18, v10;
	v30 =	vadd.s32 v2, v26;
	v22 =	vld.idx.msk [tilespmem:v22+s2+$0x0], $0xffff  }
0x31a: {  	v29 =	vperm.xlane v18, v3;
	v32 =	vperm.xlane v18, v11;
	v26 =	vadd.s32 v0, v26;
	v19 =	vld.idx.msk [tilespmem:v19+s2+$0x0], $0xffff  }
0x31b: {  	v35 =	vperm.xlane v18, v12;
	v37 =	vperm.xlane v18, v6;
	v34 =	vadd.s32 v2, v31;
	v20 =	vld.idx.msk [tilespmem:v20+s2+$0x0], $0xffff  }
0x31c: {  	v38 =	vperm.xlane v18, v8;
	v39 =	vperm.xlane v18, v13;
	v36 =	vadd.s32 v2, v32;
	v25 =	vld.idx.msk [tilespmem:v25+s2+$0x0], $0xffff  }
0x31d: {  	v41 =	vperm.xlane v27, v1;
	v43 =	vperm.xlane v18, v14;
	v32 =	vadd.s32 v0, v32;
	v28 =	vld.idx.msk [tilespmem:v28+s2+$0x0], $0xffff  }
0x31e: {  	v44 =	vperm.xlane v18, v15;
	v45 =	vperm.xlane v18, v16;
	v42 =	vadd.s32 v0, v38;
	v30 =	vld.idx.msk [tilespmem:v30+s2+$0x0], $0xffff  }
0x31f: {  	v46 =	vperm.xlane v27, v4;
	v47 =	vperm.xlane v27, v5;
	v24 =	vadd.s32 v0, v24;
	v26 =	vld.idx.msk [tilespmem:v26+s2+$0x0], $0xffff  }
0x320: {  	v62 =	vperm.xlane v27, v7;
	v18 =	vperm.xlane v18, v17;
	v38 =	vadd.s32 v2, v38;
	v34 =	vld.idx.msk [tilespmem:v34+s2+$0x0], $0xffff  }
0x321: {  	v49 =	vperm.xlane v27, v16;
	v50 =	vperm.xlane v27, v6;
	v31 =	vadd.s32 v0, v31;
	v36 =	vld.idx.msk [tilespmem:v36+s2+$0x0], $0xffff  }
0x322: {  	v51 =	vperm.xlane v27, v8;
	v53 =	vperm.xlane v27, v14;
	v23 =	vadd.s32 v0, v23;
	v32 =	vld.idx.msk [tilespmem:v32+s2+$0x0], $0xffff  }
0x323: {  	v54 =	vperm.xlane v27, v17;
	v55 =	vperm.xlane v27, v10;
	v33 =	vadd.s32 v0, v29;
	v42 =	vld.idx.msk [tilespmem:v42+s2+$0x0], $0xffff  }
0x324: {  	v56 =	vperm.xlane v27, v11;
	v60 =	vperm.xlane v27, v3;
	v29 =	vadd.s32 v2, v29;
	v24 =	vld.idx.msk [tilespmem:v24+s2+$0x0], $0xffff  }
0x325: {  	v40 =	vadd.s32 v0, v35;
	v59 =	vadd.s32 v0, v18;
	v18 =	vadd.s32 v2, v18;
	v38 =	vld.idx.msk [tilespmem:v38+s2+$0x0], $0xffff  }
0x326: {  	v35 =	vadd.s32 v2, v35;
	v31 =	vld.idx.msk [tilespmem:v31+s2+$0x0], $0xffff;
	v21 =	vmul.f32 v21, v41;
	v19 =	vmul.f32 v19, v41  }
0x327: {  	v48 =	vadd.s32 v0, v37;
	v23 =	vld.idx.msk [tilespmem:v23+s2+$0x0], $0xffff;
	v25 =	vmul.f32 v25, v46;
	v22 =	vmul.f32 v22, v47  }
0x328: {  	v33 =	vld.idx.msk [tilespmem:v33+s2+$0x0], $0xffff;
	v20 =	vmul.f32 v20, v47;
	v47 =	vperm.xlane v27, v12  }
0x329: {  	v37 =	vadd.s32 v2, v37;
	v29 =	vld.idx.msk [tilespmem:v29+s2+$0x0], $0xffff;
	v28 =	vmul.f32 v28, v62;
	v42 =	vmul.f32 v42, v51  }
0x32a: {  	v52 =	vadd.s32 v0, v39;
	v18 =	vld.idx.msk [tilespmem:v18+s2+$0x0], $0xffff;
	v24 =	vmul.f32 v24, v62;
	v41 =	vperm.xlane v27, v9  }
0x32b: {  	v63 =	vadd.s32 v0, v44;
	v35 =	vld.idx.msk [tilespmem:v35+s2+$0x0], $0xffff;
	v38 =	vmul.f32 v38, v51;
	v31 =	vmul.f32 v31, v55  }
0x32c: {  	v57 =	vadd.s32 v0, v43;
	v48 =	vld.idx.msk [tilespmem:v48+s2+$0x0], $0xffff;
	v34 =	vmul.f32 v34, v55;
	v23 =	vmul.f32 v23, v46  }
0x32d: {  	v39 =	vadd.s32 v2, v39;
	v40 =	vld.idx.msk [tilespmem:v40+s2+$0x0], $0xffff;
	v33 =	vmul.f32 v33, v60;
	v36 =	vmul.f32 v36, v56  }
0x32e: {  	v58 =	vadd.s32 v2, v45;
	v37 =	vld.idx.msk [tilespmem:v37+s2+$0x0], $0xffff;
	v29 =	vmul.f32 v29, v60;
	v62 =	vmul.f32 v32, v56  }
0x32f: {  	v43 =	vadd.s32 v2, v43;
	v59 =	vld.idx.msk [tilespmem:v59+s2+$0x0], $0xffff;
	v51 =	vperm.xlane v27, v13;
	v18 =	vmul.f32 v18, v54  }
0x330: {  	v45 =	vadd.s32 v0, v45;
	v61 =	vld.idx.msk [tilespmem:v63+s2+$0x0], $0xffff;
	v26 =	vmul.f32 v26, v41;
	v30 =	vmul.f32 v30, v41  }
0x331: {  	v63 =	vld.idx.msk [tilespmem:v57+s2+$0x0], $0xffff;
	v35 =	vmul.f32 v35, v47;
	v41 =	vadd.s32 v2, v44;
	v44 =	vmul.f32 v48, v50  }
0x332: {  	v39 =	vld.idx.msk [tilespmem:v39+s2+$0x0], $0xffff;
	v40 =	vmul.f32 v40, v47;
	v19 =	vadd.f32 v23, v19;
	v22 =	vadd.f32 v22, v33  }
0x333: {  	v21 =	vadd.f32 v25, v21;
	v47 =	vmul.f32 v37, v50;
	v50 =	vld.idx.msk [tilespmem:v52+s2+$0x0], $0xffff;
	v20 =	vadd.f32 v20, v29  }
0x334: {  	v55 =	vld.idx.msk [tilespmem:v43+s2+$0x0], $0xffff;
	v52 =	vperm.xlane v27, v15;
	v19 =	vadd.f32 v44, v19;
	v22 =	vadd.f32 v24, v22  }
0x335: {  	v48 =	vld.idx.msk [tilespmem:v58+s2+$0x0], $0xffff;
	v25 =	vmul.f32 v59, v54;
	v21 =	vadd.f32 v47, v21;
	v20 =	vadd.f32 v28, v20  }
0x336: {  	v59 =	vmul.f32 v63, v53;
	v19 =	vadd.f32 v42, v19;
	v22 =	vadd.f32 v26, v22;
	v56 =	vld.idx.msk [tilespmem:v41+s2+$0x0], $0xffff  }
0x337: {  	v58 =	vld.idx.msk [tilespmem:v45+s2+$0x0], $0xffff;
	v29 =	vmul.f32 v39, v51;
	v21 =	vadd.f32 v38, v21;
	v20 =	vadd.f32 v30, v20  }
0x338: {  	v60 =	vmul.f32 v50, v51;
	v19 =	vadd.f32 v31, v19;
	v22 =	vadd.f32 v62, v22  }
0x339: {  	v57 =	vmul.f32 v61, v52;
	v21 =	vadd.f32 v34, v21;
	v20 =	vadd.f32 v36, v20  }
0x33a: {  	v61 =	vmul.f32 v55, v53;
	v19 =	vadd.f32 v40, v19;
	v22 =	vadd.f32 v60, v22  }
0x33b: {  	v21 =	vadd.f32 v35, v21;
	v20 =	vadd.f32 v29, v20;
	v24 =	vmul.f32 v56, v52  }
0x33c: {  	v62 =	vmul.f32 v58, v49;
	v19 =	vadd.f32 v59, v19;
	v22 =	vadd.f32 v57, v22  }
0x33d: {  	v63 =	vmul.f32 v48, v49;
	v21 =	vadd.f32 v61, v21;
	v20 =	vadd.f32 v24, v20  }
0x33e: {  	v19 =	vadd.f32 v62, v19;
	v22 =	vadd.f32 v25, v22  }
0x33f: {  	v21 =	vadd.f32 v63, v21;
	v18 =	vadd.f32 v18, v20  }
0x340: {  	v19 =	vadd.f32 v22, v19  }
0x341: {  	v18 =	vadd.f32 v18, v21  }
0x342: {  	v19 =	vadd.f32 v19, v19  }
0x343: {  	v18 =	vadd.f32 v18, v18  }
0x344: {  	v19 =	vmul.f32 $1.442695020e+00, v19  }
0x345: {  	v18 =	vmul.f32 $1.442695020e+00, v18  }
0x346: {  	(erf) = vpow2.f32 v19  }
0x347: {  	s5 =	simm.s32 $0x9010;
	s6 =	simm.s32 $0x20;
	s4 =	simm.s32 $0x9010;
	(erf) = vpow2.f32 v18  }
.LBB2_12:
0x348: {  	_ =	sdelay $0x5  }
0x349: {  	s5 =	sadd.s32 $0x20, s5;
	s23 =	sadd.s32 $0x10, s23;
	s3 =	sadd.s32 $0x10, s3  }
0x34a: {  	p0 =	sne.s32 s6, $0xFE0;
	s7 =	smov.u32 s6;
	s6 =	sadd.s32 $0x20, s6;
	v18 =	vpop (erf)  }
0x34b: {  	v18 =	vadd.f32 $1.000000000e+00, v18;
	v19 =	vpop (erf)  }
0x34c: {  	v19 =	vadd.f32 $1.000000000e+00, v19  }
0x34d: {  	(erf) = vrcp.f32 v18  }
0x34e: {  	(erf) = vrcp.f32 v19;
	_ =	sdelay $0x7  }
0x34f: {  	v18 =	vpop (erf)  }
0x350: {  	v18 =	vadd.f32 v18, v18;
	v19 =	vpop (erf)  }
0x351: {  	v19 =	vadd.f32 v19, v19  }
0x352: {  	v18 =	vsub.f32 $1.000000000e+00, v18  }
0x353: {  	s8 =	sand.u32 $0xFE0, s22;
	s22 =	smov.u32 s7;
	v19 =	vsub.f32 $1.000000000e+00, v19  }
0x354: {  	[tilespmem:s8+$0x9000] =	vst v18  }
0x355: {  	[tilespmem:s4+$0x0] =	vst v19;
	s4 =	smov.u32 s5  }
0x356: {  	v19 =	vld [tilespmem:s23+$0x0];
	_ =	sdelay $0x4  }
0x357: {  	v18 =	vperm.xlane v19, v1;
	v20 =	vperm.xlane v19, v5  }
0x358: {  	v21 =	vperm.xlane v19, v3;
	v22 =	vperm.xlane v19, v4  }
0x359: {  	v23 =	vadd.s32 v0, v18;
	v24 =	vadd.s32 v2, v18;
	v25 =	vadd.s32 v0, v20  }
0x35a: {  	v26 =	vadd.s32 v0, v21;
	v27 =	vadd.s32 v0, v22;
	v22 =	vadd.s32 v2, v22  }
0x35b: {  	v28 =	vperm.xlane v19, v6;
	v29 =	vperm.xlane v19, v8;
	v21 =	vadd.s32 v2, v21  }
0x35c: {  	v30 =	vperm.xlane v19, v7;
	v31 =	vperm.xlane v19, v9;
	v20 =	vadd.s32 v2, v20  }
0x35d: {  	v32 =	vadd.s32 v0, v28;
	v28 =	vadd.s32 v2, v28;
	v33 =	vadd.s32 v2, v29;
	v18 =	vld [tilespmem:s3+$0x0]  }
0x35e: {  	v34 =	vadd.s32 v0, v30;
	v30 =	vadd.s32 v2, v30;
	v29 =	vadd.s32 v0, v29;
	v24 =	vld.idx.msk [tilespmem:v24+s2+$0x0], $0xffff  }
0x35f: {  	v36 =	vperm.xlane v19, v10;
	v35 =	vadd.s32 v0, v31;
	v31 =	vadd.s32 v2, v31;
	v25 =	vld.idx.msk [tilespmem:v25+s2+$0x0], $0xffff  }
0x360: {  	v37 =	vperm.xlane v19, v11;
	v38 =	vperm.xlane v19, v12;
	v23 =	vld.idx.msk [tilespmem:v23+s2+$0x0], $0xffff  }
0x361: {  	v40 =	vperm.xlane v19, v13;
	v39 =	vadd.s32 v0, v36;
	v36 =	vadd.s32 v2, v36;
	v20 =	vld.idx.msk [tilespmem:v20+s2+$0x0], $0xffff  }
0x362: {  	v41 =	vadd.s32 v0, v37;
	v37 =	vadd.s32 v2, v37;
	v42 =	vadd.s32 v0, v38;
	v22 =	vld.idx.msk [tilespmem:v22+s2+$0x0], $0xffff  }
0x363: {  	v38 =	vadd.s32 v2, v38;
	v43 =	vadd.s32 v0, v40;
	v40 =	vadd.s32 v2, v40;
	v30 =	vld.idx.msk [tilespmem:v30+s2+$0x0], $0xffff  }
0x364: {  	v45 =	vperm.xlane v19, v14;
	v44 =	vperm.xlane v18, v1;
	v31 =	vld.idx.msk [tilespmem:v31+s2+$0x0], $0xffff  }
0x365: {  	v46 =	vperm.xlane v19, v15;
	v47 =	vperm.xlane v19, v16;
	v35 =	vld.idx.msk [tilespmem:v35+s2+$0x0], $0xffff  }
0x366: {  	v49 =	vadd.s32 v0, v45;
	v48 =	vperm.xlane v18, v4;
	v24 =	vmul.f32 v24, v44;
	v36 =	vld.idx.msk [tilespmem:v36+s2+$0x0], $0xffff  }
0x367: {  	v23 =	vmul.f32 v23, v44;
	v44 =	vadd.s32 v2, v45;
	v45 =	vadd.s32 v0, v46;
	v37 =	vld.idx.msk [tilespmem:v37+s2+$0x0], $0xffff  }
0x368: {  	v50 =	vperm.xlane v18, v5;
	v46 =	vadd.s32 v2, v46;
	v22 =	vmul.f32 v22, v48;
	v41 =	vld.idx.msk [tilespmem:v41+s2+$0x0], $0xffff  }
0x369: {  	v52 =	vadd.s32 v0, v47;
	v47 =	vadd.s32 v2, v47;
	v51 =	vperm.xlane v18, v7;
	v42 =	vld.idx.msk [tilespmem:v42+s2+$0x0], $0xffff  }
0x36a: {  	v20 =	vmul.f32 v20, v50;
	v22 =	vadd.f32 v22, v24;
	v24 =	vmul.f32 v25, v50;
	v25 =	vld.idx.msk [tilespmem:v29+s2+$0x0], $0xffff  }
0x36b: {  	v19 =	vperm.xlane v19, v17;
	v29 =	vld.idx.msk [tilespmem:v34+s2+$0x0], $0xffff  }
0x36c: {  	v50 =	vperm.xlane v18, v16;
	v34 =	vld.idx.msk [tilespmem:v39+s2+$0x0], $0xffff;
	v39 =	vperm.xlane v18, v12  }
0x36d: {  	v55 =	vadd.s32 v0, v19;
	v53 =	vperm.xlane v18, v6;
	v54 =	vperm.xlane v18, v8;
	v33 =	vld.idx.msk [tilespmem:v33+s2+$0x0], $0xffff  }
0x36e: {  	v56 =	vperm.xlane v18, v14;
	v57 =	vperm.xlane v18, v17;
	v38 =	vld.idx.msk [tilespmem:v38+s2+$0x0], $0xffff  }
0x36f: {  	v58 =	vperm.xlane v18, v10;
	v59 =	vperm.xlane v18, v11;
	v32 =	vld.idx.msk [tilespmem:v32+s2+$0x0], $0xffff  }
0x370: {  	v30 =	vmul.f32 v30, v51;
	v25 =	vmul.f32 v25, v54;
	v27 =	vld.idx.msk [tilespmem:v27+s2+$0x0], $0xffff  }
0x371: {  	v29 =	vmul.f32 v29, v51;
	v51 =	vperm.xlane v18, v9;
	v26 =	vld.idx.msk [tilespmem:v26+s2+$0x0], $0xffff  }
0x372: {  	v60 =	vperm.xlane v18, v3;
	v34 =	vmul.f32 v34, v58;
	v21 =	vld.idx.msk [tilespmem:v21+s2+$0x0], $0xffff  }
0x373: {  	v33 =	vmul.f32 v33, v54;
	v35 =	vmul.f32 v35, v51;
	v28 =	vld.idx.msk [tilespmem:v28+s2+$0x0], $0xffff  }
0x374: {  	v31 =	vmul.f32 v31, v51;
	v38 =	vmul.f32 v38, v39  }
0x375: {  	v36 =	vmul.f32 v36, v58;
	v32 =	vmul.f32 v32, v53;
	v47 =	vld.idx.msk [tilespmem:v47+s2+$0x0], $0xffff  }
0x376: {  	v39 =	vmul.f32 v42, v39;
	v27 =	vmul.f32 v27, v48;
	v42 =	vld.idx.msk [tilespmem:v55+s2+$0x0], $0xffff  }
0x377: {  	v37 =	vmul.f32 v37, v59;
	v26 =	vmul.f32 v26, v60;
	v45 =	vld.idx.msk [tilespmem:v45+s2+$0x0], $0xffff  }
0x378: {  	v21 =	vmul.f32 v21, v60;
	v23 =	vadd.f32 v27, v23;
	v27 =	vmul.f32 v41, v59;
	v41 =	vld.idx.msk [tilespmem:v49+s2+$0x0], $0xffff  }
0x379: {  	v19 =	vadd.s32 v2, v19;
	v24 =	vadd.f32 v24, v26;
	v26 =	vmul.f32 v28, v53;
	v28 =	vld.idx.msk [tilespmem:v43+s2+$0x0], $0xffff  }
0x37a: {  	v20 =	vadd.f32 v20, v21;
	v21 =	vadd.f32 v32, v23;
	v23 =	vperm.xlane v18, v13;
	v32 =	vld.idx.msk [tilespmem:v40+s2+$0x0], $0xffff  }
0x37b: {  	v18 =	vperm.xlane v18, v15;
	v22 =	vadd.f32 v26, v22;
	v24 =	vadd.f32 v29, v24;
	v26 =	vld.idx.msk [tilespmem:v44+s2+$0x0], $0xffff  }
0x37c: {  	v20 =	vadd.f32 v30, v20;
	v21 =	vadd.f32 v25, v21;
	v29 =	vmul.f32 v42, v57;
	v25 =	vld.idx.msk [tilespmem:v46+s2+$0x0], $0xffff  }
0x37d: {  	v22 =	vadd.f32 v33, v22;
	v24 =	vadd.f32 v35, v24;
	v30 =	vmul.f32 v45, v18;
	v33 =	vld.idx.msk [tilespmem:v52+s2+$0x0], $0xffff  }
0x37e: {  	v20 =	vadd.f32 v31, v20;
	v21 =	vadd.f32 v34, v21;
	v31 =	vmul.f32 v41, v56;
	v19 =	vld.idx.msk [tilespmem:v19+s2+$0x0], $0xffff  }
0x37f: {  	v22 =	vadd.f32 v36, v22;
	v24 =	vadd.f32 v27, v24;
	v27 =	vmul.f32 v28, v23  }
0x380: {  	v20 =	vadd.f32 v37, v20;
	v21 =	vadd.f32 v39, v21;
	v23 =	vmul.f32 v32, v23  }
0x381: {  	v22 =	vadd.f32 v38, v22;
	v24 =	vadd.f32 v27, v24;
	v26 =	vmul.f32 v26, v56  }
0x382: {  	v20 =	vadd.f32 v23, v20;
	v21 =	vadd.f32 v31, v21;
	v18 =	vmul.f32 v25, v18  }
0x383: {  	v22 =	vadd.f32 v26, v22;
	v23 =	vadd.f32 v30, v24;
	v24 =	vmul.f32 v33, v50  }
0x384: {  	v18 =	vadd.f32 v18, v20;
	v20 =	vmul.f32 v47, v50;
	v19 =	vmul.f32 v19, v57  }
0x385: {  	v21 =	vadd.f32 v24, v21;
	v23 =	vadd.f32 v29, v23  }
0x386: {  	v20 =	vadd.f32 v20, v22;
	v18 =	vadd.f32 v19, v18  }
0x387: {  	v19 =	vadd.f32 v23, v21  }
0x388: {  	v18 =	vadd.f32 v18, v20  }
0x389: {  	v19 =	vadd.f32 v19, v19  }
.Ltmp5:
0x38a: {  	v18 =	vadd.f32 v18, v18;
	(pc) =	sbr.rel @p0 .LBB2_12-.Ltmp5, $4  }
0x38b: {  	v19 =	vmul.f32 $1.442695020e+00, v19  }
0x38c: {  	v18 =	vmul.f32 $1.442695020e+00, v18  }
0x38d: {  	(erf) = vpow2.f32 v19  }
0x38e: {  	(erf) = vpow2.f32 v18  }
0x38f: {  	_ =	sdelay $0x6  }
0x390: {  	v18 =	vpop (erf)  }
0x391: {  	v18 =	vadd.f32 $1.000000000e+00, v18;
	v19 =	vpop (erf)  }
0x392: {  	v19 =	vadd.f32 $1.000000000e+00, v19  }
0x393: {  	(erf) = vrcp.f32 v18  }
0x394: {  	(erf) = vrcp.f32 v19;
	_ =	sdelay $0x7  }
0x395: {  	v18 =	vpop (erf)  }
0x396: {  	v18 =	vadd.f32 v18, v18;
	v19 =	vpop (erf)  }
0x397: {  	v19 =	vadd.f32 v19, v19  }
0x398: {  	v18 =	vsub.f32 $1.000000000e+00, v18  }
0x399: {  	s3 =	sand.u32 $0xFE0, s22;
	v19 =	vsub.f32 $1.000000000e+00, v19  }
0x39a: {  	[tilespmem:s3+$0x9000] =	vst v18  }
0x39b: {  	[tilespmem:s4+$0x0] =	vst v19  }
0x39c: {  	_ =	swait.ge [sflag:s25], $0x800  }
0x39d: {  	[sflag:s25] =	ssyncset.done $0x0  }
0x39e: {  	[sflag:s25] =	ssyncadd.s32 $0xFFFFF800  }
0x39f: {  	_ =	swait.ge [sflag:s26], $0x800  }
0x3a0: {  	[sflag:s26] =	ssyncset.done $0x0  }
0x3a1: {  	s22 =	simm.s32 $0x0;
	[sflag:s26] =	ssyncadd.s32 $0xFFFFF800  }
0x3a2: {  	[tilespmem:s28], [sflag:$0x2] =	stream.linear.gather [hbm4b:s18+s22], $0x800, $0x38;
	[tilespmem:$0xE000] =	vst v63  }
0x3a3: {  	s23 =	simm.s32 $0xC000  }
0x3a4: {  	[tilespmem:s29], [sflag:$0x3] =	stream.linear.gather [hbm4b:s19+s22], $0x800, $0x38;
	[tilespmem:$0xE000] =	vst v63  }
0x3a5: {  	v18 =	vld [tilespmem:s23+$0x0];
	_ =	sdelay $0x4  }
0x3a6: {  	v19 =	vperm.xlane v18, v1  }
0x3a7: {  	v20 =	vperm.xlane v18, v5  }
0x3a8: {  	v21 =	vadd.s32 v2, v19  }
0x3a9: {  	v22 =	vadd.s32 v0, v20  }
0x3aa: {  	v23 =	vperm.xlane v18, v4;
	v19 =	vadd.s32 v0, v19  }
0x3ab: {  	s3 =	simm.s32 $0xD000;
	v24 =	vperm.xlane v18, v7;
	v20 =	vadd.s32 v2, v20  }
0x3ac: {  	v27 =	vld [tilespmem:s3+$0x0];
	v26 =	vperm.xlane v18, v9;
	v25 =	vadd.s32 v2, v23  }
0x3ad: {  	v28 =	vadd.s32 v2, v24;
	v21 =	vld.idx.msk [tilespmem:v21+s2+$0x0], $0xffff  }
0x3ae: {  	v31 =	vperm.xlane v18, v10;
	v30 =	vadd.s32 v2, v26;
	v22 =	vld.idx.msk [tilespmem:v22+s2+$0x0], $0xffff  }
0x3af: {  	v29 =	vperm.xlane v18, v3;
	v32 =	vperm.xlane v18, v11;
	v26 =	vadd.s32 v0, v26;
	v19 =	vld.idx.msk [tilespmem:v19+s2+$0x0], $0xffff  }
0x3b0: {  	v35 =	vperm.xlane v18, v12;
	v37 =	vperm.xlane v18, v6;
	v34 =	vadd.s32 v2, v31;
	v20 =	vld.idx.msk [tilespmem:v20+s2+$0x0], $0xffff  }
0x3b1: {  	v38 =	vperm.xlane v18, v8;
	v39 =	vperm.xlane v18, v13;
	v36 =	vadd.s32 v2, v32;
	v25 =	vld.idx.msk [tilespmem:v25+s2+$0x0], $0xffff  }
0x3b2: {  	v41 =	vperm.xlane v27, v1;
	v43 =	vperm.xlane v18, v14;
	v32 =	vadd.s32 v0, v32;
	v28 =	vld.idx.msk [tilespmem:v28+s2+$0x0], $0xffff  }
0x3b3: {  	v44 =	vperm.xlane v18, v15;
	v45 =	vperm.xlane v18, v16;
	v42 =	vadd.s32 v0, v38;
	v30 =	vld.idx.msk [tilespmem:v30+s2+$0x0], $0xffff  }
0x3b4: {  	v46 =	vperm.xlane v27, v4;
	v47 =	vperm.xlane v27, v5;
	v24 =	vadd.s32 v0, v24;
	v26 =	vld.idx.msk [tilespmem:v26+s2+$0x0], $0xffff  }
0x3b5: {  	v62 =	vperm.xlane v27, v7;
	v18 =	vperm.xlane v18, v17;
	v38 =	vadd.s32 v2, v38;
	v34 =	vld.idx.msk [tilespmem:v34+s2+$0x0], $0xffff  }
0x3b6: {  	v49 =	vperm.xlane v27, v16;
	v50 =	vperm.xlane v27, v6;
	v31 =	vadd.s32 v0, v31;
	v36 =	vld.idx.msk [tilespmem:v36+s2+$0x0], $0xffff  }
0x3b7: {  	v51 =	vperm.xlane v27, v8;
	v53 =	vperm.xlane v27, v14;
	v23 =	vadd.s32 v0, v23;
	v32 =	vld.idx.msk [tilespmem:v32+s2+$0x0], $0xffff  }
0x3b8: {  	v54 =	vperm.xlane v27, v17;
	v55 =	vperm.xlane v27, v10;
	v33 =	vadd.s32 v0, v29;
	v42 =	vld.idx.msk [tilespmem:v42+s2+$0x0], $0xffff  }
0x3b9: {  	v56 =	vperm.xlane v27, v11;
	v60 =	vperm.xlane v27, v3;
	v29 =	vadd.s32 v2, v29;
	v24 =	vld.idx.msk [tilespmem:v24+s2+$0x0], $0xffff  }
0x3ba: {  	v40 =	vadd.s32 v0, v35;
	v59 =	vadd.s32 v0, v18;
	v18 =	vadd.s32 v2, v18;
	v38 =	vld.idx.msk [tilespmem:v38+s2+$0x0], $0xffff  }
0x3bb: {  	v35 =	vadd.s32 v2, v35;
	v31 =	vld.idx.msk [tilespmem:v31+s2+$0x0], $0xffff;
	v21 =	vmul.f32 v21, v41;
	v19 =	vmul.f32 v19, v41  }
0x3bc: {  	v48 =	vadd.s32 v0, v37;
	v23 =	vld.idx.msk [tilespmem:v23+s2+$0x0], $0xffff;
	v25 =	vmul.f32 v25, v46;
	v22 =	vmul.f32 v22, v47  }
0x3bd: {  	v33 =	vld.idx.msk [tilespmem:v33+s2+$0x0], $0xffff;
	v20 =	vmul.f32 v20, v47;
	v47 =	vperm.xlane v27, v12  }
0x3be: {  	v37 =	vadd.s32 v2, v37;
	v29 =	vld.idx.msk [tilespmem:v29+s2+$0x0], $0xffff;
	v28 =	vmul.f32 v28, v62;
	v42 =	vmul.f32 v42, v51  }
0x3bf: {  	v52 =	vadd.s32 v0, v39;
	v18 =	vld.idx.msk [tilespmem:v18+s2+$0x0], $0xffff;
	v24 =	vmul.f32 v24, v62;
	v41 =	vperm.xlane v27, v9  }
0x3c0: {  	v63 =	vadd.s32 v0, v44;
	v35 =	vld.idx.msk [tilespmem:v35+s2+$0x0], $0xffff;
	v38 =	vmul.f32 v38, v51;
	v31 =	vmul.f32 v31, v55  }
0x3c1: {  	v57 =	vadd.s32 v0, v43;
	v48 =	vld.idx.msk [tilespmem:v48+s2+$0x0], $0xffff;
	v34 =	vmul.f32 v34, v55;
	v23 =	vmul.f32 v23, v46  }
0x3c2: {  	v39 =	vadd.s32 v2, v39;
	v40 =	vld.idx.msk [tilespmem:v40+s2+$0x0], $0xffff;
	v33 =	vmul.f32 v33, v60;
	v36 =	vmul.f32 v36, v56  }
0x3c3: {  	v58 =	vadd.s32 v2, v45;
	v37 =	vld.idx.msk [tilespmem:v37+s2+$0x0], $0xffff;
	v29 =	vmul.f32 v29, v60;
	v62 =	vmul.f32 v32, v56  }
0x3c4: {  	v43 =	vadd.s32 v2, v43;
	v59 =	vld.idx.msk [tilespmem:v59+s2+$0x0], $0xffff;
	v51 =	vperm.xlane v27, v13;
	v18 =	vmul.f32 v18, v54  }
0x3c5: {  	v45 =	vadd.s32 v0, v45;
	v61 =	vld.idx.msk [tilespmem:v63+s2+$0x0], $0xffff;
	v26 =	vmul.f32 v26, v41;
	v30 =	vmul.f32 v30, v41  }
0x3c6: {  	v63 =	vld.idx.msk [tilespmem:v57+s2+$0x0], $0xffff;
	v35 =	vmul.f32 v35, v47;
	v41 =	vadd.s32 v2, v44;
	v44 =	vmul.f32 v48, v50  }
0x3c7: {  	v39 =	vld.idx.msk [tilespmem:v39+s2+$0x0], $0xffff;
	v40 =	vmul.f32 v40, v47;
	v19 =	vadd.f32 v23, v19;
	v22 =	vadd.f32 v22, v33  }
0x3c8: {  	v21 =	vadd.f32 v25, v21;
	v47 =	vmul.f32 v37, v50;
	v50 =	vld.idx.msk [tilespmem:v52+s2+$0x0], $0xffff;
	v20 =	vadd.f32 v20, v29  }
0x3c9: {  	v55 =	vld.idx.msk [tilespmem:v43+s2+$0x0], $0xffff;
	v52 =	vperm.xlane v27, v15;
	v19 =	vadd.f32 v44, v19;
	v22 =	vadd.f32 v24, v22  }
0x3ca: {  	v48 =	vld.idx.msk [tilespmem:v58+s2+$0x0], $0xffff;
	v25 =	vmul.f32 v59, v54;
	v21 =	vadd.f32 v47, v21;
	v20 =	vadd.f32 v28, v20  }
0x3cb: {  	v59 =	vmul.f32 v63, v53;
	v19 =	vadd.f32 v42, v19;
	v22 =	vadd.f32 v26, v22;
	v56 =	vld.idx.msk [tilespmem:v41+s2+$0x0], $0xffff  }
0x3cc: {  	v58 =	vld.idx.msk [tilespmem:v45+s2+$0x0], $0xffff;
	v29 =	vmul.f32 v39, v51;
	v21 =	vadd.f32 v38, v21;
	v20 =	vadd.f32 v30, v20  }
0x3cd: {  	v60 =	vmul.f32 v50, v51;
	v19 =	vadd.f32 v31, v19;
	v22 =	vadd.f32 v62, v22  }
0x3ce: {  	v57 =	vmul.f32 v61, v52;
	v21 =	vadd.f32 v34, v21;
	v20 =	vadd.f32 v36, v20  }
0x3cf: {  	v61 =	vmul.f32 v55, v53;
	v19 =	vadd.f32 v40, v19;
	v22 =	vadd.f32 v60, v22  }
0x3d0: {  	v21 =	vadd.f32 v35, v21;
	v20 =	vadd.f32 v29, v20;
	v24 =	vmul.f32 v56, v52  }
0x3d1: {  	v62 =	vmul.f32 v58, v49;
	v19 =	vadd.f32 v59, v19;
	v22 =	vadd.f32 v57, v22  }
0x3d2: {  	v63 =	vmul.f32 v48, v49;
	v21 =	vadd.f32 v61, v21;
	v20 =	vadd.f32 v24, v20  }
0x3d3: {  	v19 =	vadd.f32 v62, v19;
	v22 =	vadd.f32 v25, v22  }
0x3d4: {  	v21 =	vadd.f32 v63, v21;
	v18 =	vadd.f32 v18, v20  }
0x3d5: {  	v19 =	vadd.f32 v22, v19  }
0x3d6: {  	v18 =	vadd.f32 v18, v21  }
0x3d7: {  	v19 =	vadd.f32 v19, v19  }
0x3d8: {  	v18 =	vadd.f32 v18, v18  }
0x3d9: {  	v19 =	vmul.f32 $1.442695020e+00, v19  }
0x3da: {  	v18 =	vmul.f32 $1.442695020e+00, v18  }
0x3db: {  	(erf) = vpow2.f32 v19  }
0x3dc: {  	s5 =	simm.s32 $0xA010;
	s6 =	simm.s32 $0x20;
	s4 =	simm.s32 $0xA010;
	(erf) = vpow2.f32 v18  }
.LBB2_14:
0x3dd: {  	_ =	sdelay $0x5  }
0x3de: {  	s5 =	sadd.s32 $0x20, s5;
	s23 =	sadd.s32 $0x10, s23;
	s3 =	sadd.s32 $0x10, s3  }
0x3df: {  	p0 =	sne.s32 s6, $0xFE0;
	s7 =	smov.u32 s6;
	s6 =	sadd.s32 $0x20, s6;
	v18 =	vpop (erf)  }
0x3e0: {  	v18 =	vadd.f32 $1.000000000e+00, v18;
	v19 =	vpop (erf)  }
0x3e1: {  	v19 =	vadd.f32 $1.000000000e+00, v19  }
0x3e2: {  	(erf) = vrcp.f32 v18  }
0x3e3: {  	(erf) = vrcp.f32 v19;
	_ =	sdelay $0x7  }
0x3e4: {  	v18 =	vpop (erf)  }
0x3e5: {  	v18 =	vadd.f32 v18, v18;
	v19 =	vpop (erf)  }
0x3e6: {  	v19 =	vadd.f32 v19, v19  }
0x3e7: {  	v18 =	vsub.f32 $1.000000000e+00, v18  }
0x3e8: {  	s8 =	sand.u32 $0xFE0, s22;
	s22 =	smov.u32 s7;
	v19 =	vsub.f32 $1.000000000e+00, v19  }
0x3e9: {  	[tilespmem:s8+$0xA000] =	vst v18  }
0x3ea: {  	[tilespmem:s4+$0x0] =	vst v19;
	s4 =	smov.u32 s5  }
0x3eb: {  	v19 =	vld [tilespmem:s23+$0x0];
	_ =	sdelay $0x4  }
0x3ec: {  	v18 =	vperm.xlane v19, v1;
	v20 =	vperm.xlane v19, v5  }
0x3ed: {  	v21 =	vperm.xlane v19, v3;
	v22 =	vperm.xlane v19, v4  }
0x3ee: {  	v23 =	vadd.s32 v0, v18;
	v24 =	vadd.s32 v2, v18;
	v25 =	vadd.s32 v0, v20  }
0x3ef: {  	v26 =	vadd.s32 v0, v21;
	v27 =	vadd.s32 v0, v22;
	v22 =	vadd.s32 v2, v22  }
0x3f0: {  	v28 =	vperm.xlane v19, v6;
	v29 =	vperm.xlane v19, v8;
	v21 =	vadd.s32 v2, v21  }
0x3f1: {  	v30 =	vperm.xlane v19, v7;
	v31 =	vperm.xlane v19, v9;
	v20 =	vadd.s32 v2, v20  }
0x3f2: {  	v32 =	vadd.s32 v0, v28;
	v28 =	vadd.s32 v2, v28;
	v33 =	vadd.s32 v2, v29;
	v18 =	vld [tilespmem:s3+$0x0]  }
0x3f3: {  	v34 =	vadd.s32 v0, v30;
	v30 =	vadd.s32 v2, v30;
	v29 =	vadd.s32 v0, v29;
	v24 =	vld.idx.msk [tilespmem:v24+s2+$0x0], $0xffff  }
0x3f4: {  	v36 =	vperm.xlane v19, v10;
	v35 =	vadd.s32 v0, v31;
	v31 =	vadd.s32 v2, v31;
	v25 =	vld.idx.msk [tilespmem:v25+s2+$0x0], $0xffff  }
0x3f5: {  	v37 =	vperm.xlane v19, v11;
	v38 =	vperm.xlane v19, v12;
	v23 =	vld.idx.msk [tilespmem:v23+s2+$0x0], $0xffff  }
0x3f6: {  	v40 =	vperm.xlane v19, v13;
	v39 =	vadd.s32 v0, v36;
	v36 =	vadd.s32 v2, v36;
	v20 =	vld.idx.msk [tilespmem:v20+s2+$0x0], $0xffff  }
0x3f7: {  	v41 =	vadd.s32 v0, v37;
	v37 =	vadd.s32 v2, v37;
	v42 =	vadd.s32 v0, v38;
	v22 =	vld.idx.msk [tilespmem:v22+s2+$0x0], $0xffff  }
0x3f8: {  	v38 =	vadd.s32 v2, v38;
	v43 =	vadd.s32 v0, v40;
	v40 =	vadd.s32 v2, v40;
	v30 =	vld.idx.msk [tilespmem:v30+s2+$0x0], $0xffff  }
0x3f9: {  	v45 =	vperm.xlane v19, v14;
	v44 =	vperm.xlane v18, v1;
	v31 =	vld.idx.msk [tilespmem:v31+s2+$0x0], $0xffff  }
0x3fa: {  	v46 =	vperm.xlane v19, v15;
	v47 =	vperm.xlane v19, v16;
	v35 =	vld.idx.msk [tilespmem:v35+s2+$0x0], $0xffff  }
0x3fb: {  	v49 =	vadd.s32 v0, v45;
	v48 =	vperm.xlane v18, v4;
	v24 =	vmul.f32 v24, v44;
	v36 =	vld.idx.msk [tilespmem:v36+s2+$0x0], $0xffff  }
0x3fc: {  	v23 =	vmul.f32 v23, v44;
	v44 =	vadd.s32 v2, v45;
	v45 =	vadd.s32 v0, v46;
	v37 =	vld.idx.msk [tilespmem:v37+s2+$0x0], $0xffff  }
0x3fd: {  	v50 =	vperm.xlane v18, v5;
	v46 =	vadd.s32 v2, v46;
	v22 =	vmul.f32 v22, v48;
	v41 =	vld.idx.msk [tilespmem:v41+s2+$0x0], $0xffff  }
0x3fe: {  	v52 =	vadd.s32 v0, v47;
	v47 =	vadd.s32 v2, v47;
	v51 =	vperm.xlane v18, v7;
	v42 =	vld.idx.msk [tilespmem:v42+s2+$0x0], $0xffff  }
0x3ff: {  	v20 =	vmul.f32 v20, v50;
	v22 =	vadd.f32 v22, v24;
	v24 =	vmul.f32 v25, v50;
	v25 =	vld.idx.msk [tilespmem:v29+s2+$0x0], $0xffff  }
0x400: {  	v19 =	vperm.xlane v19, v17;
	v29 =	vld.idx.msk [tilespmem:v34+s2+$0x0], $0xffff  }
0x401: {  	v50 =	vperm.xlane v18, v16;
	v34 =	vld.idx.msk [tilespmem:v39+s2+$0x0], $0xffff;
	v39 =	vperm.xlane v18, v12  }
0x402: {  	v55 =	vadd.s32 v0, v19;
	v53 =	vperm.xlane v18, v6;
	v54 =	vperm.xlane v18, v8;
	v33 =	vld.idx.msk [tilespmem:v33+s2+$0x0], $0xffff  }
0x403: {  	v56 =	vperm.xlane v18, v14;
	v57 =	vperm.xlane v18, v17;
	v38 =	vld.idx.msk [tilespmem:v38+s2+$0x0], $0xffff  }
0x404: {  	v58 =	vperm.xlane v18, v10;
	v59 =	vperm.xlane v18, v11;
	v32 =	vld.idx.msk [tilespmem:v32+s2+$0x0], $0xffff  }
0x405: {  	v30 =	vmul.f32 v30, v51;
	v25 =	vmul.f32 v25, v54;
	v27 =	vld.idx.msk [tilespmem:v27+s2+$0x0], $0xffff  }
0x406: {  	v29 =	vmul.f32 v29, v51;
	v51 =	vperm.xlane v18, v9;
	v26 =	vld.idx.msk [tilespmem:v26+s2+$0x0], $0xffff  }
0x407: {  	v60 =	vperm.xlane v18, v3;
	v34 =	vmul.f32 v34, v58;
	v21 =	vld.idx.msk [tilespmem:v21+s2+$0x0], $0xffff  }
0x408: {  	v33 =	vmul.f32 v33, v54;
	v35 =	vmul.f32 v35, v51;
	v28 =	vld.idx.msk [tilespmem:v28+s2+$0x0], $0xffff  }
0x409: {  	v31 =	vmul.f32 v31, v51;
	v38 =	vmul.f32 v38, v39  }
0x40a: {  	v36 =	vmul.f32 v36, v58;
	v32 =	vmul.f32 v32, v53;
	v47 =	vld.idx.msk [tilespmem:v47+s2+$0x0], $0xffff  }
0x40b: {  	v39 =	vmul.f32 v42, v39;
	v27 =	vmul.f32 v27, v48;
	v42 =	vld.idx.msk [tilespmem:v55+s2+$0x0], $0xffff  }
0x40c: {  	v37 =	vmul.f32 v37, v59;
	v26 =	vmul.f32 v26, v60;
	v45 =	vld.idx.msk [tilespmem:v45+s2+$0x0], $0xffff  }
0x40d: {  	v21 =	vmul.f32 v21, v60;
	v23 =	vadd.f32 v27, v23;
	v27 =	vmul.f32 v41, v59;
	v41 =	vld.idx.msk [tilespmem:v49+s2+$0x0], $0xffff  }
0x40e: {  	v19 =	vadd.s32 v2, v19;
	v24 =	vadd.f32 v24, v26;
	v26 =	vmul.f32 v28, v53;
	v28 =	vld.idx.msk [tilespmem:v43+s2+$0x0], $0xffff  }
0x40f: {  	v20 =	vadd.f32 v20, v21;
	v21 =	vadd.f32 v32, v23;
	v23 =	vperm.xlane v18, v13;
	v32 =	vld.idx.msk [tilespmem:v40+s2+$0x0], $0xffff  }
0x410: {  	v18 =	vperm.xlane v18, v15;
	v22 =	vadd.f32 v26, v22;
	v24 =	vadd.f32 v29, v24;
	v26 =	vld.idx.msk [tilespmem:v44+s2+$0x0], $0xffff  }
0x411: {  	v20 =	vadd.f32 v30, v20;
	v21 =	vadd.f32 v25, v21;
	v29 =	vmul.f32 v42, v57;
	v25 =	vld.idx.msk [tilespmem:v46+s2+$0x0], $0xffff  }
0x412: {  	v22 =	vadd.f32 v33, v22;
	v24 =	vadd.f32 v35, v24;
	v30 =	vmul.f32 v45, v18;
	v33 =	vld.idx.msk [tilespmem:v52+s2+$0x0], $0xffff  }
0x413: {  	v20 =	vadd.f32 v31, v20;
	v21 =	vadd.f32 v34, v21;
	v31 =	vmul.f32 v41, v56;
	v19 =	vld.idx.msk [tilespmem:v19+s2+$0x0], $0xffff  }
0x414: {  	v22 =	vadd.f32 v36, v22;
	v24 =	vadd.f32 v27, v24;
	v27 =	vmul.f32 v28, v23  }
0x415: {  	v20 =	vadd.f32 v37, v20;
	v21 =	vadd.f32 v39, v21;
	v23 =	vmul.f32 v32, v23  }
0x416: {  	v22 =	vadd.f32 v38, v22;
	v24 =	vadd.f32 v27, v24;
	v26 =	vmul.f32 v26, v56  }
0x417: {  	v20 =	vadd.f32 v23, v20;
	v21 =	vadd.f32 v31, v21;
	v18 =	vmul.f32 v25, v18  }
0x418: {  	v22 =	vadd.f32 v26, v22;
	v23 =	vadd.f32 v30, v24;
	v24 =	vmul.f32 v33, v50  }
0x419: {  	v18 =	vadd.f32 v18, v20;
	v20 =	vmul.f32 v47, v50;
	v19 =	vmul.f32 v19, v57  }
0x41a: {  	v21 =	vadd.f32 v24, v21;
	v23 =	vadd.f32 v29, v23  }
0x41b: {  	v20 =	vadd.f32 v20, v22;
	v18 =	vadd.f32 v19, v18  }
0x41c: {  	v19 =	vadd.f32 v23, v21  }
0x41d: {  	v18 =	vadd.f32 v18, v20  }
0x41e: {  	v19 =	vadd.f32 v19, v19  }
.Ltmp6:
0x41f: {  	v18 =	vadd.f32 v18, v18;
	(pc) =	sbr.rel @p0 .LBB2_14-.Ltmp6, $4  }
0x420: {  	v19 =	vmul.f32 $1.442695020e+00, v19  }
0x421: {  	v18 =	vmul.f32 $1.442695020e+00, v18  }
0x422: {  	(erf) = vpow2.f32 v19  }
0x423: {  	(erf) = vpow2.f32 v18  }
0x424: {  	_ =	sdelay $0x6  }
0x425: {  	v18 =	vpop (erf)  }
0x426: {  	v18 =	vadd.f32 $1.000000000e+00, v18;
	v19 =	vpop (erf)  }
0x427: {  	v19 =	vadd.f32 $1.000000000e+00, v19  }
0x428: {  	(erf) = vrcp.f32 v18  }
0x429: {  	(erf) = vrcp.f32 v19;
	_ =	sdelay $0x7  }
0x42a: {  	v18 =	vpop (erf)  }
0x42b: {  	v18 =	vadd.f32 v18, v18;
	v19 =	vpop (erf)  }
0x42c: {  	v19 =	vadd.f32 v19, v19  }
0x42d: {  	v18 =	vsub.f32 $1.000000000e+00, v18  }
0x42e: {  	s3 =	sand.u32 $0xFE0, s22;
	v19 =	vsub.f32 $1.000000000e+00, v19  }
0x42f: {  	[tilespmem:s3+$0xA000] =	vst v18  }
0x430: {  	[tilespmem:s4+$0x0] =	vst v19  }
0x431: {  	_ =	swait.ge [sflag:s25], $0x800  }
0x432: {  	[sflag:s25] =	ssyncset.done $0x0  }
0x433: {  	[sflag:s25] =	ssyncadd.s32 $0xFFFFF800  }
0x434: {  	_ =	swait.ge [sflag:s26], $0x800  }
0x435: {  	[sflag:s26] =	ssyncset.done $0x0  }
0x436: {  	s22 =	simm.s32 $0xC800;
	[sflag:s26] =	ssyncadd.s32 $0xFFFFF800  }
0x437: {  	v18 =	vld [tilespmem:s22+$0x0];
	_ =	sdelay $0x4  }
0x438: {  	v19 =	vperm.xlane v18, v1  }
0x439: {  	v20 =	vperm.xlane v18, v5  }
0x43a: {  	v21 =	vadd.s32 v2, v19  }
0x43b: {  	v22 =	vadd.s32 v0, v20  }
0x43c: {  	v23 =	vperm.xlane v18, v4;
	v19 =	vadd.s32 v0, v19  }
0x43d: {  	s23 =	simm.s32 $0xD800;
	v24 =	vperm.xlane v18, v7;
	v20 =	vadd.s32 v2, v20  }
0x43e: {  	v27 =	vld [tilespmem:s23+$0x0];
	v26 =	vperm.xlane v18, v9;
	v25 =	vadd.s32 v2, v23  }
0x43f: {  	v28 =	vadd.s32 v2, v24;
	v21 =	vld.idx.msk [tilespmem:v21+s2+$0x0], $0xffff  }
0x440: {  	v31 =	vperm.xlane v18, v10;
	v30 =	vadd.s32 v2, v26;
	v22 =	vld.idx.msk [tilespmem:v22+s2+$0x0], $0xffff  }
0x441: {  	v29 =	vperm.xlane v18, v3;
	v32 =	vperm.xlane v18, v11;
	v26 =	vadd.s32 v0, v26;
	v19 =	vld.idx.msk [tilespmem:v19+s2+$0x0], $0xffff  }
0x442: {  	v35 =	vperm.xlane v18, v12;
	v37 =	vperm.xlane v18, v6;
	v34 =	vadd.s32 v2, v31;
	v20 =	vld.idx.msk [tilespmem:v20+s2+$0x0], $0xffff  }
0x443: {  	v38 =	vperm.xlane v18, v8;
	v39 =	vperm.xlane v18, v13;
	v36 =	vadd.s32 v2, v32;
	v25 =	vld.idx.msk [tilespmem:v25+s2+$0x0], $0xffff  }
0x444: {  	v41 =	vperm.xlane v27, v1;
	v43 =	vperm.xlane v18, v14;
	v32 =	vadd.s32 v0, v32;
	v28 =	vld.idx.msk [tilespmem:v28+s2+$0x0], $0xffff  }
0x445: {  	v44 =	vperm.xlane v18, v15;
	v45 =	vperm.xlane v18, v16;
	v42 =	vadd.s32 v0, v38;
	v30 =	vld.idx.msk [tilespmem:v30+s2+$0x0], $0xffff  }
0x446: {  	v46 =	vperm.xlane v27, v4;
	v47 =	vperm.xlane v27, v5;
	v24 =	vadd.s32 v0, v24;
	v26 =	vld.idx.msk [tilespmem:v26+s2+$0x0], $0xffff  }
0x447: {  	v62 =	vperm.xlane v27, v7;
	v18 =	vperm.xlane v18, v17;
	v38 =	vadd.s32 v2, v38;
	v34 =	vld.idx.msk [tilespmem:v34+s2+$0x0], $0xffff  }
0x448: {  	v49 =	vperm.xlane v27, v16;
	v50 =	vperm.xlane v27, v6;
	v31 =	vadd.s32 v0, v31;
	v36 =	vld.idx.msk [tilespmem:v36+s2+$0x0], $0xffff  }
0x449: {  	v51 =	vperm.xlane v27, v8;
	v53 =	vperm.xlane v27, v14;
	v23 =	vadd.s32 v0, v23;
	v32 =	vld.idx.msk [tilespmem:v32+s2+$0x0], $0xffff  }
0x44a: {  	v54 =	vperm.xlane v27, v17;
	v55 =	vperm.xlane v27, v10;
	v33 =	vadd.s32 v0, v29;
	v42 =	vld.idx.msk [tilespmem:v42+s2+$0x0], $0xffff  }
0x44b: {  	v56 =	vperm.xlane v27, v11;
	v60 =	vperm.xlane v27, v3;
	v29 =	vadd.s32 v2, v29;
	v24 =	vld.idx.msk [tilespmem:v24+s2+$0x0], $0xffff  }
0x44c: {  	v40 =	vadd.s32 v0, v35;
	v59 =	vadd.s32 v0, v18;
	v18 =	vadd.s32 v2, v18;
	v38 =	vld.idx.msk [tilespmem:v38+s2+$0x0], $0xffff  }
0x44d: {  	v35 =	vadd.s32 v2, v35;
	v31 =	vld.idx.msk [tilespmem:v31+s2+$0x0], $0xffff;
	v21 =	vmul.f32 v21, v41;
	v19 =	vmul.f32 v19, v41  }
0x44e: {  	v48 =	vadd.s32 v0, v37;
	v23 =	vld.idx.msk [tilespmem:v23+s2+$0x0], $0xffff;
	v25 =	vmul.f32 v25, v46;
	v22 =	vmul.f32 v22, v47  }
0x44f: {  	v33 =	vld.idx.msk [tilespmem:v33+s2+$0x0], $0xffff;
	v20 =	vmul.f32 v20, v47;
	v47 =	vperm.xlane v27, v12  }
0x450: {  	v37 =	vadd.s32 v2, v37;
	v29 =	vld.idx.msk [tilespmem:v29+s2+$0x0], $0xffff;
	v28 =	vmul.f32 v28, v62;
	v42 =	vmul.f32 v42, v51  }
0x451: {  	v52 =	vadd.s32 v0, v39;
	v18 =	vld.idx.msk [tilespmem:v18+s2+$0x0], $0xffff;
	v24 =	vmul.f32 v24, v62;
	v41 =	vperm.xlane v27, v9  }
0x452: {  	v63 =	vadd.s32 v0, v44;
	v35 =	vld.idx.msk [tilespmem:v35+s2+$0x0], $0xffff;
	v38 =	vmul.f32 v38, v51;
	v31 =	vmul.f32 v31, v55  }
0x453: {  	v57 =	vadd.s32 v0, v43;
	v48 =	vld.idx.msk [tilespmem:v48+s2+$0x0], $0xffff;
	v34 =	vmul.f32 v34, v55;
	v23 =	vmul.f32 v23, v46  }
0x454: {  	v39 =	vadd.s32 v2, v39;
	v40 =	vld.idx.msk [tilespmem:v40+s2+$0x0], $0xffff;
	v33 =	vmul.f32 v33, v60;
	v36 =	vmul.f32 v36, v56  }
0x455: {  	v58 =	vadd.s32 v2, v45;
	v37 =	vld.idx.msk [tilespmem:v37+s2+$0x0], $0xffff;
	v29 =	vmul.f32 v29, v60;
	v62 =	vmul.f32 v32, v56  }
0x456: {  	v43 =	vadd.s32 v2, v43;
	v59 =	vld.idx.msk [tilespmem:v59+s2+$0x0], $0xffff;
	v51 =	vperm.xlane v27, v13;
	v18 =	vmul.f32 v18, v54  }
0x457: {  	v45 =	vadd.s32 v0, v45;
	v61 =	vld.idx.msk [tilespmem:v63+s2+$0x0], $0xffff;
	v26 =	vmul.f32 v26, v41;
	v30 =	vmul.f32 v30, v41  }
0x458: {  	v63 =	vld.idx.msk [tilespmem:v57+s2+$0x0], $0xffff;
	v35 =	vmul.f32 v35, v47;
	v41 =	vadd.s32 v2, v44;
	v44 =	vmul.f32 v48, v50  }
0x459: {  	v39 =	vld.idx.msk [tilespmem:v39+s2+$0x0], $0xffff;
	v40 =	vmul.f32 v40, v47;
	v19 =	vadd.f32 v23, v19;
	v22 =	vadd.f32 v22, v33  }
0x45a: {  	v21 =	vadd.f32 v25, v21;
	v47 =	vmul.f32 v37, v50;
	v50 =	vld.idx.msk [tilespmem:v52+s2+$0x0], $0xffff;
	v20 =	vadd.f32 v20, v29  }
0x45b: {  	v55 =	vld.idx.msk [tilespmem:v43+s2+$0x0], $0xffff;
	v52 =	vperm.xlane v27, v15;
	v19 =	vadd.f32 v44, v19;
	v22 =	vadd.f32 v24, v22  }
0x45c: {  	v48 =	vld.idx.msk [tilespmem:v58+s2+$0x0], $0xffff;
	v25 =	vmul.f32 v59, v54;
	v21 =	vadd.f32 v47, v21;
	v20 =	vadd.f32 v28, v20  }
0x45d: {  	v59 =	vmul.f32 v63, v53;
	v19 =	vadd.f32 v42, v19;
	v22 =	vadd.f32 v26, v22;
	v56 =	vld.idx.msk [tilespmem:v41+s2+$0x0], $0xffff  }
0x45e: {  	v58 =	vld.idx.msk [tilespmem:v45+s2+$0x0], $0xffff;
	v29 =	vmul.f32 v39, v51;
	v21 =	vadd.f32 v38, v21;
	v20 =	vadd.f32 v30, v20  }
0x45f: {  	v60 =	vmul.f32 v50, v51;
	v19 =	vadd.f32 v31, v19;
	v22 =	vadd.f32 v62, v22  }
0x460: {  	v57 =	vmul.f32 v61, v52;
	v21 =	vadd.f32 v34, v21;
	v20 =	vadd.f32 v36, v20  }
0x461: {  	v61 =	vmul.f32 v55, v53;
	v19 =	vadd.f32 v40, v19;
	v22 =	vadd.f32 v60, v22  }
0x462: {  	v21 =	vadd.f32 v35, v21;
	v20 =	vadd.f32 v29, v20;
	v24 =	vmul.f32 v56, v52  }
0x463: {  	v62 =	vmul.f32 v58, v49;
	v19 =	vadd.f32 v59, v19;
	v22 =	vadd.f32 v57, v22  }
0x464: {  	v63 =	vmul.f32 v48, v49;
	v21 =	vadd.f32 v61, v21;
	v20 =	vadd.f32 v24, v20  }
0x465: {  	v19 =	vadd.f32 v62, v19;
	v22 =	vadd.f32 v25, v22  }
0x466: {  	v21 =	vadd.f32 v63, v21;
	v18 =	vadd.f32 v18, v20  }
0x467: {  	v19 =	vadd.f32 v22, v19  }
0x468: {  	v18 =	vadd.f32 v18, v21  }
0x469: {  	v19 =	vadd.f32 v19, v19  }
0x46a: {  	v18 =	vadd.f32 v18, v18  }
0x46b: {  	v19 =	vmul.f32 $1.442695020e+00, v19  }
0x46c: {  	v18 =	vmul.f32 $1.442695020e+00, v18  }
0x46d: {  	s5 =	simm.s32 $0xB010;
	(erf) = vpow2.f32 v19  }
0x46e: {  	s6 =	simm.s32 $0x20;
	s3 =	simm.s32 $0x0;
	s4 =	simm.s32 $0xB010;
	(erf) = vpow2.f32 v18  }
.LBB2_16:
0x46f: {  	_ =	sdelay $0x5  }
0x470: {  	s5 =	sadd.s32 $0x20, s5;
	s22 =	sadd.s32 $0x10, s22;
	s23 =	sadd.s32 $0x10, s23  }
0x471: {  	p0 =	sne.s32 s6, $0xFE0;
	s7 =	smov.u32 s6;
	s6 =	sadd.s32 $0x20, s6;
	v18 =	vpop (erf)  }
0x472: {  	v18 =	vadd.f32 $1.000000000e+00, v18;
	v19 =	vpop (erf)  }
0x473: {  	v19 =	vadd.f32 $1.000000000e+00, v19  }
0x474: {  	(erf) = vrcp.f32 v18  }
0x475: {  	(erf) = vrcp.f32 v19;
	_ =	sdelay $0x7  }
0x476: {  	v18 =	vpop (erf)  }
0x477: {  	v18 =	vadd.f32 v18, v18;
	v19 =	vpop (erf)  }
0x478: {  	v19 =	vadd.f32 v19, v19  }
0x479: {  	v18 =	vsub.f32 $1.000000000e+00, v18  }
0x47a: {  	s8 =	sand.u32 $0xFE0, s3;
	s3 =	smov.u32 s7;
	v19 =	vsub.f32 $1.000000000e+00, v19  }
0x47b: {  	[tilespmem:s8+$0xB000] =	vst v18  }
0x47c: {  	[tilespmem:s4+$0x0] =	vst v19;
	s4 =	smov.u32 s5  }
0x47d: {  	v19 =	vld [tilespmem:s22+$0x0];
	_ =	sdelay $0x4  }
0x47e: {  	v18 =	vperm.xlane v19, v1;
	v20 =	vperm.xlane v19, v5  }
0x47f: {  	v21 =	vperm.xlane v19, v3;
	v22 =	vperm.xlane v19, v4  }
0x480: {  	v23 =	vadd.s32 v0, v18;
	v24 =	vadd.s32 v2, v18;
	v25 =	vadd.s32 v0, v20  }
0x481: {  	v26 =	vadd.s32 v0, v21;
	v27 =	vadd.s32 v0, v22;
	v22 =	vadd.s32 v2, v22  }
0x482: {  	v28 =	vperm.xlane v19, v6;
	v29 =	vperm.xlane v19, v8;
	v21 =	vadd.s32 v2, v21  }
0x483: {  	v30 =	vperm.xlane v19, v7;
	v31 =	vperm.xlane v19, v9;
	v20 =	vadd.s32 v2, v20  }
0x484: {  	v32 =	vadd.s32 v0, v28;
	v28 =	vadd.s32 v2, v28;
	v33 =	vadd.s32 v2, v29;
	v18 =	vld [tilespmem:s23+$0x0]  }
0x485: {  	v34 =	vadd.s32 v0, v30;
	v30 =	vadd.s32 v2, v30;
	v29 =	vadd.s32 v0, v29;
	v24 =	vld.idx.msk [tilespmem:v24+s2+$0x0], $0xffff  }
0x486: {  	v36 =	vperm.xlane v19, v10;
	v35 =	vadd.s32 v0, v31;
	v31 =	vadd.s32 v2, v31;
	v25 =	vld.idx.msk [tilespmem:v25+s2+$0x0], $0xffff  }
0x487: {  	v37 =	vperm.xlane v19, v11;
	v38 =	vperm.xlane v19, v12;
	v23 =	vld.idx.msk [tilespmem:v23+s2+$0x0], $0xffff  }
0x488: {  	v40 =	vperm.xlane v19, v13;
	v39 =	vadd.s32 v0, v36;
	v36 =	vadd.s32 v2, v36;
	v20 =	vld.idx.msk [tilespmem:v20+s2+$0x0], $0xffff  }
0x489: {  	v41 =	vadd.s32 v0, v37;
	v37 =	vadd.s32 v2, v37;
	v42 =	vadd.s32 v0, v38;
	v22 =	vld.idx.msk [tilespmem:v22+s2+$0x0], $0xffff  }
0x48a: {  	v38 =	vadd.s32 v2, v38;
	v43 =	vadd.s32 v0, v40;
	v40 =	vadd.s32 v2, v40;
	v30 =	vld.idx.msk [tilespmem:v30+s2+$0x0], $0xffff  }
0x48b: {  	v45 =	vperm.xlane v19, v14;
	v44 =	vperm.xlane v18, v1;
	v31 =	vld.idx.msk [tilespmem:v31+s2+$0x0], $0xffff  }
0x48c: {  	v46 =	vperm.xlane v19, v15;
	v47 =	vperm.xlane v19, v16;
	v35 =	vld.idx.msk [tilespmem:v35+s2+$0x0], $0xffff  }
0x48d: {  	v49 =	vadd.s32 v0, v45;
	v48 =	vperm.xlane v18, v4;
	v24 =	vmul.f32 v24, v44;
	v36 =	vld.idx.msk [tilespmem:v36+s2+$0x0], $0xffff  }
0x48e: {  	v23 =	vmul.f32 v23, v44;
	v44 =	vadd.s32 v2, v45;
	v45 =	vadd.s32 v0, v46;
	v37 =	vld.idx.msk [tilespmem:v37+s2+$0x0], $0xffff  }
0x48f: {  	v50 =	vperm.xlane v18, v5;
	v46 =	vadd.s32 v2, v46;
	v22 =	vmul.f32 v22, v48;
	v41 =	vld.idx.msk [tilespmem:v41+s2+$0x0], $0xffff  }
0x490: {  	v52 =	vadd.s32 v0, v47;
	v47 =	vadd.s32 v2, v47;
	v51 =	vperm.xlane v18, v7;
	v42 =	vld.idx.msk [tilespmem:v42+s2+$0x0], $0xffff  }
0x491: {  	v20 =	vmul.f32 v20, v50;
	v22 =	vadd.f32 v22, v24;
	v24 =	vmul.f32 v25, v50;
	v25 =	vld.idx.msk [tilespmem:v29+s2+$0x0], $0xffff  }
0x492: {  	v19 =	vperm.xlane v19, v17;
	v29 =	vld.idx.msk [tilespmem:v34+s2+$0x0], $0xffff  }
0x493: {  	v50 =	vperm.xlane v18, v16;
	v34 =	vld.idx.msk [tilespmem:v39+s2+$0x0], $0xffff;
	v39 =	vperm.xlane v18, v12  }
0x494: {  	v55 =	vadd.s32 v0, v19;
	v53 =	vperm.xlane v18, v6;
	v54 =	vperm.xlane v18, v8;
	v33 =	vld.idx.msk [tilespmem:v33+s2+$0x0], $0xffff  }
0x495: {  	v56 =	vperm.xlane v18, v14;
	v57 =	vperm.xlane v18, v17;
	v38 =	vld.idx.msk [tilespmem:v38+s2+$0x0], $0xffff  }
0x496: {  	v58 =	vperm.xlane v18, v10;
	v59 =	vperm.xlane v18, v11;
	v32 =	vld.idx.msk [tilespmem:v32+s2+$0x0], $0xffff  }
0x497: {  	v30 =	vmul.f32 v30, v51;
	v25 =	vmul.f32 v25, v54;
	v27 =	vld.idx.msk [tilespmem:v27+s2+$0x0], $0xffff  }
0x498: {  	v29 =	vmul.f32 v29, v51;
	v51 =	vperm.xlane v18, v9;
	v26 =	vld.idx.msk [tilespmem:v26+s2+$0x0], $0xffff  }
0x499: {  	v60 =	vperm.xlane v18, v3;
	v34 =	vmul.f32 v34, v58;
	v21 =	vld.idx.msk [tilespmem:v21+s2+$0x0], $0xffff  }
0x49a: {  	v33 =	vmul.f32 v33, v54;
	v35 =	vmul.f32 v35, v51;
	v28 =	vld.idx.msk [tilespmem:v28+s2+$0x0], $0xffff  }
0x49b: {  	v31 =	vmul.f32 v31, v51;
	v38 =	vmul.f32 v38, v39  }
0x49c: {  	v36 =	vmul.f32 v36, v58;
	v32 =	vmul.f32 v32, v53;
	v47 =	vld.idx.msk [tilespmem:v47+s2+$0x0], $0xffff  }
0x49d: {  	v39 =	vmul.f32 v42, v39;
	v27 =	vmul.f32 v27, v48;
	v42 =	vld.idx.msk [tilespmem:v55+s2+$0x0], $0xffff  }
0x49e: {  	v37 =	vmul.f32 v37, v59;
	v26 =	vmul.f32 v26, v60;
	v45 =	vld.idx.msk [tilespmem:v45+s2+$0x0], $0xffff  }
0x49f: {  	v21 =	vmul.f32 v21, v60;
	v23 =	vadd.f32 v27, v23;
	v27 =	vmul.f32 v41, v59;
	v41 =	vld.idx.msk [tilespmem:v49+s2+$0x0], $0xffff  }
0x4a0: {  	v19 =	vadd.s32 v2, v19;
	v24 =	vadd.f32 v24, v26;
	v26 =	vmul.f32 v28, v53;
	v28 =	vld.idx.msk [tilespmem:v43+s2+$0x0], $0xffff  }
0x4a1: {  	v20 =	vadd.f32 v20, v21;
	v21 =	vadd.f32 v32, v23;
	v23 =	vperm.xlane v18, v13;
	v32 =	vld.idx.msk [tilespmem:v40+s2+$0x0], $0xffff  }
0x4a2: {  	v18 =	vperm.xlane v18, v15;
	v22 =	vadd.f32 v26, v22;
	v24 =	vadd.f32 v29, v24;
	v26 =	vld.idx.msk [tilespmem:v44+s2+$0x0], $0xffff  }
0x4a3: {  	v20 =	vadd.f32 v30, v20;
	v21 =	vadd.f32 v25, v21;
	v29 =	vmul.f32 v42, v57;
	v25 =	vld.idx.msk [tilespmem:v46+s2+$0x0], $0xffff  }
0x4a4: {  	v22 =	vadd.f32 v33, v22;
	v24 =	vadd.f32 v35, v24;
	v30 =	vmul.f32 v45, v18;
	v33 =	vld.idx.msk [tilespmem:v52+s2+$0x0], $0xffff  }
0x4a5: {  	v20 =	vadd.f32 v31, v20;
	v21 =	vadd.f32 v34, v21;
	v31 =	vmul.f32 v41, v56;
	v19 =	vld.idx.msk [tilespmem:v19+s2+$0x0], $0xffff  }
0x4a6: {  	v22 =	vadd.f32 v36, v22;
	v24 =	vadd.f32 v27, v24;
	v27 =	vmul.f32 v28, v23  }
0x4a7: {  	v20 =	vadd.f32 v37, v20;
	v21 =	vadd.f32 v39, v21;
	v23 =	vmul.f32 v32, v23  }
0x4a8: {  	v22 =	vadd.f32 v38, v22;
	v24 =	vadd.f32 v27, v24;
	v26 =	vmul.f32 v26, v56  }
0x4a9: {  	v20 =	vadd.f32 v23, v20;
	v21 =	vadd.f32 v31, v21;
	v18 =	vmul.f32 v25, v18  }
0x4aa: {  	v22 =	vadd.f32 v26, v22;
	v23 =	vadd.f32 v30, v24;
	v24 =	vmul.f32 v33, v50  }
0x4ab: {  	v18 =	vadd.f32 v18, v20;
	v20 =	vmul.f32 v47, v50;
	v19 =	vmul.f32 v19, v57  }
0x4ac: {  	v21 =	vadd.f32 v24, v21;
	v23 =	vadd.f32 v29, v23  }
0x4ad: {  	v20 =	vadd.f32 v20, v22;
	v18 =	vadd.f32 v19, v18  }
0x4ae: {  	v19 =	vadd.f32 v23, v21  }
0x4af: {  	v18 =	vadd.f32 v18, v20  }
0x4b0: {  	v19 =	vadd.f32 v19, v19  }
.Ltmp7:
0x4b1: {  	v18 =	vadd.f32 v18, v18;
	(pc) =	sbr.rel @p0 .LBB2_16-.Ltmp7, $4  }
0x4b2: {  	v19 =	vmul.f32 $1.442695020e+00, v19  }
0x4b3: {  	v18 =	vmul.f32 $1.442695020e+00, v18  }
0x4b4: {  	(erf) = vpow2.f32 v19  }
0x4b5: {  	(erf) = vpow2.f32 v18  }
0x4b6: {  	_ =	sdelay $0x6  }
0x4b7: {  	v18 =	vpop (erf)  }
0x4b8: {  	v18 =	vadd.f32 $1.000000000e+00, v18;
	v19 =	vpop (erf)  }
0x4b9: {  	v19 =	vadd.f32 $1.000000000e+00, v19  }
0x4ba: {  	(erf) = vrcp.f32 v18  }
0x4bb: {  	(erf) = vrcp.f32 v19;
	_ =	sdelay $0x7  }
0x4bc: {  	v18 =	vpop (erf)  }
0x4bd: {  	v18 =	vadd.f32 v18, v18;
	v19 =	vpop (erf)  }
0x4be: {  	v19 =	vadd.f32 v19, v19  }
0x4bf: {  	v18 =	vsub.f32 $1.000000000e+00, v18  }
0x4c0: {  	s3 =	sand.u32 $0xFE0, s3;
	s1 =	sadd.s32 $0x1, s1;
	v19 =	vsub.f32 $1.000000000e+00, v19  }
0x4c1: {  	s5 =	simm.s32 $0x400;
	p0 =	sne.s32 s1, s21;
	[tilespmem:s3+$0xB000] =	vst v18  }
.Ltmp8:
0x4c2: {  	s23 =	simm.s32 $0xB000;
	[tilespmem:s4+$0x0] =	vst v19;
	s4 =	simm.s32 $0x80;
	(pc) =	sbr.rel @p0 .LBB2_1-.Ltmp8, $4  }
0x4c3: {  	[hbm4b:s20+s4] =	stream.strided.scatter [tilespmem:s23], [sflag:$0x4], $0x1000, s5, s4, $0x38;
	[tilespmem:$0xE000] =	vst v63  }
0x4c4: {  	_ =	swait.ge [sflag:s0], $0x1000  }
0x4c5: {  	[sflag:s0] =	ssyncset.done $0x0  }
0x4c6: {  	[sflag:s0] =	ssyncadd.s32 $0xFFFFF000  }
0x4c7: {  	_ =	sfence.sel $0x180000  }
0x4c8: {  	[bflag:$0x0] =	sbarrier.arrive $0xFFFF  }
0x4c9: {  	_ =	strace $0x90000047  }
0x4ca: {  	s0 =	stileid.u32;
	[bflag:$0x2] =	sbarrier.arrive $0xFFFF  }
0x4cb: {  	p0 =	sne.s32 s0, $0x0;
	s0 =	rddreg [dreg:$0x2]  }
0x4cc: {  	s0 =	sadd.s32 @!p0 $0x100000, s0  }
0x4cd: {  	[sflag:s0] =	ssyncadd.tile.s32 @!p0 $0x1;
	_ =	shalt  }
.Lfunc_end2:
_tile_overlayer_lowered:
.L_overlay_start_2:
0x4ce: {  	(tag) =	ssettag $0x2  }
0x4cf: {  	s0 =	rddreg [dreg:$0x0];
	s2 =	stileid.u32  }
0x4d0: {  	s1 =	rddreg [dreg:$0x1];
	p0 =	sne.s32 s2, $0x0  }
0x4d1: {  	s3 =	rddreg [dreg:$0x2];
	[bflag:$0x3] =	sbarrier.arrive $0xFFFF;
	s2 =	simm.s32 @!p0 $0x1C04  }
0x4d2: {  	[timem:s3], [sflag:s2] =	dma.local @!p0 [hbm:s0], s1  }
0x4d3: {  	s0 =	simm.s32 @!p0 $0x4  }
0x4d4: {  	_ =	swait.ge @!p0 [sflag:s0], s1  }
0x4d5: {  	s1 =	ssub.s32 @!p0 $0x0, s1;
	[sflag:s0] =	ssyncset.done @!p0 $0x0  }
0x4d6: {  	[sflag:s0] =	ssyncadd.s32 @!p0 s1  }
0x4d7: {  	[bflag:$0x3] =	sbarrier.arrive $0xFFFF  }
0x4d8: {  	_ =	shalt  }

</sc_bundles>
